<compile_context>
chip_gen: v7x
topology: tpu7x:2x2x1
jax: 0.10.2.dev20260603
libtpu: 0.0.44.dev20260713+nightly
codegen_flags: <defaults>
</compile_context>

<pallas_src>
import functools

import jax
import jax.numpy as jnp
from jax import lax
from jax.experimental import pallas as pl
from jax.experimental.pallas import tpu as pltpu
from jax.experimental.pallas import tpu_sc as plsc

_CHUNK = 128
_K = 4
_PAD_COLS = 16
_FRAC0 = 0.5


def _node_rows(n):
    return ((n + 1 + 31) // 32) * 32


def _prep_edges(src, dst, n, R, frac0):
    E = src.shape[0]
    mesh = plsc.VectorSubcoreMesh(core_axis_name="c", subcore_axis_name="s")
    NC, NS = mesh.num_cores, mesh.num_subcores
    C = -(-E // _CHUNK)
    cpt0 = -(-int(C * frac0) // (NS * _K)) * _K
    cpt1 = max(_K, -(-(C - NS * cpt0) // (NS * _K)) * _K)
    skip1 = NS * cpt0 >= C
    halves = 2 if cpt0 > 144 else 1
    cpt0 = -(-cpt0 // (halves * _K)) * (halves * _K)
    E_pad = NS * (cpt0 + cpt1) * _CHUNK
    n_dummy = E_pad - E
    src = jnp.concatenate([src, jnp.zeros((n_dummy,), jnp.int32)])
    dst = jnp.concatenate(
        [dst, n + (jnp.arange(n_dummy, dtype=jnp.int32) % (R - n))])
    e0 = NS * cpt0 * _CHUNK
    c0_real = min(C, NS * cpt0)
    return dict(
        src0=src[:e0].reshape(NS, cpt0, _CHUNK),
        dst0=dst[:e0].reshape(NS, cpt0, _CHUNK),
        src1=src[e0:].reshape(NS, cpt1, _CHUNK),
        dst1=dst[e0:].reshape(NS, cpt1, _CHUNK),
        cpt0=cpt0, cpt1=cpt1, c0_real=c0_real, c1_real=C - c0_real,
        skip1=skip1, halves=halves, mesh=mesh, NC=NC, NS=NS,
    )


def _sc_segsum(y, ep, n):
    R, D = y.shape
    mesh, NC, NS = ep["mesh"], ep["NC"], ep["NS"]
    K = 4 if D > 32 else 8
    cpt0, cpt1 = ep["cpt0"], ep["cpt1"]
    c0_real, c1_real = ep["c0_real"], ep["c1_real"]
    skip1, halves = ep["skip1"], ep["halves"]
    ch = cpt0 // halves
    zeros = jnp.zeros((R // NS, D), jnp.float32)
    rpt = R // NS

    @functools.partial(
        pl.kernel,
        out_type=jax.ShapeDtypeStruct((NC, R, D), jnp.float32),
        mesh=mesh,
        scratch_types=[
            pltpu.VMEM((ch, _CHUNK), jnp.int32),
            pltpu.VMEM((ch, _CHUNK), jnp.int32),
            pltpu.VMEM((K, _CHUNK, D), jnp.float32),
            pltpu.VMEM_SHARED((R, D), jnp.float32),
            pltpu.SemaphoreType.DMA,
            pltpu.SemaphoreType.DMA,
        ],
        compiler_params=pltpu.CompilerParams(use_tc_tiling_on_sc=False),
    )
    def seg_kernel(y_hbm, src0_hbm, dst0_hbm, src1_hbm, dst1_hbm, z_hbm,
                   out_hbm, sidx, didx, rows, agg, sem, ssem):
        cid = lax.axis_index("c")
        sid = lax.axis_index("s")
        base = sid * rpt
        on0 = cid == 0

        nblk = jnp.where(on0, 1, 0 if skip1 else 1)

        def zbody(i, carry):
            pltpu.sync_copy(z_hbm, agg.at[pl.ds(base, rpt)])
            return carry

        lax.fori_loop(0, nblk, zbody, 0)
        plsc.subcore_barrier()

        def body(g, carry):
            c0 = g * K
            gathers = [
                pltpu.async_copy(y_hbm.at[sidx.at[c0 + b]], rows.at[b], sem)
                for b in range(K)
            ]
            scatters = []
            for b in range(K):
                gathers[b].wait()
                scatters.append(
                    pltpu.async_copy(rows.at[b], agg.at[didx.at[c0 + b]],
                                     ssem, add=True))
            for d in scatters:
                d.wait()
            return carry

        for h in range(halves):
            @pl.when(on0)
            def _():
                pltpu.sync_copy(src0_hbm.at[sid, pl.ds(h * ch, ch)], sidx)
                pltpu.sync_copy(dst0_hbm.at[sid, pl.ds(h * ch, ch)], didx)

            r0 = jnp.clip(c0_real - sid * cpt0 - h * ch, 0, ch)
            g0 = -(-r0 // K)
            if h == 0:
                @pl.when(jnp.logical_not(on0))
                def _():
                    pltpu.sync_copy(src1_hbm.at[sid],
                                    sidx.at[pl.ds(0, cpt1)])
                    pltpu.sync_copy(dst1_hbm.at[sid],
                                    didx.at[pl.ds(0, cpt1)])

                r1 = jnp.clip(c1_real - sid * cpt1, 0, cpt1)
                n_groups = jnp.where(on0, g0, 0 if skip1 else -(-r1 // K))
            else:
                n_groups = jnp.where(on0, g0, 0)
            lax.fori_loop(0, n_groups, body, 0)

        plsc.subcore_barrier()

        def dbody(i, carry):
            pltpu.sync_copy(agg.at[pl.ds(base, rpt)],
                            out_hbm.at[cid, pl.ds(base, rpt)])
            return carry

        lax.fori_loop(0, nblk, dbody, 0)

    return seg_kernel(y, ep["src0"], ep["dst0"], ep["src1"], ep["dst1"],
                      zeros), (1 if skip1 else NC)


def _tc_proj_first(x, wl, ones_bias, wr, br):
    R = x.shape[0]
    D = wl.shape[1]

    def body(x_ref, wl_ref, ob_ref, wr_ref, br_ref, y_ref, yr_ref):
        xv = x_ref[...]
        y_ref[...] = (jnp.dot(xv, wl_ref[...],
                              preferred_element_type=jnp.float32)
                      + ob_ref[...][None, :])
        yr_ref[...] = (jnp.dot(xv, wr_ref[...],
                               preferred_element_type=jnp.float32)
                       + br_ref[...][None, :])

    return pl.pallas_call(
        body,
        out_shape=[jax.ShapeDtypeStruct((R, D), jnp.float32),
                   jax.ShapeDtypeStruct((R, D), jnp.float32)],
    )(x, wl, ones_bias, wr, br)


def _tc_mean_proj(p, n_parts, yr, sel, wl, wr, br):
    _, R, _ = p.shape
    D2 = wl.shape[1]

    def body(p_ref, yr_ref, sel_ref, wl_ref, wr_ref, br_ref,
             y_ref, y2r_ref, inv_ref):
        pv = p_ref[...]
        agg = pv[0] if n_parts == 1 else pv[0] + pv[1]
        cnt = jnp.dot(agg, sel_ref[...],
                      preferred_element_type=jnp.float32)
        inv = 1.0 / jnp.maximum(cnt, 1.0)
        h = jnp.maximum(agg * inv + yr_ref[...], 0.0)
        y_ref[...] = jnp.dot(h, wl_ref[...],
                             preferred_element_type=jnp.float32)
        y2r_ref[...] = (jnp.dot(h, wr_ref[...],
                                preferred_element_type=jnp.float32)
                        + br_ref[...][None, :])
        inv_ref[...] = inv

    return pl.pallas_call(
        body,
        out_shape=[jax.ShapeDtypeStruct((R, D2), jnp.float32),
                   jax.ShapeDtypeStruct((R, D2), jnp.float32),
                   jax.ShapeDtypeStruct((R, 1), jnp.float32)],
    )(p, yr, sel, wl, wr, br)


def _tc_mid(p, n_parts, yr, inv, wl, wr, br):
    _, R, _ = p.shape
    D2 = wl.shape[1]

    def body(p_ref, yr_ref, inv_ref, wl_ref, wr_ref, br_ref, y_ref, yr2_ref):
        pv = p_ref[...]
        agg = pv[0] if n_parts == 1 else pv[0] + pv[1]
        h = jnp.maximum(agg * inv_ref[...] + yr_ref[...], 0.0)
        y_ref[...] = jnp.dot(h, wl_ref[...],
                             preferred_element_type=jnp.float32)
        yr2_ref[...] = (jnp.dot(h, wr_ref[...],
                                preferred_element_type=jnp.float32)
                        + br_ref[...][None, :])

    return pl.pallas_call(
        body,
        out_shape=[jax.ShapeDtypeStruct((R, D2), jnp.float32),
                   jax.ShapeDtypeStruct((R, D2), jnp.float32)],
    )(p, yr, inv, wl, wr, br)


def _tc_final(p, n_parts, yr, inv, w_head, b_head):
    _, R, _ = p.shape

    def body(p_ref, yr_ref, inv_ref, wh_ref, bh_ref, o_ref):
        pv = p_ref[...]
        agg = pv[0] if n_parts == 1 else pv[0] + pv[1]
        h = jnp.maximum(agg * inv_ref[...] + yr_ref[...], 0.0)
        o_ref[...] = (jnp.dot(h, wh_ref[...],
                              preferred_element_type=jnp.float32)
                      + bh_ref[...][None, :])

    return pl.pallas_call(
        body,
        out_shape=jax.ShapeDtypeStruct((R, 2), jnp.float32),
    )(p, yr, inv, w_head, b_head)


def kernel(x, edge_index, W1l, W1r, b1, W2l, W2r, b2, W3l, W3r, b3,
           Wreg, breg, Wcls, bcls):
    n, d_in = x.shape
    R = _node_rows(n)
    d1 = W1l.shape[1]

    x_pad = jnp.zeros((R, d_in), jnp.float32).at[:n].set(x)
    src = edge_index[0].astype(jnp.int32)
    dst = edge_index[1].astype(jnp.int32)

    W1l_p = jnp.pad(W1l, ((0, 0), (0, _PAD_COLS)))
    ones_bias = jnp.concatenate(
        [jnp.zeros((d1,), jnp.float32), jnp.ones((_PAD_COLS,), jnp.float32)])
    W1r_p = jnp.pad(W1r, ((0, 0), (0, _PAD_COLS)))
    b1_p = jnp.pad(b1, (0, _PAD_COLS))
    sel = jnp.zeros((d1 + _PAD_COLS, 1), jnp.float32).at[d1, 0].set(1.0)
    W2l_p = jnp.pad(W2l, ((0, _PAD_COLS), (0, 0)))
    W2r_p = jnp.pad(W2r, ((0, _PAD_COLS), (0, 0)))

    ep = _prep_edges(src, dst, n, R, _FRAC0)
    Y1, y1r = _tc_proj_first(x_pad, W1l_p, ones_bias, W1r_p, b1_p)
    p1, np1 = _sc_segsum(Y1, ep, n)
    Y2, y2r, inv = _tc_mean_proj(p1, np1, y1r, sel, W2l_p, W2r_p, b2)
    p2, np2 = _sc_segsum(Y2, ep, n)
    Y3, y3r = _tc_mid(p2, np2, y2r, inv, W3l, W3r, b3)
    p3, np3 = _sc_segsum(Y3, ep, n)

    w_head = jnp.concatenate([Wreg, Wcls], axis=1)
    b_head = jnp.concatenate([breg, bcls])
    out = _tc_final(p3, np3, y3r, inv, w_head, b_head)
    return out[:n, 0], out[:n, 1]

# --- scband reference (transcript-rebuilt; emitter-appended) ---
"""Pipeline reference for scband-bike-safety-gnn-5042291606016 (READ-ONLY COPY).

The authoritative reference and input builder live on the scoring server;
editing this copy changes nothing except your own understanding.
"""

import jax, jax.numpy as jnp
import numpy as np

N_NODES = 10000
N_EDGES = 320000
D_IN = 128


def _sage_conv(x, src, dst, Wl, Wr, b, n):
    # PyG-style SAGEConv with mean aggregation:
    # out = lin_l(mean_{j in N(i)} x_j) + lin_r(x_i)
    msgs = x[src]                                   # gather (memory-bound)
    agg = jax.ops.segment_sum(msgs, dst, num_segments=n)  # scatter-add
    cnt = jax.ops.segment_sum(jnp.ones((src.shape[0], 1), x.dtype), dst, num_segments=n)
    mean = agg / jnp.clip(cnt, 1.0)
    return mean @ Wl + x @ Wr + b


def setup_inputs(seed: int = 0) -> dict:
    key = jax.random.key(seed)
    ks = jax.random.split(key, 16)
    x = jax.random.normal(ks[0], (N_NODES, D_IN), dtype=jnp.float32)
    edge_index = jax.random.randint(ks[1], (2, N_EDGES), 0, N_NODES, dtype=jnp.int64)
    def glorot(k, fan_in, fan_out):
        s = float(np.sqrt(2.0 / (fan_in + fan_out)))
        return jax.random.normal(k, (fan_in, fan_out), dtype=jnp.float32) * s
    return {
        "x": x,
        "edge_index": edge_index,
        "W1l": glorot(ks[2], 128, 64), "W1r": glorot(ks[3], 128, 64), "b1": jnp.zeros((64,), jnp.float32),
        "W2l": glorot(ks[4], 64, 32), "W2r": glorot(ks[5], 64, 32), "b2": jnp.zeros((32,), jnp.float32),
        "W3l": glorot(ks[6], 32, 16), "W3r": glorot(ks[7], 32, 16), "b3": jnp.zeros((16,), jnp.float32),
        "Wreg": glorot(ks[8], 16, 1), "breg": jnp.zeros((1,), jnp.float32),
        "Wcls": glorot(ks[9], 16, 1), "bcls": jnp.zeros((1,), jnp.float32),
    }


def reference(x, edge_index, W1l, W1r, b1, W2l, W2r, b2, W3l, W3r, b3, Wreg, breg, Wcls, bcls):
    src = edge_index[0]
    dst = edge_index[1]
    n = x.shape[0]
    h = jax.nn.relu(_sage_conv(x, src, dst, W1l, W1r, b1, n))
    # dropout is identity in eval mode
    h = jax.nn.relu(_sage_conv(h, src, dst, W2l, W2r, b2, n))
    h = jax.nn.relu(_sage_conv(h, src, dst, W3l, W3r, b3, n))
    reg = (h @ Wreg + breg).squeeze(-1)
    cls = (h @ Wcls + bcls).squeeze(-1)
    return (reg, cls)

if __name__ == "__main__":
    import jax
    _d = setup_inputs()
    print(jax.jit(kernel)(*tuple(_d.values())))

</pallas_src>

<mosaic_0001>
#map = affine_map<(d0, d1) -> (0, 0)>
#map1 = affine_map<(d0, d1) -> (0, 0, 0)>
module attributes {stable_mosaic.version = 14 : i64} {
  func.func @seg_kernel(%arg0: i32, %arg1: i32, %arg2: memref<10016x80xf32, #tpu.memory_space<hbm>>, %arg3: memref<16x80x128xi32, #tpu.memory_space<hbm>>, %arg4: memref<16x80x128xi32, #tpu.memory_space<hbm>>, %arg5: memref<16x80x128xi32, #tpu.memory_space<hbm>>, %arg6: memref<16x80x128xi32, #tpu.memory_space<hbm>>, %arg7: memref<626x80xf32, #tpu.memory_space<hbm>>, %arg8: memref<2x10016x80xf32, #tpu.memory_space<hbm>>, %arg9: memref<80x128xi32, #tpu.memory_space<vmem>>, %arg10: memref<80x128xi32, #tpu.memory_space<vmem>>, %arg11: memref<4x128x80xf32, #tpu.memory_space<vmem>>, %arg12: memref<10016x80xf32, #tpu.memory_space<vmem_shared>>, %arg13: memref<!tpu.dma_semaphore, #tpu.memory_space<semaphore_mem>>, %arg14: memref<!tpu.dma_semaphore, #tpu.memory_space<semaphore_mem>>) attributes {dimension_semantics = [#tpu.dimension_semantics<core_parallel>, #tpu.dimension_semantics<subcore_parallel>], iteration_bounds = array<i64: 2, 16>, scalar_prefetch = 0 : i64, scratch_operands = 6 : i64, tpu.core_type = #tpu.core_type<sc_vector_subcore>, window_params = [{transform_indices = #map}, {transform_indices = #map1}, {transform_indices = #map1}, {transform_indices = #map1}, {transform_indices = #map1}, {transform_indices = #map}, {transform_indices = #map1}]} {
    %mul3A = arith.constant 626 : i32
    %mul3A_0 = arith.muli %arg1, %mul3A : i32
    %eq3A = arith.constant 0 : i32
    %eq3A_1 = arith.cmpi eq, %arg0, %eq3A : i32
    %jit3A = arith.constant 1 : i32
    %jit3A_2 = arith.constant 1 : i32
    %select_n3A = arith.select %eq3A_1, %jit3A, %jit3A_2 : i32
    %while3A = arith.constant 0 : i32
    %while3A_3 = arith.constant 0 : i32
    %while3A_4 = arith.subi %select_n3A, %while3A_3 : i32
    %while3A_5 = arith.addi %while3A_3, %while3A_4 : i32
    %while3A_6 = arith.constant 1 : i32
    %while3A_7 = arith.divsi %while3A_4, %while3A_6 : i32
    %while3A_8 = arith.muli %while3A_7, %while3A_6 : i32
    %while3A_9 = arith.addi %while3A_3, %while3A_8 : i32
    %while3A_10 = arith.constant 1 : i32
    scf.for %while3A_104 = %while3A_3 to %while3A_9 step %while3A_10  : i32 {
      "tpu.region"() ({
        %run_scoped3A = tpu.sem_alloc : memref<!tpu.dma_semaphore, #tpu.memory_space<semaphore_mem>>
        %dma_start3A = arith.constant 0 : i32
        %dma_start3A_105 = tpu.memref_slice %arg12[%mul3A_0, %dma_start3A] : memref<10016x80xf32, #tpu.memory_space<vmem_shared>> -> memref<626x80xf32, #tpu.memory_space<vmem_shared>>
        tpu.enqueue_dma source(%arg7 : memref<626x80xf32, #tpu.memory_space<hbm>>) target(%dma_start3A_105 : memref<626x80xf32, #tpu.memory_space<vmem_shared>>) target_semaphore(%run_scoped3A : memref<!tpu.dma_semaphore, #tpu.memory_space<semaphore_mem>>)
        %dma_wait3A = arith.constant 0 : i32
        %dma_wait3A_106 = tpu.memref_slice %arg12[%mul3A_0, %dma_wait3A] : memref<10016x80xf32, #tpu.memory_space<vmem_shared>> -> memref<626x80xf32, #tpu.memory_space<vmem_shared>>
        tpu.wait_dma2 semaphore(%run_scoped3A : memref<!tpu.dma_semaphore, #tpu.memory_space<semaphore_mem>>) src(%arg7 : memref<626x80xf32, #tpu.memory_space<hbm>>) dst(%dma_wait3A_106 : memref<626x80xf32, #tpu.memory_space<vmem_shared>>)
        tpu.yield
      }) : () -> ()
    }
    %while3A_11 = arith.constant 1 : i32
    scf.for %while3A_104 = %while3A_9 to %while3A_5 step %while3A_11  : i32 {
      "tpu.region"() ({
        %run_scoped3A = tpu.sem_alloc : memref<!tpu.dma_semaphore, #tpu.memory_space<semaphore_mem>>
        %dma_start3A = arith.constant 0 : i32
        %dma_start3A_105 = tpu.memref_slice %arg12[%mul3A_0, %dma_start3A] : memref<10016x80xf32, #tpu.memory_space<vmem_shared>> -> memref<626x80xf32, #tpu.memory_space<vmem_shared>>
        tpu.enqueue_dma source(%arg7 : memref<626x80xf32, #tpu.memory_space<hbm>>) target(%dma_start3A_105 : memref<626x80xf32, #tpu.memory_space<vmem_shared>>) target_semaphore(%run_scoped3A : memref<!tpu.dma_semaphore, #tpu.memory_space<semaphore_mem>>)
        %dma_wait3A = arith.constant 0 : i32
        %dma_wait3A_106 = tpu.memref_slice %arg12[%mul3A_0, %dma_wait3A] : memref<10016x80xf32, #tpu.memory_space<vmem_shared>> -> memref<626x80xf32, #tpu.memory_space<vmem_shared>>
        tpu.wait_dma2 semaphore(%run_scoped3A : memref<!tpu.dma_semaphore, #tpu.memory_space<semaphore_mem>>) src(%arg7 : memref<626x80xf32, #tpu.memory_space<hbm>>) dst(%dma_wait3A_106 : memref<626x80xf32, #tpu.memory_space<vmem_shared>>)
        tpu.yield
      }) : () -> ()
    }
    %barrier3A = arith.constant 0 : index
    tpu.barrier barrier_id(%barrier3A)
    %convert_element_type3A = arith.extui %eq3A_1 : i1 to i32
    %cond3A = arith.constant 0 : i32
    %cond3A_12 = arith.cmpi ne, %convert_element_type3A, %cond3A : i32
    scf.if %cond3A_12 {
      "tpu.region"() ({
        %run_scoped3A = tpu.sem_alloc : memref<!tpu.dma_semaphore, #tpu.memory_space<semaphore_mem>>
        %dma_start3A = arith.constant 0 : i32
        %dma_start3A_104 = arith.constant 0 : i32
        %dma_start3A_105 = tpu.memref_slice %arg3[%arg1, %dma_start3A, %dma_start3A_104] : memref<16x80x128xi32, #tpu.memory_space<hbm>> -> memref<1x80x128xi32, #tpu.memory_space<hbm>>
        %dma_start3A_106 = tpu.memref_squeeze %dma_start3A_105 : memref<1x80x128xi32, #tpu.memory_space<hbm>> -> memref<80x128xi32, #tpu.memory_space<hbm>>
        %dma_start3A_107 = arith.constant 0 : i32
        %dma_start3A_108 = arith.constant 0 : i32
        %dma_start3A_109 = tpu.memref_slice %arg3[%arg1, %dma_start3A_107, %dma_start3A_108] : memref<16x80x128xi32, #tpu.memory_space<hbm>> -> memref<1x80x128xi32, #tpu.memory_space<hbm>>
        %dma_start3A_110 = tpu.memref_squeeze %dma_start3A_109 : memref<1x80x128xi32, #tpu.memory_space<hbm>> -> memref<80x128xi32, #tpu.memory_space<hbm>>
        tpu.enqueue_dma source(%dma_start3A_110 : memref<80x128xi32, #tpu.memory_space<hbm>>) target(%arg9 : memref<80x128xi32, #tpu.memory_space<vmem>>) target_semaphore(%run_scoped3A : memref<!tpu.dma_semaphore, #tpu.memory_space<semaphore_mem>>)
        %dma_wait3A = arith.constant 0 : i32
        %dma_wait3A_111 = arith.constant 0 : i32
        %dma_wait3A_112 = tpu.memref_slice %arg3[%arg1, %dma_wait3A, %dma_wait3A_111] : memref<16x80x128xi32, #tpu.memory_space<hbm>> -> memref<1x80x128xi32, #tpu.memory_space<hbm>>
        %dma_wait3A_113 = tpu.memref_squeeze %dma_wait3A_112 : memref<1x80x128xi32, #tpu.memory_space<hbm>> -> memref<80x128xi32, #tpu.memory_space<hbm>>
        %dma_wait3A_114 = arith.constant 0 : i32
        %dma_wait3A_115 = arith.constant 0 : i32
        %dma_wait3A_116 = tpu.memref_slice %arg3[%arg1, %dma_wait3A_114, %dma_wait3A_115] : memref<16x80x128xi32, #tpu.memory_space<hbm>> -> memref<1x80x128xi32, #tpu.memory_space<hbm>>
        %dma_wait3A_117 = tpu.memref_squeeze %dma_wait3A_116 : memref<1x80x128xi32, #tpu.memory_space<hbm>> -> memref<80x128xi32, #tpu.memory_space<hbm>>
        tpu.wait_dma2 semaphore(%run_scoped3A : memref<!tpu.dma_semaphore, #tpu.memory_space<semaphore_mem>>) src(%dma_wait3A_117 : memref<80x128xi32, #tpu.memory_space<hbm>>) dst(%arg9 : memref<80x128xi32, #tpu.memory_space<vmem>>)
        tpu.yield
      }) : () -> ()
      "tpu.region"() ({
        %run_scoped3A = tpu.sem_alloc : memref<!tpu.dma_semaphore, #tpu.memory_space<semaphore_mem>>
        %dma_start3A = arith.constant 0 : i32
        %dma_start3A_104 = arith.constant 0 : i32
        %dma_start3A_105 = tpu.memref_slice %arg4[%arg1, %dma_start3A, %dma_start3A_104] : memref<16x80x128xi32, #tpu.memory_space<hbm>> -> memref<1x80x128xi32, #tpu.memory_space<hbm>>
        %dma_start3A_106 = tpu.memref_squeeze %dma_start3A_105 : memref<1x80x128xi32, #tpu.memory_space<hbm>> -> memref<80x128xi32, #tpu.memory_space<hbm>>
        %dma_start3A_107 = arith.constant 0 : i32
        %dma_start3A_108 = arith.constant 0 : i32
        %dma_start3A_109 = tpu.memref_slice %arg4[%arg1, %dma_start3A_107, %dma_start3A_108] : memref<16x80x128xi32, #tpu.memory_space<hbm>> -> memref<1x80x128xi32, #tpu.memory_space<hbm>>
        %dma_start3A_110 = tpu.memref_squeeze %dma_start3A_109 : memref<1x80x128xi32, #tpu.memory_space<hbm>> -> memref<80x128xi32, #tpu.memory_space<hbm>>
        tpu.enqueue_dma source(%dma_start3A_110 : memref<80x128xi32, #tpu.memory_space<hbm>>) target(%arg10 : memref<80x128xi32, #tpu.memory_space<vmem>>) target_semaphore(%run_scoped3A : memref<!tpu.dma_semaphore, #tpu.memory_space<semaphore_mem>>)
        %dma_wait3A = arith.constant 0 : i32
        %dma_wait3A_111 = arith.constant 0 : i32
        %dma_wait3A_112 = tpu.memref_slice %arg4[%arg1, %dma_wait3A, %dma_wait3A_111] : memref<16x80x128xi32, #tpu.memory_space<hbm>> -> memref<1x80x128xi32, #tpu.memory_space<hbm>>
        %dma_wait3A_113 = tpu.memref_squeeze %dma_wait3A_112 : memref<1x80x128xi32, #tpu.memory_space<hbm>> -> memref<80x128xi32, #tpu.memory_space<hbm>>
        %dma_wait3A_114 = arith.constant 0 : i32
        %dma_wait3A_115 = arith.constant 0 : i32
        %dma_wait3A_116 = tpu.memref_slice %arg4[%arg1, %dma_wait3A_114, %dma_wait3A_115] : memref<16x80x128xi32, #tpu.memory_space<hbm>> -> memref<1x80x128xi32, #tpu.memory_space<hbm>>
        %dma_wait3A_117 = tpu.memref_squeeze %dma_wait3A_116 : memref<1x80x128xi32, #tpu.memory_space<hbm>> -> memref<80x128xi32, #tpu.memory_space<hbm>>
        tpu.wait_dma2 semaphore(%run_scoped3A : memref<!tpu.dma_semaphore, #tpu.memory_space<semaphore_mem>>) src(%dma_wait3A_117 : memref<80x128xi32, #tpu.memory_space<hbm>>) dst(%arg10 : memref<80x128xi32, #tpu.memory_space<vmem>>)
        tpu.yield
      }) : () -> ()
    } else {
    }
    %mul3A_13 = arith.constant 80 : i32
    %mul3A_14 = arith.muli %arg1, %mul3A_13 : i32
    %sub3A = arith.constant 1280 : i32
    %sub3A_15 = arith.subi %sub3A, %mul3A_14 : i32
    %sub3A_16 = arith.constant 0 : i32
    %sub3A_17 = arith.subi %sub3A_15, %sub3A_16 : i32
    %jit3A_18 = arith.constant 0 : i32
    %jit3A_19 = arith.constant 80 : i32
    %max3A = arith.maxsi %jit3A_18, %sub3A_17 : i32
    %min3A = arith.minsi %jit3A_19, %max3A : i32
    %neg3A = arith.constant 0 : i32
    %neg3A_20 = arith.subi %neg3A, %min3A : i32
    %jit3A_21 = arith.constant 4 : i32
    %div3A = arith.divsi %neg3A_20, %jit3A_21 : i32
    %sign3A = arith.constant 0 : i32
    %sign3A_22 = arith.cmpi sgt, %neg3A_20, %sign3A : i32
    %sign3A_23 = arith.extui %sign3A_22 : i1 to i32
    %sign3A_24 = arith.constant 0 : i32
    %sign3A_25 = arith.cmpi slt, %neg3A_20, %sign3A_24 : i32
    %sign3A_26 = arith.extui %sign3A_25 : i1 to i32
    %sign3A_27 = arith.subi %sign3A_23, %sign3A_26 : i32
    %sign3A_28 = arith.constant 0 : i32
    %sign3A_29 = arith.cmpi sgt, %jit3A_21, %sign3A_28 : i32
    %sign3A_30 = arith.extui %sign3A_29 : i1 to i32
    %sign3A_31 = arith.constant 0 : i32
    %sign3A_32 = arith.cmpi slt, %jit3A_21, %sign3A_31 : i32
    %sign3A_33 = arith.extui %sign3A_32 : i1 to i32
    %sign3A_34 = arith.subi %sign3A_30, %sign3A_33 : i32
    %ne3A = arith.cmpi ne, %sign3A_27, %sign3A_34 : i32
    %rem3A = arith.remsi %neg3A_20, %jit3A_21 : i32
    %ne3A_35 = arith.constant 0 : i32
    %ne3A_36 = arith.cmpi ne, %rem3A, %ne3A_35 : i32
    %and3A = arith.andi %ne3A, %ne3A_36 : i1
    %sub3A_37 = arith.constant 1 : i32
    %sub3A_38 = arith.subi %div3A, %sub3A_37 : i32
    %select_n3A_39 = arith.select %and3A, %sub3A_38, %div3A : i32
    %neg3A_40 = arith.constant 0 : i32
    %neg3A_41 = arith.subi %neg3A_40, %select_n3A_39 : i32
    %not3A = arith.constant true
    %not3A_42 = arith.xori %eq3A_1, %not3A : i1
    %convert_element_type3A_43 = arith.extui %not3A_42 : i1 to i32
    %cond3A_44 = arith.constant 0 : i32
    %cond3A_45 = arith.cmpi ne, %convert_element_type3A_43, %cond3A_44 : i32
    scf.if %cond3A_45 {
      "tpu.region"() ({
        %run_scoped3A = tpu.sem_alloc : memref<!tpu.dma_semaphore, #tpu.memory_space<semaphore_mem>>
        %dma_start3A = arith.constant 0 : i32
        %dma_start3A_104 = arith.constant 0 : i32
        %dma_start3A_105 = tpu.memref_slice %arg9[%dma_start3A, %dma_start3A_104] : memref<80x128xi32, #tpu.memory_space<vmem>> -> memref<80x128xi32, #tpu.memory_space<vmem>>
        %dma_start3A_106 = arith.constant 0 : i32
        %dma_start3A_107 = arith.constant 0 : i32
        %dma_start3A_108 = tpu.memref_slice %arg5[%arg1, %dma_start3A_106, %dma_start3A_107] : memref<16x80x128xi32, #tpu.memory_space<hbm>> -> memref<1x80x128xi32, #tpu.memory_space<hbm>>
        %dma_start3A_109 = tpu.memref_squeeze %dma_start3A_108 : memref<1x80x128xi32, #tpu.memory_space<hbm>> -> memref<80x128xi32, #tpu.memory_space<hbm>>
        %dma_start3A_110 = arith.constant 0 : i32
        %dma_start3A_111 = arith.constant 0 : i32
        %dma_start3A_112 = tpu.memref_slice %arg9[%dma_start3A_110, %dma_start3A_111] : memref<80x128xi32, #tpu.memory_space<vmem>> -> memref<80x128xi32, #tpu.memory_space<vmem>>
        %dma_start3A_113 = arith.constant 0 : i32
        %dma_start3A_114 = arith.constant 0 : i32
        %dma_start3A_115 = tpu.memref_slice %arg5[%arg1, %dma_start3A_113, %dma_start3A_114] : memref<16x80x128xi32, #tpu.memory_space<hbm>> -> memref<1x80x128xi32, #tpu.memory_space<hbm>>
        %dma_start3A_116 = tpu.memref_squeeze %dma_start3A_115 : memref<1x80x128xi32, #tpu.memory_space<hbm>> -> memref<80x128xi32, #tpu.memory_space<hbm>>
        tpu.enqueue_dma source(%dma_start3A_116 : memref<80x128xi32, #tpu.memory_space<hbm>>) target(%dma_start3A_112 : memref<80x128xi32, #tpu.memory_space<vmem>>) target_semaphore(%run_scoped3A : memref<!tpu.dma_semaphore, #tpu.memory_space<semaphore_mem>>)
        %dma_wait3A = arith.constant 0 : i32
        %dma_wait3A_117 = arith.constant 0 : i32
        %dma_wait3A_118 = tpu.memref_slice %arg9[%dma_wait3A, %dma_wait3A_117] : memref<80x128xi32, #tpu.memory_space<vmem>> -> memref<80x128xi32, #tpu.memory_space<vmem>>
        %dma_wait3A_119 = arith.constant 0 : i32
        %dma_wait3A_120 = arith.constant 0 : i32
        %dma_wait3A_121 = tpu.memref_slice %arg5[%arg1, %dma_wait3A_119, %dma_wait3A_120] : memref<16x80x128xi32, #tpu.memory_space<hbm>> -> memref<1x80x128xi32, #tpu.memory_space<hbm>>
        %dma_wait3A_122 = tpu.memref_squeeze %dma_wait3A_121 : memref<1x80x128xi32, #tpu.memory_space<hbm>> -> memref<80x128xi32, #tpu.memory_space<hbm>>
        %dma_wait3A_123 = arith.constant 0 : i32
        %dma_wait3A_124 = arith.constant 0 : i32
        %dma_wait3A_125 = tpu.memref_slice %arg9[%dma_wait3A_123, %dma_wait3A_124] : memref<80x128xi32, #tpu.memory_space<vmem>> -> memref<80x128xi32, #tpu.memory_space<vmem>>
        %dma_wait3A_126 = arith.constant 0 : i32
        %dma_wait3A_127 = arith.constant 0 : i32
        %dma_wait3A_128 = tpu.memref_slice %arg5[%arg1, %dma_wait3A_126, %dma_wait3A_127] : memref<16x80x128xi32, #tpu.memory_space<hbm>> -> memref<1x80x128xi32, #tpu.memory_space<hbm>>
        %dma_wait3A_129 = tpu.memref_squeeze %dma_wait3A_128 : memref<1x80x128xi32, #tpu.memory_space<hbm>> -> memref<80x128xi32, #tpu.memory_space<hbm>>
        tpu.wait_dma2 semaphore(%run_scoped3A : memref<!tpu.dma_semaphore, #tpu.memory_space<semaphore_mem>>) src(%dma_wait3A_129 : memref<80x128xi32, #tpu.memory_space<hbm>>) dst(%dma_wait3A_125 : memref<80x128xi32, #tpu.memory_space<vmem>>)
        tpu.yield
      }) : () -> ()
      "tpu.region"() ({
        %run_scoped3A = tpu.sem_alloc : memref<!tpu.dma_semaphore, #tpu.memory_space<semaphore_mem>>
        %dma_start3A = arith.constant 0 : i32
        %dma_start3A_104 = arith.constant 0 : i32
        %dma_start3A_105 = tpu.memref_slice %arg10[%dma_start3A, %dma_start3A_104] : memref<80x128xi32, #tpu.memory_space<vmem>> -> memref<80x128xi32, #tpu.memory_space<vmem>>
        %dma_start3A_106 = arith.constant 0 : i32
        %dma_start3A_107 = arith.constant 0 : i32
        %dma_start3A_108 = tpu.memref_slice %arg6[%arg1, %dma_start3A_106, %dma_start3A_107] : memref<16x80x128xi32, #tpu.memory_space<hbm>> -> memref<1x80x128xi32, #tpu.memory_space<hbm>>
        %dma_start3A_109 = tpu.memref_squeeze %dma_start3A_108 : memref<1x80x128xi32, #tpu.memory_space<hbm>> -> memref<80x128xi32, #tpu.memory_space<hbm>>
        %dma_start3A_110 = arith.constant 0 : i32
        %dma_start3A_111 = arith.constant 0 : i32
        %dma_start3A_112 = tpu.memref_slice %arg10[%dma_start3A_110, %dma_start3A_111] : memref<80x128xi32, #tpu.memory_space<vmem>> -> memref<80x128xi32, #tpu.memory_space<vmem>>
        %dma_start3A_113 = arith.constant 0 : i32
        %dma_start3A_114 = arith.constant 0 : i32
        %dma_start3A_115 = tpu.memref_slice %arg6[%arg1, %dma_start3A_113, %dma_start3A_114] : memref<16x80x128xi32, #tpu.memory_space<hbm>> -> memref<1x80x128xi32, #tpu.memory_space<hbm>>
        %dma_start3A_116 = tpu.memref_squeeze %dma_start3A_115 : memref<1x80x128xi32, #tpu.memory_space<hbm>> -> memref<80x128xi32, #tpu.memory_space<hbm>>
        tpu.enqueue_dma source(%dma_start3A_116 : memref<80x128xi32, #tpu.memory_space<hbm>>) target(%dma_start3A_112 : memref<80x128xi32, #tpu.memory_space<vmem>>) target_semaphore(%run_scoped3A : memref<!tpu.dma_semaphore, #tpu.memory_space<semaphore_mem>>)
        %dma_wait3A = arith.constant 0 : i32
        %dma_wait3A_117 = arith.constant 0 : i32
        %dma_wait3A_118 = tpu.memref_slice %arg10[%dma_wait3A, %dma_wait3A_117] : memref<80x128xi32, #tpu.memory_space<vmem>> -> memref<80x128xi32, #tpu.memory_space<vmem>>
        %dma_wait3A_119 = arith.constant 0 : i32
        %dma_wait3A_120 = arith.constant 0 : i32
        %dma_wait3A_121 = tpu.memref_slice %arg6[%arg1, %dma_wait3A_119, %dma_wait3A_120] : memref<16x80x128xi32, #tpu.memory_space<hbm>> -> memref<1x80x128xi32, #tpu.memory_space<hbm>>
        %dma_wait3A_122 = tpu.memref_squeeze %dma_wait3A_121 : memref<1x80x128xi32, #tpu.memory_space<hbm>> -> memref<80x128xi32, #tpu.memory_space<hbm>>
        %dma_wait3A_123 = arith.constant 0 : i32
        %dma_wait3A_124 = arith.constant 0 : i32
        %dma_wait3A_125 = tpu.memref_slice %arg10[%dma_wait3A_123, %dma_wait3A_124] : memref<80x128xi32, #tpu.memory_space<vmem>> -> memref<80x128xi32, #tpu.memory_space<vmem>>
        %dma_wait3A_126 = arith.constant 0 : i32
        %dma_wait3A_127 = arith.constant 0 : i32
        %dma_wait3A_128 = tpu.memref_slice %arg6[%arg1, %dma_wait3A_126, %dma_wait3A_127] : memref<16x80x128xi32, #tpu.memory_space<hbm>> -> memref<1x80x128xi32, #tpu.memory_space<hbm>>
        %dma_wait3A_129 = tpu.memref_squeeze %dma_wait3A_128 : memref<1x80x128xi32, #tpu.memory_space<hbm>> -> memref<80x128xi32, #tpu.memory_space<hbm>>
        tpu.wait_dma2 semaphore(%run_scoped3A : memref<!tpu.dma_semaphore, #tpu.memory_space<semaphore_mem>>) src(%dma_wait3A_129 : memref<80x128xi32, #tpu.memory_space<hbm>>) dst(%dma_wait3A_125 : memref<80x128xi32, #tpu.memory_space<vmem>>)
        tpu.yield
      }) : () -> ()
    } else {
    }
    %mul3A_46 = arith.constant 80 : i32
    %mul3A_47 = arith.muli %arg1, %mul3A_46 : i32
    %sub3A_48 = arith.constant 1220 : i32
    %sub3A_49 = arith.subi %sub3A_48, %mul3A_47 : i32
    %jit3A_50 = arith.constant 0 : i32
    %jit3A_51 = arith.constant 80 : i32
    %max3A_52 = arith.maxsi %jit3A_50, %sub3A_49 : i32
    %min3A_53 = arith.minsi %jit3A_51, %max3A_52 : i32
    %neg3A_54 = arith.constant 0 : i32
    %neg3A_55 = arith.subi %neg3A_54, %min3A_53 : i32
    %jit3A_56 = arith.constant 4 : i32
    %div3A_57 = arith.divsi %neg3A_55, %jit3A_56 : i32
    %sign3A_58 = arith.constant 0 : i32
    %sign3A_59 = arith.cmpi sgt, %neg3A_55, %sign3A_58 : i32
    %sign3A_60 = arith.extui %sign3A_59 : i1 to i32
    %sign3A_61 = arith.constant 0 : i32
    %sign3A_62 = arith.cmpi slt, %neg3A_55, %sign3A_61 : i32
    %sign3A_63 = arith.extui %sign3A_62 : i1 to i32
    %sign3A_64 = arith.subi %sign3A_60, %sign3A_63 : i32
    %sign3A_65 = arith.constant 0 : i32
    %sign3A_66 = arith.cmpi sgt, %jit3A_56, %sign3A_65 : i32
    %sign3A_67 = arith.extui %sign3A_66 : i1 to i32
    %sign3A_68 = arith.constant 0 : i32
    %sign3A_69 = arith.cmpi slt, %jit3A_56, %sign3A_68 : i32
    %sign3A_70 = arith.extui %sign3A_69 : i1 to i32
    %sign3A_71 = arith.subi %sign3A_67, %sign3A_70 : i32
    %ne3A_72 = arith.cmpi ne, %sign3A_64, %sign3A_71 : i32
    %rem3A_73 = arith.remsi %neg3A_55, %jit3A_56 : i32
    %ne3A_74 = arith.constant 0 : i32
    %ne3A_75 = arith.cmpi ne, %rem3A_73, %ne3A_74 : i32
    %and3A_76 = arith.andi %ne3A_72, %ne3A_75 : i1
    %sub3A_77 = arith.constant 1 : i32
    %sub3A_78 = arith.subi %div3A_57, %sub3A_77 : i32
    %select_n3A_79 = arith.select %and3A_76, %sub3A_78, %div3A_57 : i32
    %neg3A_80 = arith.constant 0 : i32
    %neg3A_81 = arith.subi %neg3A_80, %select_n3A_79 : i32
    %select_n3A_82 = arith.select %eq3A_1, %neg3A_41, %neg3A_81 : i32
    %while3A_83 = arith.constant 0 : i32
    %while3A_84 = arith.constant 0 : i32
    %while3A_85 = arith.subi %select_n3A_82, %while3A_84 : i32
    %while3A_86 = arith.addi %while3A_84, %while3A_85 : i32
    %while3A_87 = arith.constant 1 : i32
    %while3A_88 = arith.divsi %while3A_85, %while3A_87 : i32
    %while3A_89 = arith.muli %while3A_88, %while3A_87 : i32
    %while3A_90 = arith.addi %while3A_84, %while3A_89 : i32
    %while3A_91 = arith.constant 1 : i32
    scf.for %while3A_104 = %while3A_84 to %while3A_90 step %while3A_91  : i32 {
      %mul3A_105 = arith.constant 4 : i32
      %mul3A_106 = arith.muli %while3A_104, %mul3A_105 : i32
      %add3A = arith.constant 0 : i32
      %add3A_107 = arith.addi %mul3A_106, %add3A : i32
      %dma_start3A = arith.constant 0 : i32
      %dma_start3A_108 = arith.constant 0 : i32
      %dma_start3A_109 = arith.constant 0 : i32
      %dma_start3A_110 = tpu.memref_slice %arg11[%dma_start3A, %dma_start3A_108, %dma_start3A_109] : memref<4x128x80xf32, #tpu.memory_space<vmem>> -> memref<1x128x80xf32, #tpu.memory_space<vmem>>
      %dma_start3A_111 = tpu.memref_squeeze %dma_start3A_110 : memref<1x128x80xf32, #tpu.memory_space<vmem>> -> memref<128x80xf32, #tpu.memory_space<vmem>>
      %dma_start3A_112 = arith.constant 0 : i32
      %dma_start3A_113 = tpu.memref_slice %arg9[%add3A_107, %dma_start3A_112] : memref<80x128xi32, #tpu.memory_space<vmem>> -> memref<1x128xi32, #tpu.memory_space<vmem>>
      %dma_start3A_114 = tpu.memref_squeeze %dma_start3A_113 : memref<1x128xi32, #tpu.memory_space<vmem>> -> memref<128xi32, #tpu.memory_space<vmem>>
      %dma_start3A_115 = arith.constant 0 : i32
      %dma_start3A_116 = arith.constant 0 : i32
      %dma_start3A_117 = tpu.memref_slice %arg2[%dma_start3A_115, %dma_start3A_116] : memref<10016x80xf32, #tpu.memory_space<hbm>> -> memref<10016x80xf32, #tpu.memory_space<hbm>>
      tpu.enqueue_indirect_dma source(%dma_start3A_117 : memref<10016x80xf32, #tpu.memory_space<hbm>>) target(%dma_start3A_111 : memref<128x80xf32, #tpu.memory_space<vmem>>) offsets(%dma_start3A_114 : memref<128xi32, #tpu.memory_space<vmem>>) semaphore(%arg13 : memref<!tpu.dma_semaphore, #tpu.memory_space<semaphore_mem>>)
      %add3A_118 = arith.constant 1 : i32
      %add3A_119 = arith.addi %mul3A_106, %add3A_118 : i32
      %dma_start3A_120 = arith.constant 1 : i32
      %dma_start3A_121 = arith.constant 0 : i32
      %dma_start3A_122 = arith.constant 0 : i32
      %dma_start3A_123 = tpu.memref_slice %arg11[%dma_start3A_120, %dma_start3A_121, %dma_start3A_122] : memref<4x128x80xf32, #tpu.memory_space<vmem>> -> memref<1x128x80xf32, #tpu.memory_space<vmem>>
      %dma_start3A_124 = tpu.memref_squeeze %dma_start3A_123 : memref<1x128x80xf32, #tpu.memory_space<vmem>> -> memref<128x80xf32, #tpu.memory_space<vmem>>
      %dma_start3A_125 = arith.constant 0 : i32
      %dma_start3A_126 = tpu.memref_slice %arg9[%add3A_119, %dma_start3A_125] : memref<80x128xi32, #tpu.memory_space<vmem>> -> memref<1x128xi32, #tpu.memory_space<vmem>>
      %dma_start3A_127 = tpu.memref_squeeze %dma_start3A_126 : memref<1x128xi32, #tpu.memory_space<vmem>> -> memref<128xi32, #tpu.memory_space<vmem>>
      %dma_start3A_128 = arith.constant 0 : i32
      %dma_start3A_129 = arith.constant 0 : i32
      %dma_start3A_130 = tpu.memref_slice %arg2[%dma_start3A_128, %dma_start3A_129] : memref<10016x80xf32, #tpu.memory_space<hbm>> -> memref<10016x80xf32, #tpu.memory_space<hbm>>
      tpu.enqueue_indirect_dma source(%dma_start3A_130 : memref<10016x80xf32, #tpu.memory_space<hbm>>) target(%dma_start3A_124 : memref<128x80xf32, #tpu.memory_space<vmem>>) offsets(%dma_start3A_127 : memref<128xi32, #tpu.memory_space<vmem>>) semaphore(%arg13 : memref<!tpu.dma_semaphore, #tpu.memory_space<semaphore_mem>>)
      %add3A_131 = arith.constant 2 : i32
      %add3A_132 = arith.addi %mul3A_106, %add3A_131 : i32
      %dma_start3A_133 = arith.constant 2 : i32
      %dma_start3A_134 = arith.constant 0 : i32
      %dma_start3A_135 = arith.constant 0 : i32
      %dma_start3A_136 = tpu.memref_slice %arg11[%dma_start3A_133, %dma_start3A_134, %dma_start3A_135] : memref<4x128x80xf32, #tpu.memory_space<vmem>> -> memref<1x128x80xf32, #tpu.memory_space<vmem>>
      %dma_start3A_137 = tpu.memref_squeeze %dma_start3A_136 : memref<1x128x80xf32, #tpu.memory_space<vmem>> -> memref<128x80xf32, #tpu.memory_space<vmem>>
      %dma_start3A_138 = arith.constant 0 : i32
      %dma_start3A_139 = tpu.memref_slice %arg9[%add3A_132, %dma_start3A_138] : memref<80x128xi32, #tpu.memory_space<vmem>> -> memref<1x128xi32, #tpu.memory_space<vmem>>
      %dma_start3A_140 = tpu.memref_squeeze %dma_start3A_139 : memref<1x128xi32, #tpu.memory_space<vmem>> -> memref<128xi32, #tpu.memory_space<vmem>>
      %dma_start3A_141 = arith.constant 0 : i32
      %dma_start3A_142 = arith.constant 0 : i32
      %dma_start3A_143 = tpu.memref_slice %arg2[%dma_start3A_141, %dma_start3A_142] : memref<10016x80xf32, #tpu.memory_space<hbm>> -> memref<10016x80xf32, #tpu.memory_space<hbm>>
      tpu.enqueue_indirect_dma source(%dma_start3A_143 : memref<10016x80xf32, #tpu.memory_space<hbm>>) target(%dma_start3A_137 : memref<128x80xf32, #tpu.memory_space<vmem>>) offsets(%dma_start3A_140 : memref<128xi32, #tpu.memory_space<vmem>>) semaphore(%arg13 : memref<!tpu.dma_semaphore, #tpu.memory_space<semaphore_mem>>)
      %add3A_144 = arith.constant 3 : i32
      %add3A_145 = arith.addi %mul3A_106, %add3A_144 : i32
      %dma_start3A_146 = arith.constant 3 : i32
      %dma_start3A_147 = arith.constant 0 : i32
      %dma_start3A_148 = arith.constant 0 : i32
      %dma_start3A_149 = tpu.memref_slice %arg11[%dma_start3A_146, %dma_start3A_147, %dma_start3A_148] : memref<4x128x80xf32, #tpu.memory_space<vmem>> -> memref<1x128x80xf32, #tpu.memory_space<vmem>>
      %dma_start3A_150 = tpu.memref_squeeze %dma_start3A_149 : memref<1x128x80xf32, #tpu.memory_space<vmem>> -> memref<128x80xf32, #tpu.memory_space<vmem>>
      %dma_start3A_151 = arith.constant 0 : i32
      %dma_start3A_152 = tpu.memref_slice %arg9[%add3A_145, %dma_start3A_151] : memref<80x128xi32, #tpu.memory_space<vmem>> -> memref<1x128xi32, #tpu.memory_space<vmem>>
      %dma_start3A_153 = tpu.memref_squeeze %dma_start3A_152 : memref<1x128xi32, #tpu.memory_space<vmem>> -> memref<128xi32, #tpu.memory_space<vmem>>
      %dma_start3A_154 = arith.constant 0 : i32
      %dma_start3A_155 = arith.constant 0 : i32
      %dma_start3A_156 = tpu.memref_slice %arg2[%dma_start3A_154, %dma_start3A_155] : memref<10016x80xf32, #tpu.memory_space<hbm>> -> memref<10016x80xf32, #tpu.memory_space<hbm>>
      tpu.enqueue_indirect_dma source(%dma_start3A_156 : memref<10016x80xf32, #tpu.memory_space<hbm>>) target(%dma_start3A_150 : memref<128x80xf32, #tpu.memory_space<vmem>>) offsets(%dma_start3A_153 : memref<128xi32, #tpu.memory_space<vmem>>) semaphore(%arg13 : memref<!tpu.dma_semaphore, #tpu.memory_space<semaphore_mem>>)
      %dma_wait3A = arith.constant 0 : i32
      %dma_wait3A_157 = arith.constant 0 : i32
      %dma_wait3A_158 = arith.constant 0 : i32
      %dma_wait3A_159 = tpu.memref_slice %arg11[%dma_wait3A, %dma_wait3A_157, %dma_wait3A_158] : memref<4x128x80xf32, #tpu.memory_space<vmem>> -> memref<1x128x80xf32, #tpu.memory_space<vmem>>
      %dma_wait3A_160 = tpu.memref_squeeze %dma_wait3A_159 : memref<1x128x80xf32, #tpu.memory_space<vmem>> -> memref<128x80xf32, #tpu.memory_space<vmem>>
      %dma_wait3A_161 = arith.constant 0 : i32
      %dma_wait3A_162 = tpu.memref_slice %arg9[%add3A_107, %dma_wait3A_161] : memref<80x128xi32, #tpu.memory_space<vmem>> -> memref<1x128xi32, #tpu.memory_space<vmem>>
      %dma_wait3A_163 = tpu.memref_squeeze %dma_wait3A_162 : memref<1x128xi32, #tpu.memory_space<vmem>> -> memref<128xi32, #tpu.memory_space<vmem>>
      %dma_wait3A_164 = arith.constant 0 : i32
      %dma_wait3A_165 = arith.constant 0 : i32
      %dma_wait3A_166 = tpu.memref_slice %arg2[%dma_wait3A_164, %dma_wait3A_165] : memref<10016x80xf32, #tpu.memory_space<hbm>> -> memref<10016x80xf32, #tpu.memory_space<hbm>>
      tpu.wait_indirect_dma semaphore(%arg13 : memref<!tpu.dma_semaphore, #tpu.memory_space<semaphore_mem>>) src(%dma_wait3A_166 : memref<10016x80xf32, #tpu.memory_space<hbm>>) dst(%dma_wait3A_160 : memref<128x80xf32, #tpu.memory_space<vmem>>)
      %add3A_167 = arith.constant 0 : i32
      %add3A_168 = arith.addi %mul3A_106, %add3A_167 : i32
      %dma_start3A_169 = arith.constant 0 : i32
      %dma_start3A_170 = arith.constant 0 : i32
      %dma_start3A_171 = arith.constant 0 : i32
      %dma_start3A_172 = tpu.memref_slice %arg11[%dma_start3A_169, %dma_start3A_170, %dma_start3A_171] : memref<4x128x80xf32, #tpu.memory_space<vmem>> -> memref<1x128x80xf32, #tpu.memory_space<vmem>>
      %dma_start3A_173 = tpu.memref_squeeze %dma_start3A_172 : memref<1x128x80xf32, #tpu.memory_space<vmem>> -> memref<128x80xf32, #tpu.memory_space<vmem>>
      %dma_start3A_174 = arith.constant 0 : i32
      %dma_start3A_175 = tpu.memref_slice %arg10[%add3A_168, %dma_start3A_174] : memref<80x128xi32, #tpu.memory_space<vmem>> -> memref<1x128xi32, #tpu.memory_space<vmem>>
      %dma_start3A_176 = tpu.memref_squeeze %dma_start3A_175 : memref<1x128xi32, #tpu.memory_space<vmem>> -> memref<128xi32, #tpu.memory_space<vmem>>
      %dma_start3A_177 = arith.constant 0 : i32
      %dma_start3A_178 = arith.constant 0 : i32
      %dma_start3A_179 = tpu.memref_slice %arg12[%dma_start3A_177, %dma_start3A_178] : memref<10016x80xf32, #tpu.memory_space<vmem_shared>> -> memref<10016x80xf32, #tpu.memory_space<vmem_shared>>
      tpu.enqueue_indirect_dma source(%dma_start3A_173 : memref<128x80xf32, #tpu.memory_space<vmem>>) target(%dma_start3A_179 : memref<10016x80xf32, #tpu.memory_space<vmem_shared>>) offsets(%dma_start3A_176 : memref<128xi32, #tpu.memory_space<vmem>>) semaphore(%arg14 : memref<!tpu.dma_semaphore, #tpu.memory_space<semaphore_mem>>) {add = true}
      %dma_wait3A_180 = arith.constant 1 : i32
      %dma_wait3A_181 = arith.constant 0 : i32
      %dma_wait3A_182 = arith.constant 0 : i32
      %dma_wait3A_183 = tpu.memref_slice %arg11[%dma_wait3A_180, %dma_wait3A_181, %dma_wait3A_182] : memref<4x128x80xf32, #tpu.memory_space<vmem>> -> memref<1x128x80xf32, #tpu.memory_space<vmem>>
      %dma_wait3A_184 = tpu.memref_squeeze %dma_wait3A_183 : memref<1x128x80xf32, #tpu.memory_space<vmem>> -> memref<128x80xf32, #tpu.memory_space<vmem>>
      %dma_wait3A_185 = arith.constant 0 : i32
      %dma_wait3A_186 = tpu.memref_slice %arg9[%add3A_119, %dma_wait3A_185] : memref<80x128xi32, #tpu.memory_space<vmem>> -> memref<1x128xi32, #tpu.memory_space<vmem>>
      %dma_wait3A_187 = tpu.memref_squeeze %dma_wait3A_186 : memref<1x128xi32, #tpu.memory_space<vmem>> -> memref<128xi32, #tpu.memory_space<vmem>>
      %dma_wait3A_188 = arith.constant 0 : i32
      %dma_wait3A_189 = arith.constant 0 : i32
      %dma_wait3A_190 = tpu.memref_slice %arg2[%dma_wait3A_188, %dma_wait3A_189] : memref<10016x80xf32, #tpu.memory_space<hbm>> -> memref<10016x80xf32, #tpu.memory_space<hbm>>
      tpu.wait_indirect_dma semaphore(%arg13 : memref<!tpu.dma_semaphore, #tpu.memory_space<semaphore_mem>>) src(%dma_wait3A_190 : memref<10016x80xf32, #tpu.memory_space<hbm>>) dst(%dma_wait3A_184 : memref<128x80xf32, #tpu.memory_space<vmem>>)
      %add3A_191 = arith.constant 1 : i32
      %add3A_192 = arith.addi %mul3A_106, %add3A_191 : i32
      %dma_start3A_193 = arith.constant 1 : i32
      %dma_start3A_194 = arith.constant 0 : i32
      %dma_start3A_195 = arith.constant 0 : i32
      %dma_start3A_196 = tpu.memref_slice %arg11[%dma_start3A_193, %dma_start3A_194, %dma_start3A_195] : memref<4x128x80xf32, #tpu.memory_space<vmem>> -> memref<1x128x80xf32, #tpu.memory_space<vmem>>
      %dma_start3A_197 = tpu.memref_squeeze %dma_start3A_196 : memref<1x128x80xf32, #tpu.memory_space<vmem>> -> memref<128x80xf32, #tpu.memory_space<vmem>>
      %dma_start3A_198 = arith.constant 0 : i32
      %dma_start3A_199 = tpu.memref_slice %arg10[%add3A_192, %dma_start3A_198] : memref<80x128xi32, #tpu.memory_space<vmem>> -> memref<1x128xi32, #tpu.memory_space<vmem>>
      %dma_start3A_200 = tpu.memref_squeeze %dma_start3A_199 : memref<1x128xi32, #tpu.memory_space<vmem>> -> memref<128xi32, #tpu.memory_space<vmem>>
      %dma_start3A_201 = arith.constant 0 : i32
      %dma_start3A_202 = arith.constant 0 : i32
      %dma_start3A_203 = tpu.memref_slice %arg12[%dma_start3A_201, %dma_start3A_202] : memref<10016x80xf32, #tpu.memory_space<vmem_shared>> -> memref<10016x80xf32, #tpu.memory_space<vmem_shared>>
      tpu.enqueue_indirect_dma source(%dma_start3A_197 : memref<128x80xf32, #tpu.memory_space<vmem>>) target(%dma_start3A_203 : memref<10016x80xf32, #tpu.memory_space<vmem_shared>>) offsets(%dma_start3A_200 : memref<128xi32, #tpu.memory_space<vmem>>) semaphore(%arg14 : memref<!tpu.dma_semaphore, #tpu.memory_space<semaphore_mem>>) {add = true}
      %dma_wait3A_204 = arith.constant 2 : i32
      %dma_wait3A_205 = arith.constant 0 : i32
      %dma_wait3A_206 = arith.constant 0 : i32
      %dma_wait3A_207 = tpu.memref_slice %arg11[%dma_wait3A_204, %dma_wait3A_205, %dma_wait3A_206] : memref<4x128x80xf32, #tpu.memory_space<vmem>> -> memref<1x128x80xf32, #tpu.memory_space<vmem>>
      %dma_wait3A_208 = tpu.memref_squeeze %dma_wait3A_207 : memref<1x128x80xf32, #tpu.memory_space<vmem>> -> memref<128x80xf32, #tpu.memory_space<vmem>>
      %dma_wait3A_209 = arith.constant 0 : i32
      %dma_wait3A_210 = tpu.memref_slice %arg9[%add3A_132, %dma_wait3A_209] : memref<80x128xi32, #tpu.memory_space<vmem>> -> memref<1x128xi32, #tpu.memory_space<vmem>>
      %dma_wait3A_211 = tpu.memref_squeeze %dma_wait3A_210 : memref<1x128xi32, #tpu.memory_space<vmem>> -> memref<128xi32, #tpu.memory_space<vmem>>
      %dma_wait3A_212 = arith.constant 0 : i32
      %dma_wait3A_213 = arith.constant 0 : i32
      %dma_wait3A_214 = tpu.memref_slice %arg2[%dma_wait3A_212, %dma_wait3A_213] : memref<10016x80xf32, #tpu.memory_space<hbm>> -> memref<10016x80xf32, #tpu.memory_space<hbm>>
      tpu.wait_indirect_dma semaphore(%arg13 : memref<!tpu.dma_semaphore, #tpu.memory_space<semaphore_mem>>) src(%dma_wait3A_214 : memref<10016x80xf32, #tpu.memory_space<hbm>>) dst(%dma_wait3A_208 : memref<128x80xf32, #tpu.memory_space<vmem>>)
      %add3A_215 = arith.constant 2 : i32
      %add3A_216 = arith.addi %mul3A_106, %add3A_215 : i32
      %dma_start3A_217 = arith.constant 2 : i32
      %dma_start3A_218 = arith.constant 0 : i32
      %dma_start3A_219 = arith.constant 0 : i32
      %dma_start3A_220 = tpu.memref_slice %arg11[%dma_start3A_217, %dma_start3A_218, %dma_start3A_219] : memref<4x128x80xf32, #tpu.memory_space<vmem>> -> memref<1x128x80xf32, #tpu.memory_space<vmem>>
      %dma_start3A_221 = tpu.memref_squeeze %dma_start3A_220 : memref<1x128x80xf32, #tpu.memory_space<vmem>> -> memref<128x80xf32, #tpu.memory_space<vmem>>
      %dma_start3A_222 = arith.constant 0 : i32
      %dma_start3A_223 = tpu.memref_slice %arg10[%add3A_216, %dma_start3A_222] : memref<80x128xi32, #tpu.memory_space<vmem>> -> memref<1x128xi32, #tpu.memory_space<vmem>>
      %dma_start3A_224 = tpu.memref_squeeze %dma_start3A_223 : memref<1x128xi32, #tpu.memory_space<vmem>> -> memref<128xi32, #tpu.memory_space<vmem>>
      %dma_start3A_225 = arith.constant 0 : i32
      %dma_start3A_226 = arith.constant 0 : i32
      %dma_start3A_227 = tpu.memref_slice %arg12[%dma_start3A_225, %dma_start3A_226] : memref<10016x80xf32, #tpu.memory_space<vmem_shared>> -> memref<10016x80xf32, #tpu.memory_space<vmem_shared>>
      tpu.enqueue_indirect_dma source(%dma_start3A_221 : memref<128x80xf32, #tpu.memory_space<vmem>>) target(%dma_start3A_227 : memref<10016x80xf32, #tpu.memory_space<vmem_shared>>) offsets(%dma_start3A_224 : memref<128xi32, #tpu.memory_space<vmem>>) semaphore(%arg14 : memref<!tpu.dma_semaphore, #tpu.memory_space<semaphore_mem>>) {add = true}
      %dma_wait3A_228 = arith.constant 3 : i32
      %dma_wait3A_229 = arith.constant 0 : i32
      %dma_wait3A_230 = arith.constant 0 : i32
      %dma_wait3A_231 = tpu.memref_slice %arg11[%dma_wait3A_228, %dma_wait3A_229, %dma_wait3A_230] : memref<4x128x80xf32, #tpu.memory_space<vmem>> -> memref<1x128x80xf32, #tpu.memory_space<vmem>>
      %dma_wait3A_232 = tpu.memref_squeeze %dma_wait3A_231 : memref<1x128x80xf32, #tpu.memory_space<vmem>> -> memref<128x80xf32, #tpu.memory_space<vmem>>
      %dma_wait3A_233 = arith.constant 0 : i32
      %dma_wait3A_234 = tpu.memref_slice %arg9[%add3A_145, %dma_wait3A_233] : memref<80x128xi32, #tpu.memory_space<vmem>> -> memref<1x128xi32, #tpu.memory_space<vmem>>
      %dma_wait3A_235 = tpu.memref_squeeze %dma_wait3A_234 : memref<1x128xi32, #tpu.memory_space<vmem>> -> memref<128xi32, #tpu.memory_space<vmem>>
      %dma_wait3A_236 = arith.constant 0 : i32
      %dma_wait3A_237 = arith.constant 0 : i32
      %dma_wait3A_238 = tpu.memref_slice %arg2[%dma_wait3A_236, %dma_wait3A_237] : memref<10016x80xf32, #tpu.memory_space<hbm>> -> memref<10016x80xf32, #tpu.memory_space<hbm>>
      tpu.wait_indirect_dma semaphore(%arg13 : memref<!tpu.dma_semaphore, #tpu.memory_space<semaphore_mem>>) src(%dma_wait3A_238 : memref<10016x80xf32, #tpu.memory_space<hbm>>) dst(%dma_wait3A_232 : memref<128x80xf32, #tpu.memory_space<vmem>>)
      %add3A_239 = arith.constant 3 : i32
      %add3A_240 = arith.addi %mul3A_106, %add3A_239 : i32
      %dma_start3A_241 = arith.constant 3 : i32
      %dma_start3A_242 = arith.constant 0 : i32
      %dma_start3A_243 = arith.constant 0 : i32
      %dma_start3A_244 = tpu.memref_slice %arg11[%dma_start3A_241, %dma_start3A_242, %dma_start3A_243] : memref<4x128x80xf32, #tpu.memory_space<vmem>> -> memref<1x128x80xf32, #tpu.memory_space<vmem>>
      %dma_start3A_245 = tpu.memref_squeeze %dma_start3A_244 : memref<1x128x80xf32, #tpu.memory_space<vmem>> -> memref<128x80xf32, #tpu.memory_space<vmem>>
      %dma_start3A_246 = arith.constant 0 : i32
      %dma_start3A_247 = tpu.memref_slice %arg10[%add3A_240, %dma_start3A_246] : memref<80x128xi32, #tpu.memory_space<vmem>> -> memref<1x128xi32, #tpu.memory_space<vmem>>
      %dma_start3A_248 = tpu.memref_squeeze %dma_start3A_247 : memref<1x128xi32, #tpu.memory_space<vmem>> -> memref<128xi32, #tpu.memory_space<vmem>>
      %dma_start3A_249 = arith.constant 0 : i32
      %dma_start3A_250 = arith.constant 0 : i32
      %dma_start3A_251 = tpu.memref_slice %arg12[%dma_start3A_249, %dma_start3A_250] : memref<10016x80xf32, #tpu.memory_space<vmem_shared>> -> memref<10016x80xf32, #tpu.memory_space<vmem_shared>>
      tpu.enqueue_indirect_dma source(%dma_start3A_245 : memref<128x80xf32, #tpu.memory_space<vmem>>) target(%dma_start3A_251 : memref<10016x80xf32, #tpu.memory_space<vmem_shared>>) offsets(%dma_start3A_248 : memref<128xi32, #tpu.memory_space<vmem>>) semaphore(%arg14 : memref<!tpu.dma_semaphore, #tpu.memory_space<semaphore_mem>>) {add = true}
      %dma_wait3A_252 = arith.constant 0 : i32
      %dma_wait3A_253 = arith.constant 0 : i32
      %dma_wait3A_254 = arith.constant 0 : i32
      %dma_wait3A_255 = tpu.memref_slice %arg11[%dma_wait3A_252, %dma_wait3A_253, %dma_wait3A_254] : memref<4x128x80xf32, #tpu.memory_space<vmem>> -> memref<1x128x80xf32, #tpu.memory_space<vmem>>
      %dma_wait3A_256 = tpu.memref_squeeze %dma_wait3A_255 : memref<1x128x80xf32, #tpu.memory_space<vmem>> -> memref<128x80xf32, #tpu.memory_space<vmem>>
      %dma_wait3A_257 = arith.constant 0 : i32
      %dma_wait3A_258 = tpu.memref_slice %arg10[%add3A_168, %dma_wait3A_257] : memref<80x128xi32, #tpu.memory_space<vmem>> -> memref<1x128xi32, #tpu.memory_space<vmem>>
      %dma_wait3A_259 = tpu.memref_squeeze %dma_wait3A_258 : memref<1x128xi32, #tpu.memory_space<vmem>> -> memref<128xi32, #tpu.memory_space<vmem>>
      %dma_wait3A_260 = arith.constant 0 : i32
      %dma_wait3A_261 = arith.constant 0 : i32
      %dma_wait3A_262 = tpu.memref_slice %arg12[%dma_wait3A_260, %dma_wait3A_261] : memref<10016x80xf32, #tpu.memory_space<vmem_shared>> -> memref<10016x80xf32, #tpu.memory_space<vmem_shared>>
      tpu.wait_indirect_dma semaphore(%arg14 : memref<!tpu.dma_semaphore, #tpu.memory_space<semaphore_mem>>) src(%dma_wait3A_256 : memref<128x80xf32, #tpu.memory_space<vmem>>) dst(%dma_wait3A_262 : memref<10016x80xf32, #tpu.memory_space<vmem_shared>>)
      %dma_wait3A_263 = arith.constant 1 : i32
      %dma_wait3A_264 = arith.constant 0 : i32
      %dma_wait3A_265 = arith.constant 0 : i32
      %dma_wait3A_266 = tpu.memref_slice %arg11[%dma_wait3A_263, %dma_wait3A_264, %dma_wait3A_265] : memref<4x128x80xf32, #tpu.memory_space<vmem>> -> memref<1x128x80xf32, #tpu.memory_space<vmem>>
      %dma_wait3A_267 = tpu.memref_squeeze %dma_wait3A_266 : memref<1x128x80xf32, #tpu.memory_space<vmem>> -> memref<128x80xf32, #tpu.memory_space<vmem>>
      %dma_wait3A_268 = arith.constant 0 : i32
      %dma_wait3A_269 = tpu.memref_slice %arg10[%add3A_192, %dma_wait3A_268] : memref<80x128xi32, #tpu.memory_space<vmem>> -> memref<1x128xi32, #tpu.memory_space<vmem>>
      %dma_wait3A_270 = tpu.memref_squeeze %dma_wait3A_269 : memref<1x128xi32, #tpu.memory_space<vmem>> -> memref<128xi32, #tpu.memory_space<vmem>>
      %dma_wait3A_271 = arith.constant 0 : i32
      %dma_wait3A_272 = arith.constant 0 : i32
      %dma_wait3A_273 = tpu.memref_slice %arg12[%dma_wait3A_271, %dma_wait3A_272] : memref<10016x80xf32, #tpu.memory_space<vmem_shared>> -> memref<10016x80xf32, #tpu.memory_space<vmem_shared>>
      tpu.wait_indirect_dma semaphore(%arg14 : memref<!tpu.dma_semaphore, #tpu.memory_space<semaphore_mem>>) src(%dma_wait3A_267 : memref<128x80xf32, #tpu.memory_space<vmem>>) dst(%dma_wait3A_273 : memref<10016x80xf32, #tpu.memory_space<vmem_shared>>)
      %dma_wait3A_274 = arith.constant 2 : i32
      %dma_wait3A_275 = arith.constant 0 : i32
      %dma_wait3A_276 = arith.constant 0 : i32
      %dma_wait3A_277 = tpu.memref_slice %arg11[%dma_wait3A_274, %dma_wait3A_275, %dma_wait3A_276] : memref<4x128x80xf32, #tpu.memory_space<vmem>> -> memref<1x128x80xf32, #tpu.memory_space<vmem>>
      %dma_wait3A_278 = tpu.memref_squeeze %dma_wait3A_277 : memref<1x128x80xf32, #tpu.memory_space<vmem>> -> memref<128x80xf32, #tpu.memory_space<vmem>>
      %dma_wait3A_279 = arith.constant 0 : i32
      %dma_wait3A_280 = tpu.memref_slice %arg10[%add3A_216, %dma_wait3A_279] : memref<80x128xi32, #tpu.memory_space<vmem>> -> memref<1x128xi32, #tpu.memory_space<vmem>>
      %dma_wait3A_281 = tpu.memref_squeeze %dma_wait3A_280 : memref<1x128xi32, #tpu.memory_space<vmem>> -> memref<128xi32, #tpu.memory_space<vmem>>
      %dma_wait3A_282 = arith.constant 0 : i32
      %dma_wait3A_283 = arith.constant 0 : i32
      %dma_wait3A_284 = tpu.memref_slice %arg12[%dma_wait3A_282, %dma_wait3A_283] : memref<10016x80xf32, #tpu.memory_space<vmem_shared>> -> memref<10016x80xf32, #tpu.memory_space<vmem_shared>>
      tpu.wait_indirect_dma semaphore(%arg14 : memref<!tpu.dma_semaphore, #tpu.memory_space<semaphore_mem>>) src(%dma_wait3A_278 : memref<128x80xf32, #tpu.memory_space<vmem>>) dst(%dma_wait3A_284 : memref<10016x80xf32, #tpu.memory_space<vmem_shared>>)
      %dma_wait3A_285 = arith.constant 3 : i32
      %dma_wait3A_286 = arith.constant 0 : i32
      %dma_wait3A_287 = arith.constant 0 : i32
      %dma_wait3A_288 = tpu.memref_slice %arg11[%dma_wait3A_285, %dma_wait3A_286, %dma_wait3A_287] : memref<4x128x80xf32, #tpu.memory_space<vmem>> -> memref<1x128x80xf32, #tpu.memory_space<vmem>>
      %dma_wait3A_289 = tpu.memref_squeeze %dma_wait3A_288 : memref<1x128x80xf32, #tpu.memory_space<vmem>> -> memref<128x80xf32, #tpu.memory_space<vmem>>
      %dma_wait3A_290 = arith.constant 0 : i32
      %dma_wait3A_291 = tpu.memref_slice %arg10[%add3A_240, %dma_wait3A_290] : memref<80x128xi32, #tpu.memory_space<vmem>> -> memref<1x128xi32, #tpu.memory_space<vmem>>
      %dma_wait3A_292 = tpu.memref_squeeze %dma_wait3A_291 : memref<1x128xi32, #tpu.memory_space<vmem>> -> memref<128xi32, #tpu.memory_space<vmem>>
      %dma_wait3A_293 = arith.constant 0 : i32
      %dma_wait3A_294 = arith.constant 0 : i32
      %dma_wait3A_295 = tpu.memref_slice %arg12[%dma_wait3A_293, %dma_wait3A_294] : memref<10016x80xf32, #tpu.memory_space<vmem_shared>> -> memref<10016x80xf32, #tpu.memory_space<vmem_shared>>
      tpu.wait_indirect_dma semaphore(%arg14 : memref<!tpu.dma_semaphore, #tpu.memory_space<semaphore_mem>>) src(%dma_wait3A_289 : memref<128x80xf32, #tpu.memory_space<vmem>>) dst(%dma_wait3A_295 : memref<10016x80xf32, #tpu.memory_space<vmem_shared>>)
    }
    %while3A_92 = arith.constant 1 : i32
    scf.for %while3A_104 = %while3A_90 to %while3A_86 step %while3A_92  : i32 {
      %mul3A_105 = arith.constant 4 : i32
      %mul3A_106 = arith.muli %while3A_104, %mul3A_105 : i32
      %add3A = arith.constant 0 : i32
      %add3A_107 = arith.addi %mul3A_106, %add3A : i32
      %dma_start3A = arith.constant 0 : i32
      %dma_start3A_108 = arith.constant 0 : i32
      %dma_start3A_109 = arith.constant 0 : i32
      %dma_start3A_110 = tpu.memref_slice %arg11[%dma_start3A, %dma_start3A_108, %dma_start3A_109] : memref<4x128x80xf32, #tpu.memory_space<vmem>> -> memref<1x128x80xf32, #tpu.memory_space<vmem>>
      %dma_start3A_111 = tpu.memref_squeeze %dma_start3A_110 : memref<1x128x80xf32, #tpu.memory_space<vmem>> -> memref<128x80xf32, #tpu.memory_space<vmem>>
      %dma_start3A_112 = arith.constant 0 : i32
      %dma_start3A_113 = tpu.memref_slice %arg9[%add3A_107, %dma_start3A_112] : memref<80x128xi32, #tpu.memory_space<vmem>> -> memref<1x128xi32, #tpu.memory_space<vmem>>
      %dma_start3A_114 = tpu.memref_squeeze %dma_start3A_113 : memref<1x128xi32, #tpu.memory_space<vmem>> -> memref<128xi32, #tpu.memory_space<vmem>>
      %dma_start3A_115 = arith.constant 0 : i32
      %dma_start3A_116 = arith.constant 0 : i32
      %dma_start3A_117 = tpu.memref_slice %arg2[%dma_start3A_115, %dma_start3A_116] : memref<10016x80xf32, #tpu.memory_space<hbm>> -> memref<10016x80xf32, #tpu.memory_space<hbm>>
      tpu.enqueue_indirect_dma source(%dma_start3A_117 : memref<10016x80xf32, #tpu.memory_space<hbm>>) target(%dma_start3A_111 : memref<128x80xf32, #tpu.memory_space<vmem>>) offsets(%dma_start3A_114 : memref<128xi32, #tpu.memory_space<vmem>>) semaphore(%arg13 : memref<!tpu.dma_semaphore, #tpu.memory_space<semaphore_mem>>)
      %add3A_118 = arith.constant 1 : i32
      %add3A_119 = arith.addi %mul3A_106, %add3A_118 : i32
      %dma_start3A_120 = arith.constant 1 : i32
      %dma_start3A_121 = arith.constant 0 : i32
      %dma_start3A_122 = arith.constant 0 : i32
      %dma_start3A_123 = tpu.memref_slice %arg11[%dma_start3A_120, %dma_start3A_121, %dma_start3A_122] : memref<4x128x80xf32, #tpu.memory_space<vmem>> -> memref<1x128x80xf32, #tpu.memory_space<vmem>>
      %dma_start3A_124 = tpu.memref_squeeze %dma_start3A_123 : memref<1x128x80xf32, #tpu.memory_space<vmem>> -> memref<128x80xf32, #tpu.memory_space<vmem>>
      %dma_start3A_125 = arith.constant 0 : i32
      %dma_start3A_126 = tpu.memref_slice %arg9[%add3A_119, %dma_start3A_125] : memref<80x128xi32, #tpu.memory_space<vmem>> -> memref<1x128xi32, #tpu.memory_space<vmem>>
      %dma_start3A_127 = tpu.memref_squeeze %dma_start3A_126 : memref<1x128xi32, #tpu.memory_space<vmem>> -> memref<128xi32, #tpu.memory_space<vmem>>
      %dma_start3A_128 = arith.constant 0 : i32
      %dma_start3A_129 = arith.constant 0 : i32
      %dma_start3A_130 = tpu.memref_slice %arg2[%dma_start3A_128, %dma_start3A_129] : memref<10016x80xf32, #tpu.memory_space<hbm>> -> memref<10016x80xf32, #tpu.memory_space<hbm>>
      tpu.enqueue_indirect_dma source(%dma_start3A_130 : memref<10016x80xf32, #tpu.memory_space<hbm>>) target(%dma_start3A_124 : memref<128x80xf32, #tpu.memory_space<vmem>>) offsets(%dma_start3A_127 : memref<128xi32, #tpu.memory_space<vmem>>) semaphore(%arg13 : memref<!tpu.dma_semaphore, #tpu.memory_space<semaphore_mem>>)
      %add3A_131 = arith.constant 2 : i32
      %add3A_132 = arith.addi %mul3A_106, %add3A_131 : i32
      %dma_start3A_133 = arith.constant 2 : i32
      %dma_start3A_134 = arith.constant 0 : i32
      %dma_start3A_135 = arith.constant 0 : i32
      %dma_start3A_136 = tpu.memref_slice %arg11[%dma_start3A_133, %dma_start3A_134, %dma_start3A_135] : memref<4x128x80xf32, #tpu.memory_space<vmem>> -> memref<1x128x80xf32, #tpu.memory_space<vmem>>
      %dma_start3A_137 = tpu.memref_squeeze %dma_start3A_136 : memref<1x128x80xf32, #tpu.memory_space<vmem>> -> memref<128x80xf32, #tpu.memory_space<vmem>>
      %dma_start3A_138 = arith.constant 0 : i32
      %dma_start3A_139 = tpu.memref_slice %arg9[%add3A_132, %dma_start3A_138] : memref<80x128xi32, #tpu.memory_space<vmem>> -> memref<1x128xi32, #tpu.memory_space<vmem>>
      %dma_start3A_140 = tpu.memref_squeeze %dma_start3A_139 : memref<1x128xi32, #tpu.memory_space<vmem>> -> memref<128xi32, #tpu.memory_space<vmem>>
      %dma_start3A_141 = arith.constant 0 : i32
      %dma_start3A_142 = arith.constant 0 : i32
      %dma_start3A_143 = tpu.memref_slice %arg2[%dma_start3A_141, %dma_start3A_142] : memref<10016x80xf32, #tpu.memory_space<hbm>> -> memref<10016x80xf32, #tpu.memory_space<hbm>>
      tpu.enqueue_indirect_dma source(%dma_start3A_143 : memref<10016x80xf32, #tpu.memory_space<hbm>>) target(%dma_start3A_137 : memref<128x80xf32, #tpu.memory_space<vmem>>) offsets(%dma_start3A_140 : memref<128xi32, #tpu.memory_space<vmem>>) semaphore(%arg13 : memref<!tpu.dma_semaphore, #tpu.memory_space<semaphore_mem>>)
      %add3A_144 = arith.constant 3 : i32
      %add3A_145 = arith.addi %mul3A_106, %add3A_144 : i32
      %dma_start3A_146 = arith.constant 3 : i32
      %dma_start3A_147 = arith.constant 0 : i32
      %dma_start3A_148 = arith.constant 0 : i32
      %dma_start3A_149 = tpu.memref_slice %arg11[%dma_start3A_146, %dma_start3A_147, %dma_start3A_148] : memref<4x128x80xf32, #tpu.memory_space<vmem>> -> memref<1x128x80xf32, #tpu.memory_space<vmem>>
      %dma_start3A_150 = tpu.memref_squeeze %dma_start3A_149 : memref<1x128x80xf32, #tpu.memory_space<vmem>> -> memref<128x80xf32, #tpu.memory_space<vmem>>
      %dma_start3A_151 = arith.constant 0 : i32
      %dma_start3A_152 = tpu.memref_slice %arg9[%add3A_145, %dma_start3A_151] : memref<80x128xi32, #tpu.memory_space<vmem>> -> memref<1x128xi32, #tpu.memory_space<vmem>>
      %dma_start3A_153 = tpu.memref_squeeze %dma_start3A_152 : memref<1x128xi32, #tpu.memory_space<vmem>> -> memref<128xi32, #tpu.memory_space<vmem>>
      %dma_start3A_154 = arith.constant 0 : i32
      %dma_start3A_155 = arith.constant 0 : i32
      %dma_start3A_156 = tpu.memref_slice %arg2[%dma_start3A_154, %dma_start3A_155] : memref<10016x80xf32, #tpu.memory_space<hbm>> -> memref<10016x80xf32, #tpu.memory_space<hbm>>
      tpu.enqueue_indirect_dma source(%dma_start3A_156 : memref<10016x80xf32, #tpu.memory_space<hbm>>) target(%dma_start3A_150 : memref<128x80xf32, #tpu.memory_space<vmem>>) offsets(%dma_start3A_153 : memref<128xi32, #tpu.memory_space<vmem>>) semaphore(%arg13 : memref<!tpu.dma_semaphore, #tpu.memory_space<semaphore_mem>>)
      %dma_wait3A = arith.constant 0 : i32
      %dma_wait3A_157 = arith.constant 0 : i32
      %dma_wait3A_158 = arith.constant 0 : i32
      %dma_wait3A_159 = tpu.memref_slice %arg11[%dma_wait3A, %dma_wait3A_157, %dma_wait3A_158] : memref<4x128x80xf32, #tpu.memory_space<vmem>> -> memref<1x128x80xf32, #tpu.memory_space<vmem>>
      %dma_wait3A_160 = tpu.memref_squeeze %dma_wait3A_159 : memref<1x128x80xf32, #tpu.memory_space<vmem>> -> memref<128x80xf32, #tpu.memory_space<vmem>>
      %dma_wait3A_161 = arith.constant 0 : i32
      %dma_wait3A_162 = tpu.memref_slice %arg9[%add3A_107, %dma_wait3A_161] : memref<80x128xi32, #tpu.memory_space<vmem>> -> memref<1x128xi32, #tpu.memory_space<vmem>>
      %dma_wait3A_163 = tpu.memref_squeeze %dma_wait3A_162 : memref<1x128xi32, #tpu.memory_space<vmem>> -> memref<128xi32, #tpu.memory_space<vmem>>
      %dma_wait3A_164 = arith.constant 0 : i32
      %dma_wait3A_165 = arith.constant 0 : i32
      %dma_wait3A_166 = tpu.memref_slice %arg2[%dma_wait3A_164, %dma_wait3A_165] : memref<10016x80xf32, #tpu.memory_space<hbm>> -> memref<10016x80xf32, #tpu.memory_space<hbm>>
      tpu.wait_indirect_dma semaphore(%arg13 : memref<!tpu.dma_semaphore, #tpu.memory_space<semaphore_mem>>) src(%dma_wait3A_166 : memref<10016x80xf32, #tpu.memory_space<hbm>>) dst(%dma_wait3A_160 : memref<128x80xf32, #tpu.memory_space<vmem>>)
      %add3A_167 = arith.constant 0 : i32
      %add3A_168 = arith.addi %mul3A_106, %add3A_167 : i32
      %dma_start3A_169 = arith.constant 0 : i32
      %dma_start3A_170 = arith.constant 0 : i32
      %dma_start3A_171 = arith.constant 0 : i32
      %dma_start3A_172 = tpu.memref_slice %arg11[%dma_start3A_169, %dma_start3A_170, %dma_start3A_171] : memref<4x128x80xf32, #tpu.memory_space<vmem>> -> memref<1x128x80xf32, #tpu.memory_space<vmem>>
      %dma_start3A_173 = tpu.memref_squeeze %dma_start3A_172 : memref<1x128x80xf32, #tpu.memory_space<vmem>> -> memref<128x80xf32, #tpu.memory_space<vmem>>
      %dma_start3A_174 = arith.constant 0 : i32
      %dma_start3A_175 = tpu.memref_slice %arg10[%add3A_168, %dma_start3A_174] : memref<80x128xi32, #tpu.memory_space<vmem>> -> memref<1x128xi32, #tpu.memory_space<vmem>>
      %dma_start3A_176 = tpu.memref_squeeze %dma_start3A_175 : memref<1x128xi32, #tpu.memory_space<vmem>> -> memref<128xi32, #tpu.memory_space<vmem>>
      %dma_start3A_177 = arith.constant 0 : i32
      %dma_start3A_178 = arith.constant 0 : i32
      %dma_start3A_179 = tpu.memref_slice %arg12[%dma_start3A_177, %dma_start3A_178] : memref<10016x80xf32, #tpu.memory_space<vmem_shared>> -> memref<10016x80xf32, #tpu.memory_space<vmem_shared>>
      tpu.enqueue_indirect_dma source(%dma_start3A_173 : memref<128x80xf32, #tpu.memory_space<vmem>>) target(%dma_start3A_179 : memref<10016x80xf32, #tpu.memory_space<vmem_shared>>) offsets(%dma_start3A_176 : memref<128xi32, #tpu.memory_space<vmem>>) semaphore(%arg14 : memref<!tpu.dma_semaphore, #tpu.memory_space<semaphore_mem>>) {add = true}
      %dma_wait3A_180 = arith.constant 1 : i32
      %dma_wait3A_181 = arith.constant 0 : i32
      %dma_wait3A_182 = arith.constant 0 : i32
      %dma_wait3A_183 = tpu.memref_slice %arg11[%dma_wait3A_180, %dma_wait3A_181, %dma_wait3A_182] : memref<4x128x80xf32, #tpu.memory_space<vmem>> -> memref<1x128x80xf32, #tpu.memory_space<vmem>>
      %dma_wait3A_184 = tpu.memref_squeeze %dma_wait3A_183 : memref<1x128x80xf32, #tpu.memory_space<vmem>> -> memref<128x80xf32, #tpu.memory_space<vmem>>
      %dma_wait3A_185 = arith.constant 0 : i32
      %dma_wait3A_186 = tpu.memref_slice %arg9[%add3A_119, %dma_wait3A_185] : memref<80x128xi32, #tpu.memory_space<vmem>> -> memref<1x128xi32, #tpu.memory_space<vmem>>
      %dma_wait3A_187 = tpu.memref_squeeze %dma_wait3A_186 : memref<1x128xi32, #tpu.memory_space<vmem>> -> memref<128xi32, #tpu.memory_space<vmem>>
      %dma_wait3A_188 = arith.constant 0 : i32
      %dma_wait3A_189 = arith.constant 0 : i32
      %dma_wait3A_190 = tpu.memref_slice %arg2[%dma_wait3A_188, %dma_wait3A_189] : memref<10016x80xf32, #tpu.memory_space<hbm>> -> memref<10016x80xf32, #tpu.memory_space<hbm>>
      tpu.wait_indirect_dma semaphore(%arg13 : memref<!tpu.dma_semaphore, #tpu.memory_space<semaphore_mem>>) src(%dma_wait3A_190 : memref<10016x80xf32, #tpu.memory_space<hbm>>) dst(%dma_wait3A_184 : memref<128x80xf32, #tpu.memory_space<vmem>>)
      %add3A_191 = arith.constant 1 : i32
      %add3A_192 = arith.addi %mul3A_106, %add3A_191 : i32
      %dma_start3A_193 = arith.constant 1 : i32
      %dma_start3A_194 = arith.constant 0 : i32
      %dma_start3A_195 = arith.constant 0 : i32
      %dma_start3A_196 = tpu.memref_slice %arg11[%dma_start3A_193, %dma_start3A_194, %dma_start3A_195] : memref<4x128x80xf32, #tpu.memory_space<vmem>> -> memref<1x128x80xf32, #tpu.memory_space<vmem>>
      %dma_start3A_197 = tpu.memref_squeeze %dma_start3A_196 : memref<1x128x80xf32, #tpu.memory_space<vmem>> -> memref<128x80xf32, #tpu.memory_space<vmem>>
      %dma_start3A_198 = arith.constant 0 : i32
      %dma_start3A_199 = tpu.memref_slice %arg10[%add3A_192, %dma_start3A_198] : memref<80x128xi32, #tpu.memory_space<vmem>> -> memref<1x128xi32, #tpu.memory_space<vmem>>
      %dma_start3A_200 = tpu.memref_squeeze %dma_start3A_199 : memref<1x128xi32, #tpu.memory_space<vmem>> -> memref<128xi32, #tpu.memory_space<vmem>>
      %dma_start3A_201 = arith.constant 0 : i32
      %dma_start3A_202 = arith.constant 0 : i32
      %dma_start3A_203 = tpu.memref_slice %arg12[%dma_start3A_201, %dma_start3A_202] : memref<10016x80xf32, #tpu.memory_space<vmem_shared>> -> memref<10016x80xf32, #tpu.memory_space<vmem_shared>>
      tpu.enqueue_indirect_dma source(%dma_start3A_197 : memref<128x80xf32, #tpu.memory_space<vmem>>) target(%dma_start3A_203 : memref<10016x80xf32, #tpu.memory_space<vmem_shared>>) offsets(%dma_start3A_200 : memref<128xi32, #tpu.memory_space<vmem>>) semaphore(%arg14 : memref<!tpu.dma_semaphore, #tpu.memory_space<semaphore_mem>>) {add = true}
      %dma_wait3A_204 = arith.constant 2 : i32
      %dma_wait3A_205 = arith.constant 0 : i32
      %dma_wait3A_206 = arith.constant 0 : i32
      %dma_wait3A_207 = tpu.memref_slice %arg11[%dma_wait3A_204, %dma_wait3A_205, %dma_wait3A_206] : memref<4x128x80xf32, #tpu.memory_space<vmem>> -> memref<1x128x80xf32, #tpu.memory_space<vmem>>
      %dma_wait3A_208 = tpu.memref_squeeze %dma_wait3A_207 : memref<1x128x80xf32, #tpu.memory_space<vmem>> -> memref<128x80xf32, #tpu.memory_space<vmem>>
      %dma_wait3A_209 = arith.constant 0 : i32
      %dma_wait3A_210 = tpu.memref_slice %arg9[%add3A_132, %dma_wait3A_209] : memref<80x128xi32, #tpu.memory_space<vmem>> -> memref<1x128xi32, #tpu.memory_space<vmem>>
      %dma_wait3A_211 = tpu.memref_squeeze %dma_wait3A_210 : memref<1x128xi32, #tpu.memory_space<vmem>> -> memref<128xi32, #tpu.memory_space<vmem>>
      %dma_wait3A_212 = arith.constant 0 : i32
      %dma_wait3A_213 = arith.constant 0 : i32
      %dma_wait3A_214 = tpu.memref_slice %arg2[%dma_wait3A_212, %dma_wait3A_213] : memref<10016x80xf32, #tpu.memory_space<hbm>> -> memref<10016x80xf32, #tpu.memory_space<hbm>>
      tpu.wait_indirect_dma semaphore(%arg13 : memref<!tpu.dma_semaphore, #tpu.memory_space<semaphore_mem>>) src(%dma_wait3A_214 : memref<10016x80xf32, #tpu.memory_space<hbm>>) dst(%dma_wait3A_208 : memref<128x80xf32, #tpu.memory_space<vmem>>)
      %add3A_215 = arith.constant 2 : i32
      %add3A_216 = arith.addi %mul3A_106, %add3A_215 : i32
      %dma_start3A_217 = arith.constant 2 : i32
      %dma_start3A_218 = arith.constant 0 : i32
      %dma_start3A_219 = arith.constant 0 : i32
      %dma_start3A_220 = tpu.memref_slice %arg11[%dma_start3A_217, %dma_start3A_218, %dma_start3A_219] : memref<4x128x80xf32, #tpu.memory_space<vmem>> -> memref<1x128x80xf32, #tpu.memory_space<vmem>>
      %dma_start3A_221 = tpu.memref_squeeze %dma_start3A_220 : memref<1x128x80xf32, #tpu.memory_space<vmem>> -> memref<128x80xf32, #tpu.memory_space<vmem>>
      %dma_start3A_222 = arith.constant 0 : i32
      %dma_start3A_223 = tpu.memref_slice %arg10[%add3A_216, %dma_start3A_222] : memref<80x128xi32, #tpu.memory_space<vmem>> -> memref<1x128xi32, #tpu.memory_space<vmem>>
      %dma_start3A_224 = tpu.memref_squeeze %dma_start3A_223 : memref<1x128xi32, #tpu.memory_space<vmem>> -> memref<128xi32, #tpu.memory_space<vmem>>
      %dma_start3A_225 = arith.constant 0 : i32
      %dma_start3A_226 = arith.constant 0 : i32
      %dma_start3A_227 = tpu.memref_slice %arg12[%dma_start3A_225, %dma_start3A_226] : memref<10016x80xf32, #tpu.memory_space<vmem_shared>> -> memref<10016x80xf32, #tpu.memory_space<vmem_shared>>
      tpu.enqueue_indirect_dma source(%dma_start3A_221 : memref<128x80xf32, #tpu.memory_space<vmem>>) target(%dma_start3A_227 : memref<10016x80xf32, #tpu.memory_space<vmem_shared>>) offsets(%dma_start3A_224 : memref<128xi32, #tpu.memory_space<vmem>>) semaphore(%arg14 : memref<!tpu.dma_semaphore, #tpu.memory_space<semaphore_mem>>) {add = true}
      %dma_wait3A_228 = arith.constant 3 : i32
      %dma_wait3A_229 = arith.constant 0 : i32
      %dma_wait3A_230 = arith.constant 0 : i32
      %dma_wait3A_231 = tpu.memref_slice %arg11[%dma_wait3A_228, %dma_wait3A_229, %dma_wait3A_230] : memref<4x128x80xf32, #tpu.memory_space<vmem>> -> memref<1x128x80xf32, #tpu.memory_space<vmem>>
      %dma_wait3A_232 = tpu.memref_squeeze %dma_wait3A_231 : memref<1x128x80xf32, #tpu.memory_space<vmem>> -> memref<128x80xf32, #tpu.memory_space<vmem>>
      %dma_wait3A_233 = arith.constant 0 : i32
      %dma_wait3A_234 = tpu.memref_slice %arg9[%add3A_145, %dma_wait3A_233] : memref<80x128xi32, #tpu.memory_space<vmem>> -> memref<1x128xi32, #tpu.memory_space<vmem>>
      %dma_wait3A_235 = tpu.memref_squeeze %dma_wait3A_234 : memref<1x128xi32, #tpu.memory_space<vmem>> -> memref<128xi32, #tpu.memory_space<vmem>>
      %dma_wait3A_236 = arith.constant 0 : i32
      %dma_wait3A_237 = arith.constant 0 : i32
      %dma_wait3A_238 = tpu.memref_slice %arg2[%dma_wait3A_236, %dma_wait3A_237] : memref<10016x80xf32, #tpu.memory_space<hbm>> -> memref<10016x80xf32, #tpu.memory_space<hbm>>
      tpu.wait_indirect_dma semaphore(%arg13 : memref<!tpu.dma_semaphore, #tpu.memory_space<semaphore_mem>>) src(%dma_wait3A_238 : memref<10016x80xf32, #tpu.memory_space<hbm>>) dst(%dma_wait3A_232 : memref<128x80xf32, #tpu.memory_space<vmem>>)
      %add3A_239 = arith.constant 3 : i32
      %add3A_240 = arith.addi %mul3A_106, %add3A_239 : i32
      %dma_start3A_241 = arith.constant 3 : i32
      %dma_start3A_242 = arith.constant 0 : i32
      %dma_start3A_243 = arith.constant 0 : i32
      %dma_start3A_244 = tpu.memref_slice %arg11[%dma_start3A_241, %dma_start3A_242, %dma_start3A_243] : memref<4x128x80xf32, #tpu.memory_space<vmem>> -> memref<1x128x80xf32, #tpu.memory_space<vmem>>
      %dma_start3A_245 = tpu.memref_squeeze %dma_start3A_244 : memref<1x128x80xf32, #tpu.memory_space<vmem>> -> memref<128x80xf32, #tpu.memory_space<vmem>>
      %dma_start3A_246 = arith.constant 0 : i32
      %dma_start3A_247 = tpu.memref_slice %arg10[%add3A_240, %dma_start3A_246] : memref<80x128xi32, #tpu.memory_space<vmem>> -> memref<1x128xi32, #tpu.memory_space<vmem>>
      %dma_start3A_248 = tpu.memref_squeeze %dma_start3A_247 : memref<1x128xi32, #tpu.memory_space<vmem>> -> memref<128xi32, #tpu.memory_space<vmem>>
      %dma_start3A_249 = arith.constant 0 : i32
      %dma_start3A_250 = arith.constant 0 : i32
      %dma_start3A_251 = tpu.memref_slice %arg12[%dma_start3A_249, %dma_start3A_250] : memref<10016x80xf32, #tpu.memory_space<vmem_shared>> -> memref<10016x80xf32, #tpu.memory_space<vmem_shared>>
      tpu.enqueue_indirect_dma source(%dma_start3A_245 : memref<128x80xf32, #tpu.memory_space<vmem>>) target(%dma_start3A_251 : memref<10016x80xf32, #tpu.memory_space<vmem_shared>>) offsets(%dma_start3A_248 : memref<128xi32, #tpu.memory_space<vmem>>) semaphore(%arg14 : memref<!tpu.dma_semaphore, #tpu.memory_space<semaphore_mem>>) {add = true}
      %dma_wait3A_252 = arith.constant 0 : i32
      %dma_wait3A_253 = arith.constant 0 : i32
      %dma_wait3A_254 = arith.constant 0 : i32
      %dma_wait3A_255 = tpu.memref_slice %arg11[%dma_wait3A_252, %dma_wait3A_253, %dma_wait3A_254] : memref<4x128x80xf32, #tpu.memory_space<vmem>> -> memref<1x128x80xf32, #tpu.memory_space<vmem>>
      %dma_wait3A_256 = tpu.memref_squeeze %dma_wait3A_255 : memref<1x128x80xf32, #tpu.memory_space<vmem>> -> memref<128x80xf32, #tpu.memory_space<vmem>>
      %dma_wait3A_257 = arith.constant 0 : i32
      %dma_wait3A_258 = tpu.memref_slice %arg10[%add3A_168, %dma_wait3A_257] : memref<80x128xi32, #tpu.memory_space<vmem>> -> memref<1x128xi32, #tpu.memory_space<vmem>>
      %dma_wait3A_259 = tpu.memref_squeeze %dma_wait3A_258 : memref<1x128xi32, #tpu.memory_space<vmem>> -> memref<128xi32, #tpu.memory_space<vmem>>
      %dma_wait3A_260 = arith.constant 0 : i32
      %dma_wait3A_261 = arith.constant 0 : i32
      %dma_wait3A_262 = tpu.memref_slice %arg12[%dma_wait3A_260, %dma_wait3A_261] : memref<10016x80xf32, #tpu.memory_space<vmem_shared>> -> memref<10016x80xf32, #tpu.memory_space<vmem_shared>>
      tpu.wait_indirect_dma semaphore(%arg14 : memref<!tpu.dma_semaphore, #tpu.memory_space<semaphore_mem>>) src(%dma_wait3A_256 : memref<128x80xf32, #tpu.memory_space<vmem>>) dst(%dma_wait3A_262 : memref<10016x80xf32, #tpu.memory_space<vmem_shared>>)
      %dma_wait3A_263 = arith.constant 1 : i32
      %dma_wait3A_264 = arith.constant 0 : i32
      %dma_wait3A_265 = arith.constant 0 : i32
      %dma_wait3A_266 = tpu.memref_slice %arg11[%dma_wait3A_263, %dma_wait3A_264, %dma_wait3A_265] : memref<4x128x80xf32, #tpu.memory_space<vmem>> -> memref<1x128x80xf32, #tpu.memory_space<vmem>>
      %dma_wait3A_267 = tpu.memref_squeeze %dma_wait3A_266 : memref<1x128x80xf32, #tpu.memory_space<vmem>> -> memref<128x80xf32, #tpu.memory_space<vmem>>
      %dma_wait3A_268 = arith.constant 0 : i32
      %dma_wait3A_269 = tpu.memref_slice %arg10[%add3A_192, %dma_wait3A_268] : memref<80x128xi32, #tpu.memory_space<vmem>> -> memref<1x128xi32, #tpu.memory_space<vmem>>
      %dma_wait3A_270 = tpu.memref_squeeze %dma_wait3A_269 : memref<1x128xi32, #tpu.memory_space<vmem>> -> memref<128xi32, #tpu.memory_space<vmem>>
      %dma_wait3A_271 = arith.constant 0 : i32
      %dma_wait3A_272 = arith.constant 0 : i32
      %dma_wait3A_273 = tpu.memref_slice %arg12[%dma_wait3A_271, %dma_wait3A_272] : memref<10016x80xf32, #tpu.memory_space<vmem_shared>> -> memref<10016x80xf32, #tpu.memory_space<vmem_shared>>
      tpu.wait_indirect_dma semaphore(%arg14 : memref<!tpu.dma_semaphore, #tpu.memory_space<semaphore_mem>>) src(%dma_wait3A_267 : memref<128x80xf32, #tpu.memory_space<vmem>>) dst(%dma_wait3A_273 : memref<10016x80xf32, #tpu.memory_space<vmem_shared>>)
      %dma_wait3A_274 = arith.constant 2 : i32
      %dma_wait3A_275 = arith.constant 0 : i32
      %dma_wait3A_276 = arith.constant 0 : i32
      %dma_wait3A_277 = tpu.memref_slice %arg11[%dma_wait3A_274, %dma_wait3A_275, %dma_wait3A_276] : memref<4x128x80xf32, #tpu.memory_space<vmem>> -> memref<1x128x80xf32, #tpu.memory_space<vmem>>
      %dma_wait3A_278 = tpu.memref_squeeze %dma_wait3A_277 : memref<1x128x80xf32, #tpu.memory_space<vmem>> -> memref<128x80xf32, #tpu.memory_space<vmem>>
      %dma_wait3A_279 = arith.constant 0 : i32
      %dma_wait3A_280 = tpu.memref_slice %arg10[%add3A_216, %dma_wait3A_279] : memref<80x128xi32, #tpu.memory_space<vmem>> -> memref<1x128xi32, #tpu.memory_space<vmem>>
      %dma_wait3A_281 = tpu.memref_squeeze %dma_wait3A_280 : memref<1x128xi32, #tpu.memory_space<vmem>> -> memref<128xi32, #tpu.memory_space<vmem>>
      %dma_wait3A_282 = arith.constant 0 : i32
      %dma_wait3A_283 = arith.constant 0 : i32
      %dma_wait3A_284 = tpu.memref_slice %arg12[%dma_wait3A_282, %dma_wait3A_283] : memref<10016x80xf32, #tpu.memory_space<vmem_shared>> -> memref<10016x80xf32, #tpu.memory_space<vmem_shared>>
      tpu.wait_indirect_dma semaphore(%arg14 : memref<!tpu.dma_semaphore, #tpu.memory_space<semaphore_mem>>) src(%dma_wait3A_278 : memref<128x80xf32, #tpu.memory_space<vmem>>) dst(%dma_wait3A_284 : memref<10016x80xf32, #tpu.memory_space<vmem_shared>>)
      %dma_wait3A_285 = arith.constant 3 : i32
      %dma_wait3A_286 = arith.constant 0 : i32
      %dma_wait3A_287 = arith.constant 0 : i32
      %dma_wait3A_288 = tpu.memref_slice %arg11[%dma_wait3A_285, %dma_wait3A_286, %dma_wait3A_287] : memref<4x128x80xf32, #tpu.memory_space<vmem>> -> memref<1x128x80xf32, #tpu.memory_space<vmem>>
      %dma_wait3A_289 = tpu.memref_squeeze %dma_wait3A_288 : memref<1x128x80xf32, #tpu.memory_space<vmem>> -> memref<128x80xf32, #tpu.memory_space<vmem>>
      %dma_wait3A_290 = arith.constant 0 : i32
      %dma_wait3A_291 = tpu.memref_slice %arg10[%add3A_240, %dma_wait3A_290] : memref<80x128xi32, #tpu.memory_space<vmem>> -> memref<1x128xi32, #tpu.memory_space<vmem>>
      %dma_wait3A_292 = tpu.memref_squeeze %dma_wait3A_291 : memref<1x128xi32, #tpu.memory_space<vmem>> -> memref<128xi32, #tpu.memory_space<vmem>>
      %dma_wait3A_293 = arith.constant 0 : i32
      %dma_wait3A_294 = arith.constant 0 : i32
      %dma_wait3A_295 = tpu.memref_slice %arg12[%dma_wait3A_293, %dma_wait3A_294] : memref<10016x80xf32, #tpu.memory_space<vmem_shared>> -> memref<10016x80xf32, #tpu.memory_space<vmem_shared>>
      tpu.wait_indirect_dma semaphore(%arg14 : memref<!tpu.dma_semaphore, #tpu.memory_space<semaphore_mem>>) src(%dma_wait3A_289 : memref<128x80xf32, #tpu.memory_space<vmem>>) dst(%dma_wait3A_295 : memref<10016x80xf32, #tpu.memory_space<vmem_shared>>)
    }
    %barrier3A_93 = arith.constant 0 : index
    tpu.barrier barrier_id(%barrier3A_93)
    %while3A_94 = arith.constant 0 : i32
    %while3A_95 = arith.constant 0 : i32
    %while3A_96 = arith.subi %select_n3A, %while3A_95 : i32
    %while3A_97 = arith.addi %while3A_95, %while3A_96 : i32
    %while3A_98 = arith.constant 1 : i32
    %while3A_99 = arith.divsi %while3A_96, %while3A_98 : i32
    %while3A_100 = arith.muli %while3A_99, %while3A_98 : i32
    %while3A_101 = arith.addi %while3A_95, %while3A_100 : i32
    %while3A_102 = arith.constant 1 : i32
    scf.for %while3A_104 = %while3A_95 to %while3A_101 step %while3A_102  : i32 {
      "tpu.region"() ({
        %run_scoped3A = tpu.sem_alloc : memref<!tpu.dma_semaphore, #tpu.memory_space<semaphore_mem>>
        %dma_start3A = arith.constant 0 : i32
        %dma_start3A_105 = tpu.memref_slice %arg8[%arg0, %mul3A_0, %dma_start3A] : memref<2x10016x80xf32, #tpu.memory_space<hbm>> -> memref<1x626x80xf32, #tpu.memory_space<hbm>>
        %dma_start3A_106 = tpu.memref_squeeze %dma_start3A_105 : memref<1x626x80xf32, #tpu.memory_space<hbm>> -> memref<626x80xf32, #tpu.memory_space<hbm>>
        %dma_start3A_107 = arith.constant 0 : i32
        %dma_start3A_108 = tpu.memref_slice %arg12[%mul3A_0, %dma_start3A_107] : memref<10016x80xf32, #tpu.memory_space<vmem_shared>> -> memref<626x80xf32, #tpu.memory_space<vmem_shared>>
        tpu.enqueue_dma source(%dma_start3A_108 : memref<626x80xf32, #tpu.memory_space<vmem_shared>>) target(%dma_start3A_106 : memref<626x80xf32, #tpu.memory_space<hbm>>) target_semaphore(%run_scoped3A : memref<!tpu.dma_semaphore, #tpu.memory_space<semaphore_mem>>)
        %dma_wait3A = arith.constant 0 : i32
        %dma_wait3A_109 = tpu.memref_slice %arg8[%arg0, %mul3A_0, %dma_wait3A] : memref<2x10016x80xf32, #tpu.memory_space<hbm>> -> memref<1x626x80xf32, #tpu.memory_space<hbm>>
        %dma_wait3A_110 = tpu.memref_squeeze %dma_wait3A_109 : memref<1x626x80xf32, #tpu.memory_space<hbm>> -> memref<626x80xf32, #tpu.memory_space<hbm>>
        %dma_wait3A_111 = arith.constant 0 : i32
        %dma_wait3A_112 = tpu.memref_slice %arg12[%mul3A_0, %dma_wait3A_111] : memref<10016x80xf32, #tpu.memory_space<vmem_shared>> -> memref<626x80xf32, #tpu.memory_space<vmem_shared>>
        tpu.wait_dma2 semaphore(%run_scoped3A : memref<!tpu.dma_semaphore, #tpu.memory_space<semaphore_mem>>) src(%dma_wait3A_112 : memref<626x80xf32, #tpu.memory_space<vmem_shared>>) dst(%dma_wait3A_110 : memref<626x80xf32, #tpu.memory_space<hbm>>)
        tpu.yield
      }) : () -> ()
    }
    %while3A_103 = arith.constant 1 : i32
    scf.for %while3A_104 = %while3A_101 to %while3A_97 step %while3A_103  : i32 {
      "tpu.region"() ({
        %run_scoped3A = tpu.sem_alloc : memref<!tpu.dma_semaphore, #tpu.memory_space<semaphore_mem>>
        %dma_start3A = arith.constant 0 : i32
        %dma_start3A_105 = tpu.memref_slice %arg8[%arg0, %mul3A_0, %dma_start3A] : memref<2x10016x80xf32, #tpu.memory_space<hbm>> -> memref<1x626x80xf32, #tpu.memory_space<hbm>>
        %dma_start3A_106 = tpu.memref_squeeze %dma_start3A_105 : memref<1x626x80xf32, #tpu.memory_space<hbm>> -> memref<626x80xf32, #tpu.memory_space<hbm>>
        %dma_start3A_107 = arith.constant 0 : i32
        %dma_start3A_108 = tpu.memref_slice %arg12[%mul3A_0, %dma_start3A_107] : memref<10016x80xf32, #tpu.memory_space<vmem_shared>> -> memref<626x80xf32, #tpu.memory_space<vmem_shared>>
        tpu.enqueue_dma source(%dma_start3A_108 : memref<626x80xf32, #tpu.memory_space<vmem_shared>>) target(%dma_start3A_106 : memref<626x80xf32, #tpu.memory_space<hbm>>) target_semaphore(%run_scoped3A : memref<!tpu.dma_semaphore, #tpu.memory_space<semaphore_mem>>)
        %dma_wait3A = arith.constant 0 : i32
        %dma_wait3A_109 = tpu.memref_slice %arg8[%arg0, %mul3A_0, %dma_wait3A] : memref<2x10016x80xf32, #tpu.memory_space<hbm>> -> memref<1x626x80xf32, #tpu.memory_space<hbm>>
        %dma_wait3A_110 = tpu.memref_squeeze %dma_wait3A_109 : memref<1x626x80xf32, #tpu.memory_space<hbm>> -> memref<626x80xf32, #tpu.memory_space<hbm>>
        %dma_wait3A_111 = arith.constant 0 : i32
        %dma_wait3A_112 = tpu.memref_slice %arg12[%mul3A_0, %dma_wait3A_111] : memref<10016x80xf32, #tpu.memory_space<vmem_shared>> -> memref<626x80xf32, #tpu.memory_space<vmem_shared>>
        tpu.wait_dma2 semaphore(%run_scoped3A : memref<!tpu.dma_semaphore, #tpu.memory_space<semaphore_mem>>) src(%dma_wait3A_112 : memref<626x80xf32, #tpu.memory_space<vmem_shared>>) dst(%dma_wait3A_110 : memref<626x80xf32, #tpu.memory_space<hbm>>)
        tpu.yield
      }) : () -> ()
    }
    return
  }
}

#map = affine_map<(d0, d1) -> (0, 0)>
#map1 = affine_map<(d0, d1) -> (0, 0, 0)>
module attributes {stable_mosaic.version = 14 : i64} {
  func.func @seg_kernel(%arg0: i32, %arg1: i32, %arg2: memref<10016x16xf32, #tpu.memory_space<hbm>>, %arg3: memref<16x80x128xi32, #tpu.memory_space<hbm>>, %arg4: memref<16x80x128xi32, #tpu.memory_space<hbm>>, %arg5: memref<16x80x128xi32, #tpu.memory_space<hbm>>, %arg6: memref<16x80x128xi32, #tpu.memory_space<hbm>>, %arg7: memref<626x16xf32, #tpu.memory_space<hbm>>, %arg8: memref<2x10016x16xf32, #tpu.memory_space<hbm>>, %arg9: memref<80x128xi32, #tpu.memory_space<vmem>>, %arg10: memref<80x128xi32, #tpu.memory_space<vmem>>, %arg11: memref<8x128x16xf32, #tpu.memory_space<vmem>>, %arg12: memref<10016x16xf32, #tpu.memory_space<vmem_shared>>, %arg13: memref<!tpu.dma_semaphore, #tpu.memory_space<semaphore_mem>>, %arg14: memref<!tpu.dma_semaphore, #tpu.memory_space<semaphore_mem>>) attributes {dimension_semantics = [#tpu.dimension_semantics<core_parallel>, #tpu.dimension_semantics<subcore_parallel>], iteration_bounds = array<i64: 2, 16>, scalar_prefetch = 0 : i64, scratch_operands = 6 : i64, tpu.core_type = #tpu.core_type<sc_vector_subcore>, window_params = [{transform_indices = #map}, {transform_indices = #map1}, {transform_indices = #map1}, {transform_indices = #map1}, {transform_indices = #map1}, {transform_indices = #map}, {transform_indices = #map1}]} {
    %mul3A = arith.constant 626 : i32
    %mul3A_0 = arith.muli %arg1, %mul3A : i32
    %eq3A = arith.constant 0 : i32
    %eq3A_1 = arith.cmpi eq, %arg0, %eq3A : i32
    %jit3A = arith.constant 1 : i32
    %jit3A_2 = arith.constant 1 : i32
    %select_n3A = arith.select %eq3A_1, %jit3A, %jit3A_2 : i32
    %while3A = arith.constant 0 : i32
    %while3A_3 = arith.constant 0 : i32
    %while3A_4 = arith.subi %select_n3A, %while3A_3 : i32
    %while3A_5 = arith.addi %while3A_3, %while3A_4 : i32
    %while3A_6 = arith.constant 1 : i32
    %while3A_7 = arith.divsi %while3A_4, %while3A_6 : i32
    %while3A_8 = arith.muli %while3A_7, %while3A_6 : i32
    %while3A_9 = arith.addi %while3A_3, %while3A_8 : i32
    %while3A_10 = arith.constant 1 : i32
    scf.for %while3A_104 = %while3A_3 to %while3A_9 step %while3A_10  : i32 {
      "tpu.region"() ({
        %run_scoped3A = tpu.sem_alloc : memref<!tpu.dma_semaphore, #tpu.memory_space<semaphore_mem>>
        %dma_start3A = arith.constant 0 : i32
        %dma_start3A_105 = tpu.memref_slice %arg12[%mul3A_0, %dma_start3A] : memref<10016x16xf32, #tpu.memory_space<vmem_shared>> -> memref<626x16xf32, #tpu.memory_space<vmem_shared>>
        tpu.enqueue_dma source(%arg7 : memref<626x16xf32, #tpu.memory_space<hbm>>) target(%dma_start3A_105 : memref<626x16xf32, #tpu.memory_space<vmem_shared>>) target_semaphore(%run_scoped3A : memref<!tpu.dma_semaphore, #tpu.memory_space<semaphore_mem>>)
        %dma_wait3A = arith.constant 0 : i32
        %dma_wait3A_106 = tpu.memref_slice %arg12[%mul3A_0, %dma_wait3A] : memref<10016x16xf32, #tpu.memory_space<vmem_shared>> -> memref<626x16xf32, #tpu.memory_space<vmem_shared>>
        tpu.wait_dma2 semaphore(%run_scoped3A : memref<!tpu.dma_semaphore, #tpu.memory_space<semaphore_mem>>) src(%arg7 : memref<626x16xf32, #tpu.memory_space<hbm>>) dst(%dma_wait3A_106 : memref<626x16xf32, #tpu.memory_space<vmem_shared>>)
        tpu.yield
      }) : () -> ()
    }
    %while3A_11 = arith.constant 1 : i32
    scf.for %while3A_104 = %while3A_9 to %while3A_5 step %while3A_11  : i32 {
      "tpu.region"() ({
        %run_scoped3A = tpu.sem_alloc : memref<!tpu.dma_semaphore, #tpu.memory_space<semaphore_mem>>
        %dma_start3A = arith.constant 0 : i32
        %dma_start3A_105 = tpu.memref_slice %arg12[%mul3A_0, %dma_start3A] : memref<10016x16xf32, #tpu.memory_space<vmem_shared>> -> memref<626x16xf32, #tpu.memory_space<vmem_shared>>
        tpu.enqueue_dma source(%arg7 : memref<626x16xf32, #tpu.memory_space<hbm>>) target(%dma_start3A_105 : memref<626x16xf32, #tpu.memory_space<vmem_shared>>) target_semaphore(%run_scoped3A : memref<!tpu.dma_semaphore, #tpu.memory_space<semaphore_mem>>)
        %dma_wait3A = arith.constant 0 : i32
        %dma_wait3A_106 = tpu.memref_slice %arg12[%mul3A_0, %dma_wait3A] : memref<10016x16xf32, #tpu.memory_space<vmem_shared>> -> memref<626x16xf32, #tpu.memory_space<vmem_shared>>
        tpu.wait_dma2 semaphore(%run_scoped3A : memref<!tpu.dma_semaphore, #tpu.memory_space<semaphore_mem>>) src(%arg7 : memref<626x16xf32, #tpu.memory_space<hbm>>) dst(%dma_wait3A_106 : memref<626x16xf32, #tpu.memory_space<vmem_shared>>)
        tpu.yield
      }) : () -> ()
    }
    %barrier3A = arith.constant 0 : index
    tpu.barrier barrier_id(%barrier3A)
    %convert_element_type3A = arith.extui %eq3A_1 : i1 to i32
    %cond3A = arith.constant 0 : i32
    %cond3A_12 = arith.cmpi ne, %convert_element_type3A, %cond3A : i32
    scf.if %cond3A_12 {
      "tpu.region"() ({
        %run_scoped3A = tpu.sem_alloc : memref<!tpu.dma_semaphore, #tpu.memory_space<semaphore_mem>>
        %dma_start3A = arith.constant 0 : i32
        %dma_start3A_104 = arith.constant 0 : i32
        %dma_start3A_105 = tpu.memref_slice %arg3[%arg1, %dma_start3A, %dma_start3A_104] : memref<16x80x128xi32, #tpu.memory_space<hbm>> -> memref<1x80x128xi32, #tpu.memory_space<hbm>>
        %dma_start3A_106 = tpu.memref_squeeze %dma_start3A_105 : memref<1x80x128xi32, #tpu.memory_space<hbm>> -> memref<80x128xi32, #tpu.memory_space<hbm>>
        %dma_start3A_107 = arith.constant 0 : i32
        %dma_start3A_108 = arith.constant 0 : i32
        %dma_start3A_109 = tpu.memref_slice %arg3[%arg1, %dma_start3A_107, %dma_start3A_108] : memref<16x80x128xi32, #tpu.memory_space<hbm>> -> memref<1x80x128xi32, #tpu.memory_space<hbm>>
        %dma_start3A_110 = tpu.memref_squeeze %dma_start3A_109 : memref<1x80x128xi32, #tpu.memory_space<hbm>> -> memref<80x128xi32, #tpu.memory_space<hbm>>
        tpu.enqueue_dma source(%dma_start3A_110 : memref<80x128xi32, #tpu.memory_space<hbm>>) target(%arg9 : memref<80x128xi32, #tpu.memory_space<vmem>>) target_semaphore(%run_scoped3A : memref<!tpu.dma_semaphore, #tpu.memory_space<semaphore_mem>>)
        %dma_wait3A = arith.constant 0 : i32
        %dma_wait3A_111 = arith.constant 0 : i32
        %dma_wait3A_112 = tpu.memref_slice %arg3[%arg1, %dma_wait3A, %dma_wait3A_111] : memref<16x80x128xi32, #tpu.memory_space<hbm>> -> memref<1x80x128xi32, #tpu.memory_space<hbm>>
        %dma_wait3A_113 = tpu.memref_squeeze %dma_wait3A_112 : memref<1x80x128xi32, #tpu.memory_space<hbm>> -> memref<80x128xi32, #tpu.memory_space<hbm>>
        %dma_wait3A_114 = arith.constant 0 : i32
        %dma_wait3A_115 = arith.constant 0 : i32
        %dma_wait3A_116 = tpu.memref_slice %arg3[%arg1, %dma_wait3A_114, %dma_wait3A_115] : memref<16x80x128xi32, #tpu.memory_space<hbm>> -> memref<1x80x128xi32, #tpu.memory_space<hbm>>
        %dma_wait3A_117 = tpu.memref_squeeze %dma_wait3A_116 : memref<1x80x128xi32, #tpu.memory_space<hbm>> -> memref<80x128xi32, #tpu.memory_space<hbm>>
        tpu.wait_dma2 semaphore(%run_scoped3A : memref<!tpu.dma_semaphore, #tpu.memory_space<semaphore_mem>>) src(%dma_wait3A_117 : memref<80x128xi32, #tpu.memory_space<hbm>>) dst(%arg9 : memref<80x128xi32, #tpu.memory_space<vmem>>)
        tpu.yield
      }) : () -> ()
      "tpu.region"() ({
        %run_scoped3A = tpu.sem_alloc : memref<!tpu.dma_semaphore, #tpu.memory_space<semaphore_mem>>
        %dma_start3A = arith.constant 0 : i32
        %dma_start3A_104 = arith.constant 0 : i32
        %dma_start3A_105 = tpu.memref_slice %arg4[%arg1, %dma_start3A, %dma_start3A_104] : memref<16x80x128xi32, #tpu.memory_space<hbm>> -> memref<1x80x128xi32, #tpu.memory_space<hbm>>
        %dma_start3A_106 = tpu.memref_squeeze %dma_start3A_105 : memref<1x80x128xi32, #tpu.memory_space<hbm>> -> memref<80x128xi32, #tpu.memory_space<hbm>>
        %dma_start3A_107 = arith.constant 0 : i32
        %dma_start3A_108 = arith.constant 0 : i32
        %dma_start3A_109 = tpu.memref_slice %arg4[%arg1, %dma_start3A_107, %dma_start3A_108] : memref<16x80x128xi32, #tpu.memory_space<hbm>> -> memref<1x80x128xi32, #tpu.memory_space<hbm>>
        %dma_start3A_110 = tpu.memref_squeeze %dma_start3A_109 : memref<1x80x128xi32, #tpu.memory_space<hbm>> -> memref<80x128xi32, #tpu.memory_space<hbm>>
        tpu.enqueue_dma source(%dma_start3A_110 : memref<80x128xi32, #tpu.memory_space<hbm>>) target(%arg10 : memref<80x128xi32, #tpu.memory_space<vmem>>) target_semaphore(%run_scoped3A : memref<!tpu.dma_semaphore, #tpu.memory_space<semaphore_mem>>)
        %dma_wait3A = arith.constant 0 : i32
        %dma_wait3A_111 = arith.constant 0 : i32
        %dma_wait3A_112 = tpu.memref_slice %arg4[%arg1, %dma_wait3A, %dma_wait3A_111] : memref<16x80x128xi32, #tpu.memory_space<hbm>> -> memref<1x80x128xi32, #tpu.memory_space<hbm>>
        %dma_wait3A_113 = tpu.memref_squeeze %dma_wait3A_112 : memref<1x80x128xi32, #tpu.memory_space<hbm>> -> memref<80x128xi32, #tpu.memory_space<hbm>>
        %dma_wait3A_114 = arith.constant 0 : i32
        %dma_wait3A_115 = arith.constant 0 : i32
        %dma_wait3A_116 = tpu.memref_slice %arg4[%arg1, %dma_wait3A_114, %dma_wait3A_115] : memref<16x80x128xi32, #tpu.memory_space<hbm>> -> memref<1x80x128xi32, #tpu.memory_space<hbm>>
        %dma_wait3A_117 = tpu.memref_squeeze %dma_wait3A_116 : memref<1x80x128xi32, #tpu.memory_space<hbm>> -> memref<80x128xi32, #tpu.memory_space<hbm>>
        tpu.wait_dma2 semaphore(%run_scoped3A : memref<!tpu.dma_semaphore, #tpu.memory_space<semaphore_mem>>) src(%dma_wait3A_117 : memref<80x128xi32, #tpu.memory_space<hbm>>) dst(%arg10 : memref<80x128xi32, #tpu.memory_space<vmem>>)
        tpu.yield
      }) : () -> ()
    } else {
    }
    %mul3A_13 = arith.constant 80 : i32
    %mul3A_14 = arith.muli %arg1, %mul3A_13 : i32
    %sub3A = arith.constant 1280 : i32
    %sub3A_15 = arith.subi %sub3A, %mul3A_14 : i32
    %sub3A_16 = arith.constant 0 : i32
    %sub3A_17 = arith.subi %sub3A_15, %sub3A_16 : i32
    %jit3A_18 = arith.constant 0 : i32
    %jit3A_19 = arith.constant 80 : i32
    %max3A = arith.maxsi %jit3A_18, %sub3A_17 : i32
    %min3A = arith.minsi %jit3A_19, %max3A : i32
    %neg3A = arith.constant 0 : i32
    %neg3A_20 = arith.subi %neg3A, %min3A : i32
    %jit3A_21 = arith.constant 8 : i32
    %div3A = arith.divsi %neg3A_20, %jit3A_21 : i32
    %sign3A = arith.constant 0 : i32
    %sign3A_22 = arith.cmpi sgt, %neg3A_20, %sign3A : i32
    %sign3A_23 = arith.extui %sign3A_22 : i1 to i32
    %sign3A_24 = arith.constant 0 : i32
    %sign3A_25 = arith.cmpi slt, %neg3A_20, %sign3A_24 : i32
    %sign3A_26 = arith.extui %sign3A_25 : i1 to i32
    %sign3A_27 = arith.subi %sign3A_23, %sign3A_26 : i32
    %sign3A_28 = arith.constant 0 : i32
    %sign3A_29 = arith.cmpi sgt, %jit3A_21, %sign3A_28 : i32
    %sign3A_30 = arith.extui %sign3A_29 : i1 to i32
    %sign3A_31 = arith.constant 0 : i32
    %sign3A_32 = arith.cmpi slt, %jit3A_21, %sign3A_31 : i32
    %sign3A_33 = arith.extui %sign3A_32 : i1 to i32
    %sign3A_34 = arith.subi %sign3A_30, %sign3A_33 : i32
    %ne3A = arith.cmpi ne, %sign3A_27, %sign3A_34 : i32
    %rem3A = arith.remsi %neg3A_20, %jit3A_21 : i32
    %ne3A_35 = arith.constant 0 : i32
    %ne3A_36 = arith.cmpi ne, %rem3A, %ne3A_35 : i32
    %and3A = arith.andi %ne3A, %ne3A_36 : i1
    %sub3A_37 = arith.constant 1 : i32
    %sub3A_38 = arith.subi %div3A, %sub3A_37 : i32
    %select_n3A_39 = arith.select %and3A, %sub3A_38, %div3A : i32
    %neg3A_40 = arith.constant 0 : i32
    %neg3A_41 = arith.subi %neg3A_40, %select_n3A_39 : i32
    %not3A = arith.constant true
    %not3A_42 = arith.xori %eq3A_1, %not3A : i1
    %convert_element_type3A_43 = arith.extui %not3A_42 : i1 to i32
    %cond3A_44 = arith.constant 0 : i32
    %cond3A_45 = arith.cmpi ne, %convert_element_type3A_43, %cond3A_44 : i32
    scf.if %cond3A_45 {
      "tpu.region"() ({
        %run_scoped3A = tpu.sem_alloc : memref<!tpu.dma_semaphore, #tpu.memory_space<semaphore_mem>>
        %dma_start3A = arith.constant 0 : i32
        %dma_start3A_104 = arith.constant 0 : i32
        %dma_start3A_105 = tpu.memref_slice %arg9[%dma_start3A, %dma_start3A_104] : memref<80x128xi32, #tpu.memory_space<vmem>> -> memref<80x128xi32, #tpu.memory_space<vmem>>
        %dma_start3A_106 = arith.constant 0 : i32
        %dma_start3A_107 = arith.constant 0 : i32
        %dma_start3A_108 = tpu.memref_slice %arg5[%arg1, %dma_start3A_106, %dma_start3A_107] : memref<16x80x128xi32, #tpu.memory_space<hbm>> -> memref<1x80x128xi32, #tpu.memory_space<hbm>>
        %dma_start3A_109 = tpu.memref_squeeze %dma_start3A_108 : memref<1x80x128xi32, #tpu.memory_space<hbm>> -> memref<80x128xi32, #tpu.memory_space<hbm>>
        %dma_start3A_110 = arith.constant 0 : i32
        %dma_start3A_111 = arith.constant 0 : i32
        %dma_start3A_112 = tpu.memref_slice %arg9[%dma_start3A_110, %dma_start3A_111] : memref<80x128xi32, #tpu.memory_space<vmem>> -> memref<80x128xi32, #tpu.memory_space<vmem>>
        %dma_start3A_113 = arith.constant 0 : i32
        %dma_start3A_114 = arith.constant 0 : i32
        %dma_start3A_115 = tpu.memref_slice %arg5[%arg1, %dma_start3A_113, %dma_start3A_114] : memref<16x80x128xi32, #tpu.memory_space<hbm>> -> memref<1x80x128xi32, #tpu.memory_space<hbm>>
        %dma_start3A_116 = tpu.memref_squeeze %dma_start3A_115 : memref<1x80x128xi32, #tpu.memory_space<hbm>> -> memref<80x128xi32, #tpu.memory_space<hbm>>
        tpu.enqueue_dma source(%dma_start3A_116 : memref<80x128xi32, #tpu.memory_space<hbm>>) target(%dma_start3A_112 : memref<80x128xi32, #tpu.memory_space<vmem>>) target_semaphore(%run_scoped3A : memref<!tpu.dma_semaphore, #tpu.memory_space<semaphore_mem>>)
        %dma_wait3A = arith.constant 0 : i32
        %dma_wait3A_117 = arith.constant 0 : i32
        %dma_wait3A_118 = tpu.memref_slice %arg9[%dma_wait3A, %dma_wait3A_117] : memref<80x128xi32, #tpu.memory_space<vmem>> -> memref<80x128xi32, #tpu.memory_space<vmem>>
        %dma_wait3A_119 = arith.constant 0 : i32
        %dma_wait3A_120 = arith.constant 0 : i32
        %dma_wait3A_121 = tpu.memref_slice %arg5[%arg1, %dma_wait3A_119, %dma_wait3A_120] : memref<16x80x128xi32, #tpu.memory_space<hbm>> -> memref<1x80x128xi32, #tpu.memory_space<hbm>>
        %dma_wait3A_122 = tpu.memref_squeeze %dma_wait3A_121 : memref<1x80x128xi32, #tpu.memory_space<hbm>> -> memref<80x128xi32, #tpu.memory_space<hbm>>
        %dma_wait3A_123 = arith.constant 0 : i32
        %dma_wait3A_124 = arith.constant 0 : i32
        %dma_wait3A_125 = tpu.memref_slice %arg9[%dma_wait3A_123, %dma_wait3A_124] : memref<80x128xi32, #tpu.memory_space<vmem>> -> memref<80x128xi32, #tpu.memory_space<vmem>>
        %dma_wait3A_126 = arith.constant 0 : i32
        %dma_wait3A_127 = arith.constant 0 : i32
        %dma_wait3A_128 = tpu.memref_slice %arg5[%arg1, %dma_wait3A_126, %dma_wait3A_127] : memref<16x80x128xi32, #tpu.memory_space<hbm>> -> memref<1x80x128xi32, #tpu.memory_space<hbm>>
        %dma_wait3A_129 = tpu.memref_squeeze %dma_wait3A_128 : memref<1x80x128xi32, #tpu.memory_space<hbm>> -> memref<80x128xi32, #tpu.memory_space<hbm>>
        tpu.wait_dma2 semaphore(%run_scoped3A : memref<!tpu.dma_semaphore, #tpu.memory_space<semaphore_mem>>) src(%dma_wait3A_129 : memref<80x128xi32, #tpu.memory_space<hbm>>) dst(%dma_wait3A_125 : memref<80x128xi32, #tpu.memory_space<vmem>>)
        tpu.yield
      }) : () -> ()
      "tpu.region"() ({
        %run_scoped3A = tpu.sem_alloc : memref<!tpu.dma_semaphore, #tpu.memory_space<semaphore_mem>>
        %dma_start3A = arith.constant 0 : i32
        %dma_start3A_104 = arith.constant 0 : i32
        %dma_start3A_105 = tpu.memref_slice %arg10[%dma_start3A, %dma_start3A_104] : memref<80x128xi32, #tpu.memory_space<vmem>> -> memref<80x128xi32, #tpu.memory_space<vmem>>
        %dma_start3A_106 = arith.constant 0 : i32
        %dma_start3A_107 = arith.constant 0 : i32
        %dma_start3A_108 = tpu.memref_slice %arg6[%arg1, %dma_start3A_106, %dma_start3A_107] : memref<16x80x128xi32, #tpu.memory_space<hbm>> -> memref<1x80x128xi32, #tpu.memory_space<hbm>>
        %dma_start3A_109 = tpu.memref_squeeze %dma_start3A_108 : memref<1x80x128xi32, #tpu.memory_space<hbm>> -> memref<80x128xi32, #tpu.memory_space<hbm>>
        %dma_start3A_110 = arith.constant 0 : i32
        %dma_start3A_111 = arith.constant 0 : i32
        %dma_start3A_112 = tpu.memref_slice %arg10[%dma_start3A_110, %dma_start3A_111] : memref<80x128xi32, #tpu.memory_space<vmem>> -> memref<80x128xi32, #tpu.memory_space<vmem>>
        %dma_start3A_113 = arith.constant 0 : i32
        %dma_start3A_114 = arith.constant 0 : i32
        %dma_start3A_115 = tpu.memref_slice %arg6[%arg1, %dma_start3A_113, %dma_start3A_114] : memref<16x80x128xi32, #tpu.memory_space<hbm>> -> memref<1x80x128xi32, #tpu.memory_space<hbm>>
        %dma_start3A_116 = tpu.memref_squeeze %dma_start3A_115 : memref<1x80x128xi32, #tpu.memory_space<hbm>> -> memref<80x128xi32, #tpu.memory_space<hbm>>
        tpu.enqueue_dma source(%dma_start3A_116 : memref<80x128xi32, #tpu.memory_space<hbm>>) target(%dma_start3A_112 : memref<80x128xi32, #tpu.memory_space<vmem>>) target_semaphore(%run_scoped3A : memref<!tpu.dma_semaphore, #tpu.memory_space<semaphore_mem>>)
        %dma_wait3A = arith.constant 0 : i32
        %dma_wait3A_117 = arith.constant 0 : i32
        %dma_wait3A_118 = tpu.memref_slice %arg10[%dma_wait3A, %dma_wait3A_117] : memref<80x128xi32, #tpu.memory_space<vmem>> -> memref<80x128xi32, #tpu.memory_space<vmem>>
        %dma_wait3A_119 = arith.constant 0 : i32
        %dma_wait3A_120 = arith.constant 0 : i32
        %dma_wait3A_121 = tpu.memref_slice %arg6[%arg1, %dma_wait3A_119, %dma_wait3A_120] : memref<16x80x128xi32, #tpu.memory_space<hbm>> -> memref<1x80x128xi32, #tpu.memory_space<hbm>>
        %dma_wait3A_122 = tpu.memref_squeeze %dma_wait3A_121 : memref<1x80x128xi32, #tpu.memory_space<hbm>> -> memref<80x128xi32, #tpu.memory_space<hbm>>
        %dma_wait3A_123 = arith.constant 0 : i32
        %dma_wait3A_124 = arith.constant 0 : i32
        %dma_wait3A_125 = tpu.memref_slice %arg10[%dma_wait3A_123, %dma_wait3A_124] : memref<80x128xi32, #tpu.memory_space<vmem>> -> memref<80x128xi32, #tpu.memory_space<vmem>>
        %dma_wait3A_126 = arith.constant 0 : i32
        %dma_wait3A_127 = arith.constant 0 : i32
        %dma_wait3A_128 = tpu.memref_slice %arg6[%arg1, %dma_wait3A_126, %dma_wait3A_127] : memref<16x80x128xi32, #tpu.memory_space<hbm>> -> memref<1x80x128xi32, #tpu.memory_space<hbm>>
        %dma_wait3A_129 = tpu.memref_squeeze %dma_wait3A_128 : memref<1x80x128xi32, #tpu.memory_space<hbm>> -> memref<80x128xi32, #tpu.memory_space<hbm>>
        tpu.wait_dma2 semaphore(%run_scoped3A : memref<!tpu.dma_semaphore, #tpu.memory_space<semaphore_mem>>) src(%dma_wait3A_129 : memref<80x128xi32, #tpu.memory_space<hbm>>) dst(%dma_wait3A_125 : memref<80x128xi32, #tpu.memory_space<vmem>>)
        tpu.yield
      }) : () -> ()
    } else {
    }
    %mul3A_46 = arith.constant 80 : i32
    %mul3A_47 = arith.muli %arg1, %mul3A_46 : i32
    %sub3A_48 = arith.constant 1220 : i32
    %sub3A_49 = arith.subi %sub3A_48, %mul3A_47 : i32
    %jit3A_50 = arith.constant 0 : i32
    %jit3A_51 = arith.constant 80 : i32
    %max3A_52 = arith.maxsi %jit3A_50, %sub3A_49 : i32
    %min3A_53 = arith.minsi %jit3A_51, %max3A_52 : i32
    %neg3A_54 = arith.constant 0 : i32
    %neg3A_55 = arith.subi %neg3A_54, %min3A_53 : i32
    %jit3A_56 = arith.constant 8 : i32
    %div3A_57 = arith.divsi %neg3A_55, %jit3A_56 : i32
    %sign3A_58 = arith.constant 0 : i32
    %sign3A_59 = arith.cmpi sgt, %neg3A_55, %sign3A_58 : i32
    %sign3A_60 = arith.extui %sign3A_59 : i1 to i32
    %sign3A_61 = arith.constant 0 : i32
    %sign3A_62 = arith.cmpi slt, %neg3A_55, %sign3A_61 : i32
    %sign3A_63 = arith.extui %sign3A_62 : i1 to i32
    %sign3A_64 = arith.subi %sign3A_60, %sign3A_63 : i32
    %sign3A_65 = arith.constant 0 : i32
    %sign3A_66 = arith.cmpi sgt, %jit3A_56, %sign3A_65 : i32
    %sign3A_67 = arith.extui %sign3A_66 : i1 to i32
    %sign3A_68 = arith.constant 0 : i32
    %sign3A_69 = arith.cmpi slt, %jit3A_56, %sign3A_68 : i32
    %sign3A_70 = arith.extui %sign3A_69 : i1 to i32
    %sign3A_71 = arith.subi %sign3A_67, %sign3A_70 : i32
    %ne3A_72 = arith.cmpi ne, %sign3A_64, %sign3A_71 : i32
    %rem3A_73 = arith.remsi %neg3A_55, %jit3A_56 : i32
    %ne3A_74 = arith.constant 0 : i32
    %ne3A_75 = arith.cmpi ne, %rem3A_73, %ne3A_74 : i32
    %and3A_76 = arith.andi %ne3A_72, %ne3A_75 : i1
    %sub3A_77 = arith.constant 1 : i32
    %sub3A_78 = arith.subi %div3A_57, %sub3A_77 : i32
    %select_n3A_79 = arith.select %and3A_76, %sub3A_78, %div3A_57 : i32
    %neg3A_80 = arith.constant 0 : i32
    %neg3A_81 = arith.subi %neg3A_80, %select_n3A_79 : i32
    %select_n3A_82 = arith.select %eq3A_1, %neg3A_41, %neg3A_81 : i32
    %while3A_83 = arith.constant 0 : i32
    %while3A_84 = arith.constant 0 : i32
    %while3A_85 = arith.subi %select_n3A_82, %while3A_84 : i32
    %while3A_86 = arith.addi %while3A_84, %while3A_85 : i32
    %while3A_87 = arith.constant 1 : i32
    %while3A_88 = arith.divsi %while3A_85, %while3A_87 : i32
    %while3A_89 = arith.muli %while3A_88, %while3A_87 : i32
    %while3A_90 = arith.addi %while3A_84, %while3A_89 : i32
    %while3A_91 = arith.constant 1 : i32
    scf.for %while3A_104 = %while3A_84 to %while3A_90 step %while3A_91  : i32 {
      %mul3A_105 = arith.constant 8 : i32
      %mul3A_106 = arith.muli %while3A_104, %mul3A_105 : i32
      %add3A = arith.constant 0 : i32
      %add3A_107 = arith.addi %mul3A_106, %add3A : i32
      %dma_start3A = arith.constant 0 : i32
      %dma_start3A_108 = arith.constant 0 : i32
      %dma_start3A_109 = arith.constant 0 : i32
      %dma_start3A_110 = tpu.memref_slice %arg11[%dma_start3A, %dma_start3A_108, %dma_start3A_109] : memref<8x128x16xf32, #tpu.memory_space<vmem>> -> memref<1x128x16xf32, #tpu.memory_space<vmem>>
      %dma_start3A_111 = tpu.memref_squeeze %dma_start3A_110 : memref<1x128x16xf32, #tpu.memory_space<vmem>> -> memref<128x16xf32, #tpu.memory_space<vmem>>
      %dma_start3A_112 = arith.constant 0 : i32
      %dma_start3A_113 = tpu.memref_slice %arg9[%add3A_107, %dma_start3A_112] : memref<80x128xi32, #tpu.memory_space<vmem>> -> memref<1x128xi32, #tpu.memory_space<vmem>>
      %dma_start3A_114 = tpu.memref_squeeze %dma_start3A_113 : memref<1x128xi32, #tpu.memory_space<vmem>> -> memref<128xi32, #tpu.memory_space<vmem>>
      %dma_start3A_115 = arith.constant 0 : i32
      %dma_start3A_116 = arith.constant 0 : i32
      %dma_start3A_117 = tpu.memref_slice %arg2[%dma_start3A_115, %dma_start3A_116] : memref<10016x16xf32, #tpu.memory_space<hbm>> -> memref<10016x16xf32, #tpu.memory_space<hbm>>
      tpu.enqueue_indirect_dma source(%dma_start3A_117 : memref<10016x16xf32, #tpu.memory_space<hbm>>) target(%dma_start3A_111 : memref<128x16xf32, #tpu.memory_space<vmem>>) offsets(%dma_start3A_114 : memref<128xi32, #tpu.memory_space<vmem>>) semaphore(%arg13 : memref<!tpu.dma_semaphore, #tpu.memory_space<semaphore_mem>>)
      %add3A_118 = arith.constant 1 : i32
      %add3A_119 = arith.addi %mul3A_106, %add3A_118 : i32
      %dma_start3A_120 = arith.constant 1 : i32
      %dma_start3A_121 = arith.constant 0 : i32
      %dma_start3A_122 = arith.constant 0 : i32
      %dma_start3A_123 = tpu.memref_slice %arg11[%dma_start3A_120, %dma_start3A_121, %dma_start3A_122] : memref<8x128x16xf32, #tpu.memory_space<vmem>> -> memref<1x128x16xf32, #tpu.memory_space<vmem>>
      %dma_start3A_124 = tpu.memref_squeeze %dma_start3A_123 : memref<1x128x16xf32, #tpu.memory_space<vmem>> -> memref<128x16xf32, #tpu.memory_space<vmem>>
      %dma_start3A_125 = arith.constant 0 : i32
      %dma_start3A_126 = tpu.memref_slice %arg9[%add3A_119, %dma_start3A_125] : memref<80x128xi32, #tpu.memory_space<vmem>> -> memref<1x128xi32, #tpu.memory_space<vmem>>
      %dma_start3A_127 = tpu.memref_squeeze %dma_start3A_126 : memref<1x128xi32, #tpu.memory_space<vmem>> -> memref<128xi32, #tpu.memory_space<vmem>>
      %dma_start3A_128 = arith.constant 0 : i32
      %dma_start3A_129 = arith.constant 0 : i32
      %dma_start3A_130 = tpu.memref_slice %arg2[%dma_start3A_128, %dma_start3A_129] : memref<10016x16xf32, #tpu.memory_space<hbm>> -> memref<10016x16xf32, #tpu.memory_space<hbm>>
      tpu.enqueue_indirect_dma source(%dma_start3A_130 : memref<10016x16xf32, #tpu.memory_space<hbm>>) target(%dma_start3A_124 : memref<128x16xf32, #tpu.memory_space<vmem>>) offsets(%dma_start3A_127 : memref<128xi32, #tpu.memory_space<vmem>>) semaphore(%arg13 : memref<!tpu.dma_semaphore, #tpu.memory_space<semaphore_mem>>)
      %add3A_131 = arith.constant 2 : i32
      %add3A_132 = arith.addi %mul3A_106, %add3A_131 : i32
      %dma_start3A_133 = arith.constant 2 : i32
      %dma_start3A_134 = arith.constant 0 : i32
      %dma_start3A_135 = arith.constant 0 : i32
      %dma_start3A_136 = tpu.memref_slice %arg11[%dma_start3A_133, %dma_start3A_134, %dma_start3A_135] : memref<8x128x16xf32, #tpu.memory_space<vmem>> -> memref<1x128x16xf32, #tpu.memory_space<vmem>>
      %dma_start3A_137 = tpu.memref_squeeze %dma_start3A_136 : memref<1x128x16xf32, #tpu.memory_space<vmem>> -> memref<128x16xf32, #tpu.memory_space<vmem>>
      %dma_start3A_138 = arith.constant 0 : i32
      %dma_start3A_139 = tpu.memref_slice %arg9[%add3A_132, %dma_start3A_138] : memref<80x128xi32, #tpu.memory_space<vmem>> -> memref<1x128xi32, #tpu.memory_space<vmem>>
      %dma_start3A_140 = tpu.memref_squeeze %dma_start3A_139 : memref<1x128xi32, #tpu.memory_space<vmem>> -> memref<128xi32, #tpu.memory_space<vmem>>
      %dma_start3A_141 = arith.constant 0 : i32
      %dma_start3A_142 = arith.constant 0 : i32
      %dma_start3A_143 = tpu.memref_slice %arg2[%dma_start3A_141, %dma_start3A_142] : memref<10016x16xf32, #tpu.memory_space<hbm>> -> memref<10016x16xf32, #tpu.memory_space<hbm>>
      tpu.enqueue_indirect_dma source(%dma_start3A_143 : memref<10016x16xf32, #tpu.memory_space<hbm>>) target(%dma_start3A_137 : memref<128x16xf32, #tpu.memory_space<vmem>>) offsets(%dma_start3A_140 : memref<128xi32, #tpu.memory_space<vmem>>) semaphore(%arg13 : memref<!tpu.dma_semaphore, #tpu.memory_space<semaphore_mem>>)
      %add3A_144 = arith.constant 3 : i32
      %add3A_145 = arith.addi %mul3A_106, %add3A_144 : i32
      %dma_start3A_146 = arith.constant 3 : i32
      %dma_start3A_147 = arith.constant 0 : i32
      %dma_start3A_148 = arith.constant 0 : i32
      %dma_start3A_149 = tpu.memref_slice %arg11[%dma_start3A_146, %dma_start3A_147, %dma_start3A_148] : memref<8x128x16xf32, #tpu.memory_space<vmem>> -> memref<1x128x16xf32, #tpu.memory_space<vmem>>
      %dma_start3A_150 = tpu.memref_squeeze %dma_start3A_149 : memref<1x128x16xf32, #tpu.memory_space<vmem>> -> memref<128x16xf32, #tpu.memory_space<vmem>>
      %dma_start3A_151 = arith.constant 0 : i32
      %dma_start3A_152 = tpu.memref_slice %arg9[%add3A_145, %dma_start3A_151] : memref<80x128xi32, #tpu.memory_space<vmem>> -> memref<1x128xi32, #tpu.memory_space<vmem>>
      %dma_start3A_153 = tpu.memref_squeeze %dma_start3A_152 : memref<1x128xi32, #tpu.memory_space<vmem>> -> memref<128xi32, #tpu.memory_space<vmem>>
      %dma_start3A_154 = arith.constant 0 : i32
      %dma_start3A_155 = arith.constant 0 : i32
      %dma_start3A_156 = tpu.memref_slice %arg2[%dma_start3A_154, %dma_start3A_155] : memref<10016x16xf32, #tpu.memory_space<hbm>> -> memref<10016x16xf32, #tpu.memory_space<hbm>>
      tpu.enqueue_indirect_dma source(%dma_start3A_156 : memref<10016x16xf32, #tpu.memory_space<hbm>>) target(%dma_start3A_150 : memref<128x16xf32, #tpu.memory_space<vmem>>) offsets(%dma_start3A_153 : memref<128xi32, #tpu.memory_space<vmem>>) semaphore(%arg13 : memref<!tpu.dma_semaphore, #tpu.memory_space<semaphore_mem>>)
      %add3A_157 = arith.constant 4 : i32
      %add3A_158 = arith.addi %mul3A_106, %add3A_157 : i32
      %dma_start3A_159 = arith.constant 4 : i32
      %dma_start3A_160 = arith.constant 0 : i32
      %dma_start3A_161 = arith.constant 0 : i32
      %dma_start3A_162 = tpu.memref_slice %arg11[%dma_start3A_159, %dma_start3A_160, %dma_start3A_161] : memref<8x128x16xf32, #tpu.memory_space<vmem>> -> memref<1x128x16xf32, #tpu.memory_space<vmem>>
      %dma_start3A_163 = tpu.memref_squeeze %dma_start3A_162 : memref<1x128x16xf32, #tpu.memory_space<vmem>> -> memref<128x16xf32, #tpu.memory_space<vmem>>
      %dma_start3A_164 = arith.constant 0 : i32
      %dma_start3A_165 = tpu.memref_slice %arg9[%add3A_158, %dma_start3A_164] : memref<80x128xi32, #tpu.memory_space<vmem>> -> memref<1x128xi32, #tpu.memory_space<vmem>>
      %dma_start3A_166 = tpu.memref_squeeze %dma_start3A_165 : memref<1x128xi32, #tpu.memory_space<vmem>> -> memref<128xi32, #tpu.memory_space<vmem>>
      %dma_start3A_167 = arith.constant 0 : i32
      %dma_start3A_168 = arith.constant 0 : i32
      %dma_start3A_169 = tpu.memref_slice %arg2[%dma_start3A_167, %dma_start3A_168] : memref<10016x16xf32, #tpu.memory_space<hbm>> -> memref<10016x16xf32, #tpu.memory_space<hbm>>
      tpu.enqueue_indirect_dma source(%dma_start3A_169 : memref<10016x16xf32, #tpu.memory_space<hbm>>) target(%dma_start3A_163 : memref<128x16xf32, #tpu.memory_space<vmem>>) offsets(%dma_start3A_166 : memref<128xi32, #tpu.memory_space<vmem>>) semaphore(%arg13 : memref<!tpu.dma_semaphore, #tpu.memory_space<semaphore_mem>>)
      %add3A_170 = arith.constant 5 : i32
      %add3A_171 = arith.addi %mul3A_106, %add3A_170 : i32
      %dma_start3A_172 = arith.constant 5 : i32
      %dma_start3A_173 = arith.constant 0 : i32
      %dma_start3A_174 = arith.constant 0 : i32
      %dma_start3A_175 = tpu.memref_slice %arg11[%dma_start3A_172, %dma_start3A_173, %dma_start3A_174] : memref<8x128x16xf32, #tpu.memory_space<vmem>> -> memref<1x128x16xf32, #tpu.memory_space<vmem>>
      %dma_start3A_176 = tpu.memref_squeeze %dma_start3A_175 : memref<1x128x16xf32, #tpu.memory_space<vmem>> -> memref<128x16xf32, #tpu.memory_space<vmem>>
      %dma_start3A_177 = arith.constant 0 : i32
      %dma_start3A_178 = tpu.memref_slice %arg9[%add3A_171, %dma_start3A_177] : memref<80x128xi32, #tpu.memory_space<vmem>> -> memref<1x128xi32, #tpu.memory_space<vmem>>
      %dma_start3A_179 = tpu.memref_squeeze %dma_start3A_178 : memref<1x128xi32, #tpu.memory_space<vmem>> -> memref<128xi32, #tpu.memory_space<vmem>>
      %dma_start3A_180 = arith.constant 0 : i32
      %dma_start3A_181 = arith.constant 0 : i32
      %dma_start3A_182 = tpu.memref_slice %arg2[%dma_start3A_180, %dma_start3A_181] : memref<10016x16xf32, #tpu.memory_space<hbm>> -> memref<10016x16xf32, #tpu.memory_space<hbm>>
      tpu.enqueue_indirect_dma source(%dma_start3A_182 : memref<10016x16xf32, #tpu.memory_space<hbm>>) target(%dma_start3A_176 : memref<128x16xf32, #tpu.memory_space<vmem>>) offsets(%dma_start3A_179 : memref<128xi32, #tpu.memory_space<vmem>>) semaphore(%arg13 : memref<!tpu.dma_semaphore, #tpu.memory_space<semaphore_mem>>)
      %add3A_183 = arith.constant 6 : i32
      %add3A_184 = arith.addi %mul3A_106, %add3A_183 : i32
      %dma_start3A_185 = arith.constant 6 : i32
      %dma_start3A_186 = arith.constant 0 : i32
      %dma_start3A_187 = arith.constant 0 : i32
      %dma_start3A_188 = tpu.memref_slice %arg11[%dma_start3A_185, %dma_start3A_186, %dma_start3A_187] : memref<8x128x16xf32, #tpu.memory_space<vmem>> -> memref<1x128x16xf32, #tpu.memory_space<vmem>>
      %dma_start3A_189 = tpu.memref_squeeze %dma_start3A_188 : memref<1x128x16xf32, #tpu.memory_space<vmem>> -> memref<128x16xf32, #tpu.memory_space<vmem>>
      %dma_start3A_190 = arith.constant 0 : i32
      %dma_start3A_191 = tpu.memref_slice %arg9[%add3A_184, %dma_start3A_190] : memref<80x128xi32, #tpu.memory_space<vmem>> -> memref<1x128xi32, #tpu.memory_space<vmem>>
      %dma_start3A_192 = tpu.memref_squeeze %dma_start3A_191 : memref<1x128xi32, #tpu.memory_space<vmem>> -> memref<128xi32, #tpu.memory_space<vmem>>
      %dma_start3A_193 = arith.constant 0 : i32
      %dma_start3A_194 = arith.constant 0 : i32
      %dma_start3A_195 = tpu.memref_slice %arg2[%dma_start3A_193, %dma_start3A_194] : memref<10016x16xf32, #tpu.memory_space<hbm>> -> memref<10016x16xf32, #tpu.memory_space<hbm>>
      tpu.enqueue_indirect_dma source(%dma_start3A_195 : memref<10016x16xf32, #tpu.memory_space<hbm>>) target(%dma_start3A_189 : memref<128x16xf32, #tpu.memory_space<vmem>>) offsets(%dma_start3A_192 : memref<128xi32, #tpu.memory_space<vmem>>) semaphore(%arg13 : memref<!tpu.dma_semaphore, #tpu.memory_space<semaphore_mem>>)
      %add3A_196 = arith.constant 7 : i32
      %add3A_197 = arith.addi %mul3A_106, %add3A_196 : i32
      %dma_start3A_198 = arith.constant 7 : i32
      %dma_start3A_199 = arith.constant 0 : i32
      %dma_start3A_200 = arith.constant 0 : i32
      %dma_start3A_201 = tpu.memref_slice %arg11[%dma_start3A_198, %dma_start3A_199, %dma_start3A_200] : memref<8x128x16xf32, #tpu.memory_space<vmem>> -> memref<1x128x16xf32, #tpu.memory_space<vmem>>
      %dma_start3A_202 = tpu.memref_squeeze %dma_start3A_201 : memref<1x128x16xf32, #tpu.memory_space<vmem>> -> memref<128x16xf32, #tpu.memory_space<vmem>>
      %dma_start3A_203 = arith.constant 0 : i32
      %dma_start3A_204 = tpu.memref_slice %arg9[%add3A_197, %dma_start3A_203] : memref<80x128xi32, #tpu.memory_space<vmem>> -> memref<1x128xi32, #tpu.memory_space<vmem>>
      %dma_start3A_205 = tpu.memref_squeeze %dma_start3A_204 : memref<1x128xi32, #tpu.memory_space<vmem>> -> memref<128xi32, #tpu.memory_space<vmem>>
      %dma_start3A_206 = arith.constant 0 : i32
      %dma_start3A_207 = arith.constant 0 : i32
      %dma_start3A_208 = tpu.memref_slice %arg2[%dma_start3A_206, %dma_start3A_207] : memref<10016x16xf32, #tpu.memory_space<hbm>> -> memref<10016x16xf32, #tpu.memory_space<hbm>>
      tpu.enqueue_indirect_dma source(%dma_start3A_208 : memref<10016x16xf32, #tpu.memory_space<hbm>>) target(%dma_start3A_202 : memref<128x16xf32, #tpu.memory_space<vmem>>) offsets(%dma_start3A_205 : memref<128xi32, #tpu.memory_space<vmem>>) semaphore(%arg13 : memref<!tpu.dma_semaphore, #tpu.memory_space<semaphore_mem>>)
      %dma_wait3A = arith.constant 0 : i32
      %dma_wait3A_209 = arith.constant 0 : i32
      %dma_wait3A_210 = arith.constant 0 : i32
      %dma_wait3A_211 = tpu.memref_slice %arg11[%dma_wait3A, %dma_wait3A_209, %dma_wait3A_210] : memref<8x128x16xf32, #tpu.memory_space<vmem>> -> memref<1x128x16xf32, #tpu.memory_space<vmem>>
      %dma_wait3A_212 = tpu.memref_squeeze %dma_wait3A_211 : memref<1x128x16xf32, #tpu.memory_space<vmem>> -> memref<128x16xf32, #tpu.memory_space<vmem>>
      %dma_wait3A_213 = arith.constant 0 : i32
      %dma_wait3A_214 = tpu.memref_slice %arg9[%add3A_107, %dma_wait3A_213] : memref<80x128xi32, #tpu.memory_space<vmem>> -> memref<1x128xi32, #tpu.memory_space<vmem>>
      %dma_wait3A_215 = tpu.memref_squeeze %dma_wait3A_214 : memref<1x128xi32, #tpu.memory_space<vmem>> -> memref<128xi32, #tpu.memory_space<vmem>>
      %dma_wait3A_216 = arith.constant 0 : i32
      %dma_wait3A_217 = arith.constant 0 : i32
      %dma_wait3A_218 = tpu.memref_slice %arg2[%dma_wait3A_216, %dma_wait3A_217] : memref<10016x16xf32, #tpu.memory_space<hbm>> -> memref<10016x16xf32, #tpu.memory_space<hbm>>
      tpu.wait_indirect_dma semaphore(%arg13 : memref<!tpu.dma_semaphore, #tpu.memory_space<semaphore_mem>>) src(%dma_wait3A_218 : memref<10016x16xf32, #tpu.memory_space<hbm>>) dst(%dma_wait3A_212 : memref<128x16xf32, #tpu.memory_space<vmem>>)
      %add3A_219 = arith.constant 0 : i32
      %add3A_220 = arith.addi %mul3A_106, %add3A_219 : i32
      %dma_start3A_221 = arith.constant 0 : i32
      %dma_start3A_222 = arith.constant 0 : i32
      %dma_start3A_223 = arith.constant 0 : i32
      %dma_start3A_224 = tpu.memref_slice %arg11[%dma_start3A_221, %dma_start3A_222, %dma_start3A_223] : memref<8x128x16xf32, #tpu.memory_space<vmem>> -> memref<1x128x16xf32, #tpu.memory_space<vmem>>
      %dma_start3A_225 = tpu.memref_squeeze %dma_start3A_224 : memref<1x128x16xf32, #tpu.memory_space<vmem>> -> memref<128x16xf32, #tpu.memory_space<vmem>>
      %dma_start3A_226 = arith.constant 0 : i32
      %dma_start3A_227 = tpu.memref_slice %arg10[%add3A_220, %dma_start3A_226] : memref<80x128xi32, #tpu.memory_space<vmem>> -> memref<1x128xi32, #tpu.memory_space<vmem>>
      %dma_start3A_228 = tpu.memref_squeeze %dma_start3A_227 : memref<1x128xi32, #tpu.memory_space<vmem>> -> memref<128xi32, #tpu.memory_space<vmem>>
      %dma_start3A_229 = arith.constant 0 : i32
      %dma_start3A_230 = arith.constant 0 : i32
      %dma_start3A_231 = tpu.memref_slice %arg12[%dma_start3A_229, %dma_start3A_230] : memref<10016x16xf32, #tpu.memory_space<vmem_shared>> -> memref<10016x16xf32, #tpu.memory_space<vmem_shared>>
      tpu.enqueue_indirect_dma source(%dma_start3A_225 : memref<128x16xf32, #tpu.memory_space<vmem>>) target(%dma_start3A_231 : memref<10016x16xf32, #tpu.memory_space<vmem_shared>>) offsets(%dma_start3A_228 : memref<128xi32, #tpu.memory_space<vmem>>) semaphore(%arg14 : memref<!tpu.dma_semaphore, #tpu.memory_space<semaphore_mem>>) {add = true}
      %dma_wait3A_232 = arith.constant 1 : i32
      %dma_wait3A_233 = arith.constant 0 : i32
      %dma_wait3A_234 = arith.constant 0 : i32
      %dma_wait3A_235 = tpu.memref_slice %arg11[%dma_wait3A_232, %dma_wait3A_233, %dma_wait3A_234] : memref<8x128x16xf32, #tpu.memory_space<vmem>> -> memref<1x128x16xf32, #tpu.memory_space<vmem>>
      %dma_wait3A_236 = tpu.memref_squeeze %dma_wait3A_235 : memref<1x128x16xf32, #tpu.memory_space<vmem>> -> memref<128x16xf32, #tpu.memory_space<vmem>>
      %dma_wait3A_237 = arith.constant 0 : i32
      %dma_wait3A_238 = tpu.memref_slice %arg9[%add3A_119, %dma_wait3A_237] : memref<80x128xi32, #tpu.memory_space<vmem>> -> memref<1x128xi32, #tpu.memory_space<vmem>>
      %dma_wait3A_239 = tpu.memref_squeeze %dma_wait3A_238 : memref<1x128xi32, #tpu.memory_space<vmem>> -> memref<128xi32, #tpu.memory_space<vmem>>
      %dma_wait3A_240 = arith.constant 0 : i32
      %dma_wait3A_241 = arith.constant 0 : i32
      %dma_wait3A_242 = tpu.memref_slice %arg2[%dma_wait3A_240, %dma_wait3A_241] : memref<10016x16xf32, #tpu.memory_space<hbm>> -> memref<10016x16xf32, #tpu.memory_space<hbm>>
      tpu.wait_indirect_dma semaphore(%arg13 : memref<!tpu.dma_semaphore, #tpu.memory_space<semaphore_mem>>) src(%dma_wait3A_242 : memref<10016x16xf32, #tpu.memory_space<hbm>>) dst(%dma_wait3A_236 : memref<128x16xf32, #tpu.memory_space<vmem>>)
      %add3A_243 = arith.constant 1 : i32
      %add3A_244 = arith.addi %mul3A_106, %add3A_243 : i32
      %dma_start3A_245 = arith.constant 1 : i32
      %dma_start3A_246 = arith.constant 0 : i32
      %dma_start3A_247 = arith.constant 0 : i32
      %dma_start3A_248 = tpu.memref_slice %arg11[%dma_start3A_245, %dma_start3A_246, %dma_start3A_247] : memref<8x128x16xf32, #tpu.memory_space<vmem>> -> memref<1x128x16xf32, #tpu.memory_space<vmem>>
      %dma_start3A_249 = tpu.memref_squeeze %dma_start3A_248 : memref<1x128x16xf32, #tpu.memory_space<vmem>> -> memref<128x16xf32, #tpu.memory_space<vmem>>
      %dma_start3A_250 = arith.constant 0 : i32
      %dma_start3A_251 = tpu.memref_slice %arg10[%add3A_244, %dma_start3A_250] : memref<80x128xi32, #tpu.memory_space<vmem>> -> memref<1x128xi32, #tpu.memory_space<vmem>>
      %dma_start3A_252 = tpu.memref_squeeze %dma_start3A_251 : memref<1x128xi32, #tpu.memory_space<vmem>> -> memref<128xi32, #tpu.memory_space<vmem>>
      %dma_start3A_253 = arith.constant 0 : i32
      %dma_start3A_254 = arith.constant 0 : i32
      %dma_start3A_255 = tpu.memref_slice %arg12[%dma_start3A_253, %dma_start3A_254] : memref<10016x16xf32, #tpu.memory_space<vmem_shared>> -> memref<10016x16xf32, #tpu.memory_space<vmem_shared>>
      tpu.enqueue_indirect_dma source(%dma_start3A_249 : memref<128x16xf32, #tpu.memory_space<vmem>>) target(%dma_start3A_255 : memref<10016x16xf32, #tpu.memory_space<vmem_shared>>) offsets(%dma_start3A_252 : memref<128xi32, #tpu.memory_space<vmem>>) semaphore(%arg14 : memref<!tpu.dma_semaphore, #tpu.memory_space<semaphore_mem>>) {add = true}
      %dma_wait3A_256 = arith.constant 2 : i32
      %dma_wait3A_257 = arith.constant 0 : i32
      %dma_wait3A_258 = arith.constant 0 : i32
      %dma_wait3A_259 = tpu.memref_slice %arg11[%dma_wait3A_256, %dma_wait3A_257, %dma_wait3A_258] : memref<8x128x16xf32, #tpu.memory_space<vmem>> -> memref<1x128x16xf32, #tpu.memory_space<vmem>>
      %dma_wait3A_260 = tpu.memref_squeeze %dma_wait3A_259 : memref<1x128x16xf32, #tpu.memory_space<vmem>> -> memref<128x16xf32, #tpu.memory_space<vmem>>
      %dma_wait3A_261 = arith.constant 0 : i32
      %dma_wait3A_262 = tpu.memref_slice %arg9[%add3A_132, %dma_wait3A_261] : memref<80x128xi32, #tpu.memory_space<vmem>> -> memref<1x128xi32, #tpu.memory_space<vmem>>
      %dma_wait3A_263 = tpu.memref_squeeze %dma_wait3A_262 : memref<1x128xi32, #tpu.memory_space<vmem>> -> memref<128xi32, #tpu.memory_space<vmem>>
      %dma_wait3A_264 = arith.constant 0 : i32
      %dma_wait3A_265 = arith.constant 0 : i32
      %dma_wait3A_266 = tpu.memref_slice %arg2[%dma_wait3A_264, %dma_wait3A_265] : memref<10016x16xf32, #tpu.memory_space<hbm>> -> memref<10016x16xf32, #tpu.memory_space<hbm>>
      tpu.wait_indirect_dma semaphore(%arg13 : memref<!tpu.dma_semaphore, #tpu.memory_space<semaphore_mem>>) src(%dma_wait3A_266 : memref<10016x16xf32, #tpu.memory_space<hbm>>) dst(%dma_wait3A_260 : memref<128x16xf32, #tpu.memory_space<vmem>>)
      %add3A_267 = arith.constant 2 : i32
      %add3A_268 = arith.addi %mul3A_106, %add3A_267 : i32
      %dma_start3A_269 = arith.constant 2 : i32
      %dma_start3A_270 = arith.constant 0 : i32
      %dma_start3A_271 = arith.constant 0 : i32
      %dma_start3A_272 = tpu.memref_slice %arg11[%dma_start3A_269, %dma_start3A_270, %dma_start3A_271] : memref<8x128x16xf32, #tpu.memory_space<vmem>> -> memref<1x128x16xf32, #tpu.memory_space<vmem>>
      %dma_start3A_273 = tpu.memref_squeeze %dma_start3A_272 : memref<1x128x16xf32, #tpu.memory_space<vmem>> -> memref<128x16xf32, #tpu.memory_space<vmem>>
      %dma_start3A_274 = arith.constant 0 : i32
      %dma_start3A_275 = tpu.memref_slice %arg10[%add3A_268, %dma_start3A_274] : memref<80x128xi32, #tpu.memory_space<vmem>> -> memref<1x128xi32, #tpu.memory_space<vmem>>
      %dma_start3A_276 = tpu.memref_squeeze %dma_start3A_275 : memref<1x128xi32, #tpu.memory_space<vmem>> -> memref<128xi32, #tpu.memory_space<vmem>>
      %dma_start3A_277 = arith.constant 0 : i32
      %dma_start3A_278 = arith.constant 0 : i32
      %dma_start3A_279 = tpu.memref_slice %arg12[%dma_start3A_277, %dma_start3A_278] : memref<10016x16xf32, #tpu.memory_space<vmem_shared>> -> memref<10016x16xf32, #tpu.memory_space<vmem_shared>>
      tpu.enqueue_indirect_dma source(%dma_start3A_273 : memref<128x16xf32, #tpu.memory_space<vmem>>) target(%dma_start3A_279 : memref<10016x16xf32, #tpu.memory_space<vmem_shared>>) offsets(%dma_start3A_276 : memref<128xi32, #tpu.memory_space<vmem>>) semaphore(%arg14 : memref<!tpu.dma_semaphore, #tpu.memory_space<semaphore_mem>>) {add = true}
      %dma_wait3A_280 = arith.constant 3 : i32
      %dma_wait3A_281 = arith.constant 0 : i32
      %dma_wait3A_282 = arith.constant 0 : i32
      %dma_wait3A_283 = tpu.memref_slice %arg11[%dma_wait3A_280, %dma_wait3A_281, %dma_wait3A_282] : memref<8x128x16xf32, #tpu.memory_space<vmem>> -> memref<1x128x16xf32, #tpu.memory_space<vmem>>
      %dma_wait3A_284 = tpu.memref_squeeze %dma_wait3A_283 : memref<1x128x16xf32, #tpu.memory_space<vmem>> -> memref<128x16xf32, #tpu.memory_space<vmem>>
      %dma_wait3A_285 = arith.constant 0 : i32
      %dma_wait3A_286 = tpu.memref_slice %arg9[%add3A_145, %dma_wait3A_285] : memref<80x128xi32, #tpu.memory_space<vmem>> -> memref<1x128xi32, #tpu.memory_space<vmem>>
      %dma_wait3A_287 = tpu.memref_squeeze %dma_wait3A_286 : memref<1x128xi32, #tpu.memory_space<vmem>> -> memref<128xi32, #tpu.memory_space<vmem>>
      %dma_wait3A_288 = arith.constant 0 : i32
      %dma_wait3A_289 = arith.constant 0 : i32
      %dma_wait3A_290 = tpu.memref_slice %arg2[%dma_wait3A_288, %dma_wait3A_289] : memref<10016x16xf32, #tpu.memory_space<hbm>> -> memref<10016x16xf32, #tpu.memory_space<hbm>>
      tpu.wait_indirect_dma semaphore(%arg13 : memref<!tpu.dma_semaphore, #tpu.memory_space<semaphore_mem>>) src(%dma_wait3A_290 : memref<10016x16xf32, #tpu.memory_space<hbm>>) dst(%dma_wait3A_284 : memref<128x16xf32, #tpu.memory_space<vmem>>)
      %add3A_291 = arith.constant 3 : i32
      %add3A_292 = arith.addi %mul3A_106, %add3A_291 : i32
      %dma_start3A_293 = arith.constant 3 : i32
      %dma_start3A_294 = arith.constant 0 : i32
      %dma_start3A_295 = arith.constant 0 : i32
      %dma_start3A_296 = tpu.memref_slice %arg11[%dma_start3A_293, %dma_start3A_294, %dma_start3A_295] : memref<8x128x16xf32, #tpu.memory_space<vmem>> -> memref<1x128x16xf32, #tpu.memory_space<vmem>>
      %dma_start3A_297 = tpu.memref_squeeze %dma_start3A_296 : memref<1x128x16xf32, #tpu.memory_space<vmem>> -> memref<128x16xf32, #tpu.memory_space<vmem>>
      %dma_start3A_298 = arith.constant 0 : i32
      %dma_start3A_299 = tpu.memref_slice %arg10[%add3A_292, %dma_start3A_298] : memref<80x128xi32, #tpu.memory_space<vmem>> -> memref<1x128xi32, #tpu.memory_space<vmem>>
      %dma_start3A_300 = tpu.memref_squeeze %dma_start3A_299 : memref<1x128xi32, #tpu.memory_space<vmem>> -> memref<128xi32, #tpu.memory_space<vmem>>
      %dma_start3A_301 = arith.constant 0 : i32
      %dma_start3A_302 = arith.constant 0 : i32
      %dma_start3A_303 = tpu.memref_slice %arg12[%dma_start3A_301, %dma_start3A_302] : memref<10016x16xf32, #tpu.memory_space<vmem_shared>> -> memref<10016x16xf32, #tpu.memory_space<vmem_shared>>
      tpu.enqueue_indirect_dma source(%dma_start3A_297 : memref<128x16xf32, #tpu.memory_space<vmem>>) target(%dma_start3A_303 : memref<10016x16xf32, #tpu.memory_space<vmem_shared>>) offsets(%dma_start3A_300 : memref<128xi32, #tpu.memory_space<vmem>>) semaphore(%arg14 : memref<!tpu.dma_semaphore, #tpu.memory_space<semaphore_mem>>) {add = true}
      %dma_wait3A_304 = arith.constant 4 : i32
      %dma_wait3A_305 = arith.constant 0 : i32
      %dma_wait3A_306 = arith.constant 0 : i32
      %dma_wait3A_307 = tpu.memref_slice %arg11[%dma_wait3A_304, %dma_wait3A_305, %dma_wait3A_306] : memref<8x128x16xf32, #tpu.memory_space<vmem>> -> memref<1x128x16xf32, #tpu.memory_space<vmem>>
      %dma_wait3A_308 = tpu.memref_squeeze %dma_wait3A_307 : memref<1x128x16xf32, #tpu.memory_space<vmem>> -> memref<128x16xf32, #tpu.memory_space<vmem>>
      %dma_wait3A_309 = arith.constant 0 : i32
      %dma_wait3A_310 = tpu.memref_slice %arg9[%add3A_158, %dma_wait3A_309] : memref<80x128xi32, #tpu.memory_space<vmem>> -> memref<1x128xi32, #tpu.memory_space<vmem>>
      %dma_wait3A_311 = tpu.memref_squeeze %dma_wait3A_310 : memref<1x128xi32, #tpu.memory_space<vmem>> -> memref<128xi32, #tpu.memory_space<vmem>>
      %dma_wait3A_312 = arith.constant 0 : i32
      %dma_wait3A_313 = arith.constant 0 : i32
      %dma_wait3A_314 = tpu.memref_slice %arg2[%dma_wait3A_312, %dma_wait3A_313] : memref<10016x16xf32, #tpu.memory_space<hbm>> -> memref<10016x16xf32, #tpu.memory_space<hbm>>
      tpu.wait_indirect_dma semaphore(%arg13 : memref<!tpu.dma_semaphore, #tpu.memory_space<semaphore_mem>>) src(%dma_wait3A_314 : memref<10016x16xf32, #tpu.memory_space<hbm>>) dst(%dma_wait3A_308 : memref<128x16xf32, #tpu.memory_space<vmem>>)
      %add3A_315 = arith.constant 4 : i32
      %add3A_316 = arith.addi %mul3A_106, %add3A_315 : i32
      %dma_start3A_317 = arith.constant 4 : i32
      %dma_start3A_318 = arith.constant 0 : i32
      %dma_start3A_319 = arith.constant 0 : i32
      %dma_start3A_320 = tpu.memref_slice %arg11[%dma_start3A_317, %dma_start3A_318, %dma_start3A_319] : memref<8x128x16xf32, #tpu.memory_space<vmem>> -> memref<1x128x16xf32, #tpu.memory_space<vmem>>
      %dma_start3A_321 = tpu.memref_squeeze %dma_start3A_320 : memref<1x128x16xf32, #tpu.memory_space<vmem>> -> memref<128x16xf32, #tpu.memory_space<vmem>>
      %dma_start3A_322 = arith.constant 0 : i32
      %dma_start3A_323 = tpu.memref_slice %arg10[%add3A_316, %dma_start3A_322] : memref<80x128xi32, #tpu.memory_space<vmem>> -> memref<1x128xi32, #tpu.memory_space<vmem>>
      %dma_start3A_324 = tpu.memref_squeeze %dma_start3A_323 : memref<1x128xi32, #tpu.memory_space<vmem>> -> memref<128xi32, #tpu.memory_space<vmem>>
      %dma_start3A_325 = arith.constant 0 : i32
      %dma_start3A_326 = arith.constant 0 : i32
      %dma_start3A_327 = tpu.memref_slice %arg12[%dma_start3A_325, %dma_start3A_326] : memref<10016x16xf32, #tpu.memory_space<vmem_shared>> -> memref<10016x16xf32, #tpu.memory_space<vmem_shared>>
      tpu.enqueue_indirect_dma source(%dma_start3A_321 : memref<128x16xf32, #tpu.memory_space<vmem>>) target(%dma_start3A_327 : memref<10016x16xf32, #tpu.memory_space<vmem_shared>>) offsets(%dma_start3A_324 : memref<128xi32, #tpu.memory_space<vmem>>) semaphore(%arg14 : memref<!tpu.dma_semaphore, #tpu.memory_space<semaphore_mem>>) {add = true}
      %dma_wait3A_328 = arith.constant 5 : i32
      %dma_wait3A_329 = arith.constant 0 : i32
      %dma_wait3A_330 = arith.constant 0 : i32
      %dma_wait3A_331 = tpu.memref_slice %arg11[%dma_wait3A_328, %dma_wait3A_329, %dma_wait3A_330] : memref<8x128x16xf32, #tpu.memory_space<vmem>> -> memref<1x128x16xf32, #tpu.memory_space<vmem>>
      %dma_wait3A_332 = tpu.memref_squeeze %dma_wait3A_331 : memref<1x128x16xf32, #tpu.memory_space<vmem>> -> memref<128x16xf32, #tpu.memory_space<vmem>>
      %dma_wait3A_333 = arith.constant 0 : i32
      %dma_wait3A_334 = tpu.memref_slice %arg9[%add3A_171, %dma_wait3A_333] : memref<80x128xi32, #tpu.memory_space<vmem>> -> memref<1x128xi32, #tpu.memory_space<vmem>>
      %dma_wait3A_335 = tpu.memref_squeeze %dma_wait3A_334 : memref<1x128xi32, #tpu.memory_space<vmem>> -> memref<128xi32, #tpu.memory_space<vmem>>
      %dma_wait3A_336 = arith.constant 0 : i32
      %dma_wait3A_337 = arith.constant 0 : i32
      %dma_wait3A_338 = tpu.memref_slice %arg2[%dma_wait3A_336, %dma_wait3A_337] : memref<10016x16xf32, #tpu.memory_space<hbm>> -> memref<10016x16xf32, #tpu.memory_space<hbm>>
      tpu.wait_indirect_dma semaphore(%arg13 : memref<!tpu.dma_semaphore, #tpu.memory_space<semaphore_mem>>) src(%dma_wait3A_338 : memref<10016x16xf32, #tpu.memory_space<hbm>>) dst(%dma_wait3A_332 : memref<128x16xf32, #tpu.memory_space<vmem>>)
      %add3A_339 = arith.constant 5 : i32
      %add3A_340 = arith.addi %mul3A_106, %add3A_339 : i32
      %dma_start3A_341 = arith.constant 5 : i32
      %dma_start3A_342 = arith.constant 0 : i32
      %dma_start3A_343 = arith.constant 0 : i32
      %dma_start3A_344 = tpu.memref_slice %arg11[%dma_start3A_341, %dma_start3A_342, %dma_start3A_343] : memref<8x128x16xf32, #tpu.memory_space<vmem>> -> memref<1x128x16xf32, #tpu.memory_space<vmem>>
      %dma_start3A_345 = tpu.memref_squeeze %dma_start3A_344 : memref<1x128x16xf32, #tpu.memory_space<vmem>> -> memref<128x16xf32, #tpu.memory_space<vmem>>
      %dma_start3A_346 = arith.constant 0 : i32
      %dma_start3A_347 = tpu.memref_slice %arg10[%add3A_340, %dma_start3A_346] : memref<80x128xi32, #tpu.memory_space<vmem>> -> memref<1x128xi32, #tpu.memory_space<vmem>>
      %dma_start3A_348 = tpu.memref_squeeze %dma_start3A_347 : memref<1x128xi32, #tpu.memory_space<vmem>> -> memref<128xi32, #tpu.memory_space<vmem>>
      %dma_start3A_349 = arith.constant 0 : i32
      %dma_start3A_350 = arith.constant 0 : i32
      %dma_start3A_351 = tpu.memref_slice %arg12[%dma_start3A_349, %dma_start3A_350] : memref<10016x16xf32, #tpu.memory_space<vmem_shared>> -> memref<10016x16xf32, #tpu.memory_space<vmem_shared>>
      tpu.enqueue_indirect_dma source(%dma_start3A_345 : memref<128x16xf32, #tpu.memory_space<vmem>>) target(%dma_start3A_351 : memref<10016x16xf32, #tpu.memory_space<vmem_shared>>) offsets(%dma_start3A_348 : memref<128xi32, #tpu.memory_space<vmem>>) semaphore(%arg14 : memref<!tpu.dma_semaphore, #tpu.memory_space<semaphore_mem>>) {add = true}
      %dma_wait3A_352 = arith.constant 6 : i32
      %dma_wait3A_353 = arith.constant 0 : i32
      %dma_wait3A_354 = arith.constant 0 : i32
      %dma_wait3A_355 = tpu.memref_slice %arg11[%dma_wait3A_352, %dma_wait3A_353, %dma_wait3A_354] : memref<8x128x16xf32, #tpu.memory_space<vmem>> -> memref<1x128x16xf32, #tpu.memory_space<vmem>>
      %dma_wait3A_356 = tpu.memref_squeeze %dma_wait3A_355 : memref<1x128x16xf32, #tpu.memory_space<vmem>> -> memref<128x16xf32, #tpu.memory_space<vmem>>
      %dma_wait3A_357 = arith.constant 0 : i32
      %dma_wait3A_358 = tpu.memref_slice %arg9[%add3A_184, %dma_wait3A_357] : memref<80x128xi32, #tpu.memory_space<vmem>> -> memref<1x128xi32, #tpu.memory_space<vmem>>
      %dma_wait3A_359 = tpu.memref_squeeze %dma_wait3A_358 : memref<1x128xi32, #tpu.memory_space<vmem>> -> memref<128xi32, #tpu.memory_space<vmem>>
      %dma_wait3A_360 = arith.constant 0 : i32
      %dma_wait3A_361 = arith.constant 0 : i32
      %dma_wait3A_362 = tpu.memref_slice %arg2[%dma_wait3A_360, %dma_wait3A_361] : memref<10016x16xf32, #tpu.memory_space<hbm>> -> memref<10016x16xf32, #tpu.memory_space<hbm>>
      tpu.wait_indirect_dma semaphore(%arg13 : memref<!tpu.dma_semaphore, #tpu.memory_space<semaphore_mem>>) src(%dma_wait3A_362 : memref<10016x16xf32, #tpu.memory_space<hbm>>) dst(%dma_wait3A_356 : memref<128x16xf32, #tpu.memory_space<vmem>>)
      %add3A_363 = arith.constant 6 : i32
      %add3A_364 = arith.addi %mul3A_106, %add3A_363 : i32
      %dma_start3A_365 = arith.constant 6 : i32
      %dma_start3A_366 = arith.constant 0 : i32
      %dma_start3A_367 = arith.constant 0 : i32
      %dma_start3A_368 = tpu.memref_slice %arg11[%dma_start3A_365, %dma_start3A_366, %dma_start3A_367] : memref<8x128x16xf32, #tpu.memory_space<vmem>> -> memref<1x128x16xf32, #tpu.memory_space<vmem>>
      %dma_start3A_369 = tpu.memref_squeeze %dma_start3A_368 : memref<1x128x16xf32, #tpu.memory_space<vmem>> -> memref<128x16xf32, #tpu.memory_space<vmem>>
      %dma_start3A_370 = arith.constant 0 : i32
      %dma_start3A_371 = tpu.memref_slice %arg10[%add3A_364, %dma_start3A_370] : memref<80x128xi32, #tpu.memory_space<vmem>> -> memref<1x128xi32, #tpu.memory_space<vmem>>
      %dma_start3A_372 = tpu.memref_squeeze %dma_start3A_371 : memref<1x128xi32, #tpu.memory_space<vmem>> -> memref<128xi32, #tpu.memory_space<vmem>>
      %dma_start3A_373 = arith.constant 0 : i32
      %dma_start3A_374 = arith.constant 0 : i32
      %dma_start3A_375 = tpu.memref_slice %arg12[%dma_start3A_373, %dma_start3A_374] : memref<10016x16xf32, #tpu.memory_space<vmem_shared>> -> memref<10016x16xf32, #tpu.memory_space<vmem_shared>>
      tpu.enqueue_indirect_dma source(%dma_start3A_369 : memref<128x16xf32, #tpu.memory_space<vmem>>) target(%dma_start3A_375 : memref<10016x16xf32, #tpu.memory_space<vmem_shared>>) offsets(%dma_start3A_372 : memref<128xi32, #tpu.memory_space<vmem>>) semaphore(%arg14 : memref<!tpu.dma_semaphore, #tpu.memory_space<semaphore_mem>>) {add = true}
      %dma_wait3A_376 = arith.constant 7 : i32
      %dma_wait3A_377 = arith.constant 0 : i32
      %dma_wait3A_378 = arith.constant 0 : i32
      %dma_wait3A_379 = tpu.memref_slice %arg11[%dma_wait3A_376, %dma_wait3A_377, %dma_wait3A_378] : memref<8x128x16xf32, #tpu.memory_space<vmem>> -> memref<1x128x16xf32, #tpu.memory_space<vmem>>
      %dma_wait3A_380 = tpu.memref_squeeze %dma_wait3A_379 : memref<1x128x16xf32, #tpu.memory_space<vmem>> -> memref<128x16xf32, #tpu.memory_space<vmem>>
      %dma_wait3A_381 = arith.constant 0 : i32
      %dma_wait3A_382 = tpu.memref_slice %arg9[%add3A_197, %dma_wait3A_381] : memref<80x128xi32, #tpu.memory_space<vmem>> -> memref<1x128xi32, #tpu.memory_space<vmem>>
      %dma_wait3A_383 = tpu.memref_squeeze %dma_wait3A_382 : memref<1x128xi32, #tpu.memory_space<vmem>> -> memref<128xi32, #tpu.memory_space<vmem>>
      %dma_wait3A_384 = arith.constant 0 : i32
      %dma_wait3A_385 = arith.constant 0 : i32
      %dma_wait3A_386 = tpu.memref_slice %arg2[%dma_wait3A_384, %dma_wait3A_385] : memref<10016x16xf32, #tpu.memory_space<hbm>> -> memref<10016x16xf32, #tpu.memory_space<hbm>>
      tpu.wait_indirect_dma semaphore(%arg13 : memref<!tpu.dma_semaphore, #tpu.memory_space<semaphore_mem>>) src(%dma_wait3A_386 : memref<10016x16xf32, #tpu.memory_space<hbm>>) dst(%dma_wait3A_380 : memref<128x16xf32, #tpu.memory_space<vmem>>)
      %add3A_387 = arith.constant 7 : i32
      %add3A_388 = arith.addi %mul3A_106, %add3A_387 : i32
      %dma_start3A_389 = arith.constant 7 : i32
      %dma_start3A_390 = arith.constant 0 : i32
      %dma_start3A_391 = arith.constant 0 : i32
      %dma_start3A_392 = tpu.memref_slice %arg11[%dma_start3A_389, %dma_start3A_390, %dma_start3A_391] : memref<8x128x16xf32, #tpu.memory_space<vmem>> -> memref<1x128x16xf32, #tpu.memory_space<vmem>>
      %dma_start3A_393 = tpu.memref_squeeze %dma_start3A_392 : memref<1x128x16xf32, #tpu.memory_space<vmem>> -> memref<128x16xf32, #tpu.memory_space<vmem>>
      %dma_start3A_394 = arith.constant 0 : i32
      %dma_start3A_395 = tpu.memref_slice %arg10[%add3A_388, %dma_start3A_394] : memref<80x128xi32, #tpu.memory_space<vmem>> -> memref<1x128xi32, #tpu.memory_space<vmem>>
      %dma_start3A_396 = tpu.memref_squeeze %dma_start3A_395 : memref<1x128xi32, #tpu.memory_space<vmem>> -> memref<128xi32, #tpu.memory_space<vmem>>
      %dma_start3A_397 = arith.constant 0 : i32
      %dma_start3A_398 = arith.constant 0 : i32
      %dma_start3A_399 = tpu.memref_slice %arg12[%dma_start3A_397, %dma_start3A_398] : memref<10016x16xf32, #tpu.memory_space<vmem_shared>> -> memref<10016x16xf32, #tpu.memory_space<vmem_shared>>
      tpu.enqueue_indirect_dma source(%dma_start3A_393 : memref<128x16xf32, #tpu.memory_space<vmem>>) target(%dma_start3A_399 : memref<10016x16xf32, #tpu.memory_space<vmem_shared>>) offsets(%dma_start3A_396 : memref<128xi32, #tpu.memory_space<vmem>>) semaphore(%arg14 : memref<!tpu.dma_semaphore, #tpu.memory_space<semaphore_mem>>) {add = true}
      %dma_wait3A_400 = arith.constant 0 : i32
      %dma_wait3A_401 = arith.constant 0 : i32
      %dma_wait3A_402 = arith.constant 0 : i32
      %dma_wait3A_403 = tpu.memref_slice %arg11[%dma_wait3A_400, %dma_wait3A_401, %dma_wait3A_402] : memref<8x128x16xf32, #tpu.memory_space<vmem>> -> memref<1x128x16xf32, #tpu.memory_space<vmem>>
      %dma_wait3A_404 = tpu.memref_squeeze %dma_wait3A_403 : memref<1x128x16xf32, #tpu.memory_space<vmem>> -> memref<128x16xf32, #tpu.memory_space<vmem>>
      %dma_wait3A_405 = arith.constant 0 : i32
      %dma_wait3A_406 = tpu.memref_slice %arg10[%add3A_220, %dma_wait3A_405] : memref<80x128xi32, #tpu.memory_space<vmem>> -> memref<1x128xi32, #tpu.memory_space<vmem>>
      %dma_wait3A_407 = tpu.memref_squeeze %dma_wait3A_406 : memref<1x128xi32, #tpu.memory_space<vmem>> -> memref<128xi32, #tpu.memory_space<vmem>>
      %dma_wait3A_408 = arith.constant 0 : i32
      %dma_wait3A_409 = arith.constant 0 : i32
      %dma_wait3A_410 = tpu.memref_slice %arg12[%dma_wait3A_408, %dma_wait3A_409] : memref<10016x16xf32, #tpu.memory_space<vmem_shared>> -> memref<10016x16xf32, #tpu.memory_space<vmem_shared>>
      tpu.wait_indirect_dma semaphore(%arg14 : memref<!tpu.dma_semaphore, #tpu.memory_space<semaphore_mem>>) src(%dma_wait3A_404 : memref<128x16xf32, #tpu.memory_space<vmem>>) dst(%dma_wait3A_410 : memref<10016x16xf32, #tpu.memory_space<vmem_shared>>)
      %dma_wait3A_411 = arith.constant 1 : i32
      %dma_wait3A_412 = arith.constant 0 : i32
      %dma_wait3A_413 = arith.constant 0 : i32
      %dma_wait3A_414 = tpu.memref_slice %arg11[%dma_wait3A_411, %dma_wait3A_412, %dma_wait3A_413] : memref<8x128x16xf32, #tpu.memory_space<vmem>> -> memref<1x128x16xf32, #tpu.memory_space<vmem>>
      %dma_wait3A_415 = tpu.memref_squeeze %dma_wait3A_414 : memref<1x128x16xf32, #tpu.memory_space<vmem>> -> memref<128x16xf32, #tpu.memory_space<vmem>>
      %dma_wait3A_416 = arith.constant 0 : i32
      %dma_wait3A_417 = tpu.memref_slice %arg10[%add3A_244, %dma_wait3A_416] : memref<80x128xi32, #tpu.memory_space<vmem>> -> memref<1x128xi32, #tpu.memory_space<vmem>>
      %dma_wait3A_418 = tpu.memref_squeeze %dma_wait3A_417 : memref<1x128xi32, #tpu.memory_space<vmem>> -> memref<128xi32, #tpu.memory_space<vmem>>
      %dma_wait3A_419 = arith.constant 0 : i32
      %dma_wait3A_420 = arith.constant 0 : i32
      %dma_wait3A_421 = tpu.memref_slice %arg12[%dma_wait3A_419, %dma_wait3A_420] : memref<10016x16xf32, #tpu.memory_space<vmem_shared>> -> memref<10016x16xf32, #tpu.memory_space<vmem_shared>>
      tpu.wait_indirect_dma semaphore(%arg14 : memref<!tpu.dma_semaphore, #tpu.memory_space<semaphore_mem>>) src(%dma_wait3A_415 : memref<128x16xf32, #tpu.memory_space<vmem>>) dst(%dma_wait3A_421 : memref<10016x16xf32, #tpu.memory_space<vmem_shared>>)
      %dma_wait3A_422 = arith.constant 2 : i32
      %dma_wait3A_423 = arith.constant 0 : i32
      %dma_wait3A_424 = arith.constant 0 : i32
      %dma_wait3A_425 = tpu.memref_slice %arg11[%dma_wait3A_422, %dma_wait3A_423, %dma_wait3A_424] : memref<8x128x16xf32, #tpu.memory_space<vmem>> -> memref<1x128x16xf32, #tpu.memory_space<vmem>>
      %dma_wait3A_426 = tpu.memref_squeeze %dma_wait3A_425 : memref<1x128x16xf32, #tpu.memory_space<vmem>> -> memref<128x16xf32, #tpu.memory_space<vmem>>
      %dma_wait3A_427 = arith.constant 0 : i32
      %dma_wait3A_428 = tpu.memref_slice %arg10[%add3A_268, %dma_wait3A_427] : memref<80x128xi32, #tpu.memory_space<vmem>> -> memref<1x128xi32, #tpu.memory_space<vmem>>
      %dma_wait3A_429 = tpu.memref_squeeze %dma_wait3A_428 : memref<1x128xi32, #tpu.memory_space<vmem>> -> memref<128xi32, #tpu.memory_space<vmem>>
      %dma_wait3A_430 = arith.constant 0 : i32
      %dma_wait3A_431 = arith.constant 0 : i32
      %dma_wait3A_432 = tpu.memref_slice %arg12[%dma_wait3A_430, %dma_wait3A_431] : memref<10016x16xf32, #tpu.memory_space<vmem_shared>> -> memref<10016x16xf32, #tpu.memory_space<vmem_shared>>
      tpu.wait_indirect_dma semaphore(%arg14 : memref<!tpu.dma_semaphore, #tpu.memory_space<semaphore_mem>>) src(%dma_wait3A_426 : memref<128x16xf32, #tpu.memory_space<vmem>>) dst(%dma_wait3A_432 : memref<10016x16xf32, #tpu.memory_space<vmem_shared>>)
      %dma_wait3A_433 = arith.constant 3 : i32
      %dma_wait3A_434 = arith.constant 0 : i32
      %dma_wait3A_435 = arith.constant 0 : i32
      %dma_wait3A_436 = tpu.memref_slice %arg11[%dma_wait3A_433, %dma_wait3A_434, %dma_wait3A_435] : memref<8x128x16xf32, #tpu.memory_space<vmem>> -> memref<1x128x16xf32, #tpu.memory_space<vmem>>
      %dma_wait3A_437 = tpu.memref_squeeze %dma_wait3A_436 : memref<1x128x16xf32, #tpu.memory_space<vmem>> -> memref<128x16xf32, #tpu.memory_space<vmem>>
      %dma_wait3A_438 = arith.constant 0 : i32
      %dma_wait3A_439 = tpu.memref_slice %arg10[%add3A_292, %dma_wait3A_438] : memref<80x128xi32, #tpu.memory_space<vmem>> -> memref<1x128xi32, #tpu.memory_space<vmem>>
      %dma_wait3A_440 = tpu.memref_squeeze %dma_wait3A_439 : memref<1x128xi32, #tpu.memory_space<vmem>> -> memref<128xi32, #tpu.memory_space<vmem>>
      %dma_wait3A_441 = arith.constant 0 : i32
      %dma_wait3A_442 = arith.constant 0 : i32
      %dma_wait3A_443 = tpu.memref_slice %arg12[%dma_wait3A_441, %dma_wait3A_442] : memref<10016x16xf32, #tpu.memory_space<vmem_shared>> -> memref<10016x16xf32, #tpu.memory_space<vmem_shared>>
      tpu.wait_indirect_dma semaphore(%arg14 : memref<!tpu.dma_semaphore, #tpu.memory_space<semaphore_mem>>) src(%dma_wait3A_437 : memref<128x16xf32, #tpu.memory_space<vmem>>) dst(%dma_wait3A_443 : memref<10016x16xf32, #tpu.memory_space<vmem_shared>>)
      %dma_wait3A_444 = arith.constant 4 : i32
      %dma_wait3A_445 = arith.constant 0 : i32
      %dma_wait3A_446 = arith.constant 0 : i32
      %dma_wait3A_447 = tpu.memref_slice %arg11[%dma_wait3A_444, %dma_wait3A_445, %dma_wait3A_446] : memref<8x128x16xf32, #tpu.memory_space<vmem>> -> memref<1x128x16xf32, #tpu.memory_space<vmem>>
      %dma_wait3A_448 = tpu.memref_squeeze %dma_wait3A_447 : memref<1x128x16xf32, #tpu.memory_space<vmem>> -> memref<128x16xf32, #tpu.memory_space<vmem>>
      %dma_wait3A_449 = arith.constant 0 : i32
      %dma_wait3A_450 = tpu.memref_slice %arg10[%add3A_316, %dma_wait3A_449] : memref<80x128xi32, #tpu.memory_space<vmem>> -> memref<1x128xi32, #tpu.memory_space<vmem>>
      %dma_wait3A_451 = tpu.memref_squeeze %dma_wait3A_450 : memref<1x128xi32, #tpu.memory_space<vmem>> -> memref<128xi32, #tpu.memory_space<vmem>>
      %dma_wait3A_452 = arith.constant 0 : i32
      %dma_wait3A_453 = arith.constant 0 : i32
      %dma_wait3A_454 = tpu.memref_slice %arg12[%dma_wait3A_452, %dma_wait3A_453] : memref<10016x16xf32, #tpu.memory_space<vmem_shared>> -> memref<10016x16xf32, #tpu.memory_space<vmem_shared>>
      tpu.wait_indirect_dma semaphore(%arg14 : memref<!tpu.dma_semaphore, #tpu.memory_space<semaphore_mem>>) src(%dma_wait3A_448 : memref<128x16xf32, #tpu.memory_space<vmem>>) dst(%dma_wait3A_454 : memref<10016x16xf32, #tpu.memory_space<vmem_shared>>)
      %dma_wait3A_455 = arith.constant 5 : i32
      %dma_wait3A_456 = arith.constant 0 : i32
      %dma_wait3A_457 = arith.constant 0 : i32
      %dma_wait3A_458 = tpu.memref_slice %arg11[%dma_wait3A_455, %dma_wait3A_456, %dma_wait3A_457] : memref<8x128x16xf32, #tpu.memory_space<vmem>> -> memref<1x128x16xf32, #tpu.memory_space<vmem>>
      %dma_wait3A_459 = tpu.memref_squeeze %dma_wait3A_458 : memref<1x128x16xf32, #tpu.memory_space<vmem>> -> memref<128x16xf32, #tpu.memory_space<vmem>>
      %dma_wait3A_460 = arith.constant 0 : i32
      %dma_wait3A_461 = tpu.memref_slice %arg10[%add3A_340, %dma_wait3A_460] : memref<80x128xi32, #tpu.memory_space<vmem>> -> memref<1x128xi32, #tpu.memory_space<vmem>>
      %dma_wait3A_462 = tpu.memref_squeeze %dma_wait3A_461 : memref<1x128xi32, #tpu.memory_space<vmem>> -> memref<128xi32, #tpu.memory_space<vmem>>
      %dma_wait3A_463 = arith.constant 0 : i32
      %dma_wait3A_464 = arith.constant 0 : i32
      %dma_wait3A_465 = tpu.memref_slice %arg12[%dma_wait3A_463, %dma_wait3A_464] : memref<10016x16xf32, #tpu.memory_space<vmem_shared>> -> memref<10016x16xf32, #tpu.memory_space<vmem_shared>>
      tpu.wait_indirect_dma semaphore(%arg14 : memref<!tpu.dma_semaphore, #tpu.memory_space<semaphore_mem>>) src(%dma_wait3A_459 : memref<128x16xf32, #tpu.memory_space<vmem>>) dst(%dma_wait3A_465 : memref<10016x16xf32, #tpu.memory_space<vmem_shared>>)
      %dma_wait3A_466 = arith.constant 6 : i32
      %dma_wait3A_467 = arith.constant 0 : i32
      %dma_wait3A_468 = arith.constant 0 : i32
      %dma_wait3A_469 = tpu.memref_slice %arg11[%dma_wait3A_466, %dma_wait3A_467, %dma_wait3A_468] : memref<8x128x16xf32, #tpu.memory_space<vmem>> -> memref<1x128x16xf32, #tpu.memory_space<vmem>>
      %dma_wait3A_470 = tpu.memref_squeeze %dma_wait3A_469 : memref<1x128x16xf32, #tpu.memory_space<vmem>> -> memref<128x16xf32, #tpu.memory_space<vmem>>
      %dma_wait3A_471 = arith.constant 0 : i32
      %dma_wait3A_472 = tpu.memref_slice %arg10[%add3A_364, %dma_wait3A_471] : memref<80x128xi32, #tpu.memory_space<vmem>> -> memref<1x128xi32, #tpu.memory_space<vmem>>
      %dma_wait3A_473 = tpu.memref_squeeze %dma_wait3A_472 : memref<1x128xi32, #tpu.memory_space<vmem>> -> memref<128xi32, #tpu.memory_space<vmem>>
      %dma_wait3A_474 = arith.constant 0 : i32
      %dma_wait3A_475 = arith.constant 0 : i32
      %dma_wait3A_476 = tpu.memref_slice %arg12[%dma_wait3A_474, %dma_wait3A_475] : memref<10016x16xf32, #tpu.memory_space<vmem_shared>> -> memref<10016x16xf32, #tpu.memory_space<vmem_shared>>
      tpu.wait_indirect_dma semaphore(%arg14 : memref<!tpu.dma_semaphore, #tpu.memory_space<semaphore_mem>>) src(%dma_wait3A_470 : memref<128x16xf32, #tpu.memory_space<vmem>>) dst(%dma_wait3A_476 : memref<10016x16xf32, #tpu.memory_space<vmem_shared>>)
      %dma_wait3A_477 = arith.constant 7 : i32
      %dma_wait3A_478 = arith.constant 0 : i32
      %dma_wait3A_479 = arith.constant 0 : i32
      %dma_wait3A_480 = tpu.memref_slice %arg11[%dma_wait3A_477, %dma_wait3A_478, %dma_wait3A_479] : memref<8x128x16xf32, #tpu.memory_space<vmem>> -> memref<1x128x16xf32, #tpu.memory_space<vmem>>
      %dma_wait3A_481 = tpu.memref_squeeze %dma_wait3A_480 : memref<1x128x16xf32, #tpu.memory_space<vmem>> -> memref<128x16xf32, #tpu.memory_space<vmem>>
      %dma_wait3A_482 = arith.constant 0 : i32
      %dma_wait3A_483 = tpu.memref_slice %arg10[%add3A_388, %dma_wait3A_482] : memref<80x128xi32, #tpu.memory_space<vmem>> -> memref<1x128xi32, #tpu.memory_space<vmem>>
      %dma_wait3A_484 = tpu.memref_squeeze %dma_wait3A_483 : memref<1x128xi32, #tpu.memory_space<vmem>> -> memref<128xi32, #tpu.memory_space<vmem>>
      %dma_wait3A_485 = arith.constant 0 : i32
      %dma_wait3A_486 = arith.constant 0 : i32
      %dma_wait3A_487 = tpu.memref_slice %arg12[%dma_wait3A_485, %dma_wait3A_486] : memref<10016x16xf32, #tpu.memory_space<vmem_shared>> -> memref<10016x16xf32, #tpu.memory_space<vmem_shared>>
      tpu.wait_indirect_dma semaphore(%arg14 : memref<!tpu.dma_semaphore, #tpu.memory_space<semaphore_mem>>) src(%dma_wait3A_481 : memref<128x16xf32, #tpu.memory_space<vmem>>) dst(%dma_wait3A_487 : memref<10016x16xf32, #tpu.memory_space<vmem_shared>>)
    }
    %while3A_92 = arith.constant 1 : i32
    scf.for %while3A_104 = %while3A_90 to %while3A_86 step %while3A_92  : i32 {
      %mul3A_105 = arith.constant 8 : i32
      %mul3A_106 = arith.muli %while3A_104, %mul3A_105 : i32
      %add3A = arith.constant 0 : i32
      %add3A_107 = arith.addi %mul3A_106, %add3A : i32
      %dma_start3A = arith.constant 0 : i32
      %dma_start3A_108 = arith.constant 0 : i32
      %dma_start3A_109 = arith.constant 0 : i32
      %dma_start3A_110 = tpu.memref_slice %arg11[%dma_start3A, %dma_start3A_108, %dma_start3A_109] : memref<8x128x16xf32, #tpu.memory_space<vmem>> -> memref<1x128x16xf32, #tpu.memory_space<vmem>>
      %dma_start3A_111 = tpu.memref_squeeze %dma_start3A_110 : memref<1x128x16xf32, #tpu.memory_space<vmem>> -> memref<128x16xf32, #tpu.memory_space<vmem>>
      %dma_start3A_112 = arith.constant 0 : i32
      %dma_start3A_113 = tpu.memref_slice %arg9[%add3A_107, %dma_start3A_112] : memref<80x128xi32, #tpu.memory_space<vmem>> -> memref<1x128xi32, #tpu.memory_space<vmem>>
      %dma_start3A_114 = tpu.memref_squeeze %dma_start3A_113 : memref<1x128xi32, #tpu.memory_space<vmem>> -> memref<128xi32, #tpu.memory_space<vmem>>
      %dma_start3A_115 = arith.constant 0 : i32
      %dma_start3A_116 = arith.constant 0 : i32
      %dma_start3A_117 = tpu.memref_slice %arg2[%dma_start3A_115, %dma_start3A_116] : memref<10016x16xf32, #tpu.memory_space<hbm>> -> memref<10016x16xf32, #tpu.memory_space<hbm>>
      tpu.enqueue_indirect_dma source(%dma_start3A_117 : memref<10016x16xf32, #tpu.memory_space<hbm>>) target(%dma_start3A_111 : memref<128x16xf32, #tpu.memory_space<vmem>>) offsets(%dma_start3A_114 : memref<128xi32, #tpu.memory_space<vmem>>) semaphore(%arg13 : memref<!tpu.dma_semaphore, #tpu.memory_space<semaphore_mem>>)
      %add3A_118 = arith.constant 1 : i32
      %add3A_119 = arith.addi %mul3A_106, %add3A_118 : i32
      %dma_start3A_120 = arith.constant 1 : i32
      %dma_start3A_121 = arith.constant 0 : i32
      %dma_start3A_122 = arith.constant 0 : i32
      %dma_start3A_123 = tpu.memref_slice %arg11[%dma_start3A_120, %dma_start3A_121, %dma_start3A_122] : memref<8x128x16xf32, #tpu.memory_space<vmem>> -> memref<1x128x16xf32, #tpu.memory_space<vmem>>
      %dma_start3A_124 = tpu.memref_squeeze %dma_start3A_123 : memref<1x128x16xf32, #tpu.memory_space<vmem>> -> memref<128x16xf32, #tpu.memory_space<vmem>>
      %dma_start3A_125 = arith.constant 0 : i32
      %dma_start3A_126 = tpu.memref_slice %arg9[%add3A_119, %dma_start3A_125] : memref<80x128xi32, #tpu.memory_space<vmem>> -> memref<1x128xi32, #tpu.memory_space<vmem>>
      %dma_start3A_127 = tpu.memref_squeeze %dma_start3A_126 : memref<1x128xi32, #tpu.memory_space<vmem>> -> memref<128xi32, #tpu.memory_space<vmem>>
      %dma_start3A_128 = arith.constant 0 : i32
      %dma_start3A_129 = arith.constant 0 : i32
      %dma_start3A_130 = tpu.memref_slice %arg2[%dma_start3A_128, %dma_start3A_129] : memref<10016x16xf32, #tpu.memory_space<hbm>> -> memref<10016x16xf32, #tpu.memory_space<hbm>>
      tpu.enqueue_indirect_dma source(%dma_start3A_130 : memref<10016x16xf32, #tpu.memory_space<hbm>>) target(%dma_start3A_124 : memref<128x16xf32, #tpu.memory_space<vmem>>) offsets(%dma_start3A_127 : memref<128xi32, #tpu.memory_space<vmem>>) semaphore(%arg13 : memref<!tpu.dma_semaphore, #tpu.memory_space<semaphore_mem>>)
      %add3A_131 = arith.constant 2 : i32
      %add3A_132 = arith.addi %mul3A_106, %add3A_131 : i32
      %dma_start3A_133 = arith.constant 2 : i32
      %dma_start3A_134 = arith.constant 0 : i32
      %dma_start3A_135 = arith.constant 0 : i32
      %dma_start3A_136 = tpu.memref_slice %arg11[%dma_start3A_133, %dma_start3A_134, %dma_start3A_135] : memref<8x128x16xf32, #tpu.memory_space<vmem>> -> memref<1x128x16xf32, #tpu.memory_space<vmem>>
      %dma_start3A_137 = tpu.memref_squeeze %dma_start3A_136 : memref<1x128x16xf32, #tpu.memory_space<vmem>> -> memref<128x16xf32, #tpu.memory_space<vmem>>
      %dma_start3A_138 = arith.constant 0 : i32
      %dma_start3A_139 = tpu.memref_slice %arg9[%add3A_132, %dma_start3A_138] : memref<80x128xi32, #tpu.memory_space<vmem>> -> memref<1x128xi32, #tpu.memory_space<vmem>>
      %dma_start3A_140 = tpu.memref_squeeze %dma_start3A_139 : memref<1x128xi32, #tpu.memory_space<vmem>> -> memref<128xi32, #tpu.memory_space<vmem>>
      %dma_start3A_141 = arith.constant 0 : i32
      %dma_start3A_142 = arith.constant 0 : i32
      %dma_start3A_143 = tpu.memref_slice %arg2[%dma_start3A_141, %dma_start3A_142] : memref<10016x16xf32, #tpu.memory_space<hbm>> -> memref<10016x16xf32, #tpu.memory_space<hbm>>
      tpu.enqueue_indirect_dma source(%dma_start3A_143 : memref<10016x16xf32, #tpu.memory_space<hbm>>) target(%dma_start3A_137 : memref<128x16xf32, #tpu.memory_space<vmem>>) offsets(%dma_start3A_140 : memref<128xi32, #tpu.memory_space<vmem>>) semaphore(%arg13 : memref<!tpu.dma_semaphore, #tpu.memory_space<semaphore_mem>>)
      %add3A_144 = arith.constant 3 : i32
      %add3A_145 = arith.addi %mul3A_106, %add3A_144 : i32
      %dma_start3A_146 = arith.constant 3 : i32
      %dma_start3A_147 = arith.constant 0 : i32
      %dma_start3A_148 = arith.constant 0 : i32
      %dma_start3A_149 = tpu.memref_slice %arg11[%dma_start3A_146, %dma_start3A_147, %dma_start3A_148] : memref<8x128x16xf32, #tpu.memory_space<vmem>> -> memref<1x128x16xf32, #tpu.memory_space<vmem>>
      %dma_start3A_150 = tpu.memref_squeeze %dma_start3A_149 : memref<1x128x16xf32, #tpu.memory_space<vmem>> -> memref<128x16xf32, #tpu.memory_space<vmem>>
      %dma_start3A_151 = arith.constant 0 : i32
      %dma_start3A_152 = tpu.memref_slice %arg9[%add3A_145, %dma_start3A_151] : memref<80x128xi32, #tpu.memory_space<vmem>> -> memref<1x128xi32, #tpu.memory_space<vmem>>
      %dma_start3A_153 = tpu.memref_squeeze %dma_start3A_152 : memref<1x128xi32, #tpu.memory_space<vmem>> -> memref<128xi32, #tpu.memory_space<vmem>>
      %dma_start3A_154 = arith.constant 0 : i32
      %dma_start3A_155 = arith.constant 0 : i32
      %dma_start3A_156 = tpu.memref_slice %arg2[%dma_start3A_154, %dma_start3A_155] : memref<10016x16xf32, #tpu.memory_space<hbm>> -> memref<10016x16xf32, #tpu.memory_space<hbm>>
      tpu.enqueue_indirect_dma source(%dma_start3A_156 : memref<10016x16xf32, #tpu.memory_space<hbm>>) target(%dma_start3A_150 : memref<128x16xf32, #tpu.memory_space<vmem>>) offsets(%dma_start3A_153 : memref<128xi32, #tpu.memory_space<vmem>>) semaphore(%arg13 : memref<!tpu.dma_semaphore, #tpu.memory_space<semaphore_mem>>)
      %add3A_157 = arith.constant 4 : i32
      %add3A_158 = arith.addi %mul3A_106, %add3A_157 : i32
      %dma_start3A_159 = arith.constant 4 : i32
      %dma_start3A_160 = arith.constant 0 : i32
      %dma_start3A_161 = arith.constant 0 : i32
      %dma_start3A_162 = tpu.memref_slice %arg11[%dma_start3A_159, %dma_start3A_160, %dma_start3A_161] : memref<8x128x16xf32, #tpu.memory_space<vmem>> -> memref<1x128x16xf32, #tpu.memory_space<vmem>>
      %dma_start3A_163 = tpu.memref_squeeze %dma_start3A_162 : memref<1x128x16xf32, #tpu.memory_space<vmem>> -> memref<128x16xf32, #tpu.memory_space<vmem>>
      %dma_start3A_164 = arith.constant 0 : i32
      %dma_start3A_165 = tpu.memref_slice %arg9[%add3A_158, %dma_start3A_164] : memref<80x128xi32, #tpu.memory_space<vmem>> -> memref<1x128xi32, #tpu.memory_space<vmem>>
      %dma_start3A_166 = tpu.memref_squeeze %dma_start3A_165 : memref<1x128xi32, #tpu.memory_space<vmem>> -> memref<128xi32, #tpu.memory_space<vmem>>
      %dma_start3A_167 = arith.constant 0 : i32
      %dma_start3A_168 = arith.constant 0 : i32
      %dma_start3A_169 = tpu.memref_slice %arg2[%dma_start3A_167, %dma_start3A_168] : memref<10016x16xf32, #tpu.memory_space<hbm>> -> memref<10016x16xf32, #tpu.memory_space<hbm>>
      tpu.enqueue_indirect_dma source(%dma_start3A_169 : memref<10016x16xf32, #tpu.memory_space<hbm>>) target(%dma_start3A_163 : memref<128x16xf32, #tpu.memory_space<vmem>>) offsets(%dma_start3A_166 : memref<128xi32, #tpu.memory_space<vmem>>) semaphore(%arg13 : memref<!tpu.dma_semaphore, #tpu.memory_space<semaphore_mem>>)
      %add3A_170 = arith.constant 5 : i32
      %add3A_171 = arith.addi %mul3A_106, %add3A_170 : i32
      %dma_start3A_172 = arith.constant 5 : i32
      %dma_start3A_173 = arith.constant 0 : i32
      %dma_start3A_174 = arith.constant 0 : i32
      %dma_start3A_175 = tpu.memref_slice %arg11[%dma_start3A_172, %dma_start3A_173, %dma_start3A_174] : memref<8x128x16xf32, #tpu.memory_space<vmem>> -> memref<1x128x16xf32, #tpu.memory_space<vmem>>
      %dma_start3A_176 = tpu.memref_squeeze %dma_start3A_175 : memref<1x128x16xf32, #tpu.memory_space<vmem>> -> memref<128x16xf32, #tpu.memory_space<vmem>>
      %dma_start3A_177 = arith.constant 0 : i32
      %dma_start3A_178 = tpu.memref_slice %arg9[%add3A_171, %dma_start3A_177] : memref<80x128xi32, #tpu.memory_space<vmem>> -> memref<1x128xi32, #tpu.memory_space<vmem>>
      %dma_start3A_179 = tpu.memref_squeeze %dma_start3A_178 : memref<1x128xi32, #tpu.memory_space<vmem>> -> memref<128xi32, #tpu.memory_space<vmem>>
      %dma_start3A_180 = arith.constant 0 : i32
      %dma_start3A_181 = arith.constant 0 : i32
      %dma_start3A_182 = tpu.memref_slice %arg2[%dma_start3A_180, %dma_start3A_181] : memref<10016x16xf32, #tpu.memory_space<hbm>> -> memref<10016x16xf32, #tpu.memory_space<hbm>>
      tpu.enqueue_indirect_dma source(%dma_start3A_182 : memref<10016x16xf32, #tpu.memory_space<hbm>>) target(%dma_start3A_176 : memref<128x16xf32, #tpu.memory_space<vmem>>) offsets(%dma_start3A_179 : memref<128xi32, #tpu.memory_space<vmem>>) semaphore(%arg13 : memref<!tpu.dma_semaphore, #tpu.memory_space<semaphore_mem>>)
      %add3A_183 = arith.constant 6 : i32
      %add3A_184 = arith.addi %mul3A_106, %add3A_183 : i32
      %dma_start3A_185 = arith.constant 6 : i32
      %dma_start3A_186 = arith.constant 0 : i32
      %dma_start3A_187 = arith.constant 0 : i32
      %dma_start3A_188 = tpu.memref_slice %arg11[%dma_start3A_185, %dma_start3A_186, %dma_start3A_187] : memref<8x128x16xf32, #tpu.memory_space<vmem>> -> memref<1x128x16xf32, #tpu.memory_space<vmem>>
      %dma_start3A_189 = tpu.memref_squeeze %dma_start3A_188 : memref<1x128x16xf32, #tpu.memory_space<vmem>> -> memref<128x16xf32, #tpu.memory_space<vmem>>
      %dma_start3A_190 = arith.constant 0 : i32
      %dma_start3A_191 = tpu.memref_slice %arg9[%add3A_184, %dma_start3A_190] : memref<80x128xi32, #tpu.memory_space<vmem>> -> memref<1x128xi32, #tpu.memory_space<vmem>>
      %dma_start3A_192 = tpu.memref_squeeze %dma_start3A_191 : memref<1x128xi32, #tpu.memory_space<vmem>> -> memref<128xi32, #tpu.memory_space<vmem>>
      %dma_start3A_193 = arith.constant 0 : i32
      %dma_start3A_194 = arith.constant 0 : i32
      %dma_start3A_195 = tpu.memref_slice %arg2[%dma_start3A_193, %dma_start3A_194] : memref<10016x16xf32, #tpu.memory_space<hbm>> -> memref<10016x16xf32, #tpu.memory_space<hbm>>
      tpu.enqueue_indirect_dma source(%dma_start3A_195 : memref<10016x16xf32, #tpu.memory_space<hbm>>) target(%dma_start3A_189 : memref<128x16xf32, #tpu.memory_space<vmem>>) offsets(%dma_start3A_192 : memref<128xi32, #tpu.memory_space<vmem>>) semaphore(%arg13 : memref<!tpu.dma_semaphore, #tpu.memory_space<semaphore_mem>>)
      %add3A_196 = arith.constant 7 : i32
      %add3A_197 = arith.addi %mul3A_106, %add3A_196 : i32
      %dma_start3A_198 = arith.constant 7 : i32
      %dma_start3A_199 = arith.constant 0 : i32
      %dma_start3A_200 = arith.constant 0 : i32
      %dma_start3A_201 = tpu.memref_slice %arg11[%dma_start3A_198, %dma_start3A_199, %dma_start3A_200] : memref<8x128x16xf32, #tpu.memory_space<vmem>> -> memref<1x128x16xf32, #tpu.memory_space<vmem>>
      %dma_start3A_202 = tpu.memref_squeeze %dma_start3A_201 : memref<1x128x16xf32, #tpu.memory_space<vmem>> -> memref<128x16xf32, #tpu.memory_space<vmem>>
      %dma_start3A_203 = arith.constant 0 : i32
      %dma_start3A_204 = tpu.memref_slice %arg9[%add3A_197, %dma_start3A_203] : memref<80x128xi32, #tpu.memory_space<vmem>> -> memref<1x128xi32, #tpu.memory_space<vmem>>
      %dma_start3A_205 = tpu.memref_squeeze %dma_start3A_204 : memref<1x128xi32, #tpu.memory_space<vmem>> -> memref<128xi32, #tpu.memory_space<vmem>>
      %dma_start3A_206 = arith.constant 0 : i32
      %dma_start3A_207 = arith.constant 0 : i32
      %dma_start3A_208 = tpu.memref_slice %arg2[%dma_start3A_206, %dma_start3A_207] : memref<10016x16xf32, #tpu.memory_space<hbm>> -> memref<10016x16xf32, #tpu.memory_space<hbm>>
      tpu.enqueue_indirect_dma source(%dma_start3A_208 : memref<10016x16xf32, #tpu.memory_space<hbm>>) target(%dma_start3A_202 : memref<128x16xf32, #tpu.memory_space<vmem>>) offsets(%dma_start3A_205 : memref<128xi32, #tpu.memory_space<vmem>>) semaphore(%arg13 : memref<!tpu.dma_semaphore, #tpu.memory_space<semaphore_mem>>)
      %dma_wait3A = arith.constant 0 : i32
      %dma_wait3A_209 = arith.constant 0 : i32
      %dma_wait3A_210 = arith.constant 0 : i32
      %dma_wait3A_211 = tpu.memref_slice %arg11[%dma_wait3A, %dma_wait3A_209, %dma_wait3A_210] : memref<8x128x16xf32, #tpu.memory_space<vmem>> -> memref<1x128x16xf32, #tpu.memory_space<vmem>>
      %dma_wait3A_212 = tpu.memref_squeeze %dma_wait3A_211 : memref<1x128x16xf32, #tpu.memory_space<vmem>> -> memref<128x16xf32, #tpu.memory_space<vmem>>
      %dma_wait3A_213 = arith.constant 0 : i32
      %dma_wait3A_214 = tpu.memref_slice %arg9[%add3A_107, %dma_wait3A_213] : memref<80x128xi32, #tpu.memory_space<vmem>> -> memref<1x128xi32, #tpu.memory_space<vmem>>
      %dma_wait3A_215 = tpu.memref_squeeze %dma_wait3A_214 : memref<1x128xi32, #tpu.memory_space<vmem>> -> memref<128xi32, #tpu.memory_space<vmem>>
      %dma_wait3A_216 = arith.constant 0 : i32
      %dma_wait3A_217 = arith.constant 0 : i32
      %dma_wait3A_218 = tpu.memref_slice %arg2[%dma_wait3A_216, %dma_wait3A_217] : memref<10016x16xf32, #tpu.memory_space<hbm>> -> memref<10016x16xf32, #tpu.memory_space<hbm>>
      tpu.wait_indirect_dma semaphore(%arg13 : memref<!tpu.dma_semaphore, #tpu.memory_space<semaphore_mem>>) src(%dma_wait3A_218 : memref<10016x16xf32, #tpu.memory_space<hbm>>) dst(%dma_wait3A_212 : memref<128x16xf32, #tpu.memory_space<vmem>>)
      %add3A_219 = arith.constant 0 : i32
      %add3A_220 = arith.addi %mul3A_106, %add3A_219 : i32
      %dma_start3A_221 = arith.constant 0 : i32
      %dma_start3A_222 = arith.constant 0 : i32
      %dma_start3A_223 = arith.constant 0 : i32
      %dma_start3A_224 = tpu.memref_slice %arg11[%dma_start3A_221, %dma_start3A_222, %dma_start3A_223] : memref<8x128x16xf32, #tpu.memory_space<vmem>> -> memref<1x128x16xf32, #tpu.memory_space<vmem>>
      %dma_start3A_225 = tpu.memref_squeeze %dma_start3A_224 : memref<1x128x16xf32, #tpu.memory_space<vmem>> -> memref<128x16xf32, #tpu.memory_space<vmem>>
      %dma_start3A_226 = arith.constant 0 : i32
      %dma_start3A_227 = tpu.memref_slice %arg10[%add3A_220, %dma_start3A_226] : memref<80x128xi32, #tpu.memory_space<vmem>> -> memref<1x128xi32, #tpu.memory_space<vmem>>
      %dma_start3A_228 = tpu.memref_squeeze %dma_start3A_227 : memref<1x128xi32, #tpu.memory_space<vmem>> -> memref<128xi32, #tpu.memory_space<vmem>>
      %dma_start3A_229 = arith.constant 0 : i32
      %dma_start3A_230 = arith.constant 0 : i32
      %dma_start3A_231 = tpu.memref_slice %arg12[%dma_start3A_229, %dma_start3A_230] : memref<10016x16xf32, #tpu.memory_space<vmem_shared>> -> memref<10016x16xf32, #tpu.memory_space<vmem_shared>>
      tpu.enqueue_indirect_dma source(%dma_start3A_225 : memref<128x16xf32, #tpu.memory_space<vmem>>) target(%dma_start3A_231 : memref<10016x16xf32, #tpu.memory_space<vmem_shared>>) offsets(%dma_start3A_228 : memref<128xi32, #tpu.memory_space<vmem>>) semaphore(%arg14 : memref<!tpu.dma_semaphore, #tpu.memory_space<semaphore_mem>>) {add = true}
      %dma_wait3A_232 = arith.constant 1 : i32
      %dma_wait3A_233 = arith.constant 0 : i32
      %dma_wait3A_234 = arith.constant 0 : i32
      %dma_wait3A_235 = tpu.memref_slice %arg11[%dma_wait3A_232, %dma_wait3A_233, %dma_wait3A_234] : memref<8x128x16xf32, #tpu.memory_space<vmem>> -> memref<1x128x16xf32, #tpu.memory_space<vmem>>
      %dma_wait3A_236 = tpu.memref_squeeze %dma_wait3A_235 : memref<1x128x16xf32, #tpu.memory_space<vmem>> -> memref<128x16xf32, #tpu.memory_space<vmem>>
      %dma_wait3A_237 = arith.constant 0 : i32
      %dma_wait3A_238 = tpu.memref_slice %arg9[%add3A_119, %dma_wait3A_237] : memref<80x128xi32, #tpu.memory_space<vmem>> -> memref<1x128xi32, #tpu.memory_space<vmem>>
      %dma_wait3A_239 = tpu.memref_squeeze %dma_wait3A_238 : memref<1x128xi32, #tpu.memory_space<vmem>> -> memref<128xi32, #tpu.memory_space<vmem>>
      %dma_wait3A_240 = arith.constant 0 : i32
      %dma_wait3A_241 = arith.constant 0 : i32
      %dma_wait3A_242 = tpu.memref_slice %arg2[%dma_wait3A_240, %dma_wait3A_241] : memref<10016x16xf32, #tpu.memory_space<hbm>> -> memref<10016x16xf32, #tpu.memory_space<hbm>>
      tpu.wait_indirect_dma semaphore(%arg13 : memref<!tpu.dma_semaphore, #tpu.memory_space<semaphore_mem>>) src(%dma_wait3A_242 : memref<10016x16xf32, #tpu.memory_space<hbm>>) dst(%dma_wait3A_236 : memref<128x16xf32, #tpu.memory_space<vmem>>)
      %add3A_243 = arith.constant 1 : i32
      %add3A_244 = arith.addi %mul3A_106, %add3A_243 : i32
      %dma_start3A_245 = arith.constant 1 : i32
      %dma_start3A_246 = arith.constant 0 : i32
      %dma_start3A_247 = arith.constant 0 : i32
      %dma_start3A_248 = tpu.memref_slice %arg11[%dma_start3A_245, %dma_start3A_246, %dma_start3A_247] : memref<8x128x16xf32, #tpu.memory_space<vmem>> -> memref<1x128x16xf32, #tpu.memory_space<vmem>>
      %dma_start3A_249 = tpu.memref_squeeze %dma_start3A_248 : memref<1x128x16xf32, #tpu.memory_space<vmem>> -> memref<128x16xf32, #tpu.memory_space<vmem>>
      %dma_start3A_250 = arith.constant 0 : i32
      %dma_start3A_251 = tpu.memref_slice %arg10[%add3A_244, %dma_start3A_250] : memref<80x128xi32, #tpu.memory_space<vmem>> -> memref<1x128xi32, #tpu.memory_space<vmem>>
      %dma_start3A_252 = tpu.memref_squeeze %dma_start3A_251 : memref<1x128xi32, #tpu.memory_space<vmem>> -> memref<128xi32, #tpu.memory_space<vmem>>
      %dma_start3A_253 = arith.constant 0 : i32
      %dma_start3A_254 = arith.constant 0 : i32
      %dma_start3A_255 = tpu.memref_slice %arg12[%dma_start3A_253, %dma_start3A_254] : memref<10016x16xf32, #tpu.memory_space<vmem_shared>> -> memref<10016x16xf32, #tpu.memory_space<vmem_shared>>
      tpu.enqueue_indirect_dma source(%dma_start3A_249 : memref<128x16xf32, #tpu.memory_space<vmem>>) target(%dma_start3A_255 : memref<10016x16xf32, #tpu.memory_space<vmem_shared>>) offsets(%dma_start3A_252 : memref<128xi32, #tpu.memory_space<vmem>>) semaphore(%arg14 : memref<!tpu.dma_semaphore, #tpu.memory_space<semaphore_mem>>) {add = true}
      %dma_wait3A_256 = arith.constant 2 : i32
      %dma_wait3A_257 = arith.constant 0 : i32
      %dma_wait3A_258 = arith.constant 0 : i32
      %dma_wait3A_259 = tpu.memref_slice %arg11[%dma_wait3A_256, %dma_wait3A_257, %dma_wait3A_258] : memref<8x128x16xf32, #tpu.memory_space<vmem>> -> memref<1x128x16xf32, #tpu.memory_space<vmem>>
      %dma_wait3A_260 = tpu.memref_squeeze %dma_wait3A_259 : memref<1x128x16xf32, #tpu.memory_space<vmem>> -> memref<128x16xf32, #tpu.memory_space<vmem>>
      %dma_wait3A_261 = arith.constant 0 : i32
      %dma_wait3A_262 = tpu.memref_slice %arg9[%add3A_132, %dma_wait3A_261] : memref<80x128xi32, #tpu.memory_space<vmem>> -> memref<1x128xi32, #tpu.memory_space<vmem>>
      %dma_wait3A_263 = tpu.memref_squeeze %dma_wait3A_262 : memref<1x128xi32, #tpu.memory_space<vmem>> -> memref<128xi32, #tpu.memory_space<vmem>>
      %dma_wait3A_264 = arith.constant 0 : i32
      %dma_wait3A_265 = arith.constant 0 : i32
      %dma_wait3A_266 = tpu.memref_slice %arg2[%dma_wait3A_264, %dma_wait3A_265] : memref<10016x16xf32, #tpu.memory_space<hbm>> -> memref<10016x16xf32, #tpu.memory_space<hbm>>
      tpu.wait_indirect_dma semaphore(%arg13 : memref<!tpu.dma_semaphore, #tpu.memory_space<semaphore_mem>>) src(%dma_wait3A_266 : memref<10016x16xf32, #tpu.memory_space<hbm>>) dst(%dma_wait3A_260 : memref<128x16xf32, #tpu.memory_space<vmem>>)
      %add3A_267 = arith.constant 2 : i32
      %add3A_268 = arith.addi %mul3A_106, %add3A_267 : i32
      %dma_start3A_269 = arith.constant 2 : i32
      %dma_start3A_270 = arith.constant 0 : i32
      %dma_start3A_271 = arith.constant 0 : i32
      %dma_start3A_272 = tpu.memref_slice %arg11[%dma_start3A_269, %dma_start3A_270, %dma_start3A_271] : memref<8x128x16xf32, #tpu.memory_space<vmem>> -> memref<1x128x16xf32, #tpu.memory_space<vmem>>
      %dma_start3A_273 = tpu.memref_squeeze %dma_start3A_272 : memref<1x128x16xf32, #tpu.memory_space<vmem>> -> memref<128x16xf32, #tpu.memory_space<vmem>>
      %dma_start3A_274 = arith.constant 0 : i32
      %dma_start3A_275 = tpu.memref_slice %arg10[%add3A_268, %dma_start3A_274] : memref<80x128xi32, #tpu.memory_space<vmem>> -> memref<1x128xi32, #tpu.memory_space<vmem>>
      %dma_start3A_276 = tpu.memref_squeeze %dma_start3A_275 : memref<1x128xi32, #tpu.memory_space<vmem>> -> memref<128xi32, #tpu.memory_space<vmem>>
      %dma_start3A_277 = arith.constant 0 : i32
      %dma_start3A_278 = arith.constant 0 : i32
      %dma_start3A_279 = tpu.memref_slice %arg12[%dma_start3A_277, %dma_start3A_278] : memref<10016x16xf32, #tpu.memory_space<vmem_shared>> -> memref<10016x16xf32, #tpu.memory_space<vmem_shared>>
      tpu.enqueue_indirect_dma source(%dma_start3A_273 : memref<128x16xf32, #tpu.memory_space<vmem>>) target(%dma_start3A_279 : memref<10016x16xf32, #tpu.memory_space<vmem_shared>>) offsets(%dma_start3A_276 : memref<128xi32, #tpu.memory_space<vmem>>) semaphore(%arg14 : memref<!tpu.dma_semaphore, #tpu.memory_space<semaphore_mem>>) {add = true}
      %dma_wait3A_280 = arith.constant 3 : i32
      %dma_wait3A_281 = arith.constant 0 : i32
      %dma_wait3A_282 = arith.constant 0 : i32
      %dma_wait3A_283 = tpu.memref_slice %arg11[%dma_wait3A_280, %dma_wait3A_281, %dma_wait3A_282] : memref<8x128x16xf32, #tpu.memory_space<vmem>> -> memref<1x128x16xf32, #tpu.memory_space<vmem>>
      %dma_wait3A_284 = tpu.memref_squeeze %dma_wait3A_283 : memref<1x128x16xf32, #tpu.memory_space<vmem>> -> memref<128x16xf32, #tpu.memory_space<vmem>>
      %dma_wait3A_285 = arith.constant 0 : i32
      %dma_wait3A_286 = tpu.memref_slice %arg9[%add3A_145, %dma_wait3A_285] : memref<80x128xi32, #tpu.memory_space<vmem>> -> memref<1x128xi32, #tpu.memory_space<vmem>>
      %dma_wait3A_287 = tpu.memref_squeeze %dma_wait3A_286 : memref<1x128xi32, #tpu.memory_space<vmem>> -> memref<128xi32, #tpu.memory_space<vmem>>
      %dma_wait3A_288 = arith.constant 0 : i32
      %dma_wait3A_289 = arith.constant 0 : i32
      %dma_wait3A_290 = tpu.memref_slice %arg2[%dma_wait3A_288, %dma_wait3A_289] : memref<10016x16xf32, #tpu.memory_space<hbm>> -> memref<10016x16xf32, #tpu.memory_space<hbm>>
      tpu.wait_indirect_dma semaphore(%arg13 : memref<!tpu.dma_semaphore, #tpu.memory_space<semaphore_mem>>) src(%dma_wait3A_290 : memref<10016x16xf32, #tpu.memory_space<hbm>>) dst(%dma_wait3A_284 : memref<128x16xf32, #tpu.memory_space<vmem>>)
      %add3A_291 = arith.constant 3 : i32
      %add3A_292 = arith.addi %mul3A_106, %add3A_291 : i32
      %dma_start3A_293 = arith.constant 3 : i32
      %dma_start3A_294 = arith.constant 0 : i32
      %dma_start3A_295 = arith.constant 0 : i32
      %dma_start3A_296 = tpu.memref_slice %arg11[%dma_start3A_293, %dma_start3A_294, %dma_start3A_295] : memref<8x128x16xf32, #tpu.memory_space<vmem>> -> memref<1x128x16xf32, #tpu.memory_space<vmem>>
      %dma_start3A_297 = tpu.memref_squeeze %dma_start3A_296 : memref<1x128x16xf32, #tpu.memory_space<vmem>> -> memref<128x16xf32, #tpu.memory_space<vmem>>
      %dma_start3A_298 = arith.constant 0 : i32
      %dma_start3A_299 = tpu.memref_slice %arg10[%add3A_292, %dma_start3A_298] : memref<80x128xi32, #tpu.memory_space<vmem>> -> memref<1x128xi32, #tpu.memory_space<vmem>>
      %dma_start3A_300 = tpu.memref_squeeze %dma_start3A_299 : memref<1x128xi32, #tpu.memory_space<vmem>> -> memref<128xi32, #tpu.memory_space<vmem>>
      %dma_start3A_301 = arith.constant 0 : i32
      %dma_start3A_302 = arith.constant 0 : i32
      %dma_start3A_303 = tpu.memref_slice %arg12[%dma_start3A_301, %dma_start3A_302] : memref<10016x16xf32, #tpu.memory_space<vmem_shared>> -> memref<10016x16xf32, #tpu.memory_space<vmem_shared>>
      tpu.enqueue_indirect_dma source(%dma_start3A_297 : memref<128x16xf32, #tpu.memory_space<vmem>>) target(%dma_start3A_303 : memref<10016x16xf32, #tpu.memory_space<vmem_shared>>) offsets(%dma_start3A_300 : memref<128xi32, #tpu.memory_space<vmem>>) semaphore(%arg14 : memref<!tpu.dma_semaphore, #tpu.memory_space<semaphore_mem>>) {add = true}
      %dma_wait3A_304 = arith.constant 4 : i32
      %dma_wait3A_305 = arith.constant 0 : i32
      %dma_wait3A_306 = arith.constant 0 : i32
      %dma_wait3A_307 = tpu.memref_slice %arg11[%dma_wait3A_304, %dma_wait3A_305, %dma_wait3A_306] : memref<8x128x16xf32, #tpu.memory_space<vmem>> -> memref<1x128x16xf32, #tpu.memory_space<vmem>>
      %dma_wait3A_308 = tpu.memref_squeeze %dma_wait3A_307 : memref<1x128x16xf32, #tpu.memory_space<vmem>> -> memref<128x16xf32, #tpu.memory_space<vmem>>
      %dma_wait3A_309 = arith.constant 0 : i32
      %dma_wait3A_310 = tpu.memref_slice %arg9[%add3A_158, %dma_wait3A_309] : memref<80x128xi32, #tpu.memory_space<vmem>> -> memref<1x128xi32, #tpu.memory_space<vmem>>
      %dma_wait3A_311 = tpu.memref_squeeze %dma_wait3A_310 : memref<1x128xi32, #tpu.memory_space<vmem>> -> memref<128xi32, #tpu.memory_space<vmem>>
      %dma_wait3A_312 = arith.constant 0 : i32
      %dma_wait3A_313 = arith.constant 0 : i32
      %dma_wait3A_314 = tpu.memref_slice %arg2[%dma_wait3A_312, %dma_wait3A_313] : memref<10016x16xf32, #tpu.memory_space<hbm>> -> memref<10016x16xf32, #tpu.memory_space<hbm>>
      tpu.wait_indirect_dma semaphore(%arg13 : memref<!tpu.dma_semaphore, #tpu.memory_space<semaphore_mem>>) src(%dma_wait3A_314 : memref<10016x16xf32, #tpu.memory_space<hbm>>) dst(%dma_wait3A_308 : memref<128x16xf32, #tpu.memory_space<vmem>>)
      %add3A_315 = arith.constant 4 : i32
      %add3A_316 = arith.addi %mul3A_106, %add3A_315 : i32
      %dma_start3A_317 = arith.constant 4 : i32
      %dma_start3A_318 = arith.constant 0 : i32
      %dma_start3A_319 = arith.constant 0 : i32
      %dma_start3A_320 = tpu.memref_slice %arg11[%dma_start3A_317, %dma_start3A_318, %dma_start3A_319] : memref<8x128x16xf32, #tpu.memory_space<vmem>> -> memref<1x128x16xf32, #tpu.memory_space<vmem>>
      %dma_start3A_321 = tpu.memref_squeeze %dma_start3A_320 : memref<1x128x16xf32, #tpu.memory_space<vmem>> -> memref<128x16xf32, #tpu.memory_space<vmem>>
      %dma_start3A_322 = arith.constant 0 : i32
      %dma_start3A_323 = tpu.memref_slice %arg10[%add3A_316, %dma_start3A_322] : memref<80x128xi32, #tpu.memory_space<vmem>> -> memref<1x128xi32, #tpu.memory_space<vmem>>
      %dma_start3A_324 = tpu.memref_squeeze %dma_start3A_323 : memref<1x128xi32, #tpu.memory_space<vmem>> -> memref<128xi32, #tpu.memory_space<vmem>>
      %dma_start3A_325 = arith.constant 0 : i32
      %dma_start3A_326 = arith.constant 0 : i32
      %dma_start3A_327 = tpu.memref_slice %arg12[%dma_start3A_325, %dma_start3A_326] : memref<10016x16xf32, #tpu.memory_space<vmem_shared>> -> memref<10016x16xf32, #tpu.memory_space<vmem_shared>>
      tpu.enqueue_indirect_dma source(%dma_start3A_321 : memref<128x16xf32, #tpu.memory_space<vmem>>) target(%dma_start3A_327 : memref<10016x16xf32, #tpu.memory_space<vmem_shared>>) offsets(%dma_start3A_324 : memref<128xi32, #tpu.memory_space<vmem>>) semaphore(%arg14 : memref<!tpu.dma_semaphore, #tpu.memory_space<semaphore_mem>>) {add = true}
      %dma_wait3A_328 = arith.constant 5 : i32
      %dma_wait3A_329 = arith.constant 0 : i32
      %dma_wait3A_330 = arith.constant 0 : i32
      %dma_wait3A_331 = tpu.memref_slice %arg11[%dma_wait3A_328, %dma_wait3A_329, %dma_wait3A_330] : memref<8x128x16xf32, #tpu.memory_space<vmem>> -> memref<1x128x16xf32, #tpu.memory_space<vmem>>
      %dma_wait3A_332 = tpu.memref_squeeze %dma_wait3A_331 : memref<1x128x16xf32, #tpu.memory_space<vmem>> -> memref<128x16xf32, #tpu.memory_space<vmem>>
      %dma_wait3A_333 = arith.constant 0 : i32
      %dma_wait3A_334 = tpu.memref_slice %arg9[%add3A_171, %dma_wait3A_333] : memref<80x128xi32, #tpu.memory_space<vmem>> -> memref<1x128xi32, #tpu.memory_space<vmem>>
      %dma_wait3A_335 = tpu.memref_squeeze %dma_wait3A_334 : memref<1x128xi32, #tpu.memory_space<vmem>> -> memref<128xi32, #tpu.memory_space<vmem>>
      %dma_wait3A_336 = arith.constant 0 : i32
      %dma_wait3A_337 = arith.constant 0 : i32
      %dma_wait3A_338 = tpu.memref_slice %arg2[%dma_wait3A_336, %dma_wait3A_337] : memref<10016x16xf32, #tpu.memory_space<hbm>> -> memref<10016x16xf32, #tpu.memory_space<hbm>>
      tpu.wait_indirect_dma semaphore(%arg13 : memref<!tpu.dma_semaphore, #tpu.memory_space<semaphore_mem>>) src(%dma_wait3A_338 : memref<10016x16xf32, #tpu.memory_space<hbm>>) dst(%dma_wait3A_332 : memref<128x16xf32, #tpu.memory_space<vmem>>)
      %add3A_339 = arith.constant 5 : i32
      %add3A_340 = arith.addi %mul3A_106, %add3A_339 : i32
      %dma_start3A_341 = arith.constant 5 : i32
      %dma_start3A_342 = arith.constant 0 : i32
      %dma_start3A_343 = arith.constant 0 : i32
      %dma_start3A_344 = tpu.memref_slice %arg11[%dma_start3A_341, %dma_start3A_342, %dma_start3A_343] : memref<8x128x16xf32, #tpu.memory_space<vmem>> -> memref<1x128x16xf32, #tpu.memory_space<vmem>>
      %dma_start3A_345 = tpu.memref_squeeze %dma_start3A_344 : memref<1x128x16xf32, #tpu.memory_space<vmem>> -> memref<128x16xf32, #tpu.memory_space<vmem>>
      %dma_start3A_346 = arith.constant 0 : i32
      %dma_start3A_347 = tpu.memref_slice %arg10[%add3A_340, %dma_start3A_346] : memref<80x128xi32, #tpu.memory_space<vmem>> -> memref<1x128xi32, #tpu.memory_space<vmem>>
      %dma_start3A_348 = tpu.memref_squeeze %dma_start3A_347 : memref<1x128xi32, #tpu.memory_space<vmem>> -> memref<128xi32, #tpu.memory_space<vmem>>
      %dma_start3A_349 = arith.constant 0 : i32
      %dma_start3A_350 = arith.constant 0 : i32
      %dma_start3A_351 = tpu.memref_slice %arg12[%dma_start3A_349, %dma_start3A_350] : memref<10016x16xf32, #tpu.memory_space<vmem_shared>> -> memref<10016x16xf32, #tpu.memory_space<vmem_shared>>
      tpu.enqueue_indirect_dma source(%dma_start3A_345 : memref<128x16xf32, #tpu.memory_space<vmem>>) target(%dma_start3A_351 : memref<10016x16xf32, #tpu.memory_space<vmem_shared>>) offsets(%dma_start3A_348 : memref<128xi32, #tpu.memory_space<vmem>>) semaphore(%arg14 : memref<!tpu.dma_semaphore, #tpu.memory_space<semaphore_mem>>) {add = true}
      %dma_wait3A_352 = arith.constant 6 : i32
      %dma_wait3A_353 = arith.constant 0 : i32
      %dma_wait3A_354 = arith.constant 0 : i32
      %dma_wait3A_355 = tpu.memref_slice %arg11[%dma_wait3A_352, %dma_wait3A_353, %dma_wait3A_354] : memref<8x128x16xf32, #tpu.memory_space<vmem>> -> memref<1x128x16xf32, #tpu.memory_space<vmem>>
      %dma_wait3A_356 = tpu.memref_squeeze %dma_wait3A_355 : memref<1x128x16xf32, #tpu.memory_space<vmem>> -> memref<128x16xf32, #tpu.memory_space<vmem>>
      %dma_wait3A_357 = arith.constant 0 : i32
      %dma_wait3A_358 = tpu.memref_slice %arg9[%add3A_184, %dma_wait3A_357] : memref<80x128xi32, #tpu.memory_space<vmem>> -> memref<1x128xi32, #tpu.memory_space<vmem>>
      %dma_wait3A_359 = tpu.memref_squeeze %dma_wait3A_358 : memref<1x128xi32, #tpu.memory_space<vmem>> -> memref<128xi32, #tpu.memory_space<vmem>>
      %dma_wait3A_360 = arith.constant 0 : i32
      %dma_wait3A_361 = arith.constant 0 : i32
      %dma_wait3A_362 = tpu.memref_slice %arg2[%dma_wait3A_360, %dma_wait3A_361] : memref<10016x16xf32, #tpu.memory_space<hbm>> -> memref<10016x16xf32, #tpu.memory_space<hbm>>
      tpu.wait_indirect_dma semaphore(%arg13 : memref<!tpu.dma_semaphore, #tpu.memory_space<semaphore_mem>>) src(%dma_wait3A_362 : memref<10016x16xf32, #tpu.memory_space<hbm>>) dst(%dma_wait3A_356 : memref<128x16xf32, #tpu.memory_space<vmem>>)
      %add3A_363 = arith.constant 6 : i32
      %add3A_364 = arith.addi %mul3A_106, %add3A_363 : i32
      %dma_start3A_365 = arith.constant 6 : i32
      %dma_start3A_366 = arith.constant 0 : i32
      %dma_start3A_367 = arith.constant 0 : i32
      %dma_start3A_368 = tpu.memref_slice %arg11[%dma_start3A_365, %dma_start3A_366, %dma_start3A_367] : memref<8x128x16xf32, #tpu.memory_space<vmem>> -> memref<1x128x16xf32, #tpu.memory_space<vmem>>
      %dma_start3A_369 = tpu.memref_squeeze %dma_start3A_368 : memref<1x128x16xf32, #tpu.memory_space<vmem>> -> memref<128x16xf32, #tpu.memory_space<vmem>>
      %dma_start3A_370 = arith.constant 0 : i32
      %dma_start3A_371 = tpu.memref_slice %arg10[%add3A_364, %dma_start3A_370] : memref<80x128xi32, #tpu.memory_space<vmem>> -> memref<1x128xi32, #tpu.memory_space<vmem>>
      %dma_start3A_372 = tpu.memref_squeeze %dma_start3A_371 : memref<1x128xi32, #tpu.memory_space<vmem>> -> memref<128xi32, #tpu.memory_space<vmem>>
      %dma_start3A_373 = arith.constant 0 : i32
      %dma_start3A_374 = arith.constant 0 : i32
      %dma_start3A_375 = tpu.memref_slice %arg12[%dma_start3A_373, %dma_start3A_374] : memref<10016x16xf32, #tpu.memory_space<vmem_shared>> -> memref<10016x16xf32, #tpu.memory_space<vmem_shared>>
      tpu.enqueue_indirect_dma source(%dma_start3A_369 : memref<128x16xf32, #tpu.memory_space<vmem>>) target(%dma_start3A_375 : memref<10016x16xf32, #tpu.memory_space<vmem_shared>>) offsets(%dma_start3A_372 : memref<128xi32, #tpu.memory_space<vmem>>) semaphore(%arg14 : memref<!tpu.dma_semaphore, #tpu.memory_space<semaphore_mem>>) {add = true}
      %dma_wait3A_376 = arith.constant 7 : i32
      %dma_wait3A_377 = arith.constant 0 : i32
      %dma_wait3A_378 = arith.constant 0 : i32
      %dma_wait3A_379 = tpu.memref_slice %arg11[%dma_wait3A_376, %dma_wait3A_377, %dma_wait3A_378] : memref<8x128x16xf32, #tpu.memory_space<vmem>> -> memref<1x128x16xf32, #tpu.memory_space<vmem>>
      %dma_wait3A_380 = tpu.memref_squeeze %dma_wait3A_379 : memref<1x128x16xf32, #tpu.memory_space<vmem>> -> memref<128x16xf32, #tpu.memory_space<vmem>>
      %dma_wait3A_381 = arith.constant 0 : i32
      %dma_wait3A_382 = tpu.memref_slice %arg9[%add3A_197, %dma_wait3A_381] : memref<80x128xi32, #tpu.memory_space<vmem>> -> memref<1x128xi32, #tpu.memory_space<vmem>>
      %dma_wait3A_383 = tpu.memref_squeeze %dma_wait3A_382 : memref<1x128xi32, #tpu.memory_space<vmem>> -> memref<128xi32, #tpu.memory_space<vmem>>
      %dma_wait3A_384 = arith.constant 0 : i32
      %dma_wait3A_385 = arith.constant 0 : i32
      %dma_wait3A_386 = tpu.memref_slice %arg2[%dma_wait3A_384, %dma_wait3A_385] : memref<10016x16xf32, #tpu.memory_space<hbm>> -> memref<10016x16xf32, #tpu.memory_space<hbm>>
      tpu.wait_indirect_dma semaphore(%arg13 : memref<!tpu.dma_semaphore, #tpu.memory_space<semaphore_mem>>) src(%dma_wait3A_386 : memref<10016x16xf32, #tpu.memory_space<hbm>>) dst(%dma_wait3A_380 : memref<128x16xf32, #tpu.memory_space<vmem>>)
      %add3A_387 = arith.constant 7 : i32
      %add3A_388 = arith.addi %mul3A_106, %add3A_387 : i32
      %dma_start3A_389 = arith.constant 7 : i32
      %dma_start3A_390 = arith.constant 0 : i32
      %dma_start3A_391 = arith.constant 0 : i32
      %dma_start3A_392 = tpu.memref_slice %arg11[%dma_start3A_389, %dma_start3A_390, %dma_start3A_391] : memref<8x128x16xf32, #tpu.memory_space<vmem>> -> memref<1x128x16xf32, #tpu.memory_space<vmem>>
      %dma_start3A_393 = tpu.memref_squeeze %dma_start3A_392 : memref<1x128x16xf32, #tpu.memory_space<vmem>> -> memref<128x16xf32, #tpu.memory_space<vmem>>
      %dma_start3A_394 = arith.constant 0 : i32
      %dma_start3A_395 = tpu.memref_slice %arg10[%add3A_388, %dma_start3A_394] : memref<80x128xi32, #tpu.memory_space<vmem>> -> memref<1x128xi32, #tpu.memory_space<vmem>>
      %dma_start3A_396 = tpu.memref_squeeze %dma_start3A_395 : memref<1x128xi32, #tpu.memory_space<vmem>> -> memref<128xi32, #tpu.memory_space<vmem>>
      %dma_start3A_397 = arith.constant 0 : i32
      %dma_start3A_398 = arith.constant 0 : i32
      %dma_start3A_399 = tpu.memref_slice %arg12[%dma_start3A_397, %dma_start3A_398] : memref<10016x16xf32, #tpu.memory_space<vmem_shared>> -> memref<10016x16xf32, #tpu.memory_space<vmem_shared>>
      tpu.enqueue_indirect_dma source(%dma_start3A_393 : memref<128x16xf32, #tpu.memory_space<vmem>>) target(%dma_start3A_399 : memref<10016x16xf32, #tpu.memory_space<vmem_shared>>) offsets(%dma_start3A_396 : memref<128xi32, #tpu.memory_space<vmem>>) semaphore(%arg14 : memref<!tpu.dma_semaphore, #tpu.memory_space<semaphore_mem>>) {add = true}
      %dma_wait3A_400 = arith.constant 0 : i32
      %dma_wait3A_401 = arith.constant 0 : i32
      %dma_wait3A_402 = arith.constant 0 : i32
      %dma_wait3A_403 = tpu.memref_slice %arg11[%dma_wait3A_400, %dma_wait3A_401, %dma_wait3A_402] : memref<8x128x16xf32, #tpu.memory_space<vmem>> -> memref<1x128x16xf32, #tpu.memory_space<vmem>>
      %dma_wait3A_404 = tpu.memref_squeeze %dma_wait3A_403 : memref<1x128x16xf32, #tpu.memory_space<vmem>> -> memref<128x16xf32, #tpu.memory_space<vmem>>
      %dma_wait3A_405 = arith.constant 0 : i32
      %dma_wait3A_406 = tpu.memref_slice %arg10[%add3A_220, %dma_wait3A_405] : memref<80x128xi32, #tpu.memory_space<vmem>> -> memref<1x128xi32, #tpu.memory_space<vmem>>
      %dma_wait3A_407 = tpu.memref_squeeze %dma_wait3A_406 : memref<1x128xi32, #tpu.memory_space<vmem>> -> memref<128xi32, #tpu.memory_space<vmem>>
      %dma_wait3A_408 = arith.constant 0 : i32
      %dma_wait3A_409 = arith.constant 0 : i32
      %dma_wait3A_410 = tpu.memref_slice %arg12[%dma_wait3A_408, %dma_wait3A_409] : memref<10016x16xf32, #tpu.memory_space<vmem_shared>> -> memref<10016x16xf32, #tpu.memory_space<vmem_shared>>
      tpu.wait_indirect_dma semaphore(%arg14 : memref<!tpu.dma_semaphore, #tpu.memory_space<semaphore_mem>>) src(%dma_wait3A_404 : memref<128x16xf32, #tpu.memory_space<vmem>>) dst(%dma_wait3A_410 : memref<10016x16xf32, #tpu.memory_space<vmem_shared>>)
      %dma_wait3A_411 = arith.constant 1 : i32
      %dma_wait3A_412 = arith.constant 0 : i32
      %dma_wait3A_413 = arith.constant 0 : i32
      %dma_wait3A_414 = tpu.memref_slice %arg11[%dma_wait3A_411, %dma_wait3A_412, %dma_wait3A_413] : memref<8x128x16xf32, #tpu.memory_space<vmem>> -> memref<1x128x16xf32, #tpu.memory_space<vmem>>
      %dma_wait3A_415 = tpu.memref_squeeze %dma_wait3A_414 : memref<1x128x16xf32, #tpu.memory_space<vmem>> -> memref<128x16xf32, #tpu.memory_space<vmem>>
      %dma_wait3A_416 = arith.constant 0 : i32
      %dma_wait3A_417 = tpu.memref_slice %arg10[%add3A_244, %dma_wait3A_416] : memref<80x128xi32, #tpu.memory_space<vmem>> -> memref<1x128xi32, #tpu.memory_space<vmem>>
      %dma_wait3A_418 = tpu.memref_squeeze %dma_wait3A_417 : memref<1x128xi32, #tpu.memory_space<vmem>> -> memref<128xi32, #tpu.memory_space<vmem>>
      %dma_wait3A_419 = arith.constant 0 : i32
      %dma_wait3A_420 = arith.constant 0 : i32
      %dma_wait3A_421 = tpu.memref_slice %arg12[%dma_wait3A_419, %dma_wait3A_420] : memref<10016x16xf32, #tpu.memory_space<vmem_shared>> -> memref<10016x16xf32, #tpu.memory_space<vmem_shared>>
      tpu.wait_indirect_dma semaphore(%arg14 : memref<!tpu.dma_semaphore, #tpu.memory_space<semaphore_mem>>) src(%dma_wait3A_415 : memref<128x16xf32, #tpu.memory_space<vmem>>) dst(%dma_wait3A_421 : memref<10016x16xf32, #tpu.memory_space<vmem_shared>>)
      %dma_wait3A_422 = arith.constant 2 : i32
      %dma_wait3A_423 = arith.constant 0 : i32
      %dma_wait3A_424 = arith.constant 0 : i32
      %dma_wait3A_425 = tpu.memref_slice %arg11[%dma_wait3A_422, %dma_wait3A_423, %dma_wait3A_424] : memref<8x128x16xf32, #tpu.memory_space<vmem>> -> memref<1x128x16xf32, #tpu.memory_space<vmem>>
      %dma_wait3A_426 = tpu.memref_squeeze %dma_wait3A_425 : memref<1x128x16xf32, #tpu.memory_space<vmem>> -> memref<128x16xf32, #tpu.memory_space<vmem>>
      %dma_wait3A_427 = arith.constant 0 : i32
      %dma_wait3A_428 = tpu.memref_slice %arg10[%add3A_268, %dma_wait3A_427] : memref<80x128xi32, #tpu.memory_space<vmem>> -> memref<1x128xi32, #tpu.memory_space<vmem>>
      %dma_wait3A_429 = tpu.memref_squeeze %dma_wait3A_428 : memref<1x128xi32, #tpu.memory_space<vmem>> -> memref<128xi32, #tpu.memory_space<vmem>>
      %dma_wait3A_430 = arith.constant 0 : i32
      %dma_wait3A_431 = arith.constant 0 : i32
      %dma_wait3A_432 = tpu.memref_slice %arg12[%dma_wait3A_430, %dma_wait3A_431] : memref<10016x16xf32, #tpu.memory_space<vmem_shared>> -> memref<10016x16xf32, #tpu.memory_space<vmem_shared>>
      tpu.wait_indirect_dma semaphore(%arg14 : memref<!tpu.dma_semaphore, #tpu.memory_space<semaphore_mem>>) src(%dma_wait3A_426 : memref<128x16xf32, #tpu.memory_space<vmem>>) dst(%dma_wait3A_432 : memref<10016x16xf32, #tpu.memory_space<vmem_shared>>)
      %dma_wait3A_433 = arith.constant 3 : i32
      %dma_wait3A_434 = arith.constant 0 : i32
      %dma_wait3A_435 = arith.constant 0 : i32
      %dma_wait3A_436 = tpu.memref_slice %arg11[%dma_wait3A_433, %dma_wait3A_434, %dma_wait3A_435] : memref<8x128x16xf32, #tpu.memory_space<vmem>> -> memref<1x128x16xf32, #tpu.memory_space<vmem>>
      %dma_wait3A_437 = tpu.memref_squeeze %dma_wait3A_436 : memref<1x128x16xf32, #tpu.memory_space<vmem>> -> memref<128x16xf32, #tpu.memory_space<vmem>>
      %dma_wait3A_438 = arith.constant 0 : i32
      %dma_wait3A_439 = tpu.memref_slice %arg10[%add3A_292, %dma_wait3A_438] : memref<80x128xi32, #tpu.memory_space<vmem>> -> memref<1x128xi32, #tpu.memory_space<vmem>>
      %dma_wait3A_440 = tpu.memref_squeeze %dma_wait3A_439 : memref<1x128xi32, #tpu.memory_space<vmem>> -> memref<128xi32, #tpu.memory_space<vmem>>
      %dma_wait3A_441 = arith.constant 0 : i32
      %dma_wait3A_442 = arith.constant 0 : i32
      %dma_wait3A_443 = tpu.memref_slice %arg12[%dma_wait3A_441, %dma_wait3A_442] : memref<10016x16xf32, #tpu.memory_space<vmem_shared>> -> memref<10016x16xf32, #tpu.memory_space<vmem_shared>>
      tpu.wait_indirect_dma semaphore(%arg14 : memref<!tpu.dma_semaphore, #tpu.memory_space<semaphore_mem>>) src(%dma_wait3A_437 : memref<128x16xf32, #tpu.memory_space<vmem>>) dst(%dma_wait3A_443 : memref<10016x16xf32, #tpu.memory_space<vmem_shared>>)
      %dma_wait3A_444 = arith.constant 4 : i32
      %dma_wait3A_445 = arith.constant 0 : i32
      %dma_wait3A_446 = arith.constant 0 : i32
      %dma_wait3A_447 = tpu.memref_slice %arg11[%dma_wait3A_444, %dma_wait3A_445, %dma_wait3A_446] : memref<8x128x16xf32, #tpu.memory_space<vmem>> -> memref<1x128x16xf32, #tpu.memory_space<vmem>>
      %dma_wait3A_448 = tpu.memref_squeeze %dma_wait3A_447 : memref<1x128x16xf32, #tpu.memory_space<vmem>> -> memref<128x16xf32, #tpu.memory_space<vmem>>
      %dma_wait3A_449 = arith.constant 0 : i32
      %dma_wait3A_450 = tpu.memref_slice %arg10[%add3A_316, %dma_wait3A_449] : memref<80x128xi32, #tpu.memory_space<vmem>> -> memref<1x128xi32, #tpu.memory_space<vmem>>
      %dma_wait3A_451 = tpu.memref_squeeze %dma_wait3A_450 : memref<1x128xi32, #tpu.memory_space<vmem>> -> memref<128xi32, #tpu.memory_space<vmem>>
      %dma_wait3A_452 = arith.constant 0 : i32
      %dma_wait3A_453 = arith.constant 0 : i32
      %dma_wait3A_454 = tpu.memref_slice %arg12[%dma_wait3A_452, %dma_wait3A_453] : memref<10016x16xf32, #tpu.memory_space<vmem_shared>> -> memref<10016x16xf32, #tpu.memory_space<vmem_shared>>
      tpu.wait_indirect_dma semaphore(%arg14 : memref<!tpu.dma_semaphore, #tpu.memory_space<semaphore_mem>>) src(%dma_wait3A_448 : memref<128x16xf32, #tpu.memory_space<vmem>>) dst(%dma_wait3A_454 : memref<10016x16xf32, #tpu.memory_space<vmem_shared>>)
      %dma_wait3A_455 = arith.constant 5 : i32
      %dma_wait3A_456 = arith.constant 0 : i32
      %dma_wait3A_457 = arith.constant 0 : i32
      %dma_wait3A_458 = tpu.memref_slice %arg11[%dma_wait3A_455, %dma_wait3A_456, %dma_wait3A_457] : memref<8x128x16xf32, #tpu.memory_space<vmem>> -> memref<1x128x16xf32, #tpu.memory_space<vmem>>
      %dma_wait3A_459 = tpu.memref_squeeze %dma_wait3A_458 : memref<1x128x16xf32, #tpu.memory_space<vmem>> -> memref<128x16xf32, #tpu.memory_space<vmem>>
      %dma_wait3A_460 = arith.constant 0 : i32
      %dma_wait3A_461 = tpu.memref_slice %arg10[%add3A_340, %dma_wait3A_460] : memref<80x128xi32, #tpu.memory_space<vmem>> -> memref<1x128xi32, #tpu.memory_space<vmem>>
      %dma_wait3A_462 = tpu.memref_squeeze %dma_wait3A_461 : memref<1x128xi32, #tpu.memory_space<vmem>> -> memref<128xi32, #tpu.memory_space<vmem>>
      %dma_wait3A_463 = arith.constant 0 : i32
      %dma_wait3A_464 = arith.constant 0 : i32
      %dma_wait3A_465 = tpu.memref_slice %arg12[%dma_wait3A_463, %dma_wait3A_464] : memref<10016x16xf32, #tpu.memory_space<vmem_shared>> -> memref<10016x16xf32, #tpu.memory_space<vmem_shared>>
      tpu.wait_indirect_dma semaphore(%arg14 : memref<!tpu.dma_semaphore, #tpu.memory_space<semaphore_mem>>) src(%dma_wait3A_459 : memref<128x16xf32, #tpu.memory_space<vmem>>) dst(%dma_wait3A_465 : memref<10016x16xf32, #tpu.memory_space<vmem_shared>>)
      %dma_wait3A_466 = arith.constant 6 : i32
      %dma_wait3A_467 = arith.constant 0 : i32
      %dma_wait3A_468 = arith.constant 0 : i32
      %dma_wait3A_469 = tpu.memref_slice %arg11[%dma_wait3A_466, %dma_wait3A_467, %dma_wait3A_468] : memref<8x128x16xf32, #tpu.memory_space<vmem>> -> memref<1x128x16xf32, #tpu.memory_space<vmem>>
      %dma_wait3A_470 = tpu.memref_squeeze %dma_wait3A_469 : memref<1x128x16xf32, #tpu.memory_space<vmem>> -> memref<128x16xf32, #tpu.memory_space<vmem>>
      %dma_wait3A_471 = arith.constant 0 : i32
      %dma_wait3A_472 = tpu.memref_slice %arg10[%add3A_364, %dma_wait3A_471] : memref<80x128xi32, #tpu.memory_space<vmem>> -> memref<1x128xi32, #tpu.memory_space<vmem>>
      %dma_wait3A_473 = tpu.memref_squeeze %dma_wait3A_472 : memref<1x128xi32, #tpu.memory_space<vmem>> -> memref<128xi32, #tpu.memory_space<vmem>>
      %dma_wait3A_474 = arith.constant 0 : i32
      %dma_wait3A_475 = arith.constant 0 : i32
      %dma_wait3A_476 = tpu.memref_slice %arg12[%dma_wait3A_474, %dma_wait3A_475] : memref<10016x16xf32, #tpu.memory_space<vmem_shared>> -> memref<10016x16xf32, #tpu.memory_space<vmem_shared>>
      tpu.wait_indirect_dma semaphore(%arg14 : memref<!tpu.dma_semaphore, #tpu.memory_space<semaphore_mem>>) src(%dma_wait3A_470 : memref<128x16xf32, #tpu.memory_space<vmem>>) dst(%dma_wait3A_476 : memref<10016x16xf32, #tpu.memory_space<vmem_shared>>)
      %dma_wait3A_477 = arith.constant 7 : i32
      %dma_wait3A_478 = arith.constant 0 : i32
      %dma_wait3A_479 = arith.constant 0 : i32
      %dma_wait3A_480 = tpu.memref_slice %arg11[%dma_wait3A_477, %dma_wait3A_478, %dma_wait3A_479] : memref<8x128x16xf32, #tpu.memory_space<vmem>> -> memref<1x128x16xf32, #tpu.memory_space<vmem>>
      %dma_wait3A_481 = tpu.memref_squeeze %dma_wait3A_480 : memref<1x128x16xf32, #tpu.memory_space<vmem>> -> memref<128x16xf32, #tpu.memory_space<vmem>>
      %dma_wait3A_482 = arith.constant 0 : i32
      %dma_wait3A_483 = tpu.memref_slice %arg10[%add3A_388, %dma_wait3A_482] : memref<80x128xi32, #tpu.memory_space<vmem>> -> memref<1x128xi32, #tpu.memory_space<vmem>>
      %dma_wait3A_484 = tpu.memref_squeeze %dma_wait3A_483 : memref<1x128xi32, #tpu.memory_space<vmem>> -> memref<128xi32, #tpu.memory_space<vmem>>
      %dma_wait3A_485 = arith.constant 0 : i32
      %dma_wait3A_486 = arith.constant 0 : i32
      %dma_wait3A_487 = tpu.memref_slice %arg12[%dma_wait3A_485, %dma_wait3A_486] : memref<10016x16xf32, #tpu.memory_space<vmem_shared>> -> memref<10016x16xf32, #tpu.memory_space<vmem_shared>>
      tpu.wait_indirect_dma semaphore(%arg14 : memref<!tpu.dma_semaphore, #tpu.memory_space<semaphore_mem>>) src(%dma_wait3A_481 : memref<128x16xf32, #tpu.memory_space<vmem>>) dst(%dma_wait3A_487 : memref<10016x16xf32, #tpu.memory_space<vmem_shared>>)
    }
    %barrier3A_93 = arith.constant 0 : index
    tpu.barrier barrier_id(%barrier3A_93)
    %while3A_94 = arith.constant 0 : i32
    %while3A_95 = arith.constant 0 : i32
    %while3A_96 = arith.subi %select_n3A, %while3A_95 : i32
    %while3A_97 = arith.addi %while3A_95, %while3A_96 : i32
    %while3A_98 = arith.constant 1 : i32
    %while3A_99 = arith.divsi %while3A_96, %while3A_98 : i32
    %while3A_100 = arith.muli %while3A_99, %while3A_98 : i32
    %while3A_101 = arith.addi %while3A_95, %while3A_100 : i32
    %while3A_102 = arith.constant 1 : i32
    scf.for %while3A_104 = %while3A_95 to %while3A_101 step %while3A_102  : i32 {
      "tpu.region"() ({
        %run_scoped3A = tpu.sem_alloc : memref<!tpu.dma_semaphore, #tpu.memory_space<semaphore_mem>>
        %dma_start3A = arith.constant 0 : i32
        %dma_start3A_105 = tpu.memref_slice %arg8[%arg0, %mul3A_0, %dma_start3A] : memref<2x10016x16xf32, #tpu.memory_space<hbm>> -> memref<1x626x16xf32, #tpu.memory_space<hbm>>
        %dma_start3A_106 = tpu.memref_squeeze %dma_start3A_105 : memref<1x626x16xf32, #tpu.memory_space<hbm>> -> memref<626x16xf32, #tpu.memory_space<hbm>>
        %dma_start3A_107 = arith.constant 0 : i32
        %dma_start3A_108 = tpu.memref_slice %arg12[%mul3A_0, %dma_start3A_107] : memref<10016x16xf32, #tpu.memory_space<vmem_shared>> -> memref<626x16xf32, #tpu.memory_space<vmem_shared>>
        tpu.enqueue_dma source(%dma_start3A_108 : memref<626x16xf32, #tpu.memory_space<vmem_shared>>) target(%dma_start3A_106 : memref<626x16xf32, #tpu.memory_space<hbm>>) target_semaphore(%run_scoped3A : memref<!tpu.dma_semaphore, #tpu.memory_space<semaphore_mem>>)
        %dma_wait3A = arith.constant 0 : i32
        %dma_wait3A_109 = tpu.memref_slice %arg8[%arg0, %mul3A_0, %dma_wait3A] : memref<2x10016x16xf32, #tpu.memory_space<hbm>> -> memref<1x626x16xf32, #tpu.memory_space<hbm>>
        %dma_wait3A_110 = tpu.memref_squeeze %dma_wait3A_109 : memref<1x626x16xf32, #tpu.memory_space<hbm>> -> memref<626x16xf32, #tpu.memory_space<hbm>>
        %dma_wait3A_111 = arith.constant 0 : i32
        %dma_wait3A_112 = tpu.memref_slice %arg12[%mul3A_0, %dma_wait3A_111] : memref<10016x16xf32, #tpu.memory_space<vmem_shared>> -> memref<626x16xf32, #tpu.memory_space<vmem_shared>>
        tpu.wait_dma2 semaphore(%run_scoped3A : memref<!tpu.dma_semaphore, #tpu.memory_space<semaphore_mem>>) src(%dma_wait3A_112 : memref<626x16xf32, #tpu.memory_space<vmem_shared>>) dst(%dma_wait3A_110 : memref<626x16xf32, #tpu.memory_space<hbm>>)
        tpu.yield
      }) : () -> ()
    }
    %while3A_103 = arith.constant 1 : i32
    scf.for %while3A_104 = %while3A_101 to %while3A_97 step %while3A_103  : i32 {
      "tpu.region"() ({
        %run_scoped3A = tpu.sem_alloc : memref<!tpu.dma_semaphore, #tpu.memory_space<semaphore_mem>>
        %dma_start3A = arith.constant 0 : i32
        %dma_start3A_105 = tpu.memref_slice %arg8[%arg0, %mul3A_0, %dma_start3A] : memref<2x10016x16xf32, #tpu.memory_space<hbm>> -> memref<1x626x16xf32, #tpu.memory_space<hbm>>
        %dma_start3A_106 = tpu.memref_squeeze %dma_start3A_105 : memref<1x626x16xf32, #tpu.memory_space<hbm>> -> memref<626x16xf32, #tpu.memory_space<hbm>>
        %dma_start3A_107 = arith.constant 0 : i32
        %dma_start3A_108 = tpu.memref_slice %arg12[%mul3A_0, %dma_start3A_107] : memref<10016x16xf32, #tpu.memory_space<vmem_shared>> -> memref<626x16xf32, #tpu.memory_space<vmem_shared>>
        tpu.enqueue_dma source(%dma_start3A_108 : memref<626x16xf32, #tpu.memory_space<vmem_shared>>) target(%dma_start3A_106 : memref<626x16xf32, #tpu.memory_space<hbm>>) target_semaphore(%run_scoped3A : memref<!tpu.dma_semaphore, #tpu.memory_space<semaphore_mem>>)
        %dma_wait3A = arith.constant 0 : i32
        %dma_wait3A_109 = tpu.memref_slice %arg8[%arg0, %mul3A_0, %dma_wait3A] : memref<2x10016x16xf32, #tpu.memory_space<hbm>> -> memref<1x626x16xf32, #tpu.memory_space<hbm>>
        %dma_wait3A_110 = tpu.memref_squeeze %dma_wait3A_109 : memref<1x626x16xf32, #tpu.memory_space<hbm>> -> memref<626x16xf32, #tpu.memory_space<hbm>>
        %dma_wait3A_111 = arith.constant 0 : i32
        %dma_wait3A_112 = tpu.memref_slice %arg12[%mul3A_0, %dma_wait3A_111] : memref<10016x16xf32, #tpu.memory_space<vmem_shared>> -> memref<626x16xf32, #tpu.memory_space<vmem_shared>>
        tpu.wait_dma2 semaphore(%run_scoped3A : memref<!tpu.dma_semaphore, #tpu.memory_space<semaphore_mem>>) src(%dma_wait3A_112 : memref<626x16xf32, #tpu.memory_space<vmem_shared>>) dst(%dma_wait3A_110 : memref<626x16xf32, #tpu.memory_space<hbm>>)
        tpu.yield
      }) : () -> ()
    }
    return
  }
}

#map = affine_map<(d0, d1) -> (0, 0)>
#map1 = affine_map<(d0, d1) -> (0, 0, 0)>
module attributes {stable_mosaic.version = 14 : i64} {
  func.func @seg_kernel(%arg0: i32, %arg1: i32, %arg2: memref<10016x32xf32, #tpu.memory_space<hbm>>, %arg3: memref<16x80x128xi32, #tpu.memory_space<hbm>>, %arg4: memref<16x80x128xi32, #tpu.memory_space<hbm>>, %arg5: memref<16x80x128xi32, #tpu.memory_space<hbm>>, %arg6: memref<16x80x128xi32, #tpu.memory_space<hbm>>, %arg7: memref<626x32xf32, #tpu.memory_space<hbm>>, %arg8: memref<2x10016x32xf32, #tpu.memory_space<hbm>>, %arg9: memref<80x128xi32, #tpu.memory_space<vmem>>, %arg10: memref<80x128xi32, #tpu.memory_space<vmem>>, %arg11: memref<8x128x32xf32, #tpu.memory_space<vmem>>, %arg12: memref<10016x32xf32, #tpu.memory_space<vmem_shared>>, %arg13: memref<!tpu.dma_semaphore, #tpu.memory_space<semaphore_mem>>, %arg14: memref<!tpu.dma_semaphore, #tpu.memory_space<semaphore_mem>>) attributes {dimension_semantics = [#tpu.dimension_semantics<core_parallel>, #tpu.dimension_semantics<subcore_parallel>], iteration_bounds = array<i64: 2, 16>, scalar_prefetch = 0 : i64, scratch_operands = 6 : i64, tpu.core_type = #tpu.core_type<sc_vector_subcore>, window_params = [{transform_indices = #map}, {transform_indices = #map1}, {transform_indices = #map1}, {transform_indices = #map1}, {transform_indices = #map1}, {transform_indices = #map}, {transform_indices = #map1}]} {
    %mul3A = arith.constant 626 : i32
    %mul3A_0 = arith.muli %arg1, %mul3A : i32
    %eq3A = arith.constant 0 : i32
    %eq3A_1 = arith.cmpi eq, %arg0, %eq3A : i32
    %jit3A = arith.constant 1 : i32
    %jit3A_2 = arith.constant 1 : i32
    %select_n3A = arith.select %eq3A_1, %jit3A, %jit3A_2 : i32
    %while3A = arith.constant 0 : i32
    %while3A_3 = arith.constant 0 : i32
    %while3A_4 = arith.subi %select_n3A, %while3A_3 : i32
    %while3A_5 = arith.addi %while3A_3, %while3A_4 : i32
    %while3A_6 = arith.constant 1 : i32
    %while3A_7 = arith.divsi %while3A_4, %while3A_6 : i32
    %while3A_8 = arith.muli %while3A_7, %while3A_6 : i32
    %while3A_9 = arith.addi %while3A_3, %while3A_8 : i32
    %while3A_10 = arith.constant 1 : i32
    scf.for %while3A_104 = %while3A_3 to %while3A_9 step %while3A_10  : i32 {
      "tpu.region"() ({
        %run_scoped3A = tpu.sem_alloc : memref<!tpu.dma_semaphore, #tpu.memory_space<semaphore_mem>>
        %dma_start3A = arith.constant 0 : i32
        %dma_start3A_105 = tpu.memref_slice %arg12[%mul3A_0, %dma_start3A] : memref<10016x32xf32, #tpu.memory_space<vmem_shared>> -> memref<626x32xf32, #tpu.memory_space<vmem_shared>>
        tpu.enqueue_dma source(%arg7 : memref<626x32xf32, #tpu.memory_space<hbm>>) target(%dma_start3A_105 : memref<626x32xf32, #tpu.memory_space<vmem_shared>>) target_semaphore(%run_scoped3A : memref<!tpu.dma_semaphore, #tpu.memory_space<semaphore_mem>>)
        %dma_wait3A = arith.constant 0 : i32
        %dma_wait3A_106 = tpu.memref_slice %arg12[%mul3A_0, %dma_wait3A] : memref<10016x32xf32, #tpu.memory_space<vmem_shared>> -> memref<626x32xf32, #tpu.memory_space<vmem_shared>>
        tpu.wait_dma2 semaphore(%run_scoped3A : memref<!tpu.dma_semaphore, #tpu.memory_space<semaphore_mem>>) src(%arg7 : memref<626x32xf32, #tpu.memory_space<hbm>>) dst(%dma_wait3A_106 : memref<626x32xf32, #tpu.memory_space<vmem_shared>>)
        tpu.yield
      }) : () -> ()
    }
    %while3A_11 = arith.constant 1 : i32
    scf.for %while3A_104 = %while3A_9 to %while3A_5 step %while3A_11  : i32 {
      "tpu.region"() ({
        %run_scoped3A = tpu.sem_alloc : memref<!tpu.dma_semaphore, #tpu.memory_space<semaphore_mem>>
        %dma_start3A = arith.constant 0 : i32
        %dma_start3A_105 = tpu.memref_slice %arg12[%mul3A_0, %dma_start3A] : memref<10016x32xf32, #tpu.memory_space<vmem_shared>> -> memref<626x32xf32, #tpu.memory_space<vmem_shared>>
        tpu.enqueue_dma source(%arg7 : memref<626x32xf32, #tpu.memory_space<hbm>>) target(%dma_start3A_105 : memref<626x32xf32, #tpu.memory_space<vmem_shared>>) target_semaphore(%run_scoped3A : memref<!tpu.dma_semaphore, #tpu.memory_space<semaphore_mem>>)
        %dma_wait3A = arith.constant 0 : i32
        %dma_wait3A_106 = tpu.memref_slice %arg12[%mul3A_0, %dma_wait3A] : memref<10016x32xf32, #tpu.memory_space<vmem_shared>> -> memref<626x32xf32, #tpu.memory_space<vmem_shared>>
        tpu.wait_dma2 semaphore(%run_scoped3A : memref<!tpu.dma_semaphore, #tpu.memory_space<semaphore_mem>>) src(%arg7 : memref<626x32xf32, #tpu.memory_space<hbm>>) dst(%dma_wait3A_106 : memref<626x32xf32, #tpu.memory_space<vmem_shared>>)
        tpu.yield
      }) : () -> ()
    }
    %barrier3A = arith.constant 0 : index
    tpu.barrier barrier_id(%barrier3A)
    %convert_element_type3A = arith.extui %eq3A_1 : i1 to i32
    %cond3A = arith.constant 0 : i32
    %cond3A_12 = arith.cmpi ne, %convert_element_type3A, %cond3A : i32
    scf.if %cond3A_12 {
      "tpu.region"() ({
        %run_scoped3A = tpu.sem_alloc : memref<!tpu.dma_semaphore, #tpu.memory_space<semaphore_mem>>
        %dma_start3A = arith.constant 0 : i32
        %dma_start3A_104 = arith.constant 0 : i32
        %dma_start3A_105 = tpu.memref_slice %arg3[%arg1, %dma_start3A, %dma_start3A_104] : memref<16x80x128xi32, #tpu.memory_space<hbm>> -> memref<1x80x128xi32, #tpu.memory_space<hbm>>
        %dma_start3A_106 = tpu.memref_squeeze %dma_start3A_105 : memref<1x80x128xi32, #tpu.memory_space<hbm>> -> memref<80x128xi32, #tpu.memory_space<hbm>>
        %dma_start3A_107 = arith.constant 0 : i32
        %dma_start3A_108 = arith.constant 0 : i32
        %dma_start3A_109 = tpu.memref_slice %arg3[%arg1, %dma_start3A_107, %dma_start3A_108] : memref<16x80x128xi32, #tpu.memory_space<hbm>> -> memref<1x80x128xi32, #tpu.memory_space<hbm>>
        %dma_start3A_110 = tpu.memref_squeeze %dma_start3A_109 : memref<1x80x128xi32, #tpu.memory_space<hbm>> -> memref<80x128xi32, #tpu.memory_space<hbm>>
        tpu.enqueue_dma source(%dma_start3A_110 : memref<80x128xi32, #tpu.memory_space<hbm>>) target(%arg9 : memref<80x128xi32, #tpu.memory_space<vmem>>) target_semaphore(%run_scoped3A : memref<!tpu.dma_semaphore, #tpu.memory_space<semaphore_mem>>)
        %dma_wait3A = arith.constant 0 : i32
        %dma_wait3A_111 = arith.constant 0 : i32
        %dma_wait3A_112 = tpu.memref_slice %arg3[%arg1, %dma_wait3A, %dma_wait3A_111] : memref<16x80x128xi32, #tpu.memory_space<hbm>> -> memref<1x80x128xi32, #tpu.memory_space<hbm>>
        %dma_wait3A_113 = tpu.memref_squeeze %dma_wait3A_112 : memref<1x80x128xi32, #tpu.memory_space<hbm>> -> memref<80x128xi32, #tpu.memory_space<hbm>>
        %dma_wait3A_114 = arith.constant 0 : i32
        %dma_wait3A_115 = arith.constant 0 : i32
        %dma_wait3A_116 = tpu.memref_slice %arg3[%arg1, %dma_wait3A_114, %dma_wait3A_115] : memref<16x80x128xi32, #tpu.memory_space<hbm>> -> memref<1x80x128xi32, #tpu.memory_space<hbm>>
        %dma_wait3A_117 = tpu.memref_squeeze %dma_wait3A_116 : memref<1x80x128xi32, #tpu.memory_space<hbm>> -> memref<80x128xi32, #tpu.memory_space<hbm>>
        tpu.wait_dma2 semaphore(%run_scoped3A : memref<!tpu.dma_semaphore, #tpu.memory_space<semaphore_mem>>) src(%dma_wait3A_117 : memref<80x128xi32, #tpu.memory_space<hbm>>) dst(%arg9 : memref<80x128xi32, #tpu.memory_space<vmem>>)
        tpu.yield
      }) : () -> ()
      "tpu.region"() ({
        %run_scoped3A = tpu.sem_alloc : memref<!tpu.dma_semaphore, #tpu.memory_space<semaphore_mem>>
        %dma_start3A = arith.constant 0 : i32
        %dma_start3A_104 = arith.constant 0 : i32
        %dma_start3A_105 = tpu.memref_slice %arg4[%arg1, %dma_start3A, %dma_start3A_104] : memref<16x80x128xi32, #tpu.memory_space<hbm>> -> memref<1x80x128xi32, #tpu.memory_space<hbm>>
        %dma_start3A_106 = tpu.memref_squeeze %dma_start3A_105 : memref<1x80x128xi32, #tpu.memory_space<hbm>> -> memref<80x128xi32, #tpu.memory_space<hbm>>
        %dma_start3A_107 = arith.constant 0 : i32
        %dma_start3A_108 = arith.constant 0 : i32
        %dma_start3A_109 = tpu.memref_slice %arg4[%arg1, %dma_start3A_107, %dma_start3A_108] : memref<16x80x128xi32, #tpu.memory_space<hbm>> -> memref<1x80x128xi32, #tpu.memory_space<hbm>>
        %dma_start3A_110 = tpu.memref_squeeze %dma_start3A_109 : memref<1x80x128xi32, #tpu.memory_space<hbm>> -> memref<80x128xi32, #tpu.memory_space<hbm>>
        tpu.enqueue_dma source(%dma_start3A_110 : memref<80x128xi32, #tpu.memory_space<hbm>>) target(%arg10 : memref<80x128xi32, #tpu.memory_space<vmem>>) target_semaphore(%run_scoped3A : memref<!tpu.dma_semaphore, #tpu.memory_space<semaphore_mem>>)
        %dma_wait3A = arith.constant 0 : i32
        %dma_wait3A_111 = arith.constant 0 : i32
        %dma_wait3A_112 = tpu.memref_slice %arg4[%arg1, %dma_wait3A, %dma_wait3A_111] : memref<16x80x128xi32, #tpu.memory_space<hbm>> -> memref<1x80x128xi32, #tpu.memory_space<hbm>>
        %dma_wait3A_113 = tpu.memref_squeeze %dma_wait3A_112 : memref<1x80x128xi32, #tpu.memory_space<hbm>> -> memref<80x128xi32, #tpu.memory_space<hbm>>
        %dma_wait3A_114 = arith.constant 0 : i32
        %dma_wait3A_115 = arith.constant 0 : i32
        %dma_wait3A_116 = tpu.memref_slice %arg4[%arg1, %dma_wait3A_114, %dma_wait3A_115] : memref<16x80x128xi32, #tpu.memory_space<hbm>> -> memref<1x80x128xi32, #tpu.memory_space<hbm>>
        %dma_wait3A_117 = tpu.memref_squeeze %dma_wait3A_116 : memref<1x80x128xi32, #tpu.memory_space<hbm>> -> memref<80x128xi32, #tpu.memory_space<hbm>>
        tpu.wait_dma2 semaphore(%run_scoped3A : memref<!tpu.dma_semaphore, #tpu.memory_space<semaphore_mem>>) src(%dma_wait3A_117 : memref<80x128xi32, #tpu.memory_space<hbm>>) dst(%arg10 : memref<80x128xi32, #tpu.memory_space<vmem>>)
        tpu.yield
      }) : () -> ()
    } else {
    }
    %mul3A_13 = arith.constant 80 : i32
    %mul3A_14 = arith.muli %arg1, %mul3A_13 : i32
    %sub3A = arith.constant 1280 : i32
    %sub3A_15 = arith.subi %sub3A, %mul3A_14 : i32
    %sub3A_16 = arith.constant 0 : i32
    %sub3A_17 = arith.subi %sub3A_15, %sub3A_16 : i32
    %jit3A_18 = arith.constant 0 : i32
    %jit3A_19 = arith.constant 80 : i32
    %max3A = arith.maxsi %jit3A_18, %sub3A_17 : i32
    %min3A = arith.minsi %jit3A_19, %max3A : i32
    %neg3A = arith.constant 0 : i32
    %neg3A_20 = arith.subi %neg3A, %min3A : i32
    %jit3A_21 = arith.constant 8 : i32
    %div3A = arith.divsi %neg3A_20, %jit3A_21 : i32
    %sign3A = arith.constant 0 : i32
    %sign3A_22 = arith.cmpi sgt, %neg3A_20, %sign3A : i32
    %sign3A_23 = arith.extui %sign3A_22 : i1 to i32
    %sign3A_24 = arith.constant 0 : i32
    %sign3A_25 = arith.cmpi slt, %neg3A_20, %sign3A_24 : i32
    %sign3A_26 = arith.extui %sign3A_25 : i1 to i32
    %sign3A_27 = arith.subi %sign3A_23, %sign3A_26 : i32
    %sign3A_28 = arith.constant 0 : i32
    %sign3A_29 = arith.cmpi sgt, %jit3A_21, %sign3A_28 : i32
    %sign3A_30 = arith.extui %sign3A_29 : i1 to i32
    %sign3A_31 = arith.constant 0 : i32
    %sign3A_32 = arith.cmpi slt, %jit3A_21, %sign3A_31 : i32
    %sign3A_33 = arith.extui %sign3A_32 : i1 to i32
    %sign3A_34 = arith.subi %sign3A_30, %sign3A_33 : i32
    %ne3A = arith.cmpi ne, %sign3A_27, %sign3A_34 : i32
    %rem3A = arith.remsi %neg3A_20, %jit3A_21 : i32
    %ne3A_35 = arith.constant 0 : i32
    %ne3A_36 = arith.cmpi ne, %rem3A, %ne3A_35 : i32
    %and3A = arith.andi %ne3A, %ne3A_36 : i1
    %sub3A_37 = arith.constant 1 : i32
    %sub3A_38 = arith.subi %div3A, %sub3A_37 : i32
    %select_n3A_39 = arith.select %and3A, %sub3A_38, %div3A : i32
    %neg3A_40 = arith.constant 0 : i32
    %neg3A_41 = arith.subi %neg3A_40, %select_n3A_39 : i32
    %not3A = arith.constant true
    %not3A_42 = arith.xori %eq3A_1, %not3A : i1
    %convert_element_type3A_43 = arith.extui %not3A_42 : i1 to i32
    %cond3A_44 = arith.constant 0 : i32
    %cond3A_45 = arith.cmpi ne, %convert_element_type3A_43, %cond3A_44 : i32
    scf.if %cond3A_45 {
      "tpu.region"() ({
        %run_scoped3A = tpu.sem_alloc : memref<!tpu.dma_semaphore, #tpu.memory_space<semaphore_mem>>
        %dma_start3A = arith.constant 0 : i32
        %dma_start3A_104 = arith.constant 0 : i32
        %dma_start3A_105 = tpu.memref_slice %arg9[%dma_start3A, %dma_start3A_104] : memref<80x128xi32, #tpu.memory_space<vmem>> -> memref<80x128xi32, #tpu.memory_space<vmem>>
        %dma_start3A_106 = arith.constant 0 : i32
        %dma_start3A_107 = arith.constant 0 : i32
        %dma_start3A_108 = tpu.memref_slice %arg5[%arg1, %dma_start3A_106, %dma_start3A_107] : memref<16x80x128xi32, #tpu.memory_space<hbm>> -> memref<1x80x128xi32, #tpu.memory_space<hbm>>
        %dma_start3A_109 = tpu.memref_squeeze %dma_start3A_108 : memref<1x80x128xi32, #tpu.memory_space<hbm>> -> memref<80x128xi32, #tpu.memory_space<hbm>>
        %dma_start3A_110 = arith.constant 0 : i32
        %dma_start3A_111 = arith.constant 0 : i32
        %dma_start3A_112 = tpu.memref_slice %arg9[%dma_start3A_110, %dma_start3A_111] : memref<80x128xi32, #tpu.memory_space<vmem>> -> memref<80x128xi32, #tpu.memory_space<vmem>>
        %dma_start3A_113 = arith.constant 0 : i32
        %dma_start3A_114 = arith.constant 0 : i32
        %dma_start3A_115 = tpu.memref_slice %arg5[%arg1, %dma_start3A_113, %dma_start3A_114] : memref<16x80x128xi32, #tpu.memory_space<hbm>> -> memref<1x80x128xi32, #tpu.memory_space<hbm>>
        %dma_start3A_116 = tpu.memref_squeeze %dma_start3A_115 : memref<1x80x128xi32, #tpu.memory_space<hbm>> -> memref<80x128xi32, #tpu.memory_space<hbm>>
        tpu.enqueue_dma source(%dma_start3A_116 : memref<80x128xi32, #tpu.memory_space<hbm>>) target(%dma_start3A_112 : memref<80x128xi32, #tpu.memory_space<vmem>>) target_semaphore(%run_scoped3A : memref<!tpu.dma_semaphore, #tpu.memory_space<semaphore_mem>>)
        %dma_wait3A = arith.constant 0 : i32
        %dma_wait3A_117 = arith.constant 0 : i32
        %dma_wait3A_118 = tpu.memref_slice %arg9[%dma_wait3A, %dma_wait3A_117] : memref<80x128xi32, #tpu.memory_space<vmem>> -> memref<80x128xi32, #tpu.memory_space<vmem>>
        %dma_wait3A_119 = arith.constant 0 : i32
        %dma_wait3A_120 = arith.constant 0 : i32
        %dma_wait3A_121 = tpu.memref_slice %arg5[%arg1, %dma_wait3A_119, %dma_wait3A_120] : memref<16x80x128xi32, #tpu.memory_space<hbm>> -> memref<1x80x128xi32, #tpu.memory_space<hbm>>
        %dma_wait3A_122 = tpu.memref_squeeze %dma_wait3A_121 : memref<1x80x128xi32, #tpu.memory_space<hbm>> -> memref<80x128xi32, #tpu.memory_space<hbm>>
        %dma_wait3A_123 = arith.constant 0 : i32
        %dma_wait3A_124 = arith.constant 0 : i32
        %dma_wait3A_125 = tpu.memref_slice %arg9[%dma_wait3A_123, %dma_wait3A_124] : memref<80x128xi32, #tpu.memory_space<vmem>> -> memref<80x128xi32, #tpu.memory_space<vmem>>
        %dma_wait3A_126 = arith.constant 0 : i32
        %dma_wait3A_127 = arith.constant 0 : i32
        %dma_wait3A_128 = tpu.memref_slice %arg5[%arg1, %dma_wait3A_126, %dma_wait3A_127] : memref<16x80x128xi32, #tpu.memory_space<hbm>> -> memref<1x80x128xi32, #tpu.memory_space<hbm>>
        %dma_wait3A_129 = tpu.memref_squeeze %dma_wait3A_128 : memref<1x80x128xi32, #tpu.memory_space<hbm>> -> memref<80x128xi32, #tpu.memory_space<hbm>>
        tpu.wait_dma2 semaphore(%run_scoped3A : memref<!tpu.dma_semaphore, #tpu.memory_space<semaphore_mem>>) src(%dma_wait3A_129 : memref<80x128xi32, #tpu.memory_space<hbm>>) dst(%dma_wait3A_125 : memref<80x128xi32, #tpu.memory_space<vmem>>)
        tpu.yield
      }) : () -> ()
      "tpu.region"() ({
        %run_scoped3A = tpu.sem_alloc : memref<!tpu.dma_semaphore, #tpu.memory_space<semaphore_mem>>
        %dma_start3A = arith.constant 0 : i32
        %dma_start3A_104 = arith.constant 0 : i32
        %dma_start3A_105 = tpu.memref_slice %arg10[%dma_start3A, %dma_start3A_104] : memref<80x128xi32, #tpu.memory_space<vmem>> -> memref<80x128xi32, #tpu.memory_space<vmem>>
        %dma_start3A_106 = arith.constant 0 : i32
        %dma_start3A_107 = arith.constant 0 : i32
        %dma_start3A_108 = tpu.memref_slice %arg6[%arg1, %dma_start3A_106, %dma_start3A_107] : memref<16x80x128xi32, #tpu.memory_space<hbm>> -> memref<1x80x128xi32, #tpu.memory_space<hbm>>
        %dma_start3A_109 = tpu.memref_squeeze %dma_start3A_108 : memref<1x80x128xi32, #tpu.memory_space<hbm>> -> memref<80x128xi32, #tpu.memory_space<hbm>>
        %dma_start3A_110 = arith.constant 0 : i32
        %dma_start3A_111 = arith.constant 0 : i32
        %dma_start3A_112 = tpu.memref_slice %arg10[%dma_start3A_110, %dma_start3A_111] : memref<80x128xi32, #tpu.memory_space<vmem>> -> memref<80x128xi32, #tpu.memory_space<vmem>>
        %dma_start3A_113 = arith.constant 0 : i32
        %dma_start3A_114 = arith.constant 0 : i32
        %dma_start3A_115 = tpu.memref_slice %arg6[%arg1, %dma_start3A_113, %dma_start3A_114] : memref<16x80x128xi32, #tpu.memory_space<hbm>> -> memref<1x80x128xi32, #tpu.memory_space<hbm>>
        %dma_start3A_116 = tpu.memref_squeeze %dma_start3A_115 : memref<1x80x128xi32, #tpu.memory_space<hbm>> -> memref<80x128xi32, #tpu.memory_space<hbm>>
        tpu.enqueue_dma source(%dma_start3A_116 : memref<80x128xi32, #tpu.memory_space<hbm>>) target(%dma_start3A_112 : memref<80x128xi32, #tpu.memory_space<vmem>>) target_semaphore(%run_scoped3A : memref<!tpu.dma_semaphore, #tpu.memory_space<semaphore_mem>>)
        %dma_wait3A = arith.constant 0 : i32
        %dma_wait3A_117 = arith.constant 0 : i32
        %dma_wait3A_118 = tpu.memref_slice %arg10[%dma_wait3A, %dma_wait3A_117] : memref<80x128xi32, #tpu.memory_space<vmem>> -> memref<80x128xi32, #tpu.memory_space<vmem>>
        %dma_wait3A_119 = arith.constant 0 : i32
        %dma_wait3A_120 = arith.constant 0 : i32
        %dma_wait3A_121 = tpu.memref_slice %arg6[%arg1, %dma_wait3A_119, %dma_wait3A_120] : memref<16x80x128xi32, #tpu.memory_space<hbm>> -> memref<1x80x128xi32, #tpu.memory_space<hbm>>
        %dma_wait3A_122 = tpu.memref_squeeze %dma_wait3A_121 : memref<1x80x128xi32, #tpu.memory_space<hbm>> -> memref<80x128xi32, #tpu.memory_space<hbm>>
        %dma_wait3A_123 = arith.constant 0 : i32
        %dma_wait3A_124 = arith.constant 0 : i32
        %dma_wait3A_125 = tpu.memref_slice %arg10[%dma_wait3A_123, %dma_wait3A_124] : memref<80x128xi32, #tpu.memory_space<vmem>> -> memref<80x128xi32, #tpu.memory_space<vmem>>
        %dma_wait3A_126 = arith.constant 0 : i32
        %dma_wait3A_127 = arith.constant 0 : i32
        %dma_wait3A_128 = tpu.memref_slice %arg6[%arg1, %dma_wait3A_126, %dma_wait3A_127] : memref<16x80x128xi32, #tpu.memory_space<hbm>> -> memref<1x80x128xi32, #tpu.memory_space<hbm>>
        %dma_wait3A_129 = tpu.memref_squeeze %dma_wait3A_128 : memref<1x80x128xi32, #tpu.memory_space<hbm>> -> memref<80x128xi32, #tpu.memory_space<hbm>>
        tpu.wait_dma2 semaphore(%run_scoped3A : memref<!tpu.dma_semaphore, #tpu.memory_space<semaphore_mem>>) src(%dma_wait3A_129 : memref<80x128xi32, #tpu.memory_space<hbm>>) dst(%dma_wait3A_125 : memref<80x128xi32, #tpu.memory_space<vmem>>)
        tpu.yield
      }) : () -> ()
    } else {
    }
    %mul3A_46 = arith.constant 80 : i32
    %mul3A_47 = arith.muli %arg1, %mul3A_46 : i32
    %sub3A_48 = arith.constant 1220 : i32
    %sub3A_49 = arith.subi %sub3A_48, %mul3A_47 : i32
    %jit3A_50 = arith.constant 0 : i32
    %jit3A_51 = arith.constant 80 : i32
    %max3A_52 = arith.maxsi %jit3A_50, %sub3A_49 : i32
    %min3A_53 = arith.minsi %jit3A_51, %max3A_52 : i32
    %neg3A_54 = arith.constant 0 : i32
    %neg3A_55 = arith.subi %neg3A_54, %min3A_53 : i32
    %jit3A_56 = arith.constant 8 : i32
    %div3A_57 = arith.divsi %neg3A_55, %jit3A_56 : i32
    %sign3A_58 = arith.constant 0 : i32
    %sign3A_59 = arith.cmpi sgt, %neg3A_55, %sign3A_58 : i32
    %sign3A_60 = arith.extui %sign3A_59 : i1 to i32
    %sign3A_61 = arith.constant 0 : i32
    %sign3A_62 = arith.cmpi slt, %neg3A_55, %sign3A_61 : i32
    %sign3A_63 = arith.extui %sign3A_62 : i1 to i32
    %sign3A_64 = arith.subi %sign3A_60, %sign3A_63 : i32
    %sign3A_65 = arith.constant 0 : i32
    %sign3A_66 = arith.cmpi sgt, %jit3A_56, %sign3A_65 : i32
    %sign3A_67 = arith.extui %sign3A_66 : i1 to i32
    %sign3A_68 = arith.constant 0 : i32
    %sign3A_69 = arith.cmpi slt, %jit3A_56, %sign3A_68 : i32
    %sign3A_70 = arith.extui %sign3A_69 : i1 to i32
    %sign3A_71 = arith.subi %sign3A_67, %sign3A_70 : i32
    %ne3A_72 = arith.cmpi ne, %sign3A_64, %sign3A_71 : i32
    %rem3A_73 = arith.remsi %neg3A_55, %jit3A_56 : i32
    %ne3A_74 = arith.constant 0 : i32
    %ne3A_75 = arith.cmpi ne, %rem3A_73, %ne3A_74 : i32
    %and3A_76 = arith.andi %ne3A_72, %ne3A_75 : i1
    %sub3A_77 = arith.constant 1 : i32
    %sub3A_78 = arith.subi %div3A_57, %sub3A_77 : i32
    %select_n3A_79 = arith.select %and3A_76, %sub3A_78, %div3A_57 : i32
    %neg3A_80 = arith.constant 0 : i32
    %neg3A_81 = arith.subi %neg3A_80, %select_n3A_79 : i32
    %select_n3A_82 = arith.select %eq3A_1, %neg3A_41, %neg3A_81 : i32
    %while3A_83 = arith.constant 0 : i32
    %while3A_84 = arith.constant 0 : i32
    %while3A_85 = arith.subi %select_n3A_82, %while3A_84 : i32
    %while3A_86 = arith.addi %while3A_84, %while3A_85 : i32
    %while3A_87 = arith.constant 1 : i32
    %while3A_88 = arith.divsi %while3A_85, %while3A_87 : i32
    %while3A_89 = arith.muli %while3A_88, %while3A_87 : i32
    %while3A_90 = arith.addi %while3A_84, %while3A_89 : i32
    %while3A_91 = arith.constant 1 : i32
    scf.for %while3A_104 = %while3A_84 to %while3A_90 step %while3A_91  : i32 {
      %mul3A_105 = arith.constant 8 : i32
      %mul3A_106 = arith.muli %while3A_104, %mul3A_105 : i32
      %add3A = arith.constant 0 : i32
      %add3A_107 = arith.addi %mul3A_106, %add3A : i32
      %dma_start3A = arith.constant 0 : i32
      %dma_start3A_108 = arith.constant 0 : i32
      %dma_start3A_109 = arith.constant 0 : i32
      %dma_start3A_110 = tpu.memref_slice %arg11[%dma_start3A, %dma_start3A_108, %dma_start3A_109] : memref<8x128x32xf32, #tpu.memory_space<vmem>> -> memref<1x128x32xf32, #tpu.memory_space<vmem>>
      %dma_start3A_111 = tpu.memref_squeeze %dma_start3A_110 : memref<1x128x32xf32, #tpu.memory_space<vmem>> -> memref<128x32xf32, #tpu.memory_space<vmem>>
      %dma_start3A_112 = arith.constant 0 : i32
      %dma_start3A_113 = tpu.memref_slice %arg9[%add3A_107, %dma_start3A_112] : memref<80x128xi32, #tpu.memory_space<vmem>> -> memref<1x128xi32, #tpu.memory_space<vmem>>
      %dma_start3A_114 = tpu.memref_squeeze %dma_start3A_113 : memref<1x128xi32, #tpu.memory_space<vmem>> -> memref<128xi32, #tpu.memory_space<vmem>>
      %dma_start3A_115 = arith.constant 0 : i32
      %dma_start3A_116 = arith.constant 0 : i32
      %dma_start3A_117 = tpu.memref_slice %arg2[%dma_start3A_115, %dma_start3A_116] : memref<10016x32xf32, #tpu.memory_space<hbm>> -> memref<10016x32xf32, #tpu.memory_space<hbm>>
      tpu.enqueue_indirect_dma source(%dma_start3A_117 : memref<10016x32xf32, #tpu.memory_space<hbm>>) target(%dma_start3A_111 : memref<128x32xf32, #tpu.memory_space<vmem>>) offsets(%dma_start3A_114 : memref<128xi32, #tpu.memory_space<vmem>>) semaphore(%arg13 : memref<!tpu.dma_semaphore, #tpu.memory_space<semaphore_mem>>)
      %add3A_118 = arith.constant 1 : i32
      %add3A_119 = arith.addi %mul3A_106, %add3A_118 : i32
      %dma_start3A_120 = arith.constant 1 : i32
      %dma_start3A_121 = arith.constant 0 : i32
      %dma_start3A_122 = arith.constant 0 : i32
      %dma_start3A_123 = tpu.memref_slice %arg11[%dma_start3A_120, %dma_start3A_121, %dma_start3A_122] : memref<8x128x32xf32, #tpu.memory_space<vmem>> -> memref<1x128x32xf32, #tpu.memory_space<vmem>>
      %dma_start3A_124 = tpu.memref_squeeze %dma_start3A_123 : memref<1x128x32xf32, #tpu.memory_space<vmem>> -> memref<128x32xf32, #tpu.memory_space<vmem>>
      %dma_start3A_125 = arith.constant 0 : i32
      %dma_start3A_126 = tpu.memref_slice %arg9[%add3A_119, %dma_start3A_125] : memref<80x128xi32, #tpu.memory_space<vmem>> -> memref<1x128xi32, #tpu.memory_space<vmem>>
      %dma_start3A_127 = tpu.memref_squeeze %dma_start3A_126 : memref<1x128xi32, #tpu.memory_space<vmem>> -> memref<128xi32, #tpu.memory_space<vmem>>
      %dma_start3A_128 = arith.constant 0 : i32
      %dma_start3A_129 = arith.constant 0 : i32
      %dma_start3A_130 = tpu.memref_slice %arg2[%dma_start3A_128, %dma_start3A_129] : memref<10016x32xf32, #tpu.memory_space<hbm>> -> memref<10016x32xf32, #tpu.memory_space<hbm>>
      tpu.enqueue_indirect_dma source(%dma_start3A_130 : memref<10016x32xf32, #tpu.memory_space<hbm>>) target(%dma_start3A_124 : memref<128x32xf32, #tpu.memory_space<vmem>>) offsets(%dma_start3A_127 : memref<128xi32, #tpu.memory_space<vmem>>) semaphore(%arg13 : memref<!tpu.dma_semaphore, #tpu.memory_space<semaphore_mem>>)
      %add3A_131 = arith.constant 2 : i32
      %add3A_132 = arith.addi %mul3A_106, %add3A_131 : i32
      %dma_start3A_133 = arith.constant 2 : i32
      %dma_start3A_134 = arith.constant 0 : i32
      %dma_start3A_135 = arith.constant 0 : i32
      %dma_start3A_136 = tpu.memref_slice %arg11[%dma_start3A_133, %dma_start3A_134, %dma_start3A_135] : memref<8x128x32xf32, #tpu.memory_space<vmem>> -> memref<1x128x32xf32, #tpu.memory_space<vmem>>
      %dma_start3A_137 = tpu.memref_squeeze %dma_start3A_136 : memref<1x128x32xf32, #tpu.memory_space<vmem>> -> memref<128x32xf32, #tpu.memory_space<vmem>>
      %dma_start3A_138 = arith.constant 0 : i32
      %dma_start3A_139 = tpu.memref_slice %arg9[%add3A_132, %dma_start3A_138] : memref<80x128xi32, #tpu.memory_space<vmem>> -> memref<1x128xi32, #tpu.memory_space<vmem>>
      %dma_start3A_140 = tpu.memref_squeeze %dma_start3A_139 : memref<1x128xi32, #tpu.memory_space<vmem>> -> memref<128xi32, #tpu.memory_space<vmem>>
      %dma_start3A_141 = arith.constant 0 : i32
      %dma_start3A_142 = arith.constant 0 : i32
      %dma_start3A_143 = tpu.memref_slice %arg2[%dma_start3A_141, %dma_start3A_142] : memref<10016x32xf32, #tpu.memory_space<hbm>> -> memref<10016x32xf32, #tpu.memory_space<hbm>>
      tpu.enqueue_indirect_dma source(%dma_start3A_143 : memref<10016x32xf32, #tpu.memory_space<hbm>>) target(%dma_start3A_137 : memref<128x32xf32, #tpu.memory_space<vmem>>) offsets(%dma_start3A_140 : memref<128xi32, #tpu.memory_space<vmem>>) semaphore(%arg13 : memref<!tpu.dma_semaphore, #tpu.memory_space<semaphore_mem>>)
      %add3A_144 = arith.constant 3 : i32
      %add3A_145 = arith.addi %mul3A_106, %add3A_144 : i32
      %dma_start3A_146 = arith.constant 3 : i32
      %dma_start3A_147 = arith.constant 0 : i32
      %dma_start3A_148 = arith.constant 0 : i32
      %dma_start3A_149 = tpu.memref_slice %arg11[%dma_start3A_146, %dma_start3A_147, %dma_start3A_148] : memref<8x128x32xf32, #tpu.memory_space<vmem>> -> memref<1x128x32xf32, #tpu.memory_space<vmem>>
      %dma_start3A_150 = tpu.memref_squeeze %dma_start3A_149 : memref<1x128x32xf32, #tpu.memory_space<vmem>> -> memref<128x32xf32, #tpu.memory_space<vmem>>
      %dma_start3A_151 = arith.constant 0 : i32
      %dma_start3A_152 = tpu.memref_slice %arg9[%add3A_145, %dma_start3A_151] : memref<80x128xi32, #tpu.memory_space<vmem>> -> memref<1x128xi32, #tpu.memory_space<vmem>>
      %dma_start3A_153 = tpu.memref_squeeze %dma_start3A_152 : memref<1x128xi32, #tpu.memory_space<vmem>> -> memref<128xi32, #tpu.memory_space<vmem>>
      %dma_start3A_154 = arith.constant 0 : i32
      %dma_start3A_155 = arith.constant 0 : i32
      %dma_start3A_156 = tpu.memref_slice %arg2[%dma_start3A_154, %dma_start3A_155] : memref<10016x32xf32, #tpu.memory_space<hbm>> -> memref<10016x32xf32, #tpu.memory_space<hbm>>
      tpu.enqueue_indirect_dma source(%dma_start3A_156 : memref<10016x32xf32, #tpu.memory_space<hbm>>) target(%dma_start3A_150 : memref<128x32xf32, #tpu.memory_space<vmem>>) offsets(%dma_start3A_153 : memref<128xi32, #tpu.memory_space<vmem>>) semaphore(%arg13 : memref<!tpu.dma_semaphore, #tpu.memory_space<semaphore_mem>>)
      %add3A_157 = arith.constant 4 : i32
      %add3A_158 = arith.addi %mul3A_106, %add3A_157 : i32
      %dma_start3A_159 = arith.constant 4 : i32
      %dma_start3A_160 = arith.constant 0 : i32
      %dma_start3A_161 = arith.constant 0 : i32
      %dma_start3A_162 = tpu.memref_slice %arg11[%dma_start3A_159, %dma_start3A_160, %dma_start3A_161] : memref<8x128x32xf32, #tpu.memory_space<vmem>> -> memref<1x128x32xf32, #tpu.memory_space<vmem>>
      %dma_start3A_163 = tpu.memref_squeeze %dma_start3A_162 : memref<1x128x32xf32, #tpu.memory_space<vmem>> -> memref<128x32xf32, #tpu.memory_space<vmem>>
      %dma_start3A_164 = arith.constant 0 : i32
      %dma_start3A_165 = tpu.memref_slice %arg9[%add3A_158, %dma_start3A_164] : memref<80x128xi32, #tpu.memory_space<vmem>> -> memref<1x128xi32, #tpu.memory_space<vmem>>
      %dma_start3A_166 = tpu.memref_squeeze %dma_start3A_165 : memref<1x128xi32, #tpu.memory_space<vmem>> -> memref<128xi32, #tpu.memory_space<vmem>>
      %dma_start3A_167 = arith.constant 0 : i32
      %dma_start3A_168 = arith.constant 0 : i32
      %dma_start3A_169 = tpu.memref_slice %arg2[%dma_start3A_167, %dma_start3A_168] : memref<10016x32xf32, #tpu.memory_space<hbm>> -> memref<10016x32xf32, #tpu.memory_space<hbm>>
      tpu.enqueue_indirect_dma source(%dma_start3A_169 : memref<10016x32xf32, #tpu.memory_space<hbm>>) target(%dma_start3A_163 : memref<128x32xf32, #tpu.memory_space<vmem>>) offsets(%dma_start3A_166 : memref<128xi32, #tpu.memory_space<vmem>>) semaphore(%arg13 : memref<!tpu.dma_semaphore, #tpu.memory_space<semaphore_mem>>)
      %add3A_170 = arith.constant 5 : i32
      %add3A_171 = arith.addi %mul3A_106, %add3A_170 : i32
      %dma_start3A_172 = arith.constant 5 : i32
      %dma_start3A_173 = arith.constant 0 : i32
      %dma_start3A_174 = arith.constant 0 : i32
      %dma_start3A_175 = tpu.memref_slice %arg11[%dma_start3A_172, %dma_start3A_173, %dma_start3A_174] : memref<8x128x32xf32, #tpu.memory_space<vmem>> -> memref<1x128x32xf32, #tpu.memory_space<vmem>>
      %dma_start3A_176 = tpu.memref_squeeze %dma_start3A_175 : memref<1x128x32xf32, #tpu.memory_space<vmem>> -> memref<128x32xf32, #tpu.memory_space<vmem>>
      %dma_start3A_177 = arith.constant 0 : i32
      %dma_start3A_178 = tpu.memref_slice %arg9[%add3A_171, %dma_start3A_177] : memref<80x128xi32, #tpu.memory_space<vmem>> -> memref<1x128xi32, #tpu.memory_space<vmem>>
      %dma_start3A_179 = tpu.memref_squeeze %dma_start3A_178 : memref<1x128xi32, #tpu.memory_space<vmem>> -> memref<128xi32, #tpu.memory_space<vmem>>
      %dma_start3A_180 = arith.constant 0 : i32
      %dma_start3A_181 = arith.constant 0 : i32
      %dma_start3A_182 = tpu.memref_slice %arg2[%dma_start3A_180, %dma_start3A_181] : memref<10016x32xf32, #tpu.memory_space<hbm>> -> memref<10016x32xf32, #tpu.memory_space<hbm>>
      tpu.enqueue_indirect_dma source(%dma_start3A_182 : memref<10016x32xf32, #tpu.memory_space<hbm>>) target(%dma_start3A_176 : memref<128x32xf32, #tpu.memory_space<vmem>>) offsets(%dma_start3A_179 : memref<128xi32, #tpu.memory_space<vmem>>) semaphore(%arg13 : memref<!tpu.dma_semaphore, #tpu.memory_space<semaphore_mem>>)
      %add3A_183 = arith.constant 6 : i32
      %add3A_184 = arith.addi %mul3A_106, %add3A_183 : i32
      %dma_start3A_185 = arith.constant 6 : i32
      %dma_start3A_186 = arith.constant 0 : i32
      %dma_start3A_187 = arith.constant 0 : i32
      %dma_start3A_188 = tpu.memref_slice %arg11[%dma_start3A_185, %dma_start3A_186, %dma_start3A_187] : memref<8x128x32xf32, #tpu.memory_space<vmem>> -> memref<1x128x32xf32, #tpu.memory_space<vmem>>
      %dma_start3A_189 = tpu.memref_squeeze %dma_start3A_188 : memref<1x128x32xf32, #tpu.memory_space<vmem>> -> memref<128x32xf32, #tpu.memory_space<vmem>>
      %dma_start3A_190 = arith.constant 0 : i32
      %dma_start3A_191 = tpu.memref_slice %arg9[%add3A_184, %dma_start3A_190] : memref<80x128xi32, #tpu.memory_space<vmem>> -> memref<1x128xi32, #tpu.memory_space<vmem>>
      %dma_start3A_192 = tpu.memref_squeeze %dma_start3A_191 : memref<1x128xi32, #tpu.memory_space<vmem>> -> memref<128xi32, #tpu.memory_space<vmem>>
      %dma_start3A_193 = arith.constant 0 : i32
      %dma_start3A_194 = arith.constant 0 : i32
      %dma_start3A_195 = tpu.memref_slice %arg2[%dma_start3A_193, %dma_start3A_194] : memref<10016x32xf32, #tpu.memory_space<hbm>> -> memref<10016x32xf32, #tpu.memory_space<hbm>>
      tpu.enqueue_indirect_dma source(%dma_start3A_195 : memref<10016x32xf32, #tpu.memory_space<hbm>>) target(%dma_start3A_189 : memref<128x32xf32, #tpu.memory_space<vmem>>) offsets(%dma_start3A_192 : memref<128xi32, #tpu.memory_space<vmem>>) semaphore(%arg13 : memref<!tpu.dma_semaphore, #tpu.memory_space<semaphore_mem>>)
      %add3A_196 = arith.constant 7 : i32
      %add3A_197 = arith.addi %mul3A_106, %add3A_196 : i32
      %dma_start3A_198 = arith.constant 7 : i32
      %dma_start3A_199 = arith.constant 0 : i32
      %dma_start3A_200 = arith.constant 0 : i32
      %dma_start3A_201 = tpu.memref_slice %arg11[%dma_start3A_198, %dma_start3A_199, %dma_start3A_200] : memref<8x128x32xf32, #tpu.memory_space<vmem>> -> memref<1x128x32xf32, #tpu.memory_space<vmem>>
      %dma_start3A_202 = tpu.memref_squeeze %dma_start3A_201 : memref<1x128x32xf32, #tpu.memory_space<vmem>> -> memref<128x32xf32, #tpu.memory_space<vmem>>
      %dma_start3A_203 = arith.constant 0 : i32
      %dma_start3A_204 = tpu.memref_slice %arg9[%add3A_197, %dma_start3A_203] : memref<80x128xi32, #tpu.memory_space<vmem>> -> memref<1x128xi32, #tpu.memory_space<vmem>>
      %dma_start3A_205 = tpu.memref_squeeze %dma_start3A_204 : memref<1x128xi32, #tpu.memory_space<vmem>> -> memref<128xi32, #tpu.memory_space<vmem>>
      %dma_start3A_206 = arith.constant 0 : i32
      %dma_start3A_207 = arith.constant 0 : i32
      %dma_start3A_208 = tpu.memref_slice %arg2[%dma_start3A_206, %dma_start3A_207] : memref<10016x32xf32, #tpu.memory_space<hbm>> -> memref<10016x32xf32, #tpu.memory_space<hbm>>
      tpu.enqueue_indirect_dma source(%dma_start3A_208 : memref<10016x32xf32, #tpu.memory_space<hbm>>) target(%dma_start3A_202 : memref<128x32xf32, #tpu.memory_space<vmem>>) offsets(%dma_start3A_205 : memref<128xi32, #tpu.memory_space<vmem>>) semaphore(%arg13 : memref<!tpu.dma_semaphore, #tpu.memory_space<semaphore_mem>>)
      %dma_wait3A = arith.constant 0 : i32
      %dma_wait3A_209 = arith.constant 0 : i32
      %dma_wait3A_210 = arith.constant 0 : i32
      %dma_wait3A_211 = tpu.memref_slice %arg11[%dma_wait3A, %dma_wait3A_209, %dma_wait3A_210] : memref<8x128x32xf32, #tpu.memory_space<vmem>> -> memref<1x128x32xf32, #tpu.memory_space<vmem>>
      %dma_wait3A_212 = tpu.memref_squeeze %dma_wait3A_211 : memref<1x128x32xf32, #tpu.memory_space<vmem>> -> memref<128x32xf32, #tpu.memory_space<vmem>>
      %dma_wait3A_213 = arith.constant 0 : i32
      %dma_wait3A_214 = tpu.memref_slice %arg9[%add3A_107, %dma_wait3A_213] : memref<80x128xi32, #tpu.memory_space<vmem>> -> memref<1x128xi32, #tpu.memory_space<vmem>>
      %dma_wait3A_215 = tpu.memref_squeeze %dma_wait3A_214 : memref<1x128xi32, #tpu.memory_space<vmem>> -> memref<128xi32, #tpu.memory_space<vmem>>
      %dma_wait3A_216 = arith.constant 0 : i32
      %dma_wait3A_217 = arith.constant 0 : i32
      %dma_wait3A_218 = tpu.memref_slice %arg2[%dma_wait3A_216, %dma_wait3A_217] : memref<10016x32xf32, #tpu.memory_space<hbm>> -> memref<10016x32xf32, #tpu.memory_space<hbm>>
      tpu.wait_indirect_dma semaphore(%arg13 : memref<!tpu.dma_semaphore, #tpu.memory_space<semaphore_mem>>) src(%dma_wait3A_218 : memref<10016x32xf32, #tpu.memory_space<hbm>>) dst(%dma_wait3A_212 : memref<128x32xf32, #tpu.memory_space<vmem>>)
      %add3A_219 = arith.constant 0 : i32
      %add3A_220 = arith.addi %mul3A_106, %add3A_219 : i32
      %dma_start3A_221 = arith.constant 0 : i32
      %dma_start3A_222 = arith.constant 0 : i32
      %dma_start3A_223 = arith.constant 0 : i32
      %dma_start3A_224 = tpu.memref_slice %arg11[%dma_start3A_221, %dma_start3A_222, %dma_start3A_223] : memref<8x128x32xf32, #tpu.memory_space<vmem>> -> memref<1x128x32xf32, #tpu.memory_space<vmem>>
      %dma_start3A_225 = tpu.memref_squeeze %dma_start3A_224 : memref<1x128x32xf32, #tpu.memory_space<vmem>> -> memref<128x32xf32, #tpu.memory_space<vmem>>
      %dma_start3A_226 = arith.constant 0 : i32
      %dma_start3A_227 = tpu.memref_slice %arg10[%add3A_220, %dma_start3A_226] : memref<80x128xi32, #tpu.memory_space<vmem>> -> memref<1x128xi32, #tpu.memory_space<vmem>>
      %dma_start3A_228 = tpu.memref_squeeze %dma_start3A_227 : memref<1x128xi32, #tpu.memory_space<vmem>> -> memref<128xi32, #tpu.memory_space<vmem>>
      %dma_start3A_229 = arith.constant 0 : i32
      %dma_start3A_230 = arith.constant 0 : i32
      %dma_start3A_231 = tpu.memref_slice %arg12[%dma_start3A_229, %dma_start3A_230] : memref<10016x32xf32, #tpu.memory_space<vmem_shared>> -> memref<10016x32xf32, #tpu.memory_space<vmem_shared>>
      tpu.enqueue_indirect_dma source(%dma_start3A_225 : memref<128x32xf32, #tpu.memory_space<vmem>>) target(%dma_start3A_231 : memref<10016x32xf32, #tpu.memory_space<vmem_shared>>) offsets(%dma_start3A_228 : memref<128xi32, #tpu.memory_space<vmem>>) semaphore(%arg14 : memref<!tpu.dma_semaphore, #tpu.memory_space<semaphore_mem>>) {add = true}
      %dma_wait3A_232 = arith.constant 1 : i32
      %dma_wait3A_233 = arith.constant 0 : i32
      %dma_wait3A_234 = arith.constant 0 : i32
      %dma_wait3A_235 = tpu.memref_slice %arg11[%dma_wait3A_232, %dma_wait3A_233, %dma_wait3A_234] : memref<8x128x32xf32, #tpu.memory_space<vmem>> -> memref<1x128x32xf32, #tpu.memory_space<vmem>>
      %dma_wait3A_236 = tpu.memref_squeeze %dma_wait3A_235 : memref<1x128x32xf32, #tpu.memory_space<vmem>> -> memref<128x32xf32, #tpu.memory_space<vmem>>
      %dma_wait3A_237 = arith.constant 0 : i32
      %dma_wait3A_238 = tpu.memref_slice %arg9[%add3A_119, %dma_wait3A_237] : memref<80x128xi32, #tpu.memory_space<vmem>> -> memref<1x128xi32, #tpu.memory_space<vmem>>
      %dma_wait3A_239 = tpu.memref_squeeze %dma_wait3A_238 : memref<1x128xi32, #tpu.memory_space<vmem>> -> memref<128xi32, #tpu.memory_space<vmem>>
      %dma_wait3A_240 = arith.constant 0 : i32
      %dma_wait3A_241 = arith.constant 0 : i32
      %dma_wait3A_242 = tpu.memref_slice %arg2[%dma_wait3A_240, %dma_wait3A_241] : memref<10016x32xf32, #tpu.memory_space<hbm>> -> memref<10016x32xf32, #tpu.memory_space<hbm>>
      tpu.wait_indirect_dma semaphore(%arg13 : memref<!tpu.dma_semaphore, #tpu.memory_space<semaphore_mem>>) src(%dma_wait3A_242 : memref<10016x32xf32, #tpu.memory_space<hbm>>) dst(%dma_wait3A_236 : memref<128x32xf32, #tpu.memory_space<vmem>>)
      %add3A_243 = arith.constant 1 : i32
      %add3A_244 = arith.addi %mul3A_106, %add3A_243 : i32
      %dma_start3A_245 = arith.constant 1 : i32
      %dma_start3A_246 = arith.constant 0 : i32
      %dma_start3A_247 = arith.constant 0 : i32
      %dma_start3A_248 = tpu.memref_slice %arg11[%dma_start3A_245, %dma_start3A_246, %dma_start3A_247] : memref<8x128x32xf32, #tpu.memory_space<vmem>> -> memref<1x128x32xf32, #tpu.memory_space<vmem>>
      %dma_start3A_249 = tpu.memref_squeeze %dma_start3A_248 : memref<1x128x32xf32, #tpu.memory_space<vmem>> -> memref<128x32xf32, #tpu.memory_space<vmem>>
      %dma_start3A_250 = arith.constant 0 : i32
      %dma_start3A_251 = tpu.memref_slice %arg10[%add3A_244, %dma_start3A_250] : memref<80x128xi32, #tpu.memory_space<vmem>> -> memref<1x128xi32, #tpu.memory_space<vmem>>
      %dma_start3A_252 = tpu.memref_squeeze %dma_start3A_251 : memref<1x128xi32, #tpu.memory_space<vmem>> -> memref<128xi32, #tpu.memory_space<vmem>>
      %dma_start3A_253 = arith.constant 0 : i32
      %dma_start3A_254 = arith.constant 0 : i32
      %dma_start3A_255 = tpu.memref_slice %arg12[%dma_start3A_253, %dma_start3A_254] : memref<10016x32xf32, #tpu.memory_space<vmem_shared>> -> memref<10016x32xf32, #tpu.memory_space<vmem_shared>>
      tpu.enqueue_indirect_dma source(%dma_start3A_249 : memref<128x32xf32, #tpu.memory_space<vmem>>) target(%dma_start3A_255 : memref<10016x32xf32, #tpu.memory_space<vmem_shared>>) offsets(%dma_start3A_252 : memref<128xi32, #tpu.memory_space<vmem>>) semaphore(%arg14 : memref<!tpu.dma_semaphore, #tpu.memory_space<semaphore_mem>>) {add = true}
      %dma_wait3A_256 = arith.constant 2 : i32
      %dma_wait3A_257 = arith.constant 0 : i32
      %dma_wait3A_258 = arith.constant 0 : i32
      %dma_wait3A_259 = tpu.memref_slice %arg11[%dma_wait3A_256, %dma_wait3A_257, %dma_wait3A_258] : memref<8x128x32xf32, #tpu.memory_space<vmem>> -> memref<1x128x32xf32, #tpu.memory_space<vmem>>
      %dma_wait3A_260 = tpu.memref_squeeze %dma_wait3A_259 : memref<1x128x32xf32, #tpu.memory_space<vmem>> -> memref<128x32xf32, #tpu.memory_space<vmem>>
      %dma_wait3A_261 = arith.constant 0 : i32
      %dma_wait3A_262 = tpu.memref_slice %arg9[%add3A_132, %dma_wait3A_261] : memref<80x128xi32, #tpu.memory_space<vmem>> -> memref<1x128xi32, #tpu.memory_space<vmem>>
      %dma_wait3A_263 = tpu.memref_squeeze %dma_wait3A_262 : memref<1x128xi32, #tpu.memory_space<vmem>> -> memref<128xi32, #tpu.memory_space<vmem>>
      %dma_wait3A_264 = arith.constant 0 : i32
      %dma_wait3A_265 = arith.constant 0 : i32
      %dma_wait3A_266 = tpu.memref_slice %arg2[%dma_wait3A_264, %dma_wait3A_265] : memref<10016x32xf32, #tpu.memory_space<hbm>> -> memref<10016x32xf32, #tpu.memory_space<hbm>>
      tpu.wait_indirect_dma semaphore(%arg13 : memref<!tpu.dma_semaphore, #tpu.memory_space<semaphore_mem>>) src(%dma_wait3A_266 : memref<10016x32xf32, #tpu.memory_space<hbm>>) dst(%dma_wait3A_260 : memref<128x32xf32, #tpu.memory_space<vmem>>)
      %add3A_267 = arith.constant 2 : i32
      %add3A_268 = arith.addi %mul3A_106, %add3A_267 : i32
      %dma_start3A_269 = arith.constant 2 : i32
      %dma_start3A_270 = arith.constant 0 : i32
      %dma_start3A_271 = arith.constant 0 : i32
      %dma_start3A_272 = tpu.memref_slice %arg11[%dma_start3A_269, %dma_start3A_270, %dma_start3A_271] : memref<8x128x32xf32, #tpu.memory_space<vmem>> -> memref<1x128x32xf32, #tpu.memory_space<vmem>>
      %dma_start3A_273 = tpu.memref_squeeze %dma_start3A_272 : memref<1x128x32xf32, #tpu.memory_space<vmem>> -> memref<128x32xf32, #tpu.memory_space<vmem>>
      %dma_start3A_274 = arith.constant 0 : i32
      %dma_start3A_275 = tpu.memref_slice %arg10[%add3A_268, %dma_start3A_274] : memref<80x128xi32, #tpu.memory_space<vmem>> -> memref<1x128xi32, #tpu.memory_space<vmem>>
      %dma_start3A_276 = tpu.memref_squeeze %dma_start3A_275 : memref<1x128xi32, #tpu.memory_space<vmem>> -> memref<128xi32, #tpu.memory_space<vmem>>
      %dma_start3A_277 = arith.constant 0 : i32
      %dma_start3A_278 = arith.constant 0 : i32
      %dma_start3A_279 = tpu.memref_slice %arg12[%dma_start3A_277, %dma_start3A_278] : memref<10016x32xf32, #tpu.memory_space<vmem_shared>> -> memref<10016x32xf32, #tpu.memory_space<vmem_shared>>
      tpu.enqueue_indirect_dma source(%dma_start3A_273 : memref<128x32xf32, #tpu.memory_space<vmem>>) target(%dma_start3A_279 : memref<10016x32xf32, #tpu.memory_space<vmem_shared>>) offsets(%dma_start3A_276 : memref<128xi32, #tpu.memory_space<vmem>>) semaphore(%arg14 : memref<!tpu.dma_semaphore, #tpu.memory_space<semaphore_mem>>) {add = true}
      %dma_wait3A_280 = arith.constant 3 : i32
      %dma_wait3A_281 = arith.constant 0 : i32
      %dma_wait3A_282 = arith.constant 0 : i32
      %dma_wait3A_283 = tpu.memref_slice %arg11[%dma_wait3A_280, %dma_wait3A_281, %dma_wait3A_282] : memref<8x128x32xf32, #tpu.memory_space<vmem>> -> memref<1x128x32xf32, #tpu.memory_space<vmem>>
      %dma_wait3A_284 = tpu.memref_squeeze %dma_wait3A_283 : memref<1x128x32xf32, #tpu.memory_space<vmem>> -> memref<128x32xf32, #tpu.memory_space<vmem>>
      %dma_wait3A_285 = arith.constant 0 : i32
      %dma_wait3A_286 = tpu.memref_slice %arg9[%add3A_145, %dma_wait3A_285] : memref<80x128xi32, #tpu.memory_space<vmem>> -> memref<1x128xi32, #tpu.memory_space<vmem>>
      %dma_wait3A_287 = tpu.memref_squeeze %dma_wait3A_286 : memref<1x128xi32, #tpu.memory_space<vmem>> -> memref<128xi32, #tpu.memory_space<vmem>>
      %dma_wait3A_288 = arith.constant 0 : i32
      %dma_wait3A_289 = arith.constant 0 : i32
      %dma_wait3A_290 = tpu.memref_slice %arg2[%dma_wait3A_288, %dma_wait3A_289] : memref<10016x32xf32, #tpu.memory_space<hbm>> -> memref<10016x32xf32, #tpu.memory_space<hbm>>
      tpu.wait_indirect_dma semaphore(%arg13 : memref<!tpu.dma_semaphore, #tpu.memory_space<semaphore_mem>>) src(%dma_wait3A_290 : memref<10016x32xf32, #tpu.memory_space<hbm>>) dst(%dma_wait3A_284 : memref<128x32xf32, #tpu.memory_space<vmem>>)
      %add3A_291 = arith.constant 3 : i32
      %add3A_292 = arith.addi %mul3A_106, %add3A_291 : i32
      %dma_start3A_293 = arith.constant 3 : i32
      %dma_start3A_294 = arith.constant 0 : i32
      %dma_start3A_295 = arith.constant 0 : i32
      %dma_start3A_296 = tpu.memref_slice %arg11[%dma_start3A_293, %dma_start3A_294, %dma_start3A_295] : memref<8x128x32xf32, #tpu.memory_space<vmem>> -> memref<1x128x32xf32, #tpu.memory_space<vmem>>
      %dma_start3A_297 = tpu.memref_squeeze %dma_start3A_296 : memref<1x128x32xf32, #tpu.memory_space<vmem>> -> memref<128x32xf32, #tpu.memory_space<vmem>>
      %dma_start3A_298 = arith.constant 0 : i32
      %dma_start3A_299 = tpu.memref_slice %arg10[%add3A_292, %dma_start3A_298] : memref<80x128xi32, #tpu.memory_space<vmem>> -> memref<1x128xi32, #tpu.memory_space<vmem>>
      %dma_start3A_300 = tpu.memref_squeeze %dma_start3A_299 : memref<1x128xi32, #tpu.memory_space<vmem>> -> memref<128xi32, #tpu.memory_space<vmem>>
      %dma_start3A_301 = arith.constant 0 : i32
      %dma_start3A_302 = arith.constant 0 : i32
      %dma_start3A_303 = tpu.memref_slice %arg12[%dma_start3A_301, %dma_start3A_302] : memref<10016x32xf32, #tpu.memory_space<vmem_shared>> -> memref<10016x32xf32, #tpu.memory_space<vmem_shared>>
      tpu.enqueue_indirect_dma source(%dma_start3A_297 : memref<128x32xf32, #tpu.memory_space<vmem>>) target(%dma_start3A_303 : memref<10016x32xf32, #tpu.memory_space<vmem_shared>>) offsets(%dma_start3A_300 : memref<128xi32, #tpu.memory_space<vmem>>) semaphore(%arg14 : memref<!tpu.dma_semaphore, #tpu.memory_space<semaphore_mem>>) {add = true}
      %dma_wait3A_304 = arith.constant 4 : i32
      %dma_wait3A_305 = arith.constant 0 : i32
      %dma_wait3A_306 = arith.constant 0 : i32
      %dma_wait3A_307 = tpu.memref_slice %arg11[%dma_wait3A_304, %dma_wait3A_305, %dma_wait3A_306] : memref<8x128x32xf32, #tpu.memory_space<vmem>> -> memref<1x128x32xf32, #tpu.memory_space<vmem>>
      %dma_wait3A_308 = tpu.memref_squeeze %dma_wait3A_307 : memref<1x128x32xf32, #tpu.memory_space<vmem>> -> memref<128x32xf32, #tpu.memory_space<vmem>>
      %dma_wait3A_309 = arith.constant 0 : i32
      %dma_wait3A_310 = tpu.memref_slice %arg9[%add3A_158, %dma_wait3A_309] : memref<80x128xi32, #tpu.memory_space<vmem>> -> memref<1x128xi32, #tpu.memory_space<vmem>>
      %dma_wait3A_311 = tpu.memref_squeeze %dma_wait3A_310 : memref<1x128xi32, #tpu.memory_space<vmem>> -> memref<128xi32, #tpu.memory_space<vmem>>
      %dma_wait3A_312 = arith.constant 0 : i32
      %dma_wait3A_313 = arith.constant 0 : i32
      %dma_wait3A_314 = tpu.memref_slice %arg2[%dma_wait3A_312, %dma_wait3A_313] : memref<10016x32xf32, #tpu.memory_space<hbm>> -> memref<10016x32xf32, #tpu.memory_space<hbm>>
      tpu.wait_indirect_dma semaphore(%arg13 : memref<!tpu.dma_semaphore, #tpu.memory_space<semaphore_mem>>) src(%dma_wait3A_314 : memref<10016x32xf32, #tpu.memory_space<hbm>>) dst(%dma_wait3A_308 : memref<128x32xf32, #tpu.memory_space<vmem>>)
      %add3A_315 = arith.constant 4 : i32
      %add3A_316 = arith.addi %mul3A_106, %add3A_315 : i32
      %dma_start3A_317 = arith.constant 4 : i32
      %dma_start3A_318 = arith.constant 0 : i32
      %dma_start3A_319 = arith.constant 0 : i32
      %dma_start3A_320 = tpu.memref_slice %arg11[%dma_start3A_317, %dma_start3A_318, %dma_start3A_319] : memref<8x128x32xf32, #tpu.memory_space<vmem>> -> memref<1x128x32xf32, #tpu.memory_space<vmem>>
      %dma_start3A_321 = tpu.memref_squeeze %dma_start3A_320 : memref<1x128x32xf32, #tpu.memory_space<vmem>> -> memref<128x32xf32, #tpu.memory_space<vmem>>
      %dma_start3A_322 = arith.constant 0 : i32
      %dma_start3A_323 = tpu.memref_slice %arg10[%add3A_316, %dma_start3A_322] : memref<80x128xi32, #tpu.memory_space<vmem>> -> memref<1x128xi32, #tpu.memory_space<vmem>>
      %dma_start3A_324 = tpu.memref_squeeze %dma_start3A_323 : memref<1x128xi32, #tpu.memory_space<vmem>> -> memref<128xi32, #tpu.memory_space<vmem>>
      %dma_start3A_325 = arith.constant 0 : i32
      %dma_start3A_326 = arith.constant 0 : i32
      %dma_start3A_327 = tpu.memref_slice %arg12[%dma_start3A_325, %dma_start3A_326] : memref<10016x32xf32, #tpu.memory_space<vmem_shared>> -> memref<10016x32xf32, #tpu.memory_space<vmem_shared>>
      tpu.enqueue_indirect_dma source(%dma_start3A_321 : memref<128x32xf32, #tpu.memory_space<vmem>>) target(%dma_start3A_327 : memref<10016x32xf32, #tpu.memory_space<vmem_shared>>) offsets(%dma_start3A_324 : memref<128xi32, #tpu.memory_space<vmem>>) semaphore(%arg14 : memref<!tpu.dma_semaphore, #tpu.memory_space<semaphore_mem>>) {add = true}
      %dma_wait3A_328 = arith.constant 5 : i32
      %dma_wait3A_329 = arith.constant 0 : i32
      %dma_wait3A_330 = arith.constant 0 : i32
      %dma_wait3A_331 = tpu.memref_slice %arg11[%dma_wait3A_328, %dma_wait3A_329, %dma_wait3A_330] : memref<8x128x32xf32, #tpu.memory_space<vmem>> -> memref<1x128x32xf32, #tpu.memory_space<vmem>>
      %dma_wait3A_332 = tpu.memref_squeeze %dma_wait3A_331 : memref<1x128x32xf32, #tpu.memory_space<vmem>> -> memref<128x32xf32, #tpu.memory_space<vmem>>
      %dma_wait3A_333 = arith.constant 0 : i32
      %dma_wait3A_334 = tpu.memref_slice %arg9[%add3A_171, %dma_wait3A_333] : memref<80x128xi32, #tpu.memory_space<vmem>> -> memref<1x128xi32, #tpu.memory_space<vmem>>
      %dma_wait3A_335 = tpu.memref_squeeze %dma_wait3A_334 : memref<1x128xi32, #tpu.memory_space<vmem>> -> memref<128xi32, #tpu.memory_space<vmem>>
      %dma_wait3A_336 = arith.constant 0 : i32
      %dma_wait3A_337 = arith.constant 0 : i32
      %dma_wait3A_338 = tpu.memref_slice %arg2[%dma_wait3A_336, %dma_wait3A_337] : memref<10016x32xf32, #tpu.memory_space<hbm>> -> memref<10016x32xf32, #tpu.memory_space<hbm>>
      tpu.wait_indirect_dma semaphore(%arg13 : memref<!tpu.dma_semaphore, #tpu.memory_space<semaphore_mem>>) src(%dma_wait3A_338 : memref<10016x32xf32, #tpu.memory_space<hbm>>) dst(%dma_wait3A_332 : memref<128x32xf32, #tpu.memory_space<vmem>>)
      %add3A_339 = arith.constant 5 : i32
      %add3A_340 = arith.addi %mul3A_106, %add3A_339 : i32
      %dma_start3A_341 = arith.constant 5 : i32
      %dma_start3A_342 = arith.constant 0 : i32
      %dma_start3A_343 = arith.constant 0 : i32
      %dma_start3A_344 = tpu.memref_slice %arg11[%dma_start3A_341, %dma_start3A_342, %dma_start3A_343] : memref<8x128x32xf32, #tpu.memory_space<vmem>> -> memref<1x128x32xf32, #tpu.memory_space<vmem>>
      %dma_start3A_345 = tpu.memref_squeeze %dma_start3A_344 : memref<1x128x32xf32, #tpu.memory_space<vmem>> -> memref<128x32xf32, #tpu.memory_space<vmem>>
      %dma_start3A_346 = arith.constant 0 : i32
      %dma_start3A_347 = tpu.memref_slice %arg10[%add3A_340, %dma_start3A_346] : memref<80x128xi32, #tpu.memory_space<vmem>> -> memref<1x128xi32, #tpu.memory_space<vmem>>
      %dma_start3A_348 = tpu.memref_squeeze %dma_start3A_347 : memref<1x128xi32, #tpu.memory_space<vmem>> -> memref<128xi32, #tpu.memory_space<vmem>>
      %dma_start3A_349 = arith.constant 0 : i32
      %dma_start3A_350 = arith.constant 0 : i32
      %dma_start3A_351 = tpu.memref_slice %arg12[%dma_start3A_349, %dma_start3A_350] : memref<10016x32xf32, #tpu.memory_space<vmem_shared>> -> memref<10016x32xf32, #tpu.memory_space<vmem_shared>>
      tpu.enqueue_indirect_dma source(%dma_start3A_345 : memref<128x32xf32, #tpu.memory_space<vmem>>) target(%dma_start3A_351 : memref<10016x32xf32, #tpu.memory_space<vmem_shared>>) offsets(%dma_start3A_348 : memref<128xi32, #tpu.memory_space<vmem>>) semaphore(%arg14 : memref<!tpu.dma_semaphore, #tpu.memory_space<semaphore_mem>>) {add = true}
      %dma_wait3A_352 = arith.constant 6 : i32
      %dma_wait3A_353 = arith.constant 0 : i32
      %dma_wait3A_354 = arith.constant 0 : i32
      %dma_wait3A_355 = tpu.memref_slice %arg11[%dma_wait3A_352, %dma_wait3A_353, %dma_wait3A_354] : memref<8x128x32xf32, #tpu.memory_space<vmem>> -> memref<1x128x32xf32, #tpu.memory_space<vmem>>
      %dma_wait3A_356 = tpu.memref_squeeze %dma_wait3A_355 : memref<1x128x32xf32, #tpu.memory_space<vmem>> -> memref<128x32xf32, #tpu.memory_space<vmem>>
      %dma_wait3A_357 = arith.constant 0 : i32
      %dma_wait3A_358 = tpu.memref_slice %arg9[%add3A_184, %dma_wait3A_357] : memref<80x128xi32, #tpu.memory_space<vmem>> -> memref<1x128xi32, #tpu.memory_space<vmem>>
      %dma_wait3A_359 = tpu.memref_squeeze %dma_wait3A_358 : memref<1x128xi32, #tpu.memory_space<vmem>> -> memref<128xi32, #tpu.memory_space<vmem>>
      %dma_wait3A_360 = arith.constant 0 : i32
      %dma_wait3A_361 = arith.constant 0 : i32
      %dma_wait3A_362 = tpu.memref_slice %arg2[%dma_wait3A_360, %dma_wait3A_361] : memref<10016x32xf32, #tpu.memory_space<hbm>> -> memref<10016x32xf32, #tpu.memory_space<hbm>>
      tpu.wait_indirect_dma semaphore(%arg13 : memref<!tpu.dma_semaphore, #tpu.memory_space<semaphore_mem>>) src(%dma_wait3A_362 : memref<10016x32xf32, #tpu.memory_space<hbm>>) dst(%dma_wait3A_356 : memref<128x32xf32, #tpu.memory_space<vmem>>)
      %add3A_363 = arith.constant 6 : i32
      %add3A_364 = arith.addi %mul3A_106, %add3A_363 : i32
      %dma_start3A_365 = arith.constant 6 : i32
      %dma_start3A_366 = arith.constant 0 : i32
      %dma_start3A_367 = arith.constant 0 : i32
      %dma_start3A_368 = tpu.memref_slice %arg11[%dma_start3A_365, %dma_start3A_366, %dma_start3A_367] : memref<8x128x32xf32, #tpu.memory_space<vmem>> -> memref<1x128x32xf32, #tpu.memory_space<vmem>>
      %dma_start3A_369 = tpu.memref_squeeze %dma_start3A_368 : memref<1x128x32xf32, #tpu.memory_space<vmem>> -> memref<128x32xf32, #tpu.memory_space<vmem>>
      %dma_start3A_370 = arith.constant 0 : i32
      %dma_start3A_371 = tpu.memref_slice %arg10[%add3A_364, %dma_start3A_370] : memref<80x128xi32, #tpu.memory_space<vmem>> -> memref<1x128xi32, #tpu.memory_space<vmem>>
      %dma_start3A_372 = tpu.memref_squeeze %dma_start3A_371 : memref<1x128xi32, #tpu.memory_space<vmem>> -> memref<128xi32, #tpu.memory_space<vmem>>
      %dma_start3A_373 = arith.constant 0 : i32
      %dma_start3A_374 = arith.constant 0 : i32
      %dma_start3A_375 = tpu.memref_slice %arg12[%dma_start3A_373, %dma_start3A_374] : memref<10016x32xf32, #tpu.memory_space<vmem_shared>> -> memref<10016x32xf32, #tpu.memory_space<vmem_shared>>
      tpu.enqueue_indirect_dma source(%dma_start3A_369 : memref<128x32xf32, #tpu.memory_space<vmem>>) target(%dma_start3A_375 : memref<10016x32xf32, #tpu.memory_space<vmem_shared>>) offsets(%dma_start3A_372 : memref<128xi32, #tpu.memory_space<vmem>>) semaphore(%arg14 : memref<!tpu.dma_semaphore, #tpu.memory_space<semaphore_mem>>) {add = true}
      %dma_wait3A_376 = arith.constant 7 : i32
      %dma_wait3A_377 = arith.constant 0 : i32
      %dma_wait3A_378 = arith.constant 0 : i32
      %dma_wait3A_379 = tpu.memref_slice %arg11[%dma_wait3A_376, %dma_wait3A_377, %dma_wait3A_378] : memref<8x128x32xf32, #tpu.memory_space<vmem>> -> memref<1x128x32xf32, #tpu.memory_space<vmem>>
      %dma_wait3A_380 = tpu.memref_squeeze %dma_wait3A_379 : memref<1x128x32xf32, #tpu.memory_space<vmem>> -> memref<128x32xf32, #tpu.memory_space<vmem>>
      %dma_wait3A_381 = arith.constant 0 : i32
      %dma_wait3A_382 = tpu.memref_slice %arg9[%add3A_197, %dma_wait3A_381] : memref<80x128xi32, #tpu.memory_space<vmem>> -> memref<1x128xi32, #tpu.memory_space<vmem>>
      %dma_wait3A_383 = tpu.memref_squeeze %dma_wait3A_382 : memref<1x128xi32, #tpu.memory_space<vmem>> -> memref<128xi32, #tpu.memory_space<vmem>>
      %dma_wait3A_384 = arith.constant 0 : i32
      %dma_wait3A_385 = arith.constant 0 : i32
      %dma_wait3A_386 = tpu.memref_slice %arg2[%dma_wait3A_384, %dma_wait3A_385] : memref<10016x32xf32, #tpu.memory_space<hbm>> -> memref<10016x32xf32, #tpu.memory_space<hbm>>
      tpu.wait_indirect_dma semaphore(%arg13 : memref<!tpu.dma_semaphore, #tpu.memory_space<semaphore_mem>>) src(%dma_wait3A_386 : memref<10016x32xf32, #tpu.memory_space<hbm>>) dst(%dma_wait3A_380 : memref<128x32xf32, #tpu.memory_space<vmem>>)
      %add3A_387 = arith.constant 7 : i32
      %add3A_388 = arith.addi %mul3A_106, %add3A_387 : i32
      %dma_start3A_389 = arith.constant 7 : i32
      %dma_start3A_390 = arith.constant 0 : i32
      %dma_start3A_391 = arith.constant 0 : i32
      %dma_start3A_392 = tpu.memref_slice %arg11[%dma_start3A_389, %dma_start3A_390, %dma_start3A_391] : memref<8x128x32xf32, #tpu.memory_space<vmem>> -> memref<1x128x32xf32, #tpu.memory_space<vmem>>
      %dma_start3A_393 = tpu.memref_squeeze %dma_start3A_392 : memref<1x128x32xf32, #tpu.memory_space<vmem>> -> memref<128x32xf32, #tpu.memory_space<vmem>>
      %dma_start3A_394 = arith.constant 0 : i32
      %dma_start3A_395 = tpu.memref_slice %arg10[%add3A_388, %dma_start3A_394] : memref<80x128xi32, #tpu.memory_space<vmem>> -> memref<1x128xi32, #tpu.memory_space<vmem>>
      %dma_start3A_396 = tpu.memref_squeeze %dma_start3A_395 : memref<1x128xi32, #tpu.memory_space<vmem>> -> memref<128xi32, #tpu.memory_space<vmem>>
      %dma_start3A_397 = arith.constant 0 : i32
      %dma_start3A_398 = arith.constant 0 : i32
      %dma_start3A_399 = tpu.memref_slice %arg12[%dma_start3A_397, %dma_start3A_398] : memref<10016x32xf32, #tpu.memory_space<vmem_shared>> -> memref<10016x32xf32, #tpu.memory_space<vmem_shared>>
      tpu.enqueue_indirect_dma source(%dma_start3A_393 : memref<128x32xf32, #tpu.memory_space<vmem>>) target(%dma_start3A_399 : memref<10016x32xf32, #tpu.memory_space<vmem_shared>>) offsets(%dma_start3A_396 : memref<128xi32, #tpu.memory_space<vmem>>) semaphore(%arg14 : memref<!tpu.dma_semaphore, #tpu.memory_space<semaphore_mem>>) {add = true}
      %dma_wait3A_400 = arith.constant 0 : i32
      %dma_wait3A_401 = arith.constant 0 : i32
      %dma_wait3A_402 = arith.constant 0 : i32
      %dma_wait3A_403 = tpu.memref_slice %arg11[%dma_wait3A_400, %dma_wait3A_401, %dma_wait3A_402] : memref<8x128x32xf32, #tpu.memory_space<vmem>> -> memref<1x128x32xf32, #tpu.memory_space<vmem>>
      %dma_wait3A_404 = tpu.memref_squeeze %dma_wait3A_403 : memref<1x128x32xf32, #tpu.memory_space<vmem>> -> memref<128x32xf32, #tpu.memory_space<vmem>>
      %dma_wait3A_405 = arith.constant 0 : i32
      %dma_wait3A_406 = tpu.memref_slice %arg10[%add3A_220, %dma_wait3A_405] : memref<80x128xi32, #tpu.memory_space<vmem>> -> memref<1x128xi32, #tpu.memory_space<vmem>>
      %dma_wait3A_407 = tpu.memref_squeeze %dma_wait3A_406 : memref<1x128xi32, #tpu.memory_space<vmem>> -> memref<128xi32, #tpu.memory_space<vmem>>
      %dma_wait3A_408 = arith.constant 0 : i32
      %dma_wait3A_409 = arith.constant 0 : i32
      %dma_wait3A_410 = tpu.memref_slice %arg12[%dma_wait3A_408, %dma_wait3A_409] : memref<10016x32xf32, #tpu.memory_space<vmem_shared>> -> memref<10016x32xf32, #tpu.memory_space<vmem_shared>>
      tpu.wait_indirect_dma semaphore(%arg14 : memref<!tpu.dma_semaphore, #tpu.memory_space<semaphore_mem>>) src(%dma_wait3A_404 : memref<128x32xf32, #tpu.memory_space<vmem>>) dst(%dma_wait3A_410 : memref<10016x32xf32, #tpu.memory_space<vmem_shared>>)
      %dma_wait3A_411 = arith.constant 1 : i32
      %dma_wait3A_412 = arith.constant 0 : i32
      %dma_wait3A_413 = arith.constant 0 : i32
      %dma_wait3A_414 = tpu.memref_slice %arg11[%dma_wait3A_411, %dma_wait3A_412, %dma_wait3A_413] : memref<8x128x32xf32, #tpu.memory_space<vmem>> -> memref<1x128x32xf32, #tpu.memory_space<vmem>>
      %dma_wait3A_415 = tpu.memref_squeeze %dma_wait3A_414 : memref<1x128x32xf32, #tpu.memory_space<vmem>> -> memref<128x32xf32, #tpu.memory_space<vmem>>
      %dma_wait3A_416 = arith.constant 0 : i32
      %dma_wait3A_417 = tpu.memref_slice %arg10[%add3A_244, %dma_wait3A_416] : memref<80x128xi32, #tpu.memory_space<vmem>> -> memref<1x128xi32, #tpu.memory_space<vmem>>
      %dma_wait3A_418 = tpu.memref_squeeze %dma_wait3A_417 : memref<1x128xi32, #tpu.memory_space<vmem>> -> memref<128xi32, #tpu.memory_space<vmem>>
      %dma_wait3A_419 = arith.constant 0 : i32
      %dma_wait3A_420 = arith.constant 0 : i32
      %dma_wait3A_421 = tpu.memref_slice %arg12[%dma_wait3A_419, %dma_wait3A_420] : memref<10016x32xf32, #tpu.memory_space<vmem_shared>> -> memref<10016x32xf32, #tpu.memory_space<vmem_shared>>
      tpu.wait_indirect_dma semaphore(%arg14 : memref<!tpu.dma_semaphore, #tpu.memory_space<semaphore_mem>>) src(%dma_wait3A_415 : memref<128x32xf32, #tpu.memory_space<vmem>>) dst(%dma_wait3A_421 : memref<10016x32xf32, #tpu.memory_space<vmem_shared>>)
      %dma_wait3A_422 = arith.constant 2 : i32
      %dma_wait3A_423 = arith.constant 0 : i32
      %dma_wait3A_424 = arith.constant 0 : i32
      %dma_wait3A_425 = tpu.memref_slice %arg11[%dma_wait3A_422, %dma_wait3A_423, %dma_wait3A_424] : memref<8x128x32xf32, #tpu.memory_space<vmem>> -> memref<1x128x32xf32, #tpu.memory_space<vmem>>
      %dma_wait3A_426 = tpu.memref_squeeze %dma_wait3A_425 : memref<1x128x32xf32, #tpu.memory_space<vmem>> -> memref<128x32xf32, #tpu.memory_space<vmem>>
      %dma_wait3A_427 = arith.constant 0 : i32
      %dma_wait3A_428 = tpu.memref_slice %arg10[%add3A_268, %dma_wait3A_427] : memref<80x128xi32, #tpu.memory_space<vmem>> -> memref<1x128xi32, #tpu.memory_space<vmem>>
      %dma_wait3A_429 = tpu.memref_squeeze %dma_wait3A_428 : memref<1x128xi32, #tpu.memory_space<vmem>> -> memref<128xi32, #tpu.memory_space<vmem>>
      %dma_wait3A_430 = arith.constant 0 : i32
      %dma_wait3A_431 = arith.constant 0 : i32
      %dma_wait3A_432 = tpu.memref_slice %arg12[%dma_wait3A_430, %dma_wait3A_431] : memref<10016x32xf32, #tpu.memory_space<vmem_shared>> -> memref<10016x32xf32, #tpu.memory_space<vmem_shared>>
      tpu.wait_indirect_dma semaphore(%arg14 : memref<!tpu.dma_semaphore, #tpu.memory_space<semaphore_mem>>) src(%dma_wait3A_426 : memref<128x32xf32, #tpu.memory_space<vmem>>) dst(%dma_wait3A_432 : memref<10016x32xf32, #tpu.memory_space<vmem_shared>>)
      %dma_wait3A_433 = arith.constant 3 : i32
      %dma_wait3A_434 = arith.constant 0 : i32
      %dma_wait3A_435 = arith.constant 0 : i32
      %dma_wait3A_436 = tpu.memref_slice %arg11[%dma_wait3A_433, %dma_wait3A_434, %dma_wait3A_435] : memref<8x128x32xf32, #tpu.memory_space<vmem>> -> memref<1x128x32xf32, #tpu.memory_space<vmem>>
      %dma_wait3A_437 = tpu.memref_squeeze %dma_wait3A_436 : memref<1x128x32xf32, #tpu.memory_space<vmem>> -> memref<128x32xf32, #tpu.memory_space<vmem>>
      %dma_wait3A_438 = arith.constant 0 : i32
      %dma_wait3A_439 = tpu.memref_slice %arg10[%add3A_292, %dma_wait3A_438] : memref<80x128xi32, #tpu.memory_space<vmem>> -> memref<1x128xi32, #tpu.memory_space<vmem>>
      %dma_wait3A_440 = tpu.memref_squeeze %dma_wait3A_439 : memref<1x128xi32, #tpu.memory_space<vmem>> -> memref<128xi32, #tpu.memory_space<vmem>>
      %dma_wait3A_441 = arith.constant 0 : i32
      %dma_wait3A_442 = arith.constant 0 : i32
      %dma_wait3A_443 = tpu.memref_slice %arg12[%dma_wait3A_441, %dma_wait3A_442] : memref<10016x32xf32, #tpu.memory_space<vmem_shared>> -> memref<10016x32xf32, #tpu.memory_space<vmem_shared>>
      tpu.wait_indirect_dma semaphore(%arg14 : memref<!tpu.dma_semaphore, #tpu.memory_space<semaphore_mem>>) src(%dma_wait3A_437 : memref<128x32xf32, #tpu.memory_space<vmem>>) dst(%dma_wait3A_443 : memref<10016x32xf32, #tpu.memory_space<vmem_shared>>)
      %dma_wait3A_444 = arith.constant 4 : i32
      %dma_wait3A_445 = arith.constant 0 : i32
      %dma_wait3A_446 = arith.constant 0 : i32
      %dma_wait3A_447 = tpu.memref_slice %arg11[%dma_wait3A_444, %dma_wait3A_445, %dma_wait3A_446] : memref<8x128x32xf32, #tpu.memory_space<vmem>> -> memref<1x128x32xf32, #tpu.memory_space<vmem>>
      %dma_wait3A_448 = tpu.memref_squeeze %dma_wait3A_447 : memref<1x128x32xf32, #tpu.memory_space<vmem>> -> memref<128x32xf32, #tpu.memory_space<vmem>>
      %dma_wait3A_449 = arith.constant 0 : i32
      %dma_wait3A_450 = tpu.memref_slice %arg10[%add3A_316, %dma_wait3A_449] : memref<80x128xi32, #tpu.memory_space<vmem>> -> memref<1x128xi32, #tpu.memory_space<vmem>>
      %dma_wait3A_451 = tpu.memref_squeeze %dma_wait3A_450 : memref<1x128xi32, #tpu.memory_space<vmem>> -> memref<128xi32, #tpu.memory_space<vmem>>
      %dma_wait3A_452 = arith.constant 0 : i32
      %dma_wait3A_453 = arith.constant 0 : i32
      %dma_wait3A_454 = tpu.memref_slice %arg12[%dma_wait3A_452, %dma_wait3A_453] : memref<10016x32xf32, #tpu.memory_space<vmem_shared>> -> memref<10016x32xf32, #tpu.memory_space<vmem_shared>>
      tpu.wait_indirect_dma semaphore(%arg14 : memref<!tpu.dma_semaphore, #tpu.memory_space<semaphore_mem>>) src(%dma_wait3A_448 : memref<128x32xf32, #tpu.memory_space<vmem>>) dst(%dma_wait3A_454 : memref<10016x32xf32, #tpu.memory_space<vmem_shared>>)
      %dma_wait3A_455 = arith.constant 5 : i32
      %dma_wait3A_456 = arith.constant 0 : i32
      %dma_wait3A_457 = arith.constant 0 : i32
      %dma_wait3A_458 = tpu.memref_slice %arg11[%dma_wait3A_455, %dma_wait3A_456, %dma_wait3A_457] : memref<8x128x32xf32, #tpu.memory_space<vmem>> -> memref<1x128x32xf32, #tpu.memory_space<vmem>>
      %dma_wait3A_459 = tpu.memref_squeeze %dma_wait3A_458 : memref<1x128x32xf32, #tpu.memory_space<vmem>> -> memref<128x32xf32, #tpu.memory_space<vmem>>
      %dma_wait3A_460 = arith.constant 0 : i32
      %dma_wait3A_461 = tpu.memref_slice %arg10[%add3A_340, %dma_wait3A_460] : memref<80x128xi32, #tpu.memory_space<vmem>> -> memref<1x128xi32, #tpu.memory_space<vmem>>
      %dma_wait3A_462 = tpu.memref_squeeze %dma_wait3A_461 : memref<1x128xi32, #tpu.memory_space<vmem>> -> memref<128xi32, #tpu.memory_space<vmem>>
      %dma_wait3A_463 = arith.constant 0 : i32
      %dma_wait3A_464 = arith.constant 0 : i32
      %dma_wait3A_465 = tpu.memref_slice %arg12[%dma_wait3A_463, %dma_wait3A_464] : memref<10016x32xf32, #tpu.memory_space<vmem_shared>> -> memref<10016x32xf32, #tpu.memory_space<vmem_shared>>
      tpu.wait_indirect_dma semaphore(%arg14 : memref<!tpu.dma_semaphore, #tpu.memory_space<semaphore_mem>>) src(%dma_wait3A_459 : memref<128x32xf32, #tpu.memory_space<vmem>>) dst(%dma_wait3A_465 : memref<10016x32xf32, #tpu.memory_space<vmem_shared>>)
      %dma_wait3A_466 = arith.constant 6 : i32
      %dma_wait3A_467 = arith.constant 0 : i32
      %dma_wait3A_468 = arith.constant 0 : i32
      %dma_wait3A_469 = tpu.memref_slice %arg11[%dma_wait3A_466, %dma_wait3A_467, %dma_wait3A_468] : memref<8x128x32xf32, #tpu.memory_space<vmem>> -> memref<1x128x32xf32, #tpu.memory_space<vmem>>
      %dma_wait3A_470 = tpu.memref_squeeze %dma_wait3A_469 : memref<1x128x32xf32, #tpu.memory_space<vmem>> -> memref<128x32xf32, #tpu.memory_space<vmem>>
      %dma_wait3A_471 = arith.constant 0 : i32
      %dma_wait3A_472 = tpu.memref_slice %arg10[%add3A_364, %dma_wait3A_471] : memref<80x128xi32, #tpu.memory_space<vmem>> -> memref<1x128xi32, #tpu.memory_space<vmem>>
      %dma_wait3A_473 = tpu.memref_squeeze %dma_wait3A_472 : memref<1x128xi32, #tpu.memory_space<vmem>> -> memref<128xi32, #tpu.memory_space<vmem>>
      %dma_wait3A_474 = arith.constant 0 : i32
      %dma_wait3A_475 = arith.constant 0 : i32
      %dma_wait3A_476 = tpu.memref_slice %arg12[%dma_wait3A_474, %dma_wait3A_475] : memref<10016x32xf32, #tpu.memory_space<vmem_shared>> -> memref<10016x32xf32, #tpu.memory_space<vmem_shared>>
      tpu.wait_indirect_dma semaphore(%arg14 : memref<!tpu.dma_semaphore, #tpu.memory_space<semaphore_mem>>) src(%dma_wait3A_470 : memref<128x32xf32, #tpu.memory_space<vmem>>) dst(%dma_wait3A_476 : memref<10016x32xf32, #tpu.memory_space<vmem_shared>>)
      %dma_wait3A_477 = arith.constant 7 : i32
      %dma_wait3A_478 = arith.constant 0 : i32
      %dma_wait3A_479 = arith.constant 0 : i32
      %dma_wait3A_480 = tpu.memref_slice %arg11[%dma_wait3A_477, %dma_wait3A_478, %dma_wait3A_479] : memref<8x128x32xf32, #tpu.memory_space<vmem>> -> memref<1x128x32xf32, #tpu.memory_space<vmem>>
      %dma_wait3A_481 = tpu.memref_squeeze %dma_wait3A_480 : memref<1x128x32xf32, #tpu.memory_space<vmem>> -> memref<128x32xf32, #tpu.memory_space<vmem>>
      %dma_wait3A_482 = arith.constant 0 : i32
      %dma_wait3A_483 = tpu.memref_slice %arg10[%add3A_388, %dma_wait3A_482] : memref<80x128xi32, #tpu.memory_space<vmem>> -> memref<1x128xi32, #tpu.memory_space<vmem>>
      %dma_wait3A_484 = tpu.memref_squeeze %dma_wait3A_483 : memref<1x128xi32, #tpu.memory_space<vmem>> -> memref<128xi32, #tpu.memory_space<vmem>>
      %dma_wait3A_485 = arith.constant 0 : i32
      %dma_wait3A_486 = arith.constant 0 : i32
      %dma_wait3A_487 = tpu.memref_slice %arg12[%dma_wait3A_485, %dma_wait3A_486] : memref<10016x32xf32, #tpu.memory_space<vmem_shared>> -> memref<10016x32xf32, #tpu.memory_space<vmem_shared>>
      tpu.wait_indirect_dma semaphore(%arg14 : memref<!tpu.dma_semaphore, #tpu.memory_space<semaphore_mem>>) src(%dma_wait3A_481 : memref<128x32xf32, #tpu.memory_space<vmem>>) dst(%dma_wait3A_487 : memref<10016x32xf32, #tpu.memory_space<vmem_shared>>)
    }
    %while3A_92 = arith.constant 1 : i32
    scf.for %while3A_104 = %while3A_90 to %while3A_86 step %while3A_92  : i32 {
      %mul3A_105 = arith.constant 8 : i32
      %mul3A_106 = arith.muli %while3A_104, %mul3A_105 : i32
      %add3A = arith.constant 0 : i32
      %add3A_107 = arith.addi %mul3A_106, %add3A : i32
      %dma_start3A = arith.constant 0 : i32
      %dma_start3A_108 = arith.constant 0 : i32
      %dma_start3A_109 = arith.constant 0 : i32
      %dma_start3A_110 = tpu.memref_slice %arg11[%dma_start3A, %dma_start3A_108, %dma_start3A_109] : memref<8x128x32xf32, #tpu.memory_space<vmem>> -> memref<1x128x32xf32, #tpu.memory_space<vmem>>
      %dma_start3A_111 = tpu.memref_squeeze %dma_start3A_110 : memref<1x128x32xf32, #tpu.memory_space<vmem>> -> memref<128x32xf32, #tpu.memory_space<vmem>>
      %dma_start3A_112 = arith.constant 0 : i32
      %dma_start3A_113 = tpu.memref_slice %arg9[%add3A_107, %dma_start3A_112] : memref<80x128xi32, #tpu.memory_space<vmem>> -> memref<1x128xi32, #tpu.memory_space<vmem>>
      %dma_start3A_114 = tpu.memref_squeeze %dma_start3A_113 : memref<1x128xi32, #tpu.memory_space<vmem>> -> memref<128xi32, #tpu.memory_space<vmem>>
      %dma_start3A_115 = arith.constant 0 : i32
      %dma_start3A_116 = arith.constant 0 : i32
      %dma_start3A_117 = tpu.memref_slice %arg2[%dma_start3A_115, %dma_start3A_116] : memref<10016x32xf32, #tpu.memory_space<hbm>> -> memref<10016x32xf32, #tpu.memory_space<hbm>>
      tpu.enqueue_indirect_dma source(%dma_start3A_117 : memref<10016x32xf32, #tpu.memory_space<hbm>>) target(%dma_start3A_111 : memref<128x32xf32, #tpu.memory_space<vmem>>) offsets(%dma_start3A_114 : memref<128xi32, #tpu.memory_space<vmem>>) semaphore(%arg13 : memref<!tpu.dma_semaphore, #tpu.memory_space<semaphore_mem>>)
      %add3A_118 = arith.constant 1 : i32
      %add3A_119 = arith.addi %mul3A_106, %add3A_118 : i32
      %dma_start3A_120 = arith.constant 1 : i32
      %dma_start3A_121 = arith.constant 0 : i32
      %dma_start3A_122 = arith.constant 0 : i32
      %dma_start3A_123 = tpu.memref_slice %arg11[%dma_start3A_120, %dma_start3A_121, %dma_start3A_122] : memref<8x128x32xf32, #tpu.memory_space<vmem>> -> memref<1x128x32xf32, #tpu.memory_space<vmem>>
      %dma_start3A_124 = tpu.memref_squeeze %dma_start3A_123 : memref<1x128x32xf32, #tpu.memory_space<vmem>> -> memref<128x32xf32, #tpu.memory_space<vmem>>
      %dma_start3A_125 = arith.constant 0 : i32
      %dma_start3A_126 = tpu.memref_slice %arg9[%add3A_119, %dma_start3A_125] : memref<80x128xi32, #tpu.memory_space<vmem>> -> memref<1x128xi32, #tpu.memory_space<vmem>>
      %dma_start3A_127 = tpu.memref_squeeze %dma_start3A_126 : memref<1x128xi32, #tpu.memory_space<vmem>> -> memref<128xi32, #tpu.memory_space<vmem>>
      %dma_start3A_128 = arith.constant 0 : i32
      %dma_start3A_129 = arith.constant 0 : i32
      %dma_start3A_130 = tpu.memref_slice %arg2[%dma_start3A_128, %dma_start3A_129] : memref<10016x32xf32, #tpu.memory_space<hbm>> -> memref<10016x32xf32, #tpu.memory_space<hbm>>
      tpu.enqueue_indirect_dma source(%dma_start3A_130 : memref<10016x32xf32, #tpu.memory_space<hbm>>) target(%dma_start3A_124 : memref<128x32xf32, #tpu.memory_space<vmem>>) offsets(%dma_start3A_127 : memref<128xi32, #tpu.memory_space<vmem>>) semaphore(%arg13 : memref<!tpu.dma_semaphore, #tpu.memory_space<semaphore_mem>>)
      %add3A_131 = arith.constant 2 : i32
      %add3A_132 = arith.addi %mul3A_106, %add3A_131 : i32
      %dma_start3A_133 = arith.constant 2 : i32
      %dma_start3A_134 = arith.constant 0 : i32
      %dma_start3A_135 = arith.constant 0 : i32
      %dma_start3A_136 = tpu.memref_slice %arg11[%dma_start3A_133, %dma_start3A_134, %dma_start3A_135] : memref<8x128x32xf32, #tpu.memory_space<vmem>> -> memref<1x128x32xf32, #tpu.memory_space<vmem>>
      %dma_start3A_137 = tpu.memref_squeeze %dma_start3A_136 : memref<1x128x32xf32, #tpu.memory_space<vmem>> -> memref<128x32xf32, #tpu.memory_space<vmem>>
      %dma_start3A_138 = arith.constant 0 : i32
      %dma_start3A_139 = tpu.memref_slice %arg9[%add3A_132, %dma_start3A_138] : memref<80x128xi32, #tpu.memory_space<vmem>> -> memref<1x128xi32, #tpu.memory_space<vmem>>
      %dma_start3A_140 = tpu.memref_squeeze %dma_start3A_139 : memref<1x128xi32, #tpu.memory_space<vmem>> -> memref<128xi32, #tpu.memory_space<vmem>>
      %dma_start3A_141 = arith.constant 0 : i32
      %dma_start3A_142 = arith.constant 0 : i32
      %dma_start3A_143 = tpu.memref_slice %arg2[%dma_start3A_141, %dma_start3A_142] : memref<10016x32xf32, #tpu.memory_space<hbm>> -> memref<10016x32xf32, #tpu.memory_space<hbm>>
      tpu.enqueue_indirect_dma source(%dma_start3A_143 : memref<10016x32xf32, #tpu.memory_space<hbm>>) target(%dma_start3A_137 : memref<128x32xf32, #tpu.memory_space<vmem>>) offsets(%dma_start3A_140 : memref<128xi32, #tpu.memory_space<vmem>>) semaphore(%arg13 : memref<!tpu.dma_semaphore, #tpu.memory_space<semaphore_mem>>)
      %add3A_144 = arith.constant 3 : i32
      %add3A_145 = arith.addi %mul3A_106, %add3A_144 : i32
      %dma_start3A_146 = arith.constant 3 : i32
      %dma_start3A_147 = arith.constant 0 : i32
      %dma_start3A_148 = arith.constant 0 : i32
      %dma_start3A_149 = tpu.memref_slice %arg11[%dma_start3A_146, %dma_start3A_147, %dma_start3A_148] : memref<8x128x32xf32, #tpu.memory_space<vmem>> -> memref<1x128x32xf32, #tpu.memory_space<vmem>>
      %dma_start3A_150 = tpu.memref_squeeze %dma_start3A_149 : memref<1x128x32xf32, #tpu.memory_space<vmem>> -> memref<128x32xf32, #tpu.memory_space<vmem>>
      %dma_start3A_151 = arith.constant 0 : i32
      %dma_start3A_152 = tpu.memref_slice %arg9[%add3A_145, %dma_start3A_151] : memref<80x128xi32, #tpu.memory_space<vmem>> -> memref<1x128xi32, #tpu.memory_space<vmem>>
      %dma_start3A_153 = tpu.memref_squeeze %dma_start3A_152 : memref<1x128xi32, #tpu.memory_space<vmem>> -> memref<128xi32, #tpu.memory_space<vmem>>
      %dma_start3A_154 = arith.constant 0 : i32
      %dma_start3A_155 = arith.constant 0 : i32
      %dma_start3A_156 = tpu.memref_slice %arg2[%dma_start3A_154, %dma_start3A_155] : memref<10016x32xf32, #tpu.memory_space<hbm>> -> memref<10016x32xf32, #tpu.memory_space<hbm>>
      tpu.enqueue_indirect_dma source(%dma_start3A_156 : memref<10016x32xf32, #tpu.memory_space<hbm>>) target(%dma_start3A_150 : memref<128x32xf32, #tpu.memory_space<vmem>>) offsets(%dma_start3A_153 : memref<128xi32, #tpu.memory_space<vmem>>) semaphore(%arg13 : memref<!tpu.dma_semaphore, #tpu.memory_space<semaphore_mem>>)
      %add3A_157 = arith.constant 4 : i32
      %add3A_158 = arith.addi %mul3A_106, %add3A_157 : i32
      %dma_start3A_159 = arith.constant 4 : i32
      %dma_start3A_160 = arith.constant 0 : i32
      %dma_start3A_161 = arith.constant 0 : i32
      %dma_start3A_162 = tpu.memref_slice %arg11[%dma_start3A_159, %dma_start3A_160, %dma_start3A_161] : memref<8x128x32xf32, #tpu.memory_space<vmem>> -> memref<1x128x32xf32, #tpu.memory_space<vmem>>
      %dma_start3A_163 = tpu.memref_squeeze %dma_start3A_162 : memref<1x128x32xf32, #tpu.memory_space<vmem>> -> memref<128x32xf32, #tpu.memory_space<vmem>>
      %dma_start3A_164 = arith.constant 0 : i32
      %dma_start3A_165 = tpu.memref_slice %arg9[%add3A_158, %dma_start3A_164] : memref<80x128xi32, #tpu.memory_space<vmem>> -> memref<1x128xi32, #tpu.memory_space<vmem>>
      %dma_start3A_166 = tpu.memref_squeeze %dma_start3A_165 : memref<1x128xi32, #tpu.memory_space<vmem>> -> memref<128xi32, #tpu.memory_space<vmem>>
      %dma_start3A_167 = arith.constant 0 : i32
      %dma_start3A_168 = arith.constant 0 : i32
      %dma_start3A_169 = tpu.memref_slice %arg2[%dma_start3A_167, %dma_start3A_168] : memref<10016x32xf32, #tpu.memory_space<hbm>> -> memref<10016x32xf32, #tpu.memory_space<hbm>>
      tpu.enqueue_indirect_dma source(%dma_start3A_169 : memref<10016x32xf32, #tpu.memory_space<hbm>>) target(%dma_start3A_163 : memref<128x32xf32, #tpu.memory_space<vmem>>) offsets(%dma_start3A_166 : memref<128xi32, #tpu.memory_space<vmem>>) semaphore(%arg13 : memref<!tpu.dma_semaphore, #tpu.memory_space<semaphore_mem>>)
      %add3A_170 = arith.constant 5 : i32
      %add3A_171 = arith.addi %mul3A_106, %add3A_170 : i32
      %dma_start3A_172 = arith.constant 5 : i32
      %dma_start3A_173 = arith.constant 0 : i32
      %dma_start3A_174 = arith.constant 0 : i32
      %dma_start3A_175 = tpu.memref_slice %arg11[%dma_start3A_172, %dma_start3A_173, %dma_start3A_174] : memref<8x128x32xf32, #tpu.memory_space<vmem>> -> memref<1x128x32xf32, #tpu.memory_space<vmem>>
      %dma_start3A_176 = tpu.memref_squeeze %dma_start3A_175 : memref<1x128x32xf32, #tpu.memory_space<vmem>> -> memref<128x32xf32, #tpu.memory_space<vmem>>
      %dma_start3A_177 = arith.constant 0 : i32
      %dma_start3A_178 = tpu.memref_slice %arg9[%add3A_171, %dma_start3A_177] : memref<80x128xi32, #tpu.memory_space<vmem>> -> memref<1x128xi32, #tpu.memory_space<vmem>>
      %dma_start3A_179 = tpu.memref_squeeze %dma_start3A_178 : memref<1x128xi32, #tpu.memory_space<vmem>> -> memref<128xi32, #tpu.memory_space<vmem>>
      %dma_start3A_180 = arith.constant 0 : i32
      %dma_start3A_181 = arith.constant 0 : i32
      %dma_start3A_182 = tpu.memref_slice %arg2[%dma_start3A_180, %dma_start3A_181] : memref<10016x32xf32, #tpu.memory_space<hbm>> -> memref<10016x32xf32, #tpu.memory_space<hbm>>
      tpu.enqueue_indirect_dma source(%dma_start3A_182 : memref<10016x32xf32, #tpu.memory_space<hbm>>) target(%dma_start3A_176 : memref<128x32xf32, #tpu.memory_space<vmem>>) offsets(%dma_start3A_179 : memref<128xi32, #tpu.memory_space<vmem>>) semaphore(%arg13 : memref<!tpu.dma_semaphore, #tpu.memory_space<semaphore_mem>>)
      %add3A_183 = arith.constant 6 : i32
      %add3A_184 = arith.addi %mul3A_106, %add3A_183 : i32
      %dma_start3A_185 = arith.constant 6 : i32
      %dma_start3A_186 = arith.constant 0 : i32
      %dma_start3A_187 = arith.constant 0 : i32
      %dma_start3A_188 = tpu.memref_slice %arg11[%dma_start3A_185, %dma_start3A_186, %dma_start3A_187] : memref<8x128x32xf32, #tpu.memory_space<vmem>> -> memref<1x128x32xf32, #tpu.memory_space<vmem>>
      %dma_start3A_189 = tpu.memref_squeeze %dma_start3A_188 : memref<1x128x32xf32, #tpu.memory_space<vmem>> -> memref<128x32xf32, #tpu.memory_space<vmem>>
      %dma_start3A_190 = arith.constant 0 : i32
      %dma_start3A_191 = tpu.memref_slice %arg9[%add3A_184, %dma_start3A_190] : memref<80x128xi32, #tpu.memory_space<vmem>> -> memref<1x128xi32, #tpu.memory_space<vmem>>
      %dma_start3A_192 = tpu.memref_squeeze %dma_start3A_191 : memref<1x128xi32, #tpu.memory_space<vmem>> -> memref<128xi32, #tpu.memory_space<vmem>>
      %dma_start3A_193 = arith.constant 0 : i32
      %dma_start3A_194 = arith.constant 0 : i32
      %dma_start3A_195 = tpu.memref_slice %arg2[%dma_start3A_193, %dma_start3A_194] : memref<10016x32xf32, #tpu.memory_space<hbm>> -> memref<10016x32xf32, #tpu.memory_space<hbm>>
      tpu.enqueue_indirect_dma source(%dma_start3A_195 : memref<10016x32xf32, #tpu.memory_space<hbm>>) target(%dma_start3A_189 : memref<128x32xf32, #tpu.memory_space<vmem>>) offsets(%dma_start3A_192 : memref<128xi32, #tpu.memory_space<vmem>>) semaphore(%arg13 : memref<!tpu.dma_semaphore, #tpu.memory_space<semaphore_mem>>)
      %add3A_196 = arith.constant 7 : i32
      %add3A_197 = arith.addi %mul3A_106, %add3A_196 : i32
      %dma_start3A_198 = arith.constant 7 : i32
      %dma_start3A_199 = arith.constant 0 : i32
      %dma_start3A_200 = arith.constant 0 : i32
      %dma_start3A_201 = tpu.memref_slice %arg11[%dma_start3A_198, %dma_start3A_199, %dma_start3A_200] : memref<8x128x32xf32, #tpu.memory_space<vmem>> -> memref<1x128x32xf32, #tpu.memory_space<vmem>>
      %dma_start3A_202 = tpu.memref_squeeze %dma_start3A_201 : memref<1x128x32xf32, #tpu.memory_space<vmem>> -> memref<128x32xf32, #tpu.memory_space<vmem>>
      %dma_start3A_203 = arith.constant 0 : i32
      %dma_start3A_204 = tpu.memref_slice %arg9[%add3A_197, %dma_start3A_203] : memref<80x128xi32, #tpu.memory_space<vmem>> -> memref<1x128xi32, #tpu.memory_space<vmem>>
      %dma_start3A_205 = tpu.memref_squeeze %dma_start3A_204 : memref<1x128xi32, #tpu.memory_space<vmem>> -> memref<128xi32, #tpu.memory_space<vmem>>
      %dma_start3A_206 = arith.constant 0 : i32
      %dma_start3A_207 = arith.constant 0 : i32
      %dma_start3A_208 = tpu.memref_slice %arg2[%dma_start3A_206, %dma_start3A_207] : memref<10016x32xf32, #tpu.memory_space<hbm>> -> memref<10016x32xf32, #tpu.memory_space<hbm>>
      tpu.enqueue_indirect_dma source(%dma_start3A_208 : memref<10016x32xf32, #tpu.memory_space<hbm>>) target(%dma_start3A_202 : memref<128x32xf32, #tpu.memory_space<vmem>>) offsets(%dma_start3A_205 : memref<128xi32, #tpu.memory_space<vmem>>) semaphore(%arg13 : memref<!tpu.dma_semaphore, #tpu.memory_space<semaphore_mem>>)
      %dma_wait3A = arith.constant 0 : i32
      %dma_wait3A_209 = arith.constant 0 : i32
      %dma_wait3A_210 = arith.constant 0 : i32
      %dma_wait3A_211 = tpu.memref_slice %arg11[%dma_wait3A, %dma_wait3A_209, %dma_wait3A_210] : memref<8x128x32xf32, #tpu.memory_space<vmem>> -> memref<1x128x32xf32, #tpu.memory_space<vmem>>
      %dma_wait3A_212 = tpu.memref_squeeze %dma_wait3A_211 : memref<1x128x32xf32, #tpu.memory_space<vmem>> -> memref<128x32xf32, #tpu.memory_space<vmem>>
      %dma_wait3A_213 = arith.constant 0 : i32
      %dma_wait3A_214 = tpu.memref_slice %arg9[%add3A_107, %dma_wait3A_213] : memref<80x128xi32, #tpu.memory_space<vmem>> -> memref<1x128xi32, #tpu.memory_space<vmem>>
      %dma_wait3A_215 = tpu.memref_squeeze %dma_wait3A_214 : memref<1x128xi32, #tpu.memory_space<vmem>> -> memref<128xi32, #tpu.memory_space<vmem>>
      %dma_wait3A_216 = arith.constant 0 : i32
      %dma_wait3A_217 = arith.constant 0 : i32
      %dma_wait3A_218 = tpu.memref_slice %arg2[%dma_wait3A_216, %dma_wait3A_217] : memref<10016x32xf32, #tpu.memory_space<hbm>> -> memref<10016x32xf32, #tpu.memory_space<hbm>>
      tpu.wait_indirect_dma semaphore(%arg13 : memref<!tpu.dma_semaphore, #tpu.memory_space<semaphore_mem>>) src(%dma_wait3A_218 : memref<10016x32xf32, #tpu.memory_space<hbm>>) dst(%dma_wait3A_212 : memref<128x32xf32, #tpu.memory_space<vmem>>)
      %add3A_219 = arith.constant 0 : i32
      %add3A_220 = arith.addi %mul3A_106, %add3A_219 : i32
      %dma_start3A_221 = arith.constant 0 : i32
      %dma_start3A_222 = arith.constant 0 : i32
      %dma_start3A_223 = arith.constant 0 : i32
      %dma_start3A_224 = tpu.memref_slice %arg11[%dma_start3A_221, %dma_start3A_222, %dma_start3A_223] : memref<8x128x32xf32, #tpu.memory_space<vmem>> -> memref<1x128x32xf32, #tpu.memory_space<vmem>>
      %dma_start3A_225 = tpu.memref_squeeze %dma_start3A_224 : memref<1x128x32xf32, #tpu.memory_space<vmem>> -> memref<128x32xf32, #tpu.memory_space<vmem>>
      %dma_start3A_226 = arith.constant 0 : i32
      %dma_start3A_227 = tpu.memref_slice %arg10[%add3A_220, %dma_start3A_226] : memref<80x128xi32, #tpu.memory_space<vmem>> -> memref<1x128xi32, #tpu.memory_space<vmem>>
      %dma_start3A_228 = tpu.memref_squeeze %dma_start3A_227 : memref<1x128xi32, #tpu.memory_space<vmem>> -> memref<128xi32, #tpu.memory_space<vmem>>
      %dma_start3A_229 = arith.constant 0 : i32
      %dma_start3A_230 = arith.constant 0 : i32
      %dma_start3A_231 = tpu.memref_slice %arg12[%dma_start3A_229, %dma_start3A_230] : memref<10016x32xf32, #tpu.memory_space<vmem_shared>> -> memref<10016x32xf32, #tpu.memory_space<vmem_shared>>
      tpu.enqueue_indirect_dma source(%dma_start3A_225 : memref<128x32xf32, #tpu.memory_space<vmem>>) target(%dma_start3A_231 : memref<10016x32xf32, #tpu.memory_space<vmem_shared>>) offsets(%dma_start3A_228 : memref<128xi32, #tpu.memory_space<vmem>>) semaphore(%arg14 : memref<!tpu.dma_semaphore, #tpu.memory_space<semaphore_mem>>) {add = true}
      %dma_wait3A_232 = arith.constant 1 : i32
      %dma_wait3A_233 = arith.constant 0 : i32
      %dma_wait3A_234 = arith.constant 0 : i32
      %dma_wait3A_235 = tpu.memref_slice %arg11[%dma_wait3A_232, %dma_wait3A_233, %dma_wait3A_234] : memref<8x128x32xf32, #tpu.memory_space<vmem>> -> memref<1x128x32xf32, #tpu.memory_space<vmem>>
      %dma_wait3A_236 = tpu.memref_squeeze %dma_wait3A_235 : memref<1x128x32xf32, #tpu.memory_space<vmem>> -> memref<128x32xf32, #tpu.memory_space<vmem>>
      %dma_wait3A_237 = arith.constant 0 : i32
      %dma_wait3A_238 = tpu.memref_slice %arg9[%add3A_119, %dma_wait3A_237] : memref<80x128xi32, #tpu.memory_space<vmem>> -> memref<1x128xi32, #tpu.memory_space<vmem>>
      %dma_wait3A_239 = tpu.memref_squeeze %dma_wait3A_238 : memref<1x128xi32, #tpu.memory_space<vmem>> -> memref<128xi32, #tpu.memory_space<vmem>>
      %dma_wait3A_240 = arith.constant 0 : i32
      %dma_wait3A_241 = arith.constant 0 : i32
      %dma_wait3A_242 = tpu.memref_slice %arg2[%dma_wait3A_240, %dma_wait3A_241] : memref<10016x32xf32, #tpu.memory_space<hbm>> -> memref<10016x32xf32, #tpu.memory_space<hbm>>
      tpu.wait_indirect_dma semaphore(%arg13 : memref<!tpu.dma_semaphore, #tpu.memory_space<semaphore_mem>>) src(%dma_wait3A_242 : memref<10016x32xf32, #tpu.memory_space<hbm>>) dst(%dma_wait3A_236 : memref<128x32xf32, #tpu.memory_space<vmem>>)
      %add3A_243 = arith.constant 1 : i32
      %add3A_244 = arith.addi %mul3A_106, %add3A_243 : i32
      %dma_start3A_245 = arith.constant 1 : i32
      %dma_start3A_246 = arith.constant 0 : i32
      %dma_start3A_247 = arith.constant 0 : i32
      %dma_start3A_248 = tpu.memref_slice %arg11[%dma_start3A_245, %dma_start3A_246, %dma_start3A_247] : memref<8x128x32xf32, #tpu.memory_space<vmem>> -> memref<1x128x32xf32, #tpu.memory_space<vmem>>
      %dma_start3A_249 = tpu.memref_squeeze %dma_start3A_248 : memref<1x128x32xf32, #tpu.memory_space<vmem>> -> memref<128x32xf32, #tpu.memory_space<vmem>>
      %dma_start3A_250 = arith.constant 0 : i32
      %dma_start3A_251 = tpu.memref_slice %arg10[%add3A_244, %dma_start3A_250] : memref<80x128xi32, #tpu.memory_space<vmem>> -> memref<1x128xi32, #tpu.memory_space<vmem>>
      %dma_start3A_252 = tpu.memref_squeeze %dma_start3A_251 : memref<1x128xi32, #tpu.memory_space<vmem>> -> memref<128xi32, #tpu.memory_space<vmem>>
      %dma_start3A_253 = arith.constant 0 : i32
      %dma_start3A_254 = arith.constant 0 : i32
      %dma_start3A_255 = tpu.memref_slice %arg12[%dma_start3A_253, %dma_start3A_254] : memref<10016x32xf32, #tpu.memory_space<vmem_shared>> -> memref<10016x32xf32, #tpu.memory_space<vmem_shared>>
      tpu.enqueue_indirect_dma source(%dma_start3A_249 : memref<128x32xf32, #tpu.memory_space<vmem>>) target(%dma_start3A_255 : memref<10016x32xf32, #tpu.memory_space<vmem_shared>>) offsets(%dma_start3A_252 : memref<128xi32, #tpu.memory_space<vmem>>) semaphore(%arg14 : memref<!tpu.dma_semaphore, #tpu.memory_space<semaphore_mem>>) {add = true}
      %dma_wait3A_256 = arith.constant 2 : i32
      %dma_wait3A_257 = arith.constant 0 : i32
      %dma_wait3A_258 = arith.constant 0 : i32
      %dma_wait3A_259 = tpu.memref_slice %arg11[%dma_wait3A_256, %dma_wait3A_257, %dma_wait3A_258] : memref<8x128x32xf32, #tpu.memory_space<vmem>> -> memref<1x128x32xf32, #tpu.memory_space<vmem>>
      %dma_wait3A_260 = tpu.memref_squeeze %dma_wait3A_259 : memref<1x128x32xf32, #tpu.memory_space<vmem>> -> memref<128x32xf32, #tpu.memory_space<vmem>>
      %dma_wait3A_261 = arith.constant 0 : i32
      %dma_wait3A_262 = tpu.memref_slice %arg9[%add3A_132, %dma_wait3A_261] : memref<80x128xi32, #tpu.memory_space<vmem>> -> memref<1x128xi32, #tpu.memory_space<vmem>>
      %dma_wait3A_263 = tpu.memref_squeeze %dma_wait3A_262 : memref<1x128xi32, #tpu.memory_space<vmem>> -> memref<128xi32, #tpu.memory_space<vmem>>
      %dma_wait3A_264 = arith.constant 0 : i32
      %dma_wait3A_265 = arith.constant 0 : i32
      %dma_wait3A_266 = tpu.memref_slice %arg2[%dma_wait3A_264, %dma_wait3A_265] : memref<10016x32xf32, #tpu.memory_space<hbm>> -> memref<10016x32xf32, #tpu.memory_space<hbm>>
      tpu.wait_indirect_dma semaphore(%arg13 : memref<!tpu.dma_semaphore, #tpu.memory_space<semaphore_mem>>) src(%dma_wait3A_266 : memref<10016x32xf32, #tpu.memory_space<hbm>>) dst(%dma_wait3A_260 : memref<128x32xf32, #tpu.memory_space<vmem>>)
      %add3A_267 = arith.constant 2 : i32
      %add3A_268 = arith.addi %mul3A_106, %add3A_267 : i32
      %dma_start3A_269 = arith.constant 2 : i32
      %dma_start3A_270 = arith.constant 0 : i32
      %dma_start3A_271 = arith.constant 0 : i32
      %dma_start3A_272 = tpu.memref_slice %arg11[%dma_start3A_269, %dma_start3A_270, %dma_start3A_271] : memref<8x128x32xf32, #tpu.memory_space<vmem>> -> memref<1x128x32xf32, #tpu.memory_space<vmem>>
      %dma_start3A_273 = tpu.memref_squeeze %dma_start3A_272 : memref<1x128x32xf32, #tpu.memory_space<vmem>> -> memref<128x32xf32, #tpu.memory_space<vmem>>
      %dma_start3A_274 = arith.constant 0 : i32
      %dma_start3A_275 = tpu.memref_slice %arg10[%add3A_268, %dma_start3A_274] : memref<80x128xi32, #tpu.memory_space<vmem>> -> memref<1x128xi32, #tpu.memory_space<vmem>>
      %dma_start3A_276 = tpu.memref_squeeze %dma_start3A_275 : memref<1x128xi32, #tpu.memory_space<vmem>> -> memref<128xi32, #tpu.memory_space<vmem>>
      %dma_start3A_277 = arith.constant 0 : i32
      %dma_start3A_278 = arith.constant 0 : i32
      %dma_start3A_279 = tpu.memref_slice %arg12[%dma_start3A_277, %dma_start3A_278] : memref<10016x32xf32, #tpu.memory_space<vmem_shared>> -> memref<10016x32xf32, #tpu.memory_space<vmem_shared>>
      tpu.enqueue_indirect_dma source(%dma_start3A_273 : memref<128x32xf32, #tpu.memory_space<vmem>>) target(%dma_start3A_279 : memref<10016x32xf32, #tpu.memory_space<vmem_shared>>) offsets(%dma_start3A_276 : memref<128xi32, #tpu.memory_space<vmem>>) semaphore(%arg14 : memref<!tpu.dma_semaphore, #tpu.memory_space<semaphore_mem>>) {add = true}
      %dma_wait3A_280 = arith.constant 3 : i32
      %dma_wait3A_281 = arith.constant 0 : i32
      %dma_wait3A_282 = arith.constant 0 : i32
      %dma_wait3A_283 = tpu.memref_slice %arg11[%dma_wait3A_280, %dma_wait3A_281, %dma_wait3A_282] : memref<8x128x32xf32, #tpu.memory_space<vmem>> -> memref<1x128x32xf32, #tpu.memory_space<vmem>>
      %dma_wait3A_284 = tpu.memref_squeeze %dma_wait3A_283 : memref<1x128x32xf32, #tpu.memory_space<vmem>> -> memref<128x32xf32, #tpu.memory_space<vmem>>
      %dma_wait3A_285 = arith.constant 0 : i32
      %dma_wait3A_286 = tpu.memref_slice %arg9[%add3A_145, %dma_wait3A_285] : memref<80x128xi32, #tpu.memory_space<vmem>> -> memref<1x128xi32, #tpu.memory_space<vmem>>
      %dma_wait3A_287 = tpu.memref_squeeze %dma_wait3A_286 : memref<1x128xi32, #tpu.memory_space<vmem>> -> memref<128xi32, #tpu.memory_space<vmem>>
      %dma_wait3A_288 = arith.constant 0 : i32
      %dma_wait3A_289 = arith.constant 0 : i32
      %dma_wait3A_290 = tpu.memref_slice %arg2[%dma_wait3A_288, %dma_wait3A_289] : memref<10016x32xf32, #tpu.memory_space<hbm>> -> memref<10016x32xf32, #tpu.memory_space<hbm>>
      tpu.wait_indirect_dma semaphore(%arg13 : memref<!tpu.dma_semaphore, #tpu.memory_space<semaphore_mem>>) src(%dma_wait3A_290 : memref<10016x32xf32, #tpu.memory_space<hbm>>) dst(%dma_wait3A_284 : memref<128x32xf32, #tpu.memory_space<vmem>>)
      %add3A_291 = arith.constant 3 : i32
      %add3A_292 = arith.addi %mul3A_106, %add3A_291 : i32
      %dma_start3A_293 = arith.constant 3 : i32
      %dma_start3A_294 = arith.constant 0 : i32
      %dma_start3A_295 = arith.constant 0 : i32
      %dma_start3A_296 = tpu.memref_slice %arg11[%dma_start3A_293, %dma_start3A_294, %dma_start3A_295] : memref<8x128x32xf32, #tpu.memory_space<vmem>> -> memref<1x128x32xf32, #tpu.memory_space<vmem>>
      %dma_start3A_297 = tpu.memref_squeeze %dma_start3A_296 : memref<1x128x32xf32, #tpu.memory_space<vmem>> -> memref<128x32xf32, #tpu.memory_space<vmem>>
      %dma_start3A_298 = arith.constant 0 : i32
      %dma_start3A_299 = tpu.memref_slice %arg10[%add3A_292, %dma_start3A_298] : memref<80x128xi32, #tpu.memory_space<vmem>> -> memref<1x128xi32, #tpu.memory_space<vmem>>
      %dma_start3A_300 = tpu.memref_squeeze %dma_start3A_299 : memref<1x128xi32, #tpu.memory_space<vmem>> -> memref<128xi32, #tpu.memory_space<vmem>>
      %dma_start3A_301 = arith.constant 0 : i32
      %dma_start3A_302 = arith.constant 0 : i32
      %dma_start3A_303 = tpu.memref_slice %arg12[%dma_start3A_301, %dma_start3A_302] : memref<10016x32xf32, #tpu.memory_space<vmem_shared>> -> memref<10016x32xf32, #tpu.memory_space<vmem_shared>>
      tpu.enqueue_indirect_dma source(%dma_start3A_297 : memref<128x32xf32, #tpu.memory_space<vmem>>) target(%dma_start3A_303 : memref<10016x32xf32, #tpu.memory_space<vmem_shared>>) offsets(%dma_start3A_300 : memref<128xi32, #tpu.memory_space<vmem>>) semaphore(%arg14 : memref<!tpu.dma_semaphore, #tpu.memory_space<semaphore_mem>>) {add = true}
      %dma_wait3A_304 = arith.constant 4 : i32
      %dma_wait3A_305 = arith.constant 0 : i32
      %dma_wait3A_306 = arith.constant 0 : i32
      %dma_wait3A_307 = tpu.memref_slice %arg11[%dma_wait3A_304, %dma_wait3A_305, %dma_wait3A_306] : memref<8x128x32xf32, #tpu.memory_space<vmem>> -> memref<1x128x32xf32, #tpu.memory_space<vmem>>
      %dma_wait3A_308 = tpu.memref_squeeze %dma_wait3A_307 : memref<1x128x32xf32, #tpu.memory_space<vmem>> -> memref<128x32xf32, #tpu.memory_space<vmem>>
      %dma_wait3A_309 = arith.constant 0 : i32
      %dma_wait3A_310 = tpu.memref_slice %arg9[%add3A_158, %dma_wait3A_309] : memref<80x128xi32, #tpu.memory_space<vmem>> -> memref<1x128xi32, #tpu.memory_space<vmem>>
      %dma_wait3A_311 = tpu.memref_squeeze %dma_wait3A_310 : memref<1x128xi32, #tpu.memory_space<vmem>> -> memref<128xi32, #tpu.memory_space<vmem>>
      %dma_wait3A_312 = arith.constant 0 : i32
      %dma_wait3A_313 = arith.constant 0 : i32
      %dma_wait3A_314 = tpu.memref_slice %arg2[%dma_wait3A_312, %dma_wait3A_313] : memref<10016x32xf32, #tpu.memory_space<hbm>> -> memref<10016x32xf32, #tpu.memory_space<hbm>>
      tpu.wait_indirect_dma semaphore(%arg13 : memref<!tpu.dma_semaphore, #tpu.memory_space<semaphore_mem>>) src(%dma_wait3A_314 : memref<10016x32xf32, #tpu.memory_space<hbm>>) dst(%dma_wait3A_308 : memref<128x32xf32, #tpu.memory_space<vmem>>)
      %add3A_315 = arith.constant 4 : i32
      %add3A_316 = arith.addi %mul3A_106, %add3A_315 : i32
      %dma_start3A_317 = arith.constant 4 : i32
      %dma_start3A_318 = arith.constant 0 : i32
      %dma_start3A_319 = arith.constant 0 : i32
      %dma_start3A_320 = tpu.memref_slice %arg11[%dma_start3A_317, %dma_start3A_318, %dma_start3A_319] : memref<8x128x32xf32, #tpu.memory_space<vmem>> -> memref<1x128x32xf32, #tpu.memory_space<vmem>>
      %dma_start3A_321 = tpu.memref_squeeze %dma_start3A_320 : memref<1x128x32xf32, #tpu.memory_space<vmem>> -> memref<128x32xf32, #tpu.memory_space<vmem>>
      %dma_start3A_322 = arith.constant 0 : i32
      %dma_start3A_323 = tpu.memref_slice %arg10[%add3A_316, %dma_start3A_322] : memref<80x128xi32, #tpu.memory_space<vmem>> -> memref<1x128xi32, #tpu.memory_space<vmem>>
      %dma_start3A_324 = tpu.memref_squeeze %dma_start3A_323 : memref<1x128xi32, #tpu.memory_space<vmem>> -> memref<128xi32, #tpu.memory_space<vmem>>
      %dma_start3A_325 = arith.constant 0 : i32
      %dma_start3A_326 = arith.constant 0 : i32
      %dma_start3A_327 = tpu.memref_slice %arg12[%dma_start3A_325, %dma_start3A_326] : memref<10016x32xf32, #tpu.memory_space<vmem_shared>> -> memref<10016x32xf32, #tpu.memory_space<vmem_shared>>
      tpu.enqueue_indirect_dma source(%dma_start3A_321 : memref<128x32xf32, #tpu.memory_space<vmem>>) target(%dma_start3A_327 : memref<10016x32xf32, #tpu.memory_space<vmem_shared>>) offsets(%dma_start3A_324 : memref<128xi32, #tpu.memory_space<vmem>>) semaphore(%arg14 : memref<!tpu.dma_semaphore, #tpu.memory_space<semaphore_mem>>) {add = true}
      %dma_wait3A_328 = arith.constant 5 : i32
      %dma_wait3A_329 = arith.constant 0 : i32
      %dma_wait3A_330 = arith.constant 0 : i32
      %dma_wait3A_331 = tpu.memref_slice %arg11[%dma_wait3A_328, %dma_wait3A_329, %dma_wait3A_330] : memref<8x128x32xf32, #tpu.memory_space<vmem>> -> memref<1x128x32xf32, #tpu.memory_space<vmem>>
      %dma_wait3A_332 = tpu.memref_squeeze %dma_wait3A_331 : memref<1x128x32xf32, #tpu.memory_space<vmem>> -> memref<128x32xf32, #tpu.memory_space<vmem>>
      %dma_wait3A_333 = arith.constant 0 : i32
      %dma_wait3A_334 = tpu.memref_slice %arg9[%add3A_171, %dma_wait3A_333] : memref<80x128xi32, #tpu.memory_space<vmem>> -> memref<1x128xi32, #tpu.memory_space<vmem>>
      %dma_wait3A_335 = tpu.memref_squeeze %dma_wait3A_334 : memref<1x128xi32, #tpu.memory_space<vmem>> -> memref<128xi32, #tpu.memory_space<vmem>>
      %dma_wait3A_336 = arith.constant 0 : i32
      %dma_wait3A_337 = arith.constant 0 : i32
      %dma_wait3A_338 = tpu.memref_slice %arg2[%dma_wait3A_336, %dma_wait3A_337] : memref<10016x32xf32, #tpu.memory_space<hbm>> -> memref<10016x32xf32, #tpu.memory_space<hbm>>
      tpu.wait_indirect_dma semaphore(%arg13 : memref<!tpu.dma_semaphore, #tpu.memory_space<semaphore_mem>>) src(%dma_wait3A_338 : memref<10016x32xf32, #tpu.memory_space<hbm>>) dst(%dma_wait3A_332 : memref<128x32xf32, #tpu.memory_space<vmem>>)
      %add3A_339 = arith.constant 5 : i32
      %add3A_340 = arith.addi %mul3A_106, %add3A_339 : i32
      %dma_start3A_341 = arith.constant 5 : i32
      %dma_start3A_342 = arith.constant 0 : i32
      %dma_start3A_343 = arith.constant 0 : i32
      %dma_start3A_344 = tpu.memref_slice %arg11[%dma_start3A_341, %dma_start3A_342, %dma_start3A_343] : memref<8x128x32xf32, #tpu.memory_space<vmem>> -> memref<1x128x32xf32, #tpu.memory_space<vmem>>
      %dma_start3A_345 = tpu.memref_squeeze %dma_start3A_344 : memref<1x128x32xf32, #tpu.memory_space<vmem>> -> memref<128x32xf32, #tpu.memory_space<vmem>>
      %dma_start3A_346 = arith.constant 0 : i32
      %dma_start3A_347 = tpu.memref_slice %arg10[%add3A_340, %dma_start3A_346] : memref<80x128xi32, #tpu.memory_space<vmem>> -> memref<1x128xi32, #tpu.memory_space<vmem>>
      %dma_start3A_348 = tpu.memref_squeeze %dma_start3A_347 : memref<1x128xi32, #tpu.memory_space<vmem>> -> memref<128xi32, #tpu.memory_space<vmem>>
      %dma_start3A_349 = arith.constant 0 : i32
      %dma_start3A_350 = arith.constant 0 : i32
      %dma_start3A_351 = tpu.memref_slice %arg12[%dma_start3A_349, %dma_start3A_350] : memref<10016x32xf32, #tpu.memory_space<vmem_shared>> -> memref<10016x32xf32, #tpu.memory_space<vmem_shared>>
      tpu.enqueue_indirect_dma source(%dma_start3A_345 : memref<128x32xf32, #tpu.memory_space<vmem>>) target(%dma_start3A_351 : memref<10016x32xf32, #tpu.memory_space<vmem_shared>>) offsets(%dma_start3A_348 : memref<128xi32, #tpu.memory_space<vmem>>) semaphore(%arg14 : memref<!tpu.dma_semaphore, #tpu.memory_space<semaphore_mem>>) {add = true}
      %dma_wait3A_352 = arith.constant 6 : i32
      %dma_wait3A_353 = arith.constant 0 : i32
      %dma_wait3A_354 = arith.constant 0 : i32
      %dma_wait3A_355 = tpu.memref_slice %arg11[%dma_wait3A_352, %dma_wait3A_353, %dma_wait3A_354] : memref<8x128x32xf32, #tpu.memory_space<vmem>> -> memref<1x128x32xf32, #tpu.memory_space<vmem>>
      %dma_wait3A_356 = tpu.memref_squeeze %dma_wait3A_355 : memref<1x128x32xf32, #tpu.memory_space<vmem>> -> memref<128x32xf32, #tpu.memory_space<vmem>>
      %dma_wait3A_357 = arith.constant 0 : i32
      %dma_wait3A_358 = tpu.memref_slice %arg9[%add3A_184, %dma_wait3A_357] : memref<80x128xi32, #tpu.memory_space<vmem>> -> memref<1x128xi32, #tpu.memory_space<vmem>>
      %dma_wait3A_359 = tpu.memref_squeeze %dma_wait3A_358 : memref<1x128xi32, #tpu.memory_space<vmem>> -> memref<128xi32, #tpu.memory_space<vmem>>
      %dma_wait3A_360 = arith.constant 0 : i32
      %dma_wait3A_361 = arith.constant 0 : i32
      %dma_wait3A_362 = tpu.memref_slice %arg2[%dma_wait3A_360, %dma_wait3A_361] : memref<10016x32xf32, #tpu.memory_space<hbm>> -> memref<10016x32xf32, #tpu.memory_space<hbm>>
      tpu.wait_indirect_dma semaphore(%arg13 : memref<!tpu.dma_semaphore, #tpu.memory_space<semaphore_mem>>) src(%dma_wait3A_362 : memref<10016x32xf32, #tpu.memory_space<hbm>>) dst(%dma_wait3A_356 : memref<128x32xf32, #tpu.memory_space<vmem>>)
      %add3A_363 = arith.constant 6 : i32
      %add3A_364 = arith.addi %mul3A_106, %add3A_363 : i32
      %dma_start3A_365 = arith.constant 6 : i32
      %dma_start3A_366 = arith.constant 0 : i32
      %dma_start3A_367 = arith.constant 0 : i32
      %dma_start3A_368 = tpu.memref_slice %arg11[%dma_start3A_365, %dma_start3A_366, %dma_start3A_367] : memref<8x128x32xf32, #tpu.memory_space<vmem>> -> memref<1x128x32xf32, #tpu.memory_space<vmem>>
      %dma_start3A_369 = tpu.memref_squeeze %dma_start3A_368 : memref<1x128x32xf32, #tpu.memory_space<vmem>> -> memref<128x32xf32, #tpu.memory_space<vmem>>
      %dma_start3A_370 = arith.constant 0 : i32
      %dma_start3A_371 = tpu.memref_slice %arg10[%add3A_364, %dma_start3A_370] : memref<80x128xi32, #tpu.memory_space<vmem>> -> memref<1x128xi32, #tpu.memory_space<vmem>>
      %dma_start3A_372 = tpu.memref_squeeze %dma_start3A_371 : memref<1x128xi32, #tpu.memory_space<vmem>> -> memref<128xi32, #tpu.memory_space<vmem>>
      %dma_start3A_373 = arith.constant 0 : i32
      %dma_start3A_374 = arith.constant 0 : i32
      %dma_start3A_375 = tpu.memref_slice %arg12[%dma_start3A_373, %dma_start3A_374] : memref<10016x32xf32, #tpu.memory_space<vmem_shared>> -> memref<10016x32xf32, #tpu.memory_space<vmem_shared>>
      tpu.enqueue_indirect_dma source(%dma_start3A_369 : memref<128x32xf32, #tpu.memory_space<vmem>>) target(%dma_start3A_375 : memref<10016x32xf32, #tpu.memory_space<vmem_shared>>) offsets(%dma_start3A_372 : memref<128xi32, #tpu.memory_space<vmem>>) semaphore(%arg14 : memref<!tpu.dma_semaphore, #tpu.memory_space<semaphore_mem>>) {add = true}
      %dma_wait3A_376 = arith.constant 7 : i32
      %dma_wait3A_377 = arith.constant 0 : i32
      %dma_wait3A_378 = arith.constant 0 : i32
      %dma_wait3A_379 = tpu.memref_slice %arg11[%dma_wait3A_376, %dma_wait3A_377, %dma_wait3A_378] : memref<8x128x32xf32, #tpu.memory_space<vmem>> -> memref<1x128x32xf32, #tpu.memory_space<vmem>>
      %dma_wait3A_380 = tpu.memref_squeeze %dma_wait3A_379 : memref<1x128x32xf32, #tpu.memory_space<vmem>> -> memref<128x32xf32, #tpu.memory_space<vmem>>
      %dma_wait3A_381 = arith.constant 0 : i32
      %dma_wait3A_382 = tpu.memref_slice %arg9[%add3A_197, %dma_wait3A_381] : memref<80x128xi32, #tpu.memory_space<vmem>> -> memref<1x128xi32, #tpu.memory_space<vmem>>
      %dma_wait3A_383 = tpu.memref_squeeze %dma_wait3A_382 : memref<1x128xi32, #tpu.memory_space<vmem>> -> memref<128xi32, #tpu.memory_space<vmem>>
      %dma_wait3A_384 = arith.constant 0 : i32
      %dma_wait3A_385 = arith.constant 0 : i32
      %dma_wait3A_386 = tpu.memref_slice %arg2[%dma_wait3A_384, %dma_wait3A_385] : memref<10016x32xf32, #tpu.memory_space<hbm>> -> memref<10016x32xf32, #tpu.memory_space<hbm>>
      tpu.wait_indirect_dma semaphore(%arg13 : memref<!tpu.dma_semaphore, #tpu.memory_space<semaphore_mem>>) src(%dma_wait3A_386 : memref<10016x32xf32, #tpu.memory_space<hbm>>) dst(%dma_wait3A_380 : memref<128x32xf32, #tpu.memory_space<vmem>>)
      %add3A_387 = arith.constant 7 : i32
      %add3A_388 = arith.addi %mul3A_106, %add3A_387 : i32
      %dma_start3A_389 = arith.constant 7 : i32
      %dma_start3A_390 = arith.constant 0 : i32
      %dma_start3A_391 = arith.constant 0 : i32
      %dma_start3A_392 = tpu.memref_slice %arg11[%dma_start3A_389, %dma_start3A_390, %dma_start3A_391] : memref<8x128x32xf32, #tpu.memory_space<vmem>> -> memref<1x128x32xf32, #tpu.memory_space<vmem>>
      %dma_start3A_393 = tpu.memref_squeeze %dma_start3A_392 : memref<1x128x32xf32, #tpu.memory_space<vmem>> -> memref<128x32xf32, #tpu.memory_space<vmem>>
      %dma_start3A_394 = arith.constant 0 : i32
      %dma_start3A_395 = tpu.memref_slice %arg10[%add3A_388, %dma_start3A_394] : memref<80x128xi32, #tpu.memory_space<vmem>> -> memref<1x128xi32, #tpu.memory_space<vmem>>
      %dma_start3A_396 = tpu.memref_squeeze %dma_start3A_395 : memref<1x128xi32, #tpu.memory_space<vmem>> -> memref<128xi32, #tpu.memory_space<vmem>>
      %dma_start3A_397 = arith.constant 0 : i32
      %dma_start3A_398 = arith.constant 0 : i32
      %dma_start3A_399 = tpu.memref_slice %arg12[%dma_start3A_397, %dma_start3A_398] : memref<10016x32xf32, #tpu.memory_space<vmem_shared>> -> memref<10016x32xf32, #tpu.memory_space<vmem_shared>>
      tpu.enqueue_indirect_dma source(%dma_start3A_393 : memref<128x32xf32, #tpu.memory_space<vmem>>) target(%dma_start3A_399 : memref<10016x32xf32, #tpu.memory_space<vmem_shared>>) offsets(%dma_start3A_396 : memref<128xi32, #tpu.memory_space<vmem>>) semaphore(%arg14 : memref<!tpu.dma_semaphore, #tpu.memory_space<semaphore_mem>>) {add = true}
      %dma_wait3A_400 = arith.constant 0 : i32
      %dma_wait3A_401 = arith.constant 0 : i32
      %dma_wait3A_402 = arith.constant 0 : i32
      %dma_wait3A_403 = tpu.memref_slice %arg11[%dma_wait3A_400, %dma_wait3A_401, %dma_wait3A_402] : memref<8x128x32xf32, #tpu.memory_space<vmem>> -> memref<1x128x32xf32, #tpu.memory_space<vmem>>
      %dma_wait3A_404 = tpu.memref_squeeze %dma_wait3A_403 : memref<1x128x32xf32, #tpu.memory_space<vmem>> -> memref<128x32xf32, #tpu.memory_space<vmem>>
      %dma_wait3A_405 = arith.constant 0 : i32
      %dma_wait3A_406 = tpu.memref_slice %arg10[%add3A_220, %dma_wait3A_405] : memref<80x128xi32, #tpu.memory_space<vmem>> -> memref<1x128xi32, #tpu.memory_space<vmem>>
      %dma_wait3A_407 = tpu.memref_squeeze %dma_wait3A_406 : memref<1x128xi32, #tpu.memory_space<vmem>> -> memref<128xi32, #tpu.memory_space<vmem>>
      %dma_wait3A_408 = arith.constant 0 : i32
      %dma_wait3A_409 = arith.constant 0 : i32
      %dma_wait3A_410 = tpu.memref_slice %arg12[%dma_wait3A_408, %dma_wait3A_409] : memref<10016x32xf32, #tpu.memory_space<vmem_shared>> -> memref<10016x32xf32, #tpu.memory_space<vmem_shared>>
      tpu.wait_indirect_dma semaphore(%arg14 : memref<!tpu.dma_semaphore, #tpu.memory_space<semaphore_mem>>) src(%dma_wait3A_404 : memref<128x32xf32, #tpu.memory_space<vmem>>) dst(%dma_wait3A_410 : memref<10016x32xf32, #tpu.memory_space<vmem_shared>>)
      %dma_wait3A_411 = arith.constant 1 : i32
      %dma_wait3A_412 = arith.constant 0 : i32
      %dma_wait3A_413 = arith.constant 0 : i32
      %dma_wait3A_414 = tpu.memref_slice %arg11[%dma_wait3A_411, %dma_wait3A_412, %dma_wait3A_413] : memref<8x128x32xf32, #tpu.memory_space<vmem>> -> memref<1x128x32xf32, #tpu.memory_space<vmem>>
      %dma_wait3A_415 = tpu.memref_squeeze %dma_wait3A_414 : memref<1x128x32xf32, #tpu.memory_space<vmem>> -> memref<128x32xf32, #tpu.memory_space<vmem>>
      %dma_wait3A_416 = arith.constant 0 : i32
      %dma_wait3A_417 = tpu.memref_slice %arg10[%add3A_244, %dma_wait3A_416] : memref<80x128xi32, #tpu.memory_space<vmem>> -> memref<1x128xi32, #tpu.memory_space<vmem>>
      %dma_wait3A_418 = tpu.memref_squeeze %dma_wait3A_417 : memref<1x128xi32, #tpu.memory_space<vmem>> -> memref<128xi32, #tpu.memory_space<vmem>>
      %dma_wait3A_419 = arith.constant 0 : i32
      %dma_wait3A_420 = arith.constant 0 : i32
      %dma_wait3A_421 = tpu.memref_slice %arg12[%dma_wait3A_419, %dma_wait3A_420] : memref<10016x32xf32, #tpu.memory_space<vmem_shared>> -> memref<10016x32xf32, #tpu.memory_space<vmem_shared>>
      tpu.wait_indirect_dma semaphore(%arg14 : memref<!tpu.dma_semaphore, #tpu.memory_space<semaphore_mem>>) src(%dma_wait3A_415 : memref<128x32xf32, #tpu.memory_space<vmem>>) dst(%dma_wait3A_421 : memref<10016x32xf32, #tpu.memory_space<vmem_shared>>)
      %dma_wait3A_422 = arith.constant 2 : i32
      %dma_wait3A_423 = arith.constant 0 : i32
      %dma_wait3A_424 = arith.constant 0 : i32
      %dma_wait3A_425 = tpu.memref_slice %arg11[%dma_wait3A_422, %dma_wait3A_423, %dma_wait3A_424] : memref<8x128x32xf32, #tpu.memory_space<vmem>> -> memref<1x128x32xf32, #tpu.memory_space<vmem>>
      %dma_wait3A_426 = tpu.memref_squeeze %dma_wait3A_425 : memref<1x128x32xf32, #tpu.memory_space<vmem>> -> memref<128x32xf32, #tpu.memory_space<vmem>>
      %dma_wait3A_427 = arith.constant 0 : i32
      %dma_wait3A_428 = tpu.memref_slice %arg10[%add3A_268, %dma_wait3A_427] : memref<80x128xi32, #tpu.memory_space<vmem>> -> memref<1x128xi32, #tpu.memory_space<vmem>>
      %dma_wait3A_429 = tpu.memref_squeeze %dma_wait3A_428 : memref<1x128xi32, #tpu.memory_space<vmem>> -> memref<128xi32, #tpu.memory_space<vmem>>
      %dma_wait3A_430 = arith.constant 0 : i32
      %dma_wait3A_431 = arith.constant 0 : i32
      %dma_wait3A_432 = tpu.memref_slice %arg12[%dma_wait3A_430, %dma_wait3A_431] : memref<10016x32xf32, #tpu.memory_space<vmem_shared>> -> memref<10016x32xf32, #tpu.memory_space<vmem_shared>>
      tpu.wait_indirect_dma semaphore(%arg14 : memref<!tpu.dma_semaphore, #tpu.memory_space<semaphore_mem>>) src(%dma_wait3A_426 : memref<128x32xf32, #tpu.memory_space<vmem>>) dst(%dma_wait3A_432 : memref<10016x32xf32, #tpu.memory_space<vmem_shared>>)
      %dma_wait3A_433 = arith.constant 3 : i32
      %dma_wait3A_434 = arith.constant 0 : i32
      %dma_wait3A_435 = arith.constant 0 : i32
      %dma_wait3A_436 = tpu.memref_slice %arg11[%dma_wait3A_433, %dma_wait3A_434, %dma_wait3A_435] : memref<8x128x32xf32, #tpu.memory_space<vmem>> -> memref<1x128x32xf32, #tpu.memory_space<vmem>>
      %dma_wait3A_437 = tpu.memref_squeeze %dma_wait3A_436 : memref<1x128x32xf32, #tpu.memory_space<vmem>> -> memref<128x32xf32, #tpu.memory_space<vmem>>
      %dma_wait3A_438 = arith.constant 0 : i32
      %dma_wait3A_439 = tpu.memref_slice %arg10[%add3A_292, %dma_wait3A_438] : memref<80x128xi32, #tpu.memory_space<vmem>> -> memref<1x128xi32, #tpu.memory_space<vmem>>
      %dma_wait3A_440 = tpu.memref_squeeze %dma_wait3A_439 : memref<1x128xi32, #tpu.memory_space<vmem>> -> memref<128xi32, #tpu.memory_space<vmem>>
      %dma_wait3A_441 = arith.constant 0 : i32
      %dma_wait3A_442 = arith.constant 0 : i32
      %dma_wait3A_443 = tpu.memref_slice %arg12[%dma_wait3A_441, %dma_wait3A_442] : memref<10016x32xf32, #tpu.memory_space<vmem_shared>> -> memref<10016x32xf32, #tpu.memory_space<vmem_shared>>
      tpu.wait_indirect_dma semaphore(%arg14 : memref<!tpu.dma_semaphore, #tpu.memory_space<semaphore_mem>>) src(%dma_wait3A_437 : memref<128x32xf32, #tpu.memory_space<vmem>>) dst(%dma_wait3A_443 : memref<10016x32xf32, #tpu.memory_space<vmem_shared>>)
      %dma_wait3A_444 = arith.constant 4 : i32
      %dma_wait3A_445 = arith.constant 0 : i32
      %dma_wait3A_446 = arith.constant 0 : i32
      %dma_wait3A_447 = tpu.memref_slice %arg11[%dma_wait3A_444, %dma_wait3A_445, %dma_wait3A_446] : memref<8x128x32xf32, #tpu.memory_space<vmem>> -> memref<1x128x32xf32, #tpu.memory_space<vmem>>
      %dma_wait3A_448 = tpu.memref_squeeze %dma_wait3A_447 : memref<1x128x32xf32, #tpu.memory_space<vmem>> -> memref<128x32xf32, #tpu.memory_space<vmem>>
      %dma_wait3A_449 = arith.constant 0 : i32
      %dma_wait3A_450 = tpu.memref_slice %arg10[%add3A_316, %dma_wait3A_449] : memref<80x128xi32, #tpu.memory_space<vmem>> -> memref<1x128xi32, #tpu.memory_space<vmem>>
      %dma_wait3A_451 = tpu.memref_squeeze %dma_wait3A_450 : memref<1x128xi32, #tpu.memory_space<vmem>> -> memref<128xi32, #tpu.memory_space<vmem>>
      %dma_wait3A_452 = arith.constant 0 : i32
      %dma_wait3A_453 = arith.constant 0 : i32
      %dma_wait3A_454 = tpu.memref_slice %arg12[%dma_wait3A_452, %dma_wait3A_453] : memref<10016x32xf32, #tpu.memory_space<vmem_shared>> -> memref<10016x32xf32, #tpu.memory_space<vmem_shared>>
      tpu.wait_indirect_dma semaphore(%arg14 : memref<!tpu.dma_semaphore, #tpu.memory_space<semaphore_mem>>) src(%dma_wait3A_448 : memref<128x32xf32, #tpu.memory_space<vmem>>) dst(%dma_wait3A_454 : memref<10016x32xf32, #tpu.memory_space<vmem_shared>>)
      %dma_wait3A_455 = arith.constant 5 : i32
      %dma_wait3A_456 = arith.constant 0 : i32
      %dma_wait3A_457 = arith.constant 0 : i32
      %dma_wait3A_458 = tpu.memref_slice %arg11[%dma_wait3A_455, %dma_wait3A_456, %dma_wait3A_457] : memref<8x128x32xf32, #tpu.memory_space<vmem>> -> memref<1x128x32xf32, #tpu.memory_space<vmem>>
      %dma_wait3A_459 = tpu.memref_squeeze %dma_wait3A_458 : memref<1x128x32xf32, #tpu.memory_space<vmem>> -> memref<128x32xf32, #tpu.memory_space<vmem>>
      %dma_wait3A_460 = arith.constant 0 : i32
      %dma_wait3A_461 = tpu.memref_slice %arg10[%add3A_340, %dma_wait3A_460] : memref<80x128xi32, #tpu.memory_space<vmem>> -> memref<1x128xi32, #tpu.memory_space<vmem>>
      %dma_wait3A_462 = tpu.memref_squeeze %dma_wait3A_461 : memref<1x128xi32, #tpu.memory_space<vmem>> -> memref<128xi32, #tpu.memory_space<vmem>>
      %dma_wait3A_463 = arith.constant 0 : i32
      %dma_wait3A_464 = arith.constant 0 : i32
      %dma_wait3A_465 = tpu.memref_slice %arg12[%dma_wait3A_463, %dma_wait3A_464] : memref<10016x32xf32, #tpu.memory_space<vmem_shared>> -> memref<10016x32xf32, #tpu.memory_space<vmem_shared>>
      tpu.wait_indirect_dma semaphore(%arg14 : memref<!tpu.dma_semaphore, #tpu.memory_space<semaphore_mem>>) src(%dma_wait3A_459 : memref<128x32xf32, #tpu.memory_space<vmem>>) dst(%dma_wait3A_465 : memref<10016x32xf32, #tpu.memory_space<vmem_shared>>)
      %dma_wait3A_466 = arith.constant 6 : i32
      %dma_wait3A_467 = arith.constant 0 : i32
      %dma_wait3A_468 = arith.constant 0 : i32
      %dma_wait3A_469 = tpu.memref_slice %arg11[%dma_wait3A_466, %dma_wait3A_467, %dma_wait3A_468] : memref<8x128x32xf32, #tpu.memory_space<vmem>> -> memref<1x128x32xf32, #tpu.memory_space<vmem>>
      %dma_wait3A_470 = tpu.memref_squeeze %dma_wait3A_469 : memref<1x128x32xf32, #tpu.memory_space<vmem>> -> memref<128x32xf32, #tpu.memory_space<vmem>>
      %dma_wait3A_471 = arith.constant 0 : i32
      %dma_wait3A_472 = tpu.memref_slice %arg10[%add3A_364, %dma_wait3A_471] : memref<80x128xi32, #tpu.memory_space<vmem>> -> memref<1x128xi32, #tpu.memory_space<vmem>>
      %dma_wait3A_473 = tpu.memref_squeeze %dma_wait3A_472 : memref<1x128xi32, #tpu.memory_space<vmem>> -> memref<128xi32, #tpu.memory_space<vmem>>
      %dma_wait3A_474 = arith.constant 0 : i32
      %dma_wait3A_475 = arith.constant 0 : i32
      %dma_wait3A_476 = tpu.memref_slice %arg12[%dma_wait3A_474, %dma_wait3A_475] : memref<10016x32xf32, #tpu.memory_space<vmem_shared>> -> memref<10016x32xf32, #tpu.memory_space<vmem_shared>>
      tpu.wait_indirect_dma semaphore(%arg14 : memref<!tpu.dma_semaphore, #tpu.memory_space<semaphore_mem>>) src(%dma_wait3A_470 : memref<128x32xf32, #tpu.memory_space<vmem>>) dst(%dma_wait3A_476 : memref<10016x32xf32, #tpu.memory_space<vmem_shared>>)
      %dma_wait3A_477 = arith.constant 7 : i32
      %dma_wait3A_478 = arith.constant 0 : i32
      %dma_wait3A_479 = arith.constant 0 : i32
      %dma_wait3A_480 = tpu.memref_slice %arg11[%dma_wait3A_477, %dma_wait3A_478, %dma_wait3A_479] : memref<8x128x32xf32, #tpu.memory_space<vmem>> -> memref<1x128x32xf32, #tpu.memory_space<vmem>>
      %dma_wait3A_481 = tpu.memref_squeeze %dma_wait3A_480 : memref<1x128x32xf32, #tpu.memory_space<vmem>> -> memref<128x32xf32, #tpu.memory_space<vmem>>
      %dma_wait3A_482 = arith.constant 0 : i32
      %dma_wait3A_483 = tpu.memref_slice %arg10[%add3A_388, %dma_wait3A_482] : memref<80x128xi32, #tpu.memory_space<vmem>> -> memref<1x128xi32, #tpu.memory_space<vmem>>
      %dma_wait3A_484 = tpu.memref_squeeze %dma_wait3A_483 : memref<1x128xi32, #tpu.memory_space<vmem>> -> memref<128xi32, #tpu.memory_space<vmem>>
      %dma_wait3A_485 = arith.constant 0 : i32
      %dma_wait3A_486 = arith.constant 0 : i32
      %dma_wait3A_487 = tpu.memref_slice %arg12[%dma_wait3A_485, %dma_wait3A_486] : memref<10016x32xf32, #tpu.memory_space<vmem_shared>> -> memref<10016x32xf32, #tpu.memory_space<vmem_shared>>
      tpu.wait_indirect_dma semaphore(%arg14 : memref<!tpu.dma_semaphore, #tpu.memory_space<semaphore_mem>>) src(%dma_wait3A_481 : memref<128x32xf32, #tpu.memory_space<vmem>>) dst(%dma_wait3A_487 : memref<10016x32xf32, #tpu.memory_space<vmem_shared>>)
    }
    %barrier3A_93 = arith.constant 0 : index
    tpu.barrier barrier_id(%barrier3A_93)
    %while3A_94 = arith.constant 0 : i32
    %while3A_95 = arith.constant 0 : i32
    %while3A_96 = arith.subi %select_n3A, %while3A_95 : i32
    %while3A_97 = arith.addi %while3A_95, %while3A_96 : i32
    %while3A_98 = arith.constant 1 : i32
    %while3A_99 = arith.divsi %while3A_96, %while3A_98 : i32
    %while3A_100 = arith.muli %while3A_99, %while3A_98 : i32
    %while3A_101 = arith.addi %while3A_95, %while3A_100 : i32
    %while3A_102 = arith.constant 1 : i32
    scf.for %while3A_104 = %while3A_95 to %while3A_101 step %while3A_102  : i32 {
      "tpu.region"() ({
        %run_scoped3A = tpu.sem_alloc : memref<!tpu.dma_semaphore, #tpu.memory_space<semaphore_mem>>
        %dma_start3A = arith.constant 0 : i32
        %dma_start3A_105 = tpu.memref_slice %arg8[%arg0, %mul3A_0, %dma_start3A] : memref<2x10016x32xf32, #tpu.memory_space<hbm>> -> memref<1x626x32xf32, #tpu.memory_space<hbm>>
        %dma_start3A_106 = tpu.memref_squeeze %dma_start3A_105 : memref<1x626x32xf32, #tpu.memory_space<hbm>> -> memref<626x32xf32, #tpu.memory_space<hbm>>
        %dma_start3A_107 = arith.constant 0 : i32
        %dma_start3A_108 = tpu.memref_slice %arg12[%mul3A_0, %dma_start3A_107] : memref<10016x32xf32, #tpu.memory_space<vmem_shared>> -> memref<626x32xf32, #tpu.memory_space<vmem_shared>>
        tpu.enqueue_dma source(%dma_start3A_108 : memref<626x32xf32, #tpu.memory_space<vmem_shared>>) target(%dma_start3A_106 : memref<626x32xf32, #tpu.memory_space<hbm>>) target_semaphore(%run_scoped3A : memref<!tpu.dma_semaphore, #tpu.memory_space<semaphore_mem>>)
        %dma_wait3A = arith.constant 0 : i32
        %dma_wait3A_109 = tpu.memref_slice %arg8[%arg0, %mul3A_0, %dma_wait3A] : memref<2x10016x32xf32, #tpu.memory_space<hbm>> -> memref<1x626x32xf32, #tpu.memory_space<hbm>>
        %dma_wait3A_110 = tpu.memref_squeeze %dma_wait3A_109 : memref<1x626x32xf32, #tpu.memory_space<hbm>> -> memref<626x32xf32, #tpu.memory_space<hbm>>
        %dma_wait3A_111 = arith.constant 0 : i32
        %dma_wait3A_112 = tpu.memref_slice %arg12[%mul3A_0, %dma_wait3A_111] : memref<10016x32xf32, #tpu.memory_space<vmem_shared>> -> memref<626x32xf32, #tpu.memory_space<vmem_shared>>
        tpu.wait_dma2 semaphore(%run_scoped3A : memref<!tpu.dma_semaphore, #tpu.memory_space<semaphore_mem>>) src(%dma_wait3A_112 : memref<626x32xf32, #tpu.memory_space<vmem_shared>>) dst(%dma_wait3A_110 : memref<626x32xf32, #tpu.memory_space<hbm>>)
        tpu.yield
      }) : () -> ()
    }
    %while3A_103 = arith.constant 1 : i32
    scf.for %while3A_104 = %while3A_101 to %while3A_97 step %while3A_103  : i32 {
      "tpu.region"() ({
        %run_scoped3A = tpu.sem_alloc : memref<!tpu.dma_semaphore, #tpu.memory_space<semaphore_mem>>
        %dma_start3A = arith.constant 0 : i32
        %dma_start3A_105 = tpu.memref_slice %arg8[%arg0, %mul3A_0, %dma_start3A] : memref<2x10016x32xf32, #tpu.memory_space<hbm>> -> memref<1x626x32xf32, #tpu.memory_space<hbm>>
        %dma_start3A_106 = tpu.memref_squeeze %dma_start3A_105 : memref<1x626x32xf32, #tpu.memory_space<hbm>> -> memref<626x32xf32, #tpu.memory_space<hbm>>
        %dma_start3A_107 = arith.constant 0 : i32
        %dma_start3A_108 = tpu.memref_slice %arg12[%mul3A_0, %dma_start3A_107] : memref<10016x32xf32, #tpu.memory_space<vmem_shared>> -> memref<626x32xf32, #tpu.memory_space<vmem_shared>>
        tpu.enqueue_dma source(%dma_start3A_108 : memref<626x32xf32, #tpu.memory_space<vmem_shared>>) target(%dma_start3A_106 : memref<626x32xf32, #tpu.memory_space<hbm>>) target_semaphore(%run_scoped3A : memref<!tpu.dma_semaphore, #tpu.memory_space<semaphore_mem>>)
        %dma_wait3A = arith.constant 0 : i32
        %dma_wait3A_109 = tpu.memref_slice %arg8[%arg0, %mul3A_0, %dma_wait3A] : memref<2x10016x32xf32, #tpu.memory_space<hbm>> -> memref<1x626x32xf32, #tpu.memory_space<hbm>>
        %dma_wait3A_110 = tpu.memref_squeeze %dma_wait3A_109 : memref<1x626x32xf32, #tpu.memory_space<hbm>> -> memref<626x32xf32, #tpu.memory_space<hbm>>
        %dma_wait3A_111 = arith.constant 0 : i32
        %dma_wait3A_112 = tpu.memref_slice %arg12[%mul3A_0, %dma_wait3A_111] : memref<10016x32xf32, #tpu.memory_space<vmem_shared>> -> memref<626x32xf32, #tpu.memory_space<vmem_shared>>
        tpu.wait_dma2 semaphore(%run_scoped3A : memref<!tpu.dma_semaphore, #tpu.memory_space<semaphore_mem>>) src(%dma_wait3A_112 : memref<626x32xf32, #tpu.memory_space<vmem_shared>>) dst(%dma_wait3A_110 : memref<626x32xf32, #tpu.memory_space<hbm>>)
        tpu.yield
      }) : () -> ()
    }
    return
  }
}

module attributes {stable_mosaic.version = 14 : i64} {
  func.func @body(%arg0: memref<10016x128xf32, #tpu.memory_space<vmem>>, %arg1: memref<128x80xf32, #tpu.memory_space<vmem>>, %arg2: memref<80xf32, #tpu.memory_space<vmem>>, %arg3: memref<128x80xf32, #tpu.memory_space<vmem>>, %arg4: memref<80xf32, #tpu.memory_space<vmem>>, %arg5: memref<10016x80xf32, #tpu.memory_space<vmem>>, %arg6: memref<10016x80xf32, #tpu.memory_space<vmem>>) attributes {dimension_semantics = [], scalar_prefetch = 0 : i64, scratch_operands = 0 : i64, tpu.core_type = #tpu.core_type<tc>} {
    %get3A = arith.constant 0 : index
    %get3A_0 = arith.constant 0 : index
    %get3A_1 = vector.load %arg0[%get3A, %get3A_0] : memref<10016x128xf32, #tpu.memory_space<vmem>>, vector<10016x128xf32>
    %get3A_2 = arith.constant 0 : index
    %get3A_3 = arith.constant 0 : index
    %get3A_4 = vector.load %arg1[%get3A_2, %get3A_3] : memref<128x80xf32, #tpu.memory_space<vmem>>, vector<128x80xf32>
    %dot_general3A = arith.constant dense<0.000000e+00> : vector<10016x80xf32>
    %dot_general3A_5 = tpu.matmul %get3A_1, %get3A_4, %dot_general3A {dimension_numbers = #tpu.dot_dimension_numbers<[1], [0], [0], [1], [0, 0, 1, 1], [], []>, transpose_lhs_hint = false} : vector<10016x128xf32>, vector<128x80xf32>, vector<10016x80xf32> -> vector<10016x80xf32>
    %get3A_6 = arith.constant 0 : index
    %get3A_7 = vector.load %arg2[%get3A_6] : memref<80xf32, #tpu.memory_space<vmem>>, vector<80xf32>
    %broadcast_in_dim3A = vector.shape_cast %get3A_7 : vector<80xf32> to vector<1x80xf32>
    %add3A = vector.broadcast %broadcast_in_dim3A : vector<1x80xf32> to vector<10016x80xf32>
    %add3A_8 = arith.addf %dot_general3A_5, %add3A : vector<10016x80xf32>
    %swap3A = arith.constant 0 : index
    %swap3A_9 = arith.constant 0 : index
    %swap3A_10 = vector.load %arg5[%swap3A, %swap3A_9] : memref<10016x80xf32, #tpu.memory_space<vmem>>, vector<10016x80xf32>
    tpu.vector_store %arg5[%swap3A, %swap3A_9], %add3A_8 {strides = array<i32>} : memref<10016x80xf32, #tpu.memory_space<vmem>>, vector<10016x80xf32>,
    %get3A_11 = arith.constant 0 : index
    %get3A_12 = arith.constant 0 : index
    %get3A_13 = vector.load %arg3[%get3A_11, %get3A_12] : memref<128x80xf32, #tpu.memory_space<vmem>>, vector<128x80xf32>
    %dot_general3A_14 = arith.constant dense<0.000000e+00> : vector<10016x80xf32>
    %dot_general3A_15 = tpu.matmul %get3A_1, %get3A_13, %dot_general3A_14 {dimension_numbers = #tpu.dot_dimension_numbers<[1], [0], [0], [1], [0, 0, 1, 1], [], []>, transpose_lhs_hint = false} : vector<10016x128xf32>, vector<128x80xf32>, vector<10016x80xf32> -> vector<10016x80xf32>
    %get3A_16 = arith.constant 0 : index
    %get3A_17 = vector.load %arg4[%get3A_16] : memref<80xf32, #tpu.memory_space<vmem>>, vector<80xf32>
    %broadcast_in_dim3A_18 = vector.shape_cast %get3A_17 : vector<80xf32> to vector<1x80xf32>
    %add3A_19 = vector.broadcast %broadcast_in_dim3A_18 : vector<1x80xf32> to vector<10016x80xf32>
    %add3A_20 = arith.addf %dot_general3A_15, %add3A_19 : vector<10016x80xf32>
    %swap3A_21 = arith.constant 0 : index
    %swap3A_22 = arith.constant 0 : index
    %swap3A_23 = vector.load %arg6[%swap3A_21, %swap3A_22] : memref<10016x80xf32, #tpu.memory_space<vmem>>, vector<10016x80xf32>
    tpu.vector_store %arg6[%swap3A_21, %swap3A_22], %add3A_20 {strides = array<i32>} : memref<10016x80xf32, #tpu.memory_space<vmem>>, vector<10016x80xf32>,
    return
  }
}

module attributes {stable_mosaic.version = 14 : i64} {
  func.func @body(%arg0: memref<2x10016x80xf32, #tpu.memory_space<vmem>>, %arg1: memref<10016x80xf32, #tpu.memory_space<vmem>>, %arg2: memref<80x1xf32, #tpu.memory_space<vmem>>, %arg3: memref<80x32xf32, #tpu.memory_space<vmem>>, %arg4: memref<80x32xf32, #tpu.memory_space<vmem>>, %arg5: memref<32xf32, #tpu.memory_space<vmem>>, %arg6: memref<10016x32xf32, #tpu.memory_space<vmem>>, %arg7: memref<10016x32xf32, #tpu.memory_space<vmem>>, %arg8: memref<10016x1xf32, #tpu.memory_space<vmem>>) attributes {dimension_semantics = [], scalar_prefetch = 0 : i64, scratch_operands = 0 : i64, tpu.core_type = #tpu.core_type<tc>} {
    %get3A = arith.constant 0 : index
    %get3A_0 = arith.constant 0 : index
    %get3A_1 = arith.constant 0 : index
    %get3A_2 = vector.load %arg0[%get3A, %get3A_0, %get3A_1] : memref<2x10016x80xf32, #tpu.memory_space<vmem>>, vector<2x10016x80xf32>
    %slice3A = vector.extract_strided_slice %get3A_2 {offsets = [0, 0, 0], sizes = [1, 10016, 80], strides = [1, 1, 1]} : vector<2x10016x80xf32> to vector<1x10016x80xf32>
    %squeeze3A = vector.shape_cast %slice3A : vector<1x10016x80xf32> to vector<10016x80xf32>
    %slice3A_3 = vector.extract_strided_slice %get3A_2 {offsets = [1, 0, 0], sizes = [1, 10016, 80], strides = [1, 1, 1]} : vector<2x10016x80xf32> to vector<1x10016x80xf32>
    %squeeze3A_4 = vector.shape_cast %slice3A_3 : vector<1x10016x80xf32> to vector<10016x80xf32>
    %add3A = arith.addf %squeeze3A, %squeeze3A_4 : vector<10016x80xf32>
    %get3A_5 = arith.constant 0 : index
    %get3A_6 = arith.constant 0 : index
    %get3A_7 = vector.load %arg2[%get3A_5, %get3A_6] : memref<80x1xf32, #tpu.memory_space<vmem>>, vector<80x1xf32>
    %dot_general3A = arith.constant dense<0.000000e+00> : vector<10016x1xf32>
    %dot_general3A_8 = tpu.matmul %add3A, %get3A_7, %dot_general3A {dimension_numbers = #tpu.dot_dimension_numbers<[1], [0], [0], [1], [0, 0, 1, 1], [], []>, transpose_lhs_hint = false} : vector<10016x80xf32>, vector<80x1xf32>, vector<10016x1xf32> -> vector<10016x1xf32>
    %max3A = arith.constant 1.000000e+00 : f32
    %max3A_9 = vector.broadcast %max3A : f32 to vector<10016x1xf32>
    %max3A_10 = arith.maximumf %dot_general3A_8, %max3A_9 : vector<10016x1xf32>
    %div3A = arith.constant 1.000000e+00 : f32
    %div3A_11 = vector.broadcast %div3A : f32 to vector<10016x1xf32>
    %div3A_12 = arith.divf %div3A_11, %max3A_10 : vector<10016x1xf32>
    %mul3A = vector.broadcast %div3A_12 : vector<10016x1xf32> to vector<10016x80xf32>
    %mul3A_13 = arith.mulf %add3A, %mul3A : vector<10016x80xf32>
    %get3A_14 = arith.constant 0 : index
    %get3A_15 = arith.constant 0 : index
    %get3A_16 = vector.load %arg1[%get3A_14, %get3A_15] : memref<10016x80xf32, #tpu.memory_space<vmem>>, vector<10016x80xf32>
    %add3A_17 = arith.addf %mul3A_13, %get3A_16 : vector<10016x80xf32>
    %max3A_18 = arith.constant 0.000000e+00 : f32
    %max3A_19 = vector.broadcast %max3A_18 : f32 to vector<10016x80xf32>
    %max3A_20 = arith.maximumf %add3A_17, %max3A_19 : vector<10016x80xf32>
    %get3A_21 = arith.constant 0 : index
    %get3A_22 = arith.constant 0 : index
    %get3A_23 = vector.load %arg3[%get3A_21, %get3A_22] : memref<80x32xf32, #tpu.memory_space<vmem>>, vector<80x32xf32>
    %dot_general3A_24 = arith.constant dense<0.000000e+00> : vector<10016x32xf32>
    %dot_general3A_25 = tpu.matmul %max3A_20, %get3A_23, %dot_general3A_24 {dimension_numbers = #tpu.dot_dimension_numbers<[1], [0], [0], [1], [0, 0, 1, 1], [], []>, transpose_lhs_hint = false} : vector<10016x80xf32>, vector<80x32xf32>, vector<10016x32xf32> -> vector<10016x32xf32>
    %swap3A = arith.constant 0 : index
    %swap3A_26 = arith.constant 0 : index
    %swap3A_27 = vector.load %arg6[%swap3A, %swap3A_26] : memref<10016x32xf32, #tpu.memory_space<vmem>>, vector<10016x32xf32>
    tpu.vector_store %arg6[%swap3A, %swap3A_26], %dot_general3A_25 {strides = array<i32>} : memref<10016x32xf32, #tpu.memory_space<vmem>>, vector<10016x32xf32>,
    %get3A_28 = arith.constant 0 : index
    %get3A_29 = arith.constant 0 : index
    %get3A_30 = vector.load %arg4[%get3A_28, %get3A_29] : memref<80x32xf32, #tpu.memory_space<vmem>>, vector<80x32xf32>
    %dot_general3A_31 = arith.constant dense<0.000000e+00> : vector<10016x32xf32>
    %dot_general3A_32 = tpu.matmul %max3A_20, %get3A_30, %dot_general3A_31 {dimension_numbers = #tpu.dot_dimension_numbers<[1], [0], [0], [1], [0, 0, 1, 1], [], []>, transpose_lhs_hint = false} : vector<10016x80xf32>, vector<80x32xf32>, vector<10016x32xf32> -> vector<10016x32xf32>
    %get3A_33 = arith.constant 0 : index
    %get3A_34 = vector.load %arg5[%get3A_33] : memref<32xf32, #tpu.memory_space<vmem>>, vector<32xf32>
    %broadcast_in_dim3A = vector.shape_cast %get3A_34 : vector<32xf32> to vector<1x32xf32>
    %add3A_35 = vector.broadcast %broadcast_in_dim3A : vector<1x32xf32> to vector<10016x32xf32>
    %add3A_36 = arith.addf %dot_general3A_32, %add3A_35 : vector<10016x32xf32>
    %swap3A_37 = arith.constant 0 : index
    %swap3A_38 = arith.constant 0 : index
    %swap3A_39 = vector.load %arg7[%swap3A_37, %swap3A_38] : memref<10016x32xf32, #tpu.memory_space<vmem>>, vector<10016x32xf32>
    tpu.vector_store %arg7[%swap3A_37, %swap3A_38], %add3A_36 {strides = array<i32>} : memref<10016x32xf32, #tpu.memory_space<vmem>>, vector<10016x32xf32>,
    %swap3A_40 = arith.constant 0 : index
    %swap3A_41 = arith.constant 0 : index
    %swap3A_42 = vector.load %arg8[%swap3A_40, %swap3A_41] : memref<10016x1xf32, #tpu.memory_space<vmem>>, vector<10016x1xf32>
    tpu.vector_store %arg8[%swap3A_40, %swap3A_41], %div3A_12 {strides = array<i32>} : memref<10016x1xf32, #tpu.memory_space<vmem>>, vector<10016x1xf32>,
    return
  }
}

module attributes {stable_mosaic.version = 14 : i64} {
  func.func @body(%arg0: memref<2x10016x32xf32, #tpu.memory_space<vmem>>, %arg1: memref<10016x32xf32, #tpu.memory_space<vmem>>, %arg2: memref<10016x1xf32, #tpu.memory_space<vmem>>, %arg3: memref<32x16xf32, #tpu.memory_space<vmem>>, %arg4: memref<32x16xf32, #tpu.memory_space<vmem>>, %arg5: memref<16xf32, #tpu.memory_space<vmem>>, %arg6: memref<10016x16xf32, #tpu.memory_space<vmem>>, %arg7: memref<10016x16xf32, #tpu.memory_space<vmem>>) attributes {dimension_semantics = [], scalar_prefetch = 0 : i64, scratch_operands = 0 : i64, tpu.core_type = #tpu.core_type<tc>} {
    %get3A = arith.constant 0 : index
    %get3A_0 = arith.constant 0 : index
    %get3A_1 = arith.constant 0 : index
    %get3A_2 = vector.load %arg0[%get3A, %get3A_0, %get3A_1] : memref<2x10016x32xf32, #tpu.memory_space<vmem>>, vector<2x10016x32xf32>
    %slice3A = vector.extract_strided_slice %get3A_2 {offsets = [0, 0, 0], sizes = [1, 10016, 32], strides = [1, 1, 1]} : vector<2x10016x32xf32> to vector<1x10016x32xf32>
    %squeeze3A = vector.shape_cast %slice3A : vector<1x10016x32xf32> to vector<10016x32xf32>
    %slice3A_3 = vector.extract_strided_slice %get3A_2 {offsets = [1, 0, 0], sizes = [1, 10016, 32], strides = [1, 1, 1]} : vector<2x10016x32xf32> to vector<1x10016x32xf32>
    %squeeze3A_4 = vector.shape_cast %slice3A_3 : vector<1x10016x32xf32> to vector<10016x32xf32>
    %add3A = arith.addf %squeeze3A, %squeeze3A_4 : vector<10016x32xf32>
    %get3A_5 = arith.constant 0 : index
    %get3A_6 = arith.constant 0 : index
    %get3A_7 = vector.load %arg2[%get3A_5, %get3A_6] : memref<10016x1xf32, #tpu.memory_space<vmem>>, vector<10016x1xf32>
    %mul3A = vector.broadcast %get3A_7 : vector<10016x1xf32> to vector<10016x32xf32>
    %mul3A_8 = arith.mulf %add3A, %mul3A : vector<10016x32xf32>
    %get3A_9 = arith.constant 0 : index
    %get3A_10 = arith.constant 0 : index
    %get3A_11 = vector.load %arg1[%get3A_9, %get3A_10] : memref<10016x32xf32, #tpu.memory_space<vmem>>, vector<10016x32xf32>
    %add3A_12 = arith.addf %mul3A_8, %get3A_11 : vector<10016x32xf32>
    %max3A = arith.constant 0.000000e+00 : f32
    %max3A_13 = vector.broadcast %max3A : f32 to vector<10016x32xf32>
    %max3A_14 = arith.maximumf %add3A_12, %max3A_13 : vector<10016x32xf32>
    %get3A_15 = arith.constant 0 : index
    %get3A_16 = arith.constant 0 : index
    %get3A_17 = vector.load %arg3[%get3A_15, %get3A_16] : memref<32x16xf32, #tpu.memory_space<vmem>>, vector<32x16xf32>
    %dot_general3A = arith.constant dense<0.000000e+00> : vector<10016x16xf32>
    %dot_general3A_18 = tpu.matmul %max3A_14, %get3A_17, %dot_general3A {dimension_numbers = #tpu.dot_dimension_numbers<[1], [0], [0], [1], [0, 0, 1, 1], [], []>, transpose_lhs_hint = false} : vector<10016x32xf32>, vector<32x16xf32>, vector<10016x16xf32> -> vector<10016x16xf32>
    %swap3A = arith.constant 0 : index
    %swap3A_19 = arith.constant 0 : index
    %swap3A_20 = vector.load %arg6[%swap3A, %swap3A_19] : memref<10016x16xf32, #tpu.memory_space<vmem>>, vector<10016x16xf32>
    tpu.vector_store %arg6[%swap3A, %swap3A_19], %dot_general3A_18 {strides = array<i32>} : memref<10016x16xf32, #tpu.memory_space<vmem>>, vector<10016x16xf32>,
    %get3A_21 = arith.constant 0 : index
    %get3A_22 = arith.constant 0 : index
    %get3A_23 = vector.load %arg4[%get3A_21, %get3A_22] : memref<32x16xf32, #tpu.memory_space<vmem>>, vector<32x16xf32>
    %dot_general3A_24 = arith.constant dense<0.000000e+00> : vector<10016x16xf32>
    %dot_general3A_25 = tpu.matmul %max3A_14, %get3A_23, %dot_general3A_24 {dimension_numbers = #tpu.dot_dimension_numbers<[1], [0], [0], [1], [0, 0, 1, 1], [], []>, transpose_lhs_hint = false} : vector<10016x32xf32>, vector<32x16xf32>, vector<10016x16xf32> -> vector<10016x16xf32>
    %get3A_26 = arith.constant 0 : index
    %get3A_27 = vector.load %arg5[%get3A_26] : memref<16xf32, #tpu.memory_space<vmem>>, vector<16xf32>
    %broadcast_in_dim3A = vector.shape_cast %get3A_27 : vector<16xf32> to vector<1x16xf32>
    %add3A_28 = vector.broadcast %broadcast_in_dim3A : vector<1x16xf32> to vector<10016x16xf32>
    %add3A_29 = arith.addf %dot_general3A_25, %add3A_28 : vector<10016x16xf32>
    %swap3A_30 = arith.constant 0 : index
    %swap3A_31 = arith.constant 0 : index
    %swap3A_32 = vector.load %arg7[%swap3A_30, %swap3A_31] : memref<10016x16xf32, #tpu.memory_space<vmem>>, vector<10016x16xf32>
    tpu.vector_store %arg7[%swap3A_30, %swap3A_31], %add3A_29 {strides = array<i32>} : memref<10016x16xf32, #tpu.memory_space<vmem>>, vector<10016x16xf32>,
    return
  }
}

module attributes {stable_mosaic.version = 14 : i64} {
  func.func @body(%arg0: memref<2x10016x16xf32, #tpu.memory_space<vmem>>, %arg1: memref<10016x16xf32, #tpu.memory_space<vmem>>, %arg2: memref<10016x1xf32, #tpu.memory_space<vmem>>, %arg3: memref<16x2xf32, #tpu.memory_space<vmem>>, %arg4: memref<2xf32, #tpu.memory_space<vmem>>, %arg5: memref<10016x2xf32, #tpu.memory_space<vmem>>) attributes {dimension_semantics = [], scalar_prefetch = 0 : i64, scratch_operands = 0 : i64, tpu.core_type = #tpu.core_type<tc>} {
    %get3A = arith.constant 0 : index
    %get3A_0 = arith.constant 0 : index
    %get3A_1 = arith.constant 0 : index
    %get3A_2 = vector.load %arg0[%get3A, %get3A_0, %get3A_1] : memref<2x10016x16xf32, #tpu.memory_space<vmem>>, vector<2x10016x16xf32>
    %slice3A = vector.extract_strided_slice %get3A_2 {offsets = [0, 0, 0], sizes = [1, 10016, 16], strides = [1, 1, 1]} : vector<2x10016x16xf32> to vector<1x10016x16xf32>
    %squeeze3A = vector.shape_cast %slice3A : vector<1x10016x16xf32> to vector<10016x16xf32>
    %slice3A_3 = vector.extract_strided_slice %get3A_2 {offsets = [1, 0, 0], sizes = [1, 10016, 16], strides = [1, 1, 1]} : vector<2x10016x16xf32> to vector<1x10016x16xf32>
    %squeeze3A_4 = vector.shape_cast %slice3A_3 : vector<1x10016x16xf32> to vector<10016x16xf32>
    %add3A = arith.addf %squeeze3A, %squeeze3A_4 : vector<10016x16xf32>
    %get3A_5 = arith.constant 0 : index
    %get3A_6 = arith.constant 0 : index
    %get3A_7 = vector.load %arg2[%get3A_5, %get3A_6] : memref<10016x1xf32, #tpu.memory_space<vmem>>, vector<10016x1xf32>
    %mul3A = vector.broadcast %get3A_7 : vector<10016x1xf32> to vector<10016x16xf32>
    %mul3A_8 = arith.mulf %add3A, %mul3A : vector<10016x16xf32>
    %get3A_9 = arith.constant 0 : index
    %get3A_10 = arith.constant 0 : index
    %get3A_11 = vector.load %arg1[%get3A_9, %get3A_10] : memref<10016x16xf32, #tpu.memory_space<vmem>>, vector<10016x16xf32>
    %add3A_12 = arith.addf %mul3A_8, %get3A_11 : vector<10016x16xf32>
    %max3A = arith.constant 0.000000e+00 : f32
    %max3A_13 = vector.broadcast %max3A : f32 to vector<10016x16xf32>
    %max3A_14 = arith.maximumf %add3A_12, %max3A_13 : vector<10016x16xf32>
    %get3A_15 = arith.constant 0 : index
    %get3A_16 = arith.constant 0 : index
    %get3A_17 = vector.load %arg3[%get3A_15, %get3A_16] : memref<16x2xf32, #tpu.memory_space<vmem>>, vector<16x2xf32>
    %dot_general3A = arith.constant dense<0.000000e+00> : vector<10016x2xf32>
    %dot_general3A_18 = tpu.matmul %max3A_14, %get3A_17, %dot_general3A {dimension_numbers = #tpu.dot_dimension_numbers<[1], [0], [0], [1], [0, 0, 1, 1], [], []>, transpose_lhs_hint = false} : vector<10016x16xf32>, vector<16x2xf32>, vector<10016x2xf32> -> vector<10016x2xf32>
    %get3A_19 = arith.constant 0 : index
    %get3A_20 = vector.load %arg4[%get3A_19] : memref<2xf32, #tpu.memory_space<vmem>>, vector<2xf32>
    %broadcast_in_dim3A = vector.shape_cast %get3A_20 : vector<2xf32> to vector<1x2xf32>
    %add3A_21 = vector.broadcast %broadcast_in_dim3A : vector<1x2xf32> to vector<10016x2xf32>
    %add3A_22 = arith.addf %dot_general3A_18, %add3A_21 : vector<10016x2xf32>
    %swap3A = arith.constant 0 : index
    %swap3A_23 = arith.constant 0 : index
    %swap3A_24 = vector.load %arg5[%swap3A, %swap3A_23] : memref<10016x2xf32, #tpu.memory_space<vmem>>, vector<10016x2xf32>
    tpu.vector_store %arg5[%swap3A, %swap3A_23], %add3A_22 {strides = array<i32>} : memref<10016x2xf32, #tpu.memory_space<vmem>>, vector<10016x2xf32>,
    return
  }
}

</mosaic_0001>

<sc_bundles>
// kernel: kernel.12.cloned.1.call-start
scs
__scs_entry_jumppad:
0x0: {  	(pc) =	sbr.rel $0x88, $3  }
0x1: {  	(tag) =	ssettag $0x0;
	lr =	simm.s32 $0x1  }
0x2: {  	[smem:$0x3F92] =	sst lr;
	_ =	strace $0xD0000000  }
0x3: {  	_ = 	snop  }
0x4: {  	_ = 	snop  }
0x5: {  	_ = 	snop  }
0x6: {  	_ = 	snop  }
0x7: {  	_ = 	snop  }
__scs_overlays_trampoline_lowered:
0x8: {  	[smem:$0x3FA1] =	sst s0  }
0x9: {  	[smem:$0x3FA2] =	sst s1  }
0xa: {  	[smem:$0x3FA3] =	sst s2  }
0xb: {  	[smem:$0x3FA4] =	sst s3  }
0xc: {  	[smem:$0x3FA5] =	sst s4  }
0xd: {  	[smem:$0x3FA6] =	sst s5  }
0xe: {  	[smem:$0x3FA7] =	sst s6  }
0xf: {  	[smem:$0x3FA8] =	sst s7  }
0x10: {  	[smem:$0x3FA9] =	sst s8  }
0x11: {  	[smem:$0x3FAA] =	sst s9;
	s0 =	simm.s32 @!p0 $0x0  }
0x12: {  	s1 =	sld [smem:$0x3F90];
	s0 =	simm.s32 @p0 $0x1  }
0x13: {  	[smem:$0x3FAB] =	sst s0;
	s0 =	simm.s32 @!p1 $0x0  }
0x14: {  	s2 =	sld [smem:$0x3F8F];
	s0 =	simm.s32 @p1 $0x1  }
0x15: {  	[smem:$0x3FAC] =	sst s0;
	s0 =	simm.s32 @!p2 $0x0  }
0x16: {  	s3 =	sld [smem:$0x3FDB];
	s0 =	simm.s32 @p2 $0x1  }
0x17: {  	s4 =	simm.s32 $0x1BF5;
	[smem:$0x3FAE] =	sst s0  }
0x18: {  	s0 =	sld [smem:$0x3F91];
	_ =	swait.ge [sflag:s4], $0x0  }
0x19: {  	s7 =	sld [smem:$0x3F92]  }
0x1a: {  	s8 =	sadd.s32 $0xFFFFE003, lr  }
0x1b: {  	s9 =	sadd.s32 $0xFFFFFEF7, lr;
	s5 =	simm.s32 $0xFFFFFFFF;
	p2 =	slt.u32 s8, $0xFFFFF086  }
0x1c: {  	p1 =	slt.u32 s9, $0xF7A;
	s5 =	simm.s32 @!p2 $0x0  }
0x1d: {  	s5 =	simm.s32 @p1 $0x1;
	p0 =	seq.s32 s7, s2  }
0x1e: {  	s7 =	smul.u32 @!p0 $0xF7A, s2;
	p2 =	seq.s32 @!p0 s5, $0x0  }
0x1f: {  	s9 =	smul.u32 $0xF7A, s1;
	s8 =	simm.s32 @!p0 $0x1BF5;
	p2 =	por !p2, p0  }
0x20: {  	[sflag:s8] =	ssyncset.s32 @!p0 $0xFFFFF086;
	s6 =	sadd.s32 @!p0 s3, s7;
	s7 =	simm.s32 @!p0 $0x108  }
0x21: {  	s3 =	sadd.s32 s3, s9;
	s6 =	sadd.s32 @!p0 $0x88, s6;
	s7 =	simm.s32 @p2 $0x1082  }
0x22: {  	[simem:s7], [sflag:s8] =	dma.local @!p0 [hbm:s6], $0xF7A  }
0x23: {  	s9 =	sor.u32 $0xD0000000, s2;
	s6 =	simm.s32 $0x108;
	_ =	swait.ge @!p0 [sflag:s8], $0x0  }
0x24: {  	s3 =	sadd.s32 $0x88, s3;
	s6 =	simm.s32 @!p1 $0x1082;
	[sflag:s4] =	ssyncset.s32 $0xFFFFF086  }
0x25: {  	[simem:s6], [sflag:s4] =	dma.local [hbm:s3], $0xF7A  }
0x26: {  	[smem:$0x3F92] =	sst s1;
	(tag) =	ssettag s2;
	_ =	strace s9  }
0x27: {  	s1 =	sld [smem:$0x3FA2]  }
0x28: {  	s2 =	sld [smem:$0x3FA3]  }
0x29: {  	s4 =	sld [smem:$0x3FA5]  }
0x2a: {  	p0 =	seq.s32 s5, $0x0;
	s5 =	sld [smem:$0x3FA6]  }
0x2b: {  	s6 =	sld [smem:$0x3FA7]  }
0x2c: {  	s7 =	sld [smem:$0x3FA8]  }
0x2d: {  	s3 =	simm.s32 $0x108;
	s8 =	sld [smem:$0x3FA9]  }
0x2e: {  	s3 =	simm.s32 @!p0 $0x1082;
	s9 =	sld [smem:$0x3FAA]  }
0x2f: {  	lr =	sadd.s32 s0, s3;
	s0 =	sld [smem:$0x3FA1]  }
0x30: {  	s3 =	sld [smem:$0x3FA4]  }
0x31: {  	[smem:$0x3FAD] =	sst s10  }
0x32: {  	s10 =	sld [smem:$0x3FAB];
	_ =	sdelay $0x3  }
0x33: {  	p0 =	seq.s32 s10, $0x1;
	s10 =	sld [smem:$0x3FAD];
	_ =	sdelay $0x3  }
0x34: {  	[smem:$0x3FAD] =	sst s10  }
0x35: {  	s10 =	sld [smem:$0x3FAC];
	_ =	sdelay $0x3  }
0x36: {  	p1 =	seq.s32 s10, $0x1;
	s10 =	sld [smem:$0x3FAD];
	_ =	sdelay $0x3  }
0x37: {  	[smem:$0x3FAD] =	sst s10  }
0x38: {  	s10 =	sld [smem:$0x3FAE]  }
0x39: {  	_ = 	snop;
	(pc) =	sbr.ind lr, $3  }
0x3a: {  	_ = 	snop  }
0x3b: {  	_ = 	snop  }
0x3c: {  	p2 =	seq.s32 s10, $0x1;
	s10 =	sld [smem:$0x3FAD]  }
0x3d: {  	_ =	shalt  }
0x3e: {  	_ =	shalt  }
0x3f: {  	_ =	shalt  }
0x40: {  	_ =	shalt  }
0x41: {  	_ =	shalt  }
0x42: {  	_ =	shalt  }
0x43: {  	_ =	shalt  }
0x44: {  	_ =	shalt  }
0x45: {  	_ =	shalt  }
0x46: {  	_ =	shalt  }
0x47: {  	_ =	shalt  }
0x48: {  	_ =	shalt  }
0x49: {  	_ =	shalt  }
0x4a: {  	_ =	shalt  }
0x4b: {  	_ =	shalt  }
0x4c: {  	_ =	shalt  }
0x4d: {  	_ =	shalt  }
0x4e: {  	_ =	shalt  }
0x4f: {  	_ =	shalt  }
0x50: {  	_ =	shalt  }
0x51: {  	_ =	shalt  }
0x52: {  	_ =	shalt  }
0x53: {  	_ =	shalt  }
0x54: {  	_ =	shalt  }
0x55: {  	_ =	shalt  }
0x56: {  	_ =	shalt  }
0x57: {  	_ =	shalt  }
0x58: {  	_ =	shalt  }
0x59: {  	_ =	shalt  }
0x5a: {  	_ =	shalt  }
0x5b: {  	_ =	shalt  }
0x5c: {  	_ =	shalt  }
0x5d: {  	_ =	shalt  }
0x5e: {  	_ =	shalt  }
0x5f: {  	_ =	shalt  }
0x60: {  	_ =	shalt  }
0x61: {  	_ =	shalt  }
0x62: {  	_ =	shalt  }
0x63: {  	_ =	shalt  }
0x64: {  	_ =	shalt  }
0x65: {  	_ =	shalt  }
0x66: {  	_ =	shalt  }
0x67: {  	_ =	shalt  }
0x68: {  	_ =	shalt  }
0x69: {  	_ =	shalt  }
0x6a: {  	_ =	shalt  }
0x6b: {  	_ =	shalt  }
0x6c: {  	_ =	shalt  }
0x6d: {  	_ =	shalt  }
0x6e: {  	_ =	shalt  }
0x6f: {  	_ =	shalt  }
0x70: {  	_ =	shalt  }
0x71: {  	_ =	shalt  }
0x72: {  	_ =	shalt  }
0x73: {  	_ =	shalt  }
0x74: {  	_ =	shalt  }
0x75: {  	_ =	shalt  }
0x76: {  	_ =	shalt  }
0x77: {  	_ =	shalt  }
0x78: {  	_ =	shalt  }
0x79: {  	_ =	shalt  }
0x7a: {  	_ =	shalt  }
0x7b: {  	_ =	shalt  }
0x7c: {  	_ =	shalt  }
0x7d: {  	_ =	shalt  }
0x7e: {  	_ =	shalt  }
0x7f: {  	_ =	shalt  }
0x80: {  	_ =	shalt  }
0x81: {  	_ =	shalt  }
0x82: {  	_ =	shalt  }
0x83: {  	_ =	shalt  }
0x84: {  	_ =	shalt  }
0x85: {  	_ =	shalt  }
0x86: {  	_ =	shalt  }
0x87: {  	_ =	shalt  }
.Lfunc_end0:
.L_simem_size_0:
called_computation.1_lowered:
.L_overlay_start_0:
0x88: {  	s2 =	sld [smem:$0x3FD9]  }
0x89: {  	s3 =	sld [smem:$0x3FFE];
	_ =	sdelay $0x1  }
0x8a: {  	s1 =	srdreg.scid  }
0x8b: {  	s0 =	sand.u32 $0x1, s1  }
0x8c: {  	s16 =	sshll.u32 s0, $0xA;
	s2 =	sadd.s32 s3, s2  }
0x8d: {  	s2 =	sadd.s32 s2, s16  }
0x8e: {  	[smem:$0x3FB9] =	sst s2  }
0x8f: {  	_ = 	snop  }
0x90: {  	(tm) =	ssettm $0x1  }
0x91: {  	s17 =	sld [smem:$0x3FFB];
	_ =	sdelay $0x3  }
0x92: {  	_ =	strace s17  }
0x93: {  	s2 =	sld [smem:$0x3FFC];
	_ =	sdelay $0x3  }
0x94: {  	_ =	strace s2  }
0x95: {  	s2 =	sld [smem:$0x3FFD];
	_ =	sdelay $0x3  }
0x96: {  	_ =	strace s2  }
0x97: {  	_ =	strace $0x8FFFFFFF  }
0x98: {  	s18 =	sld [smem:$0x3FDB];
	_ =	sdelay $0x1  }
0x99: {  	s19 =	simm.s32 $_scs_section_size  }
0x9a: {  	s4 =	simm.s32 $_size__tile_overlayer_lowered;
	s5 =	simm.s32 $_tile_overlayer_lowered  }
0x9b: {  	s22 =	simm.s32 $0x1BFF;
	s21 =	sshll.u32 s5, $0x1;
	s2 =	sadd.s32 s19, s18  }
0x9c: {  	s6 =	simm.s32 $0x0;
	s20 =	sshll.u32 s4, $0x1;
	s4 =	sadd.s32 s21, s2  }
0x9d: {  	[timem:s6], [sflag:s22] =	dma.local [hbm:s4], s20  }
0x9e: {  	_ =	swait.ge [sflag:s22], s20  }
0x9f: {  	s3 =	ssub.s32 $0x0, s20;
	[sflag:s22] =	ssyncset.done $0x0  }
0xa0: {  	[sflag:s22] =	ssyncadd.s32 s3;
	_ =	sdelay $0x1  }
0xa1: {  	s23 =	simm.s32 $0x1B8B  }
0xa2: {  	_ =	swait.ge [sflag:s23], $0x1  }
0xa3: {  	[sflag:s23] =	ssyncset.done $0x0  }
0xa4: {  	s25 =	simm.s32 $0x1B8E;
	s24 =	sld [smem:$0x3FFE];
	[sflag:s23] =	ssyncadd.s32 $0xFFFFFFFF  }
0xa5: {  	s26 =	simm.s32 $execute0_lowered;
	[smem:$0x3FD2] =	sst s25  }
0xa6: {  	s4 =	sshll.u32 s26, $0x1;
	_ =	strace $0x80000049;
	[dreg:$0x1] =	wrdreg $0xFFFFFFFF  }
0xa7: {  	s28 =	simm.s32 $_size_execute0_lowered;
	s2 =	sadd.s32 s2, s4;
	[dreg:$0x0] =	wrdreg $0x0  }
0xa8: {  	s4 =	sshll.u32 s28, $0x1;
	[dreg:$0x2] =	wrdreg s2  }
0xa9: {  	[dreg:$0x3] =	wrdreg s4  }
0xaa: {  	[dreg:$0x4] =	wrdreg $0xC0  }
0xab: {  	_ =	task [dreg:s6], $0x5FFFF  }
0xac: {  	[dreg:$0x1] =	wrdreg $0xFFFFFFFF  }
0xad: {  	[dreg:$0x0] =	wrdreg $0x60  }
0xae: {  	[dreg:$0x2] =	wrdreg s24  }
0xaf: {  	[dreg:$0x3] =	wrdreg $0xD0000  }
0xb0: {  	[dreg:$0x4] =	wrdreg $0x9  }
0xb1: {  	_ =	task.clear_ibuf [dreg:s6], $0x5FFFF;
	_ =	strace $0x90000049  }
0xb2: {  	s29 =	simm.s32 $0x9;
	_ =	strace $0x8000004B  }
0xb3: {  	_ =	swait.ge [sflag:s29], $0x1  }
0xb4: {  	[sflag:s29] =	ssyncadd.s32 $0xFFFFFFFF  }
0xb5: {  	_ =	strace $0x9000004B  }
0xb6: {  	_ =	sfence  }
0xb7: {  	s30 =	sld [smem:$0x0];
	_ =	sdelay $0x2  }
0xb8: {  	s31 =	sshll.u32 s1, $0xD;
	s1 =	sshrl.u32 s1, $0x2  }
0xb9: {  	s3 =	sand.u32 $0x4000, s31;
	s1 =	sadd.s32 s1, s30  }
0xba: {  	s0 =	sor.u32 s3, s0;
	s1 =	sshll.u32 s1, $0x11  }
0xbb: {  	s0 =	sor.u32 s1, s0  }
0xbc: {  	s0 =	sadd.s32 $0x8F2B, s0  }
0xbd: {  	[sflag:s0] =	ssyncadd.remote.s32 $0x1  }
0xbe: {  	_ =	sfence.sel $0xFFFF  }
0xbf: {  	[dreg:$0x0] =	wrdreg $0xFFFFFFFF;
	(pc) =	sbr.abs _section_cstart, $3  }
0xc0: {  	[dreg:$0x1] =	wrdreg $0xFFFFFFFF  }
0xc1: {  	_ =	task.clear_ibuf [dreg:s6], $0x2FFFF;
	_ =	strace $0x9FFFFFFF  }
0xc2: {  	(tm) =	ssettm $0x7FFFFFFF  }
0xc3: {  	_ =	shalt  }
tec
execute0_lowered:
.L_overlay_start_1:
0x0: {  	(tag) =	ssettag $0x1  }
0x1: {  	s6 =	rddreg [dreg:$0x0]  }
0x2: {  	s1 =	rddreg [dreg:$0x1]  }
0x3: {  	s0 =	rddreg [dreg:$0x2];
	s3 =	simm.s32 $0x0  }
0x4: {  	s2 =	stileid.u32;
	s5 =	srdreg.scid;
	s18 =	simm.s32 $0x7000  }
0x5: {  	s19 =	simm.s32 $0x8000;
	s20 =	simm.s32 $0x9000;
	s21 =	simm.s32 $0xA000  }
0x6: {  	s22 =	simm.s32 $0xB000;
	s23 =	simm.s32 $0xC000;
	s24 =	simm.s32 $0x1  }
0x7: {  	s25 =	simm.s32 $0x2;
	s26 =	simm.s32 $0x0;
	[smem:$0x7FF] =	sst s3  }
0x8: {  	s4 =	sadd.s32 $0x16600, s6;
	s7 =	smul.u32 $0x4E40, s2;
	s9 =	sadd.s32 $0x7600, s6  }
0x9: {  	s8 =	sand.u32 $0x1, s5;
	s10 =	smul.u32 $0xFFFFFFB0, s2;
	s11 =	sadd.s32 $0x2600, s6  }
0xa: {  	s12 =	sadd.s32 $0x11600, s6;
	s14 =	sadd.s32 $0xC600, s6;
	s17 =	smul.u32 $0x500, s2  }
0xb: {  	s5 =	sadd.s32 $0x20400, s6;
	s31 =	sshll.u32 s2, $0x6;
	s13 =	smul.u32 $0x4E400, s8  }
0xc: {  	_ =	strace $0x8000004A;
	s15 =	ssub.s32 $0x2, s8;
	p0 =	slt.s32 s10, $0xFFFFFB8C  }
0xd: {  	s16 =	sshrl.u32 s15, $0x1;
	s30 =	sadd.s32 s7, s1;
	s13 =	sadd.s32 s7, s13  }
0xe: {  	s10 =	simm.s32 @!p0 $0xFFFFFB8C;
	s15 =	ssub.s32 s15, s16;
	p0 =	seq.s32 s8, $0x0  }
0xf: {  	s7 =	sor.u32 $0x1C03, s31;
	s16 =	simm.s32 $0x5000;
	s13 =	sshrl.u32 s13, $0x3  }
0x10: {  	s10 =	sadd.s32 $0x4C4, s10;
	s12 =	smov.u32 @p0 s9;
	s14 =	smov.u32 @p0 s11  }
0x11: {  	s9 =	smax.u32 s15, $0x1;
	s15 =	simm.s32 $0x80;
	s13 =	sadd.s32 s13, s6  }
0x12: {  	s28 =	sshrl.u32 s10, $0x2;
	s29 =	sshrl.u32 s10, $0x3;
	s10 =	sadd.s32 s12, s17  }
0x13: {  	s11 =	sadd.s32 s14, s17;
	s12 =	sshrl.u32 s30, $0x3;
	s6 =	sand.u32 $0x1, s28  }
0x14: {  	s14 =	simm.s32 $0x2800;
	s17 =	simm.s32 $0x6000;
	s6 =	sor.u32 s29, s6  }
0x15: {  	s8 =	sadd.s32 $0x20E00, s13;
	s13 =	simm.s32 $0x3;
	s6 =	simm.s32 @p0 $0xA  }
.LBB2_1:
0x16: {  	[spmem:s12], [sflag:s7] =	dma.local [hbm:s5], $0x9C8  }
0x17: {  	_ =	swait.ge [sflag:s13], $0x9C8  }
0x18: {  	[sflag:s13] =	ssyncset.done $0x0  }
0x19: {  	[sflag:s13] =	ssyncadd.s32 $0xFFFFF638  }
0x1a: {  	[bflag:$0x0] =	sbarrier.arrive $0xFFFF  }
0x1b: {  	[tilespmem:s3], [sflag:$0x3] =	stream.linear.gather [hbm4b:s10+s3], $0x2800, $0x38;
	[tilespmem:$0x11E40] =	vst v63  }
0x1c: {  	_ =	swait.ge [sflag:s13], $0x2800  }
0x1d: {  	p1 =	sne.s32 s6, $0x1;
	[sflag:s13] =	ssyncset.done $0x0  }
.Ltmp0:
0x1e: {  	[sflag:s13] =	ssyncadd.s32 $0xFFFFD800;
	(pc) =	sbr.rel @!p1 .LBB2_4-.Ltmp0, $4  }
0x1f: {  	[tilespmem:s14], [sflag:$0x3] =	stream.linear.gather [hbm4b:s11+s3], $0x2800, $0x38;
	[tilespmem:$0x11E40] =	vst v63  }
0x20: {  	_ =	swait.ge [sflag:s13], $0x2800  }
0x21: {  	s29 =	sadd.s32 $0xFFFFFFFF, s6;
	[sflag:s13] =	ssyncset.done $0x0  }
0x22: {  	p0 =	por $0x0, $0x0;
	s28 =	simm.s32 $0x0;
	[sflag:s13] =	ssyncadd.s32 $0xFFFFD800  }
0x23: {  	s28 =	simm.s32 $0x0  }
0x24: {  	[tilespmem:s16], [sflag:$0x1] =	stream.indirect.gather [hbm4b:s4+s15], $0x20, s28, s15, $0xb8;
	[tilespmem:$0x11E40] =	vst v63  }
0x25: {  	s28 =	simm.s32 $0x80  }
0x26: {  	[tilespmem:s17], [sflag:$0x1] =	stream.indirect.gather [hbm4b:s4+s15], $0x20, s28, s15, $0xb8;
	[tilespmem:$0x11E40] =	vst v63  }
0x27: {  	s28 =	simm.s32 $0x100  }
0x28: {  	[tilespmem:s18], [sflag:$0x1] =	stream.indirect.gather [hbm4b:s4+s15], $0x20, s28, s15, $0xb8;
	[tilespmem:$0x11E40] =	vst v63  }
0x29: {  	s28 =	simm.s32 $0x180  }
0x2a: {  	[tilespmem:s19], [sflag:$0x1] =	stream.indirect.gather [hbm4b:s4+s15], $0x20, s28, s15, $0xb8;
	[tilespmem:$0x11E40] =	vst v63  }
0x2b: {  	s28 =	simm.s32 $0x200  }
0x2c: {  	[tilespmem:s20], [sflag:$0x1] =	stream.indirect.gather [hbm4b:s4+s15], $0x20, s28, s15, $0xb8;
	[tilespmem:$0x11E40] =	vst v63  }
0x2d: {  	s28 =	simm.s32 $0x280  }
0x2e: {  	[tilespmem:s21], [sflag:$0x1] =	stream.indirect.gather [hbm4b:s4+s15], $0x20, s28, s15, $0xb8;
	[tilespmem:$0x11E40] =	vst v63  }
0x2f: {  	s28 =	simm.s32 $0x300  }
0x30: {  	[tilespmem:s22], [sflag:$0x1] =	stream.indirect.gather [hbm4b:s4+s15], $0x20, s28, s15, $0xb8;
	[tilespmem:$0x11E40] =	vst v63  }
0x31: {  	s28 =	simm.s32 $0x380  }
0x32: {  	[tilespmem:s23], [sflag:$0x1] =	stream.indirect.gather [hbm4b:s4+s15], $0x20, s28, s15, $0xb8;
	[tilespmem:$0x11E40] =	vst v63  }
0x33: {  	_ =	swait.ge [sflag:s24], $0x1000  }
0x34: {  	[sflag:s24] =	ssyncset.done $0x0  }
0x35: {  	s28 =	simm.s32 $0x2800;
	[sflag:s24] =	ssyncadd.s32 $0xFFFFF000  }
0x36: {  	[spmem:s1] =	stream.indirect.scatter.add.f32 [tilespmem:s16], [sflag:$0x2], $0x20, s28, s15, $0xb8;
	[tilespmem:$0x11E40] =	vst v63  }
0x37: {  	_ =	swait.ge [sflag:s24], $0x1000  }
0x38: {  	[sflag:s24] =	ssyncset.done $0x0  }
0x39: {  	s28 =	simm.s32 $0x2880;
	[sflag:s24] =	ssyncadd.s32 $0xFFFFF000  }
0x3a: {  	[spmem:s1] =	stream.indirect.scatter.add.f32 [tilespmem:s17], [sflag:$0x2], $0x20, s28, s15, $0xb8;
	[tilespmem:$0x11E40] =	vst v63  }
0x3b: {  	_ =	swait.ge [sflag:s24], $0x1000  }
0x3c: {  	[sflag:s24] =	ssyncset.done $0x0  }
0x3d: {  	s28 =	simm.s32 $0x2900;
	[sflag:s24] =	ssyncadd.s32 $0xFFFFF000  }
0x3e: {  	[spmem:s1] =	stream.indirect.scatter.add.f32 [tilespmem:s18], [sflag:$0x2], $0x20, s28, s15, $0xb8;
	[tilespmem:$0x11E40] =	vst v63  }
0x3f: {  	_ =	swait.ge [sflag:s24], $0x1000  }
0x40: {  	[sflag:s24] =	ssyncset.done $0x0  }
0x41: {  	s28 =	simm.s32 $0x2980;
	[sflag:s24] =	ssyncadd.s32 $0xFFFFF000  }
0x42: {  	[spmem:s1] =	stream.indirect.scatter.add.f32 [tilespmem:s19], [sflag:$0x2], $0x20, s28, s15, $0xb8;
	[tilespmem:$0x11E40] =	vst v63  }
0x43: {  	_ =	swait.ge [sflag:s24], $0x1000  }
0x44: {  	[sflag:s24] =	ssyncset.done $0x0  }
0x45: {  	s28 =	simm.s32 $0x2A00;
	[sflag:s24] =	ssyncadd.s32 $0xFFFFF000  }
0x46: {  	[spmem:s1] =	stream.indirect.scatter.add.f32 [tilespmem:s20], [sflag:$0x2], $0x20, s28, s15, $0xb8;
	[tilespmem:$0x11E40] =	vst v63  }
0x47: {  	_ =	swait.ge [sflag:s24], $0x1000  }
0x48: {  	[sflag:s24] =	ssyncset.done $0x0  }
0x49: {  	s28 =	simm.s32 $0x2A80;
	[sflag:s24] =	ssyncadd.s32 $0xFFFFF000  }
0x4a: {  	[spmem:s1] =	stream.indirect.scatter.add.f32 [tilespmem:s21], [sflag:$0x2], $0x20, s28, s15, $0xb8;
	[tilespmem:$0x11E40] =	vst v63  }
0x4b: {  	_ =	swait.ge [sflag:s24], $0x1000  }
0x4c: {  	[sflag:s24] =	ssyncset.done $0x0  }
0x4d: {  	s28 =	simm.s32 $0x2B00;
	[sflag:s24] =	ssyncadd.s32 $0xFFFFF000  }
0x4e: {  	[spmem:s1] =	stream.indirect.scatter.add.f32 [tilespmem:s22], [sflag:$0x2], $0x20, s28, s15, $0xb8;
	[tilespmem:$0x11E40] =	vst v63  }
0x4f: {  	_ =	swait.ge [sflag:s24], $0x1000  }
0x50: {  	[sflag:s24] =	ssyncset.done $0x0  }
0x51: {  	s28 =	simm.s32 $0x2B80;
	[sflag:s24] =	ssyncadd.s32 $0xFFFFF000  }
0x52: {  	[spmem:s1] =	stream.indirect.scatter.add.f32 [tilespmem:s23], [sflag:$0x2], $0x20, s28, s15, $0xb8;
	[tilespmem:$0x11E40] =	vst v63  }
0x53: {  	_ =	swait.ge [sflag:s25], $0x1000  }
0x54: {  	[sflag:s25] =	ssyncset.done $0x0  }
0x55: {  	[sflag:s25] =	ssyncadd.s32 $0xFFFFF000  }
0x56: {  	_ =	swait.ge [sflag:s25], $0x1000  }
0x57: {  	[sflag:s25] =	ssyncset.done $0x0  }
0x58: {  	[sflag:s25] =	ssyncadd.s32 $0xFFFFF000  }
0x59: {  	_ =	swait.ge [sflag:s25], $0x1000  }
0x5a: {  	[sflag:s25] =	ssyncset.done $0x0  }
0x5b: {  	[sflag:s25] =	ssyncadd.s32 $0xFFFFF000  }
0x5c: {  	_ =	swait.ge [sflag:s25], $0x1000  }
0x5d: {  	[sflag:s25] =	ssyncset.done $0x0  }
0x5e: {  	[sflag:s25] =	ssyncadd.s32 $0xFFFFF000  }
0x5f: {  	_ =	swait.ge [sflag:s25], $0x1000  }
0x60: {  	[sflag:s25] =	ssyncset.done $0x0  }
0x61: {  	[sflag:s25] =	ssyncadd.s32 $0xFFFFF000  }
0x62: {  	_ =	swait.ge [sflag:s25], $0x1000  }
0x63: {  	[sflag:s25] =	ssyncset.done $0x0  }
0x64: {  	p1 =	sne.s32 s29, $0x1;
	[sflag:s25] =	ssyncadd.s32 $0xFFFFF000  }
.Ltmp1:
0x65: {  	_ =	swait.ge [sflag:s25], $0x1000;
	(pc) =	sbr.rel @!p1 .LBB2_4-.Ltmp1, $4  }
0x66: {  	[sflag:s25] =	ssyncset.done $0x0  }
0x67: {  	[sflag:s25] =	ssyncadd.s32 $0xFFFFF000  }
0x68: {  	s29 =	sadd.s32 $0xFFFFFFFF, s29;
	_ =	swait.ge [sflag:s25], $0x1000  }
0x69: {  	p0 =	por $0x1, $0x1;
	s28 =	simm.s32 $0x1000;
	[sflag:s25] =	ssyncset.done $0x0  }
.LBB2_3:
0x6a: {  	p1 =	sne.s32 s29, $0x1;
	s30 =	sshra.s32 s28, $0x2;
	[sflag:s25] =	ssyncadd.s32 $0xFFFFF000  }
0x6b: {  	[tilespmem:s16], [sflag:$0x1] =	stream.indirect.gather [hbm4b:s4+s15], $0x20, s30, s15, $0xb8;
	[tilespmem:$0x11E40] =	vst v63  }
0x6c: {  	s29 =	sadd.s32 $0xFFFFFFFF, s29;
	s31 =	sadd.s32 $0x80, s30  }
0x6d: {  	[tilespmem:s17], [sflag:$0x1] =	stream.indirect.gather [hbm4b:s4+s15], $0x20, s31, s15, $0xb8;
	[tilespmem:$0x11E40] =	vst v63  }
0x6e: {  	s31 =	sadd.s32 $0x100, s30  }
0x6f: {  	[tilespmem:s18], [sflag:$0x1] =	stream.indirect.gather [hbm4b:s4+s15], $0x20, s31, s15, $0xb8;
	[tilespmem:$0x11E40] =	vst v63  }
0x70: {  	s31 =	sadd.s32 $0x180, s30  }
0x71: {  	[tilespmem:s19], [sflag:$0x1] =	stream.indirect.gather [hbm4b:s4+s15], $0x20, s31, s15, $0xb8;
	[tilespmem:$0x11E40] =	vst v63  }
0x72: {  	s31 =	sadd.s32 $0x200, s30  }
0x73: {  	[tilespmem:s20], [sflag:$0x1] =	stream.indirect.gather [hbm4b:s4+s15], $0x20, s31, s15, $0xb8;
	[tilespmem:$0x11E40] =	vst v63  }
0x74: {  	s31 =	sadd.s32 $0x280, s30  }
0x75: {  	[tilespmem:s21], [sflag:$0x1] =	stream.indirect.gather [hbm4b:s4+s15], $0x20, s31, s15, $0xb8;
	[tilespmem:$0x11E40] =	vst v63  }
0x76: {  	s31 =	sadd.s32 $0x300, s30  }
0x77: {  	[tilespmem:s22], [sflag:$0x1] =	stream.indirect.gather [hbm4b:s4+s15], $0x20, s31, s15, $0xb8;
	[tilespmem:$0x11E40] =	vst v63  }
0x78: {  	s31 =	sadd.s32 $0x380, s30  }
0x79: {  	[tilespmem:s23], [sflag:$0x1] =	stream.indirect.gather [hbm4b:s4+s15], $0x20, s31, s15, $0xb8;
	[tilespmem:$0x11E40] =	vst v63  }
0x7a: {  	_ =	swait.ge [sflag:s24], $0x1000  }
0x7b: {  	[sflag:s24] =	ssyncset.done $0x0  }
0x7c: {  	s31 =	sadd.s32 $0x2800, s30;
	[sflag:s24] =	ssyncadd.s32 $0xFFFFF000  }
0x7d: {  	[spmem:s1] =	stream.indirect.scatter.add.f32 [tilespmem:s16], [sflag:$0x2], $0x20, s31, s15, $0xb8;
	[tilespmem:$0x11E40] =	vst v63  }
0x7e: {  	_ =	swait.ge [sflag:s24], $0x1000  }
0x7f: {  	[sflag:s24] =	ssyncset.done $0x0  }
0x80: {  	s31 =	sadd.s32 $0x2880, s30;
	[sflag:s24] =	ssyncadd.s32 $0xFFFFF000  }
0x81: {  	[spmem:s1] =	stream.indirect.scatter.add.f32 [tilespmem:s17], [sflag:$0x2], $0x20, s31, s15, $0xb8;
	[tilespmem:$0x11E40] =	vst v63  }
0x82: {  	_ =	swait.ge [sflag:s24], $0x1000  }
0x83: {  	[sflag:s24] =	ssyncset.done $0x0  }
0x84: {  	s31 =	sadd.s32 $0x2900, s30;
	[sflag:s24] =	ssyncadd.s32 $0xFFFFF000  }
0x85: {  	[spmem:s1] =	stream.indirect.scatter.add.f32 [tilespmem:s18], [sflag:$0x2], $0x20, s31, s15, $0xb8;
	[tilespmem:$0x11E40] =	vst v63  }
0x86: {  	_ =	swait.ge [sflag:s24], $0x1000  }
0x87: {  	[sflag:s24] =	ssyncset.done $0x0  }
0x88: {  	s31 =	sadd.s32 $0x2980, s30;
	[sflag:s24] =	ssyncadd.s32 $0xFFFFF000  }
0x89: {  	[spmem:s1] =	stream.indirect.scatter.add.f32 [tilespmem:s19], [sflag:$0x2], $0x20, s31, s15, $0xb8;
	[tilespmem:$0x11E40] =	vst v63  }
0x8a: {  	_ =	swait.ge [sflag:s24], $0x1000  }
0x8b: {  	[sflag:s24] =	ssyncset.done $0x0  }
0x8c: {  	s31 =	sadd.s32 $0x2A00, s30;
	[sflag:s24] =	ssyncadd.s32 $0xFFFFF000  }
0x8d: {  	[spmem:s1] =	stream.indirect.scatter.add.f32 [tilespmem:s20], [sflag:$0x2], $0x20, s31, s15, $0xb8;
	[tilespmem:$0x11E40] =	vst v63  }
0x8e: {  	_ =	swait.ge [sflag:s24], $0x1000  }
0x8f: {  	[sflag:s24] =	ssyncset.done $0x0  }
0x90: {  	s31 =	sadd.s32 $0x2A80, s30;
	[sflag:s24] =	ssyncadd.s32 $0xFFFFF000  }
0x91: {  	[spmem:s1] =	stream.indirect.scatter.add.f32 [tilespmem:s21], [sflag:$0x2], $0x20, s31, s15, $0xb8;
	[tilespmem:$0x11E40] =	vst v63  }
0x92: {  	_ =	swait.ge [sflag:s24], $0x1000  }
0x93: {  	[sflag:s24] =	ssyncset.done $0x0  }
0x94: {  	s31 =	sadd.s32 $0x2B00, s30;
	[sflag:s24] =	ssyncadd.s32 $0xFFFFF000  }
0x95: {  	[spmem:s1] =	stream.indirect.scatter.add.f32 [tilespmem:s22], [sflag:$0x2], $0x20, s31, s15, $0xb8;
	[tilespmem:$0x11E40] =	vst v63  }
0x96: {  	_ =	swait.ge [sflag:s24], $0x1000  }
0x97: {  	[sflag:s24] =	ssyncset.done $0x0  }
0x98: {  	s30 =	sadd.s32 $0x2B80, s30;
	[sflag:s24] =	ssyncadd.s32 $0xFFFFF000  }
0x99: {  	[spmem:s1] =	stream.indirect.scatter.add.f32 [tilespmem:s23], [sflag:$0x2], $0x20, s30, s15, $0xb8;
	[tilespmem:$0x11E40] =	vst v63  }
0x9a: {  	_ =	swait.ge [sflag:s25], $0x1000  }
0x9b: {  	[sflag:s25] =	ssyncset.done $0x0  }
0x9c: {  	[sflag:s25] =	ssyncadd.s32 $0xFFFFF000  }
0x9d: {  	_ =	swait.ge [sflag:s25], $0x1000  }
0x9e: {  	[sflag:s25] =	ssyncset.done $0x0  }
0x9f: {  	[sflag:s25] =	ssyncadd.s32 $0xFFFFF000  }
0xa0: {  	_ =	swait.ge [sflag:s25], $0x1000  }
0xa1: {  	[sflag:s25] =	ssyncset.done $0x0  }
0xa2: {  	[sflag:s25] =	ssyncadd.s32 $0xFFFFF000  }
0xa3: {  	_ =	swait.ge [sflag:s25], $0x1000  }
0xa4: {  	[sflag:s25] =	ssyncset.done $0x0  }
0xa5: {  	[sflag:s25] =	ssyncadd.s32 $0xFFFFF000  }
0xa6: {  	_ =	swait.ge [sflag:s25], $0x1000  }
0xa7: {  	[sflag:s25] =	ssyncset.done $0x0  }
0xa8: {  	[sflag:s25] =	ssyncadd.s32 $0xFFFFF000  }
0xa9: {  	_ =	swait.ge [sflag:s25], $0x1000  }
0xaa: {  	[sflag:s25] =	ssyncset.done $0x0  }
0xab: {  	[sflag:s25] =	ssyncadd.s32 $0xFFFFF000  }
.Ltmp2:
0xac: {  	_ =	swait.ge [sflag:s25], $0x1000;
	(pc) =	sbr.rel @p1 .LBB2_3-.Ltmp2, $4  }
0xad: {  	[sflag:s25] =	ssyncset.done $0x0  }
0xae: {  	[sflag:s25] =	ssyncadd.s32 $0xFFFFF000  }
0xaf: {  	_ =	swait.ge [sflag:s25], $0x1000  }
0xb0: {  	s28 =	sadd.s32 $0x1000, s28;
	[sflag:s25] =	ssyncset.done $0x0  }
.LBB2_4:
0xb1: {  	s28 =	sshra.s32 s28, $0x2;
	[sflag:s25] =	ssyncadd.s32 @p0 $0xFFFFF000  }
0xb2: {  	[tilespmem:s16], [sflag:$0x1] =	stream.indirect.gather [hbm4b:s4+s15], $0x20, s28, s15, $0xb8;
	[tilespmem:$0x11E40] =	vst v63  }
0xb3: {  	s29 =	sadd.s32 $0x80, s28  }
0xb4: {  	[tilespmem:s17], [sflag:$0x1] =	stream.indirect.gather [hbm4b:s4+s15], $0x20, s29, s15, $0xb8;
	[tilespmem:$0x11E40] =	vst v63  }
0xb5: {  	s31 =	sadd.s32 $0x100, s28  }
0xb6: {  	[tilespmem:s18], [sflag:$0x1] =	stream.indirect.gather [hbm4b:s4+s15], $0x20, s31, s15, $0xb8;
	[tilespmem:$0x11E40] =	vst v63  }
0xb7: {  	s30 =	sadd.s32 $0x180, s28  }
0xb8: {  	[tilespmem:s19], [sflag:$0x1] =	stream.indirect.gather [hbm4b:s4+s15], $0x20, s30, s15, $0xb8;
	[tilespmem:$0x11E40] =	vst v63  }
0xb9: {  	s31 =	sadd.s32 $0x200, s28  }
0xba: {  	[tilespmem:s20], [sflag:$0x1] =	stream.indirect.gather [hbm4b:s4+s15], $0x20, s31, s15, $0xb8;
	[tilespmem:$0x11E40] =	vst v63  }
0xbb: {  	s30 =	sadd.s32 $0x280, s28  }
0xbc: {  	[tilespmem:s21], [sflag:$0x1] =	stream.indirect.gather [hbm4b:s4+s15], $0x20, s30, s15, $0xb8;
	[tilespmem:$0x11E40] =	vst v63  }
0xbd: {  	s31 =	sadd.s32 $0x300, s28  }
0xbe: {  	[tilespmem:s22], [sflag:$0x1] =	stream.indirect.gather [hbm4b:s4+s15], $0x20, s31, s15, $0xb8;
	[tilespmem:$0x11E40] =	vst v63  }
0xbf: {  	s30 =	sadd.s32 $0x380, s28  }
0xc0: {  	[tilespmem:s23], [sflag:$0x1] =	stream.indirect.gather [hbm4b:s4+s15], $0x20, s30, s15, $0xb8;
	[tilespmem:$0x11E40] =	vst v63  }
0xc1: {  	_ =	swait.ge [sflag:s24], $0x1000  }
0xc2: {  	[sflag:s24] =	ssyncset.done $0x0  }
0xc3: {  	s31 =	sadd.s32 $0x2800, s28;
	[sflag:s24] =	ssyncadd.s32 $0xFFFFF000  }
0xc4: {  	[spmem:s1] =	stream.indirect.scatter.add.f32 [tilespmem:s16], [sflag:$0x2], $0x20, s31, s15, $0xb8;
	[tilespmem:$0x11E40] =	vst v63  }
0xc5: {  	_ =	swait.ge [sflag:s24], $0x1000  }
0xc6: {  	[sflag:s24] =	ssyncset.done $0x0  }
0xc7: {  	s30 =	sadd.s32 $0x2880, s28;
	[sflag:s24] =	ssyncadd.s32 $0xFFFFF000  }
0xc8: {  	[spmem:s1] =	stream.indirect.scatter.add.f32 [tilespmem:s17], [sflag:$0x2], $0x20, s30, s15, $0xb8;
	[tilespmem:$0x11E40] =	vst v63  }
0xc9: {  	_ =	swait.ge [sflag:s24], $0x1000  }
0xca: {  	[sflag:s24] =	ssyncset.done $0x0  }
0xcb: {  	s31 =	sadd.s32 $0x2900, s28;
	[sflag:s24] =	ssyncadd.s32 $0xFFFFF000  }
0xcc: {  	[spmem:s1] =	stream.indirect.scatter.add.f32 [tilespmem:s18], [sflag:$0x2], $0x20, s31, s15, $0xb8;
	[tilespmem:$0x11E40] =	vst v63  }
0xcd: {  	_ =	swait.ge [sflag:s24], $0x1000  }
0xce: {  	[sflag:s24] =	ssyncset.done $0x0  }
0xcf: {  	s30 =	sadd.s32 $0x2980, s28;
	[sflag:s24] =	ssyncadd.s32 $0xFFFFF000  }
0xd0: {  	[spmem:s1] =	stream.indirect.scatter.add.f32 [tilespmem:s19], [sflag:$0x2], $0x20, s30, s15, $0xb8;
	[tilespmem:$0x11E40] =	vst v63  }
0xd1: {  	_ =	swait.ge [sflag:s24], $0x1000  }
0xd2: {  	[sflag:s24] =	ssyncset.done $0x0  }
0xd3: {  	s31 =	sadd.s32 $0x2A00, s28;
	[sflag:s24] =	ssyncadd.s32 $0xFFFFF000  }
0xd4: {  	[spmem:s1] =	stream.indirect.scatter.add.f32 [tilespmem:s20], [sflag:$0x2], $0x20, s31, s15, $0xb8;
	[tilespmem:$0x11E40] =	vst v63  }
0xd5: {  	_ =	swait.ge [sflag:s24], $0x1000  }
0xd6: {  	[sflag:s24] =	ssyncset.done $0x0  }
0xd7: {  	s30 =	sadd.s32 $0x2A80, s28;
	[sflag:s24] =	ssyncadd.s32 $0xFFFFF000  }
0xd8: {  	[spmem:s1] =	stream.indirect.scatter.add.f32 [tilespmem:s21], [sflag:$0x2], $0x20, s30, s15, $0xb8;
	[tilespmem:$0x11E40] =	vst v63  }
0xd9: {  	_ =	swait.ge [sflag:s24], $0x1000  }
0xda: {  	[sflag:s24] =	ssyncset.done $0x0  }
0xdb: {  	s31 =	sadd.s32 $0x2B00, s28;
	[sflag:s24] =	ssyncadd.s32 $0xFFFFF000  }
0xdc: {  	[spmem:s1] =	stream.indirect.scatter.add.f32 [tilespmem:s22], [sflag:$0x2], $0x20, s31, s15, $0xb8;
	[tilespmem:$0x11E40] =	vst v63  }
0xdd: {  	_ =	swait.ge [sflag:s24], $0x1000  }
0xde: {  	[sflag:s24] =	ssyncset.done $0x0  }
0xdf: {  	s28 =	sadd.s32 $0x2B80, s28;
	[sflag:s24] =	ssyncadd.s32 $0xFFFFF000  }
0xe0: {  	[spmem:s1] =	stream.indirect.scatter.add.f32 [tilespmem:s23], [sflag:$0x2], $0x20, s28, s15, $0xb8;
	[tilespmem:$0x11E40] =	vst v63  }
0xe1: {  	_ =	swait.ge [sflag:s25], $0x1000  }
0xe2: {  	[sflag:s25] =	ssyncset.done $0x0  }
0xe3: {  	[sflag:s25] =	ssyncadd.s32 $0xFFFFF000  }
0xe4: {  	_ =	swait.ge [sflag:s25], $0x1000  }
0xe5: {  	[sflag:s25] =	ssyncset.done $0x0  }
0xe6: {  	[sflag:s25] =	ssyncadd.s32 $0xFFFFF000  }
0xe7: {  	_ =	swait.ge [sflag:s25], $0x1000  }
0xe8: {  	[sflag:s25] =	ssyncset.done $0x0  }
0xe9: {  	[sflag:s25] =	ssyncadd.s32 $0xFFFFF000  }
0xea: {  	_ =	swait.ge [sflag:s25], $0x1000  }
0xeb: {  	[sflag:s25] =	ssyncset.done $0x0  }
0xec: {  	[sflag:s25] =	ssyncadd.s32 $0xFFFFF000  }
0xed: {  	_ =	swait.ge [sflag:s25], $0x1000  }
0xee: {  	[sflag:s25] =	ssyncset.done $0x0  }
0xef: {  	[sflag:s25] =	ssyncadd.s32 $0xFFFFF000  }
0xf0: {  	_ =	swait.ge [sflag:s25], $0x1000  }
0xf1: {  	[sflag:s25] =	ssyncset.done $0x0  }
0xf2: {  	[sflag:s25] =	ssyncadd.s32 $0xFFFFF000  }
0xf3: {  	_ =	swait.ge [sflag:s25], $0x1000  }
0xf4: {  	[sflag:s25] =	ssyncset.done $0x0  }
0xf5: {  	[sflag:s25] =	ssyncadd.s32 $0xFFFFF000  }
0xf6: {  	_ =	swait.ge [sflag:s25], $0x1000  }
0xf7: {  	s26 =	sadd.s32 $0x1, s26;
	[sflag:s25] =	ssyncset.done $0x0  }
0xf8: {  	p0 =	sne.s32 s26, s9;
	[sflag:s25] =	ssyncadd.s32 $0xFFFFF000  }
.Ltmp3:
0xf9: {  	[bflag:$0x0] =	sbarrier.arrive $0xFFFF;
	(pc) =	sbr.rel @p0 .LBB2_1-.Ltmp3, $4  }
0xfa: {  	[hbm:s8], [sflag:s7] =	dma.local [spmem:s12], $0x9C8  }
0xfb: {  	_ =	swait.ge [sflag:s13], $0x9C8  }
0xfc: {  	[sflag:s13] =	ssyncset.done $0x0  }
0xfd: {  	[sflag:s13] =	ssyncadd.s32 $0xFFFFF638  }
0xfe: {  	_ =	sfence.sel $0x180000  }
0xff: {  	[bflag:$0x0] =	sbarrier.arrive $0xFFFF  }
0x100: {  	p0 =	sne.s32 s2, $0x0;
	_ =	strace $0x9000004A  }
0x101: {  	s0 =	sadd.s32 @!p0 $0x100000, s0;
	[bflag:$0x2] =	sbarrier.arrive $0xFFFF  }
0x102: {  	[sflag:s0] =	ssyncadd.tile.s32 @!p0 $0x1;
	_ =	shalt  }
.Lfunc_end2:
_tile_overlayer_lowered:
.L_overlay_start_2:
0x103: {  	(tag) =	ssettag $0x2  }
0x104: {  	s0 =	rddreg [dreg:$0x0];
	s2 =	stileid.u32  }
0x105: {  	s1 =	rddreg [dreg:$0x1];
	p0 =	sne.s32 s2, $0x0  }
0x106: {  	s3 =	rddreg [dreg:$0x2];
	[bflag:$0x3] =	sbarrier.arrive $0xFFFF;
	s2 =	simm.s32 @!p0 $0x1C03  }
0x107: {  	[timem:s3], [sflag:s2] =	dma.local @!p0 [hbm:s0], s1  }
0x108: {  	s0 =	simm.s32 @!p0 $0x3  }
0x109: {  	_ =	swait.ge @!p0 [sflag:s0], s1  }
0x10a: {  	s1 =	ssub.s32 @!p0 $0x0, s1;
	[sflag:s0] =	ssyncset.done @!p0 $0x0  }
0x10b: {  	[sflag:s0] =	ssyncadd.s32 @!p0 s1  }
0x10c: {  	[bflag:$0x3] =	sbarrier.arrive $0xFFFF  }
0x10d: {  	_ =	shalt  }

// kernel: kernel.15.cloned.1.call-start
scs
__scs_entry_jumppad:
0x0: {  	(pc) =	sbr.rel $0x88, $3  }
0x1: {  	(tag) =	ssettag $0x0;
	lr =	simm.s32 $0x1  }
0x2: {  	[smem:$0x3F92] =	sst lr;
	_ =	strace $0xD0000000  }
0x3: {  	_ = 	snop  }
0x4: {  	_ = 	snop  }
0x5: {  	_ = 	snop  }
0x6: {  	_ = 	snop  }
0x7: {  	_ = 	snop  }
__scs_overlays_trampoline_lowered:
0x8: {  	[smem:$0x3FA1] =	sst s0  }
0x9: {  	[smem:$0x3FA2] =	sst s1  }
0xa: {  	[smem:$0x3FA3] =	sst s2  }
0xb: {  	[smem:$0x3FA4] =	sst s3  }
0xc: {  	[smem:$0x3FA5] =	sst s4  }
0xd: {  	[smem:$0x3FA6] =	sst s5  }
0xe: {  	[smem:$0x3FA7] =	sst s6  }
0xf: {  	[smem:$0x3FA8] =	sst s7  }
0x10: {  	[smem:$0x3FA9] =	sst s8  }
0x11: {  	[smem:$0x3FAA] =	sst s9;
	s0 =	simm.s32 @!p0 $0x0  }
0x12: {  	s1 =	sld [smem:$0x3F90];
	s0 =	simm.s32 @p0 $0x1  }
0x13: {  	[smem:$0x3FAB] =	sst s0;
	s0 =	simm.s32 @!p1 $0x0  }
0x14: {  	s2 =	sld [smem:$0x3F8F];
	s0 =	simm.s32 @p1 $0x1  }
0x15: {  	[smem:$0x3FAC] =	sst s0;
	s0 =	simm.s32 @!p2 $0x0  }
0x16: {  	s3 =	sld [smem:$0x3FDB];
	s0 =	simm.s32 @p2 $0x1  }
0x17: {  	s4 =	simm.s32 $0x1BF5;
	[smem:$0x3FAE] =	sst s0  }
0x18: {  	s0 =	sld [smem:$0x3F91];
	_ =	swait.ge [sflag:s4], $0x0  }
0x19: {  	s7 =	sld [smem:$0x3F92]  }
0x1a: {  	s8 =	sadd.s32 $0xFFFFE003, lr  }
0x1b: {  	s9 =	sadd.s32 $0xFFFFFEF7, lr;
	s5 =	simm.s32 $0xFFFFFFFF;
	p2 =	slt.u32 s8, $0xFFFFF086  }
0x1c: {  	p1 =	slt.u32 s9, $0xF7A;
	s5 =	simm.s32 @!p2 $0x0  }
0x1d: {  	s5 =	simm.s32 @p1 $0x1;
	p0 =	seq.s32 s7, s2  }
0x1e: {  	s7 =	smul.u32 @!p0 $0xF7A, s2;
	p2 =	seq.s32 @!p0 s5, $0x0  }
0x1f: {  	s9 =	smul.u32 $0xF7A, s1;
	s8 =	simm.s32 @!p0 $0x1BF5;
	p2 =	por !p2, p0  }
0x20: {  	[sflag:s8] =	ssyncset.s32 @!p0 $0xFFFFF086;
	s6 =	sadd.s32 @!p0 s3, s7;
	s7 =	simm.s32 @!p0 $0x108  }
0x21: {  	s3 =	sadd.s32 s3, s9;
	s6 =	sadd.s32 @!p0 $0x88, s6;
	s7 =	simm.s32 @p2 $0x1082  }
0x22: {  	[simem:s7], [sflag:s8] =	dma.local @!p0 [hbm:s6], $0xF7A  }
0x23: {  	s9 =	sor.u32 $0xD0000000, s2;
	s6 =	simm.s32 $0x108;
	_ =	swait.ge @!p0 [sflag:s8], $0x0  }
0x24: {  	s3 =	sadd.s32 $0x88, s3;
	s6 =	simm.s32 @!p1 $0x1082;
	[sflag:s4] =	ssyncset.s32 $0xFFFFF086  }
0x25: {  	[simem:s6], [sflag:s4] =	dma.local [hbm:s3], $0xF7A  }
0x26: {  	[smem:$0x3F92] =	sst s1;
	(tag) =	ssettag s2;
	_ =	strace s9  }
0x27: {  	s1 =	sld [smem:$0x3FA2]  }
0x28: {  	s2 =	sld [smem:$0x3FA3]  }
0x29: {  	s4 =	sld [smem:$0x3FA5]  }
0x2a: {  	p0 =	seq.s32 s5, $0x0;
	s5 =	sld [smem:$0x3FA6]  }
0x2b: {  	s6 =	sld [smem:$0x3FA7]  }
0x2c: {  	s7 =	sld [smem:$0x3FA8]  }
0x2d: {  	s3 =	simm.s32 $0x108;
	s8 =	sld [smem:$0x3FA9]  }
0x2e: {  	s3 =	simm.s32 @!p0 $0x1082;
	s9 =	sld [smem:$0x3FAA]  }
0x2f: {  	lr =	sadd.s32 s0, s3;
	s0 =	sld [smem:$0x3FA1]  }
0x30: {  	s3 =	sld [smem:$0x3FA4]  }
0x31: {  	[smem:$0x3FAD] =	sst s10  }
0x32: {  	s10 =	sld [smem:$0x3FAB];
	_ =	sdelay $0x3  }
0x33: {  	p0 =	seq.s32 s10, $0x1;
	s10 =	sld [smem:$0x3FAD];
	_ =	sdelay $0x3  }
0x34: {  	[smem:$0x3FAD] =	sst s10  }
0x35: {  	s10 =	sld [smem:$0x3FAC];
	_ =	sdelay $0x3  }
0x36: {  	p1 =	seq.s32 s10, $0x1;
	s10 =	sld [smem:$0x3FAD];
	_ =	sdelay $0x3  }
0x37: {  	[smem:$0x3FAD] =	sst s10  }
0x38: {  	s10 =	sld [smem:$0x3FAE]  }
0x39: {  	_ = 	snop;
	(pc) =	sbr.ind lr, $3  }
0x3a: {  	_ = 	snop  }
0x3b: {  	_ = 	snop  }
0x3c: {  	p2 =	seq.s32 s10, $0x1;
	s10 =	sld [smem:$0x3FAD]  }
0x3d: {  	_ =	shalt  }
0x3e: {  	_ =	shalt  }
0x3f: {  	_ =	shalt  }
0x40: {  	_ =	shalt  }
0x41: {  	_ =	shalt  }
0x42: {  	_ =	shalt  }
0x43: {  	_ =	shalt  }
0x44: {  	_ =	shalt  }
0x45: {  	_ =	shalt  }
0x46: {  	_ =	shalt  }
0x47: {  	_ =	shalt  }
0x48: {  	_ =	shalt  }
0x49: {  	_ =	shalt  }
0x4a: {  	_ =	shalt  }
0x4b: {  	_ =	shalt  }
0x4c: {  	_ =	shalt  }
0x4d: {  	_ =	shalt  }
0x4e: {  	_ =	shalt  }
0x4f: {  	_ =	shalt  }
0x50: {  	_ =	shalt  }
0x51: {  	_ =	shalt  }
0x52: {  	_ =	shalt  }
0x53: {  	_ =	shalt  }
0x54: {  	_ =	shalt  }
0x55: {  	_ =	shalt  }
0x56: {  	_ =	shalt  }
0x57: {  	_ =	shalt  }
0x58: {  	_ =	shalt  }
0x59: {  	_ =	shalt  }
0x5a: {  	_ =	shalt  }
0x5b: {  	_ =	shalt  }
0x5c: {  	_ =	shalt  }
0x5d: {  	_ =	shalt  }
0x5e: {  	_ =	shalt  }
0x5f: {  	_ =	shalt  }
0x60: {  	_ =	shalt  }
0x61: {  	_ =	shalt  }
0x62: {  	_ =	shalt  }
0x63: {  	_ =	shalt  }
0x64: {  	_ =	shalt  }
0x65: {  	_ =	shalt  }
0x66: {  	_ =	shalt  }
0x67: {  	_ =	shalt  }
0x68: {  	_ =	shalt  }
0x69: {  	_ =	shalt  }
0x6a: {  	_ =	shalt  }
0x6b: {  	_ =	shalt  }
0x6c: {  	_ =	shalt  }
0x6d: {  	_ =	shalt  }
0x6e: {  	_ =	shalt  }
0x6f: {  	_ =	shalt  }
0x70: {  	_ =	shalt  }
0x71: {  	_ =	shalt  }
0x72: {  	_ =	shalt  }
0x73: {  	_ =	shalt  }
0x74: {  	_ =	shalt  }
0x75: {  	_ =	shalt  }
0x76: {  	_ =	shalt  }
0x77: {  	_ =	shalt  }
0x78: {  	_ =	shalt  }
0x79: {  	_ =	shalt  }
0x7a: {  	_ =	shalt  }
0x7b: {  	_ =	shalt  }
0x7c: {  	_ =	shalt  }
0x7d: {  	_ =	shalt  }
0x7e: {  	_ =	shalt  }
0x7f: {  	_ =	shalt  }
0x80: {  	_ =	shalt  }
0x81: {  	_ =	shalt  }
0x82: {  	_ =	shalt  }
0x83: {  	_ =	shalt  }
0x84: {  	_ =	shalt  }
0x85: {  	_ =	shalt  }
0x86: {  	_ =	shalt  }
0x87: {  	_ =	shalt  }
.Lfunc_end0:
.L_simem_size_0:
called_computation.2_lowered:
.L_overlay_start_0:
0x88: {  	s2 =	sld [smem:$0x3FD9]  }
0x89: {  	s3 =	sld [smem:$0x3FFE];
	_ =	sdelay $0x1  }
0x8a: {  	s1 =	srdreg.scid  }
0x8b: {  	s0 =	sand.u32 $0x1, s1  }
0x8c: {  	s14 =	sshll.u32 s0, $0xA;
	s2 =	sadd.s32 s3, s2  }
0x8d: {  	s2 =	sadd.s32 s2, s14  }
0x8e: {  	[smem:$0x3FB9] =	sst s2  }
0x8f: {  	_ = 	snop  }
0x90: {  	s2 =	sld [smem:$0x3FD0];
	_ =	sdelay $0x2  }
0x91: {  	s15 =	simm.s32 $0xA;
	s4 =	simm.s32 $0x10  }
0x92: {  	[smem:s4], [sflag:s15] =	dma.local [hbm:s2], $0x1  }
0x93: {  	_ =	swait.eq [sflag:s15], $0x1  }
0x94: {  	[sflag:s15] =	ssyncset.done $0x0  }
0x95: {  	[sflag:s15] =	ssyncadd.s32 $0xFFFFFFFF  }
0x96: {  	s16 =	sld [smem:$0x10];
	(tm) =	ssettm $0x1  }
0x97: {  	s17 =	sld [smem:$0x3FFB];
	_ =	sdelay $0x3  }
0x98: {  	_ =	strace s17  }
0x99: {  	s3 =	sld [smem:$0x3FFC];
	_ =	sdelay $0x3  }
0x9a: {  	_ =	strace s3  }
0x9b: {  	s3 =	sld [smem:$0x3FFD];
	_ =	sdelay $0x3  }
0x9c: {  	_ =	strace s3  }
0x9d: {  	_ =	strace $0x8FFFFFFF  }
0x9e: {  	s18 =	sld [smem:$0x3FDB];
	_ =	sdelay $0x1  }
0x9f: {  	s19 =	simm.s32 $_scs_section_size  }
0xa0: {  	s5 =	simm.s32 $_size__tile_overlayer_lowered;
	s6 =	simm.s32 $_tile_overlayer_lowered  }
0xa1: {  	s22 =	simm.s32 $0x1BFF;
	s21 =	sshll.u32 s6, $0x1;
	s3 =	sadd.s32 s19, s18  }
0xa2: {  	s7 =	simm.s32 $0x0;
	s20 =	sshll.u32 s5, $0x1;
	s5 =	sadd.s32 s21, s3  }
0xa3: {  	[timem:s7], [sflag:s22] =	dma.local [hbm:s5], s20  }
0xa4: {  	_ =	swait.ge [sflag:s22], s20  }
0xa5: {  	s4 =	ssub.s32 $0x0, s20;
	[sflag:s22] =	ssyncset.done $0x0  }
0xa6: {  	[sflag:s22] =	ssyncadd.s32 s4;
	_ =	sdelay $0x1  }
0xa7: {  	s23 =	simm.s32 $0x1B8B  }
0xa8: {  	_ =	swait.ge [sflag:s23], $0x1  }
0xa9: {  	[sflag:s23] =	ssyncset.done $0x0  }
0xaa: {  	s25 =	simm.s32 $0x1B8E;
	s24 =	sld [smem:$0x3FFE];
	[sflag:s23] =	ssyncadd.s32 $0xFFFFFFFF  }
0xab: {  	s26 =	simm.s32 $execute0_lowered;
	[smem:$0x3FD2] =	sst s25  }
0xac: {  	s5 =	sshll.u32 s26, $0x1;
	_ =	strace $0x8000004C;
	[dreg:$0x1] =	wrdreg $0xFFFFFFFF  }
0xad: {  	s28 =	simm.s32 $_size_execute0_lowered;
	s3 =	sadd.s32 s3, s5;
	[dreg:$0x0] =	wrdreg $0x0  }
0xae: {  	s5 =	sshll.u32 s28, $0x1;
	[dreg:$0x2] =	wrdreg s3  }
0xaf: {  	[dreg:$0x3] =	wrdreg s5  }
0xb0: {  	[dreg:$0x4] =	wrdreg $0xC0  }
0xb1: {  	_ =	task [dreg:s7], $0x5FFFF  }
0xb2: {  	[dreg:$0x1] =	wrdreg $0xFFFFFFFF  }
0xb3: {  	[dreg:$0x0] =	wrdreg $0x60  }
0xb4: {  	[dreg:$0x2] =	wrdreg s24  }
0xb5: {  	[dreg:$0x3] =	wrdreg s16  }
0xb6: {  	[dreg:$0x4] =	wrdreg $0x90000  }
0xb7: {  	[dreg:$0x5] =	wrdreg $0x9  }
0xb8: {  	_ =	task.clear_ibuf [dreg:s7], $0x6FFFF;
	_ =	strace $0x9000004C  }
0xb9: {  	s29 =	simm.s32 $0x9;
	_ =	strace $0x8000004E  }
0xba: {  	_ =	swait.ge [sflag:s29], $0x1  }
0xbb: {  	[sflag:s29] =	ssyncadd.s32 $0xFFFFFFFF  }
0xbc: {  	_ =	strace $0x9000004E  }
0xbd: {  	_ =	sfence  }
0xbe: {  	s30 =	sld [smem:$0x0];
	_ =	sdelay $0x2  }
0xbf: {  	s31 =	sshll.u32 s1, $0xD;
	s1 =	sshrl.u32 s1, $0x2  }
0xc0: {  	s3 =	sand.u32 $0x4000, s31;
	s1 =	sadd.s32 s1, s30  }
0xc1: {  	s0 =	sor.u32 s3, s0;
	s1 =	sshll.u32 s1, $0x11  }
0xc2: {  	s0 =	sor.u32 s1, s0  }
0xc3: {  	s0 =	sadd.s32 $0x8F2B, s0  }
0xc4: {  	[sflag:s0] =	ssyncadd.remote.s32 $0x1  }
0xc5: {  	_ =	sfence.sel $0xFFFF  }
0xc6: {  	[dreg:$0x0] =	wrdreg $0xFFFFFFFF;
	(pc) =	sbr.abs _section_cstart, $3  }
0xc7: {  	[dreg:$0x1] =	wrdreg $0xFFFFFFFF  }
0xc8: {  	_ =	task.clear_ibuf [dreg:s7], $0x2FFFF;
	_ =	strace $0x9FFFFFFF  }
0xc9: {  	(tm) =	ssettm $0x7FFFFFFF  }
tec
execute0_lowered:
.L_overlay_start_1:
0x0: {  	(tag) =	ssettag $0x1  }
0x1: {  	s6 =	rddreg [dreg:$0x0]  }
0x2: {  	s1 =	rddreg [dreg:$0x1]  }
0x3: {  	s3 =	rddreg [dreg:$0x2]  }
0x4: {  	s0 =	rddreg [dreg:$0x3]  }
0x5: {  	s4 =	simm.s32 $0x0;
	s2 =	stileid.u32;
	s7 =	srdreg.scid  }
0x6: {  	s18 =	simm.s32 $0x6000;
	s19 =	simm.s32 $0x6800;
	s20 =	simm.s32 $0x7000  }
0x7: {  	s21 =	simm.s32 $0x7800;
	s22 =	simm.s32 $0x8000;
	s23 =	simm.s32 $0x8800  }
0x8: {  	s24 =	simm.s32 $0x1;
	s25 =	simm.s32 $0x2;
	s26 =	simm.s32 $0x0  }
0x9: {  	[smem:$0x7FF] =	sst s4;
	s8 =	smul.u32 $0x2720, s2;
	s5 =	sadd.s32 $0x16600, s6  }
0xa: {  	s7 =	sand.u32 $0x1, s7;
	s9 =	smul.u32 $0xFFFFFFB0, s2;
	s10 =	sadd.s32 $0x7600, s6  }
0xb: {  	s11 =	sadd.s32 $0x2600, s6;
	s13 =	sadd.s32 $0x11600, s6;
	s17 =	smul.u32 $0x500, s2  }
0xc: {  	s14 =	sadd.s32 $0xC600, s6;
	s31 =	sshll.u32 s2, $0x6;
	s12 =	smul.u32 $0x27200, s7  }
0xd: {  	_ =	strace $0x8000004D;
	s15 =	ssub.s32 $0x2, s7;
	p0 =	slt.s32 s9, $0xFFFFFB8C  }
0xe: {  	s16 =	sshrl.u32 s15, $0x1;
	s30 =	sadd.s32 s8, s3;
	s12 =	sadd.s32 s8, s12  }
0xf: {  	s9 =	simm.s32 @!p0 $0xFFFFFB8C;
	s15 =	ssub.s32 s15, s16;
	p0 =	seq.s32 s7, $0x0  }
0x10: {  	s7 =	sor.u32 $0x1C03, s31;
	s16 =	simm.s32 $0x5000;
	s12 =	sshrl.u32 s12, $0x3  }
0x11: {  	s9 =	sadd.s32 $0x4C4, s9;
	s13 =	smov.u32 @p0 s10;
	s14 =	smov.u32 @p0 s11  }
0x12: {  	s12 =	sadd.s32 s12, s6;
	s28 =	sshrl.u32 s9, $0x2;
	s29 =	sshrl.u32 s9, $0x3  }
0x13: {  	s9 =	smax.u32 s15, $0x1;
	s10 =	sadd.s32 s13, s17;
	s11 =	sadd.s32 s14, s17  }
0x14: {  	s13 =	simm.s32 $0x3;
	s14 =	simm.s32 $0x2800;
	s6 =	sand.u32 $0x1, s28  }
0x15: {  	s15 =	simm.s32 $0x80;
	s17 =	simm.s32 $0x5800;
	s6 =	sor.u32 s29, s6  }
0x16: {  	s8 =	sadd.s32 $0x1B600, s12;
	s12 =	sshrl.u32 s30, $0x3;
	s6 =	simm.s32 @p0 $0xA  }
.LBB2_1:
0x17: {  	[spmem:s12], [sflag:s7] =	dma.local [hbm:s1], $0x4E4  }
0x18: {  	_ =	swait.ge [sflag:s13], $0x4E4  }
0x19: {  	[sflag:s13] =	ssyncset.done $0x0  }
0x1a: {  	[sflag:s13] =	ssyncadd.s32 $0xFFFFFB1C  }
0x1b: {  	[bflag:$0x0] =	sbarrier.arrive $0xFFFF  }
0x1c: {  	[tilespmem:s4], [sflag:$0x3] =	stream.linear.gather [hbm4b:s10+s4], $0x2800, $0x38;
	[tilespmem:$0xB720] =	vst v63  }
0x1d: {  	_ =	swait.ge [sflag:s13], $0x2800  }
0x1e: {  	p1 =	sne.s32 s6, $0x1;
	[sflag:s13] =	ssyncset.done $0x0  }
.Ltmp0:
0x1f: {  	[sflag:s13] =	ssyncadd.s32 $0xFFFFD800;
	(pc) =	sbr.rel @!p1 .LBB2_4-.Ltmp0, $4  }
0x20: {  	[tilespmem:s14], [sflag:$0x3] =	stream.linear.gather [hbm4b:s11+s4], $0x2800, $0x38;
	[tilespmem:$0xB720] =	vst v63  }
0x21: {  	_ =	swait.ge [sflag:s13], $0x2800  }
0x22: {  	s29 =	sadd.s32 $0xFFFFFFFF, s6;
	[sflag:s13] =	ssyncset.done $0x0  }
0x23: {  	p0 =	por $0x0, $0x0;
	s28 =	simm.s32 $0x0;
	[sflag:s13] =	ssyncadd.s32 $0xFFFFD800  }
0x24: {  	s28 =	simm.s32 $0x0  }
0x25: {  	[tilespmem:s16], [sflag:$0x1] =	stream.indirect.gather [hbm4b:s5+s15], $0x10, s28, s15, $0xb8;
	[tilespmem:$0xB720] =	vst v63  }
0x26: {  	s28 =	simm.s32 $0x80  }
0x27: {  	[tilespmem:s17], [sflag:$0x1] =	stream.indirect.gather [hbm4b:s5+s15], $0x10, s28, s15, $0xb8;
	[tilespmem:$0xB720] =	vst v63  }
0x28: {  	s28 =	simm.s32 $0x100  }
0x29: {  	[tilespmem:s18], [sflag:$0x1] =	stream.indirect.gather [hbm4b:s5+s15], $0x10, s28, s15, $0xb8;
	[tilespmem:$0xB720] =	vst v63  }
0x2a: {  	s28 =	simm.s32 $0x180  }
0x2b: {  	[tilespmem:s19], [sflag:$0x1] =	stream.indirect.gather [hbm4b:s5+s15], $0x10, s28, s15, $0xb8;
	[tilespmem:$0xB720] =	vst v63  }
0x2c: {  	s28 =	simm.s32 $0x200  }
0x2d: {  	[tilespmem:s20], [sflag:$0x1] =	stream.indirect.gather [hbm4b:s5+s15], $0x10, s28, s15, $0xb8;
	[tilespmem:$0xB720] =	vst v63  }
0x2e: {  	s28 =	simm.s32 $0x280  }
0x2f: {  	[tilespmem:s21], [sflag:$0x1] =	stream.indirect.gather [hbm4b:s5+s15], $0x10, s28, s15, $0xb8;
	[tilespmem:$0xB720] =	vst v63  }
0x30: {  	s28 =	simm.s32 $0x300  }
0x31: {  	[tilespmem:s22], [sflag:$0x1] =	stream.indirect.gather [hbm4b:s5+s15], $0x10, s28, s15, $0xb8;
	[tilespmem:$0xB720] =	vst v63  }
0x32: {  	s28 =	simm.s32 $0x380  }
0x33: {  	[tilespmem:s23], [sflag:$0x1] =	stream.indirect.gather [hbm4b:s5+s15], $0x10, s28, s15, $0xb8;
	[tilespmem:$0xB720] =	vst v63  }
0x34: {  	_ =	swait.ge [sflag:s24], $0x800  }
0x35: {  	[sflag:s24] =	ssyncset.done $0x0  }
0x36: {  	s28 =	simm.s32 $0x2800;
	[sflag:s24] =	ssyncadd.s32 $0xFFFFF800  }
0x37: {  	[spmem:s3] =	stream.indirect.scatter.add.f32 [tilespmem:s16], [sflag:$0x2], $0x10, s28, s15, $0xb8;
	[tilespmem:$0xB720] =	vst v63  }
0x38: {  	_ =	swait.ge [sflag:s24], $0x800  }
0x39: {  	[sflag:s24] =	ssyncset.done $0x0  }
0x3a: {  	s28 =	simm.s32 $0x2880;
	[sflag:s24] =	ssyncadd.s32 $0xFFFFF800  }
0x3b: {  	[spmem:s3] =	stream.indirect.scatter.add.f32 [tilespmem:s17], [sflag:$0x2], $0x10, s28, s15, $0xb8;
	[tilespmem:$0xB720] =	vst v63  }
0x3c: {  	_ =	swait.ge [sflag:s24], $0x800  }
0x3d: {  	[sflag:s24] =	ssyncset.done $0x0  }
0x3e: {  	s28 =	simm.s32 $0x2900;
	[sflag:s24] =	ssyncadd.s32 $0xFFFFF800  }
0x3f: {  	[spmem:s3] =	stream.indirect.scatter.add.f32 [tilespmem:s18], [sflag:$0x2], $0x10, s28, s15, $0xb8;
	[tilespmem:$0xB720] =	vst v63  }
0x40: {  	_ =	swait.ge [sflag:s24], $0x800  }
0x41: {  	[sflag:s24] =	ssyncset.done $0x0  }
0x42: {  	s28 =	simm.s32 $0x2980;
	[sflag:s24] =	ssyncadd.s32 $0xFFFFF800  }
0x43: {  	[spmem:s3] =	stream.indirect.scatter.add.f32 [tilespmem:s19], [sflag:$0x2], $0x10, s28, s15, $0xb8;
	[tilespmem:$0xB720] =	vst v63  }
0x44: {  	_ =	swait.ge [sflag:s24], $0x800  }
0x45: {  	[sflag:s24] =	ssyncset.done $0x0  }
0x46: {  	s28 =	simm.s32 $0x2A00;
	[sflag:s24] =	ssyncadd.s32 $0xFFFFF800  }
0x47: {  	[spmem:s3] =	stream.indirect.scatter.add.f32 [tilespmem:s20], [sflag:$0x2], $0x10, s28, s15, $0xb8;
	[tilespmem:$0xB720] =	vst v63  }
0x48: {  	_ =	swait.ge [sflag:s24], $0x800  }
0x49: {  	[sflag:s24] =	ssyncset.done $0x0  }
0x4a: {  	s28 =	simm.s32 $0x2A80;
	[sflag:s24] =	ssyncadd.s32 $0xFFFFF800  }
0x4b: {  	[spmem:s3] =	stream.indirect.scatter.add.f32 [tilespmem:s21], [sflag:$0x2], $0x10, s28, s15, $0xb8;
	[tilespmem:$0xB720] =	vst v63  }
0x4c: {  	_ =	swait.ge [sflag:s24], $0x800  }
0x4d: {  	[sflag:s24] =	ssyncset.done $0x0  }
0x4e: {  	s28 =	simm.s32 $0x2B00;
	[sflag:s24] =	ssyncadd.s32 $0xFFFFF800  }
0x4f: {  	[spmem:s3] =	stream.indirect.scatter.add.f32 [tilespmem:s22], [sflag:$0x2], $0x10, s28, s15, $0xb8;
	[tilespmem:$0xB720] =	vst v63  }
0x50: {  	_ =	swait.ge [sflag:s24], $0x800  }
0x51: {  	[sflag:s24] =	ssyncset.done $0x0  }
0x52: {  	s28 =	simm.s32 $0x2B80;
	[sflag:s24] =	ssyncadd.s32 $0xFFFFF800  }
0x53: {  	[spmem:s3] =	stream.indirect.scatter.add.f32 [tilespmem:s23], [sflag:$0x2], $0x10, s28, s15, $0xb8;
	[tilespmem:$0xB720] =	vst v63  }
0x54: {  	_ =	swait.ge [sflag:s25], $0x800  }
0x55: {  	[sflag:s25] =	ssyncset.done $0x0  }
0x56: {  	[sflag:s25] =	ssyncadd.s32 $0xFFFFF800  }
0x57: {  	_ =	swait.ge [sflag:s25], $0x800  }
0x58: {  	[sflag:s25] =	ssyncset.done $0x0  }
0x59: {  	[sflag:s25] =	ssyncadd.s32 $0xFFFFF800  }
0x5a: {  	_ =	swait.ge [sflag:s25], $0x800  }
0x5b: {  	[sflag:s25] =	ssyncset.done $0x0  }
0x5c: {  	[sflag:s25] =	ssyncadd.s32 $0xFFFFF800  }
0x5d: {  	_ =	swait.ge [sflag:s25], $0x800  }
0x5e: {  	[sflag:s25] =	ssyncset.done $0x0  }
0x5f: {  	[sflag:s25] =	ssyncadd.s32 $0xFFFFF800  }
0x60: {  	_ =	swait.ge [sflag:s25], $0x800  }
0x61: {  	[sflag:s25] =	ssyncset.done $0x0  }
0x62: {  	[sflag:s25] =	ssyncadd.s32 $0xFFFFF800  }
0x63: {  	_ =	swait.ge [sflag:s25], $0x800  }
0x64: {  	[sflag:s25] =	ssyncset.done $0x0  }
0x65: {  	p1 =	sne.s32 s29, $0x1;
	[sflag:s25] =	ssyncadd.s32 $0xFFFFF800  }
.Ltmp1:
0x66: {  	_ =	swait.ge [sflag:s25], $0x800;
	(pc) =	sbr.rel @!p1 .LBB2_4-.Ltmp1, $4  }
0x67: {  	[sflag:s25] =	ssyncset.done $0x0  }
0x68: {  	[sflag:s25] =	ssyncadd.s32 $0xFFFFF800  }
0x69: {  	s29 =	sadd.s32 $0xFFFFFFFF, s29;
	_ =	swait.ge [sflag:s25], $0x800  }
0x6a: {  	p0 =	por $0x1, $0x1;
	s28 =	simm.s32 $0x1000;
	[sflag:s25] =	ssyncset.done $0x0  }
.LBB2_3:
0x6b: {  	p1 =	sne.s32 s29, $0x1;
	s30 =	sshra.s32 s28, $0x2;
	[sflag:s25] =	ssyncadd.s32 $0xFFFFF800  }
0x6c: {  	[tilespmem:s16], [sflag:$0x1] =	stream.indirect.gather [hbm4b:s5+s15], $0x10, s30, s15, $0xb8;
	[tilespmem:$0xB720] =	vst v63  }
0x6d: {  	s29 =	sadd.s32 $0xFFFFFFFF, s29;
	s31 =	sadd.s32 $0x80, s30  }
0x6e: {  	[tilespmem:s17], [sflag:$0x1] =	stream.indirect.gather [hbm4b:s5+s15], $0x10, s31, s15, $0xb8;
	[tilespmem:$0xB720] =	vst v63  }
0x6f: {  	s31 =	sadd.s32 $0x100, s30  }
0x70: {  	[tilespmem:s18], [sflag:$0x1] =	stream.indirect.gather [hbm4b:s5+s15], $0x10, s31, s15, $0xb8;
	[tilespmem:$0xB720] =	vst v63  }
0x71: {  	s31 =	sadd.s32 $0x180, s30  }
0x72: {  	[tilespmem:s19], [sflag:$0x1] =	stream.indirect.gather [hbm4b:s5+s15], $0x10, s31, s15, $0xb8;
	[tilespmem:$0xB720] =	vst v63  }
0x73: {  	s31 =	sadd.s32 $0x200, s30  }
0x74: {  	[tilespmem:s20], [sflag:$0x1] =	stream.indirect.gather [hbm4b:s5+s15], $0x10, s31, s15, $0xb8;
	[tilespmem:$0xB720] =	vst v63  }
0x75: {  	s31 =	sadd.s32 $0x280, s30  }
0x76: {  	[tilespmem:s21], [sflag:$0x1] =	stream.indirect.gather [hbm4b:s5+s15], $0x10, s31, s15, $0xb8;
	[tilespmem:$0xB720] =	vst v63  }
0x77: {  	s31 =	sadd.s32 $0x300, s30  }
0x78: {  	[tilespmem:s22], [sflag:$0x1] =	stream.indirect.gather [hbm4b:s5+s15], $0x10, s31, s15, $0xb8;
	[tilespmem:$0xB720] =	vst v63  }
0x79: {  	s31 =	sadd.s32 $0x380, s30  }
0x7a: {  	[tilespmem:s23], [sflag:$0x1] =	stream.indirect.gather [hbm4b:s5+s15], $0x10, s31, s15, $0xb8;
	[tilespmem:$0xB720] =	vst v63  }
0x7b: {  	_ =	swait.ge [sflag:s24], $0x800  }
0x7c: {  	[sflag:s24] =	ssyncset.done $0x0  }
0x7d: {  	s31 =	sadd.s32 $0x2800, s30;
	[sflag:s24] =	ssyncadd.s32 $0xFFFFF800  }
0x7e: {  	[spmem:s3] =	stream.indirect.scatter.add.f32 [tilespmem:s16], [sflag:$0x2], $0x10, s31, s15, $0xb8;
	[tilespmem:$0xB720] =	vst v63  }
0x7f: {  	_ =	swait.ge [sflag:s24], $0x800  }
0x80: {  	[sflag:s24] =	ssyncset.done $0x0  }
0x81: {  	s31 =	sadd.s32 $0x2880, s30;
	[sflag:s24] =	ssyncadd.s32 $0xFFFFF800  }
0x82: {  	[spmem:s3] =	stream.indirect.scatter.add.f32 [tilespmem:s17], [sflag:$0x2], $0x10, s31, s15, $0xb8;
	[tilespmem:$0xB720] =	vst v63  }
0x83: {  	_ =	swait.ge [sflag:s24], $0x800  }
0x84: {  	[sflag:s24] =	ssyncset.done $0x0  }
0x85: {  	s31 =	sadd.s32 $0x2900, s30;
	[sflag:s24] =	ssyncadd.s32 $0xFFFFF800  }
0x86: {  	[spmem:s3] =	stream.indirect.scatter.add.f32 [tilespmem:s18], [sflag:$0x2], $0x10, s31, s15, $0xb8;
	[tilespmem:$0xB720] =	vst v63  }
0x87: {  	_ =	swait.ge [sflag:s24], $0x800  }
0x88: {  	[sflag:s24] =	ssyncset.done $0x0  }
0x89: {  	s31 =	sadd.s32 $0x2980, s30;
	[sflag:s24] =	ssyncadd.s32 $0xFFFFF800  }
0x8a: {  	[spmem:s3] =	stream.indirect.scatter.add.f32 [tilespmem:s19], [sflag:$0x2], $0x10, s31, s15, $0xb8;
	[tilespmem:$0xB720] =	vst v63  }
0x8b: {  	_ =	swait.ge [sflag:s24], $0x800  }
0x8c: {  	[sflag:s24] =	ssyncset.done $0x0  }
0x8d: {  	s31 =	sadd.s32 $0x2A00, s30;
	[sflag:s24] =	ssyncadd.s32 $0xFFFFF800  }
0x8e: {  	[spmem:s3] =	stream.indirect.scatter.add.f32 [tilespmem:s20], [sflag:$0x2], $0x10, s31, s15, $0xb8;
	[tilespmem:$0xB720] =	vst v63  }
0x8f: {  	_ =	swait.ge [sflag:s24], $0x800  }
0x90: {  	[sflag:s24] =	ssyncset.done $0x0  }
0x91: {  	s31 =	sadd.s32 $0x2A80, s30;
	[sflag:s24] =	ssyncadd.s32 $0xFFFFF800  }
0x92: {  	[spmem:s3] =	stream.indirect.scatter.add.f32 [tilespmem:s21], [sflag:$0x2], $0x10, s31, s15, $0xb8;
	[tilespmem:$0xB720] =	vst v63  }
0x93: {  	_ =	swait.ge [sflag:s24], $0x800  }
0x94: {  	[sflag:s24] =	ssyncset.done $0x0  }
0x95: {  	s31 =	sadd.s32 $0x2B00, s30;
	[sflag:s24] =	ssyncadd.s32 $0xFFFFF800  }
0x96: {  	[spmem:s3] =	stream.indirect.scatter.add.f32 [tilespmem:s22], [sflag:$0x2], $0x10, s31, s15, $0xb8;
	[tilespmem:$0xB720] =	vst v63  }
0x97: {  	_ =	swait.ge [sflag:s24], $0x800  }
0x98: {  	[sflag:s24] =	ssyncset.done $0x0  }
0x99: {  	s30 =	sadd.s32 $0x2B80, s30;
	[sflag:s24] =	ssyncadd.s32 $0xFFFFF800  }
0x9a: {  	[spmem:s3] =	stream.indirect.scatter.add.f32 [tilespmem:s23], [sflag:$0x2], $0x10, s30, s15, $0xb8;
	[tilespmem:$0xB720] =	vst v63  }
0x9b: {  	_ =	swait.ge [sflag:s25], $0x800  }
0x9c: {  	[sflag:s25] =	ssyncset.done $0x0  }
0x9d: {  	[sflag:s25] =	ssyncadd.s32 $0xFFFFF800  }
0x9e: {  	_ =	swait.ge [sflag:s25], $0x800  }
0x9f: {  	[sflag:s25] =	ssyncset.done $0x0  }
0xa0: {  	[sflag:s25] =	ssyncadd.s32 $0xFFFFF800  }
0xa1: {  	_ =	swait.ge [sflag:s25], $0x800  }
0xa2: {  	[sflag:s25] =	ssyncset.done $0x0  }
0xa3: {  	[sflag:s25] =	ssyncadd.s32 $0xFFFFF800  }
0xa4: {  	_ =	swait.ge [sflag:s25], $0x800  }
0xa5: {  	[sflag:s25] =	ssyncset.done $0x0  }
0xa6: {  	[sflag:s25] =	ssyncadd.s32 $0xFFFFF800  }
0xa7: {  	_ =	swait.ge [sflag:s25], $0x800  }
0xa8: {  	[sflag:s25] =	ssyncset.done $0x0  }
0xa9: {  	[sflag:s25] =	ssyncadd.s32 $0xFFFFF800  }
0xaa: {  	_ =	swait.ge [sflag:s25], $0x800  }
0xab: {  	[sflag:s25] =	ssyncset.done $0x0  }
0xac: {  	[sflag:s25] =	ssyncadd.s32 $0xFFFFF800  }
.Ltmp2:
0xad: {  	_ =	swait.ge [sflag:s25], $0x800;
	(pc) =	sbr.rel @p1 .LBB2_3-.Ltmp2, $4  }
0xae: {  	[sflag:s25] =	ssyncset.done $0x0  }
0xaf: {  	[sflag:s25] =	ssyncadd.s32 $0xFFFFF800  }
0xb0: {  	_ =	swait.ge [sflag:s25], $0x800  }
0xb1: {  	s28 =	sadd.s32 $0x1000, s28;
	[sflag:s25] =	ssyncset.done $0x0  }
.LBB2_4:
0xb2: {  	s28 =	sshra.s32 s28, $0x2;
	[sflag:s25] =	ssyncadd.s32 @p0 $0xFFFFF800  }
0xb3: {  	[tilespmem:s16], [sflag:$0x1] =	stream.indirect.gather [hbm4b:s5+s15], $0x10, s28, s15, $0xb8;
	[tilespmem:$0xB720] =	vst v63  }
0xb4: {  	s29 =	sadd.s32 $0x80, s28  }
0xb5: {  	[tilespmem:s17], [sflag:$0x1] =	stream.indirect.gather [hbm4b:s5+s15], $0x10, s29, s15, $0xb8;
	[tilespmem:$0xB720] =	vst v63  }
0xb6: {  	s31 =	sadd.s32 $0x100, s28  }
0xb7: {  	[tilespmem:s18], [sflag:$0x1] =	stream.indirect.gather [hbm4b:s5+s15], $0x10, s31, s15, $0xb8;
	[tilespmem:$0xB720] =	vst v63  }
0xb8: {  	s30 =	sadd.s32 $0x180, s28  }
0xb9: {  	[tilespmem:s19], [sflag:$0x1] =	stream.indirect.gather [hbm4b:s5+s15], $0x10, s30, s15, $0xb8;
	[tilespmem:$0xB720] =	vst v63  }
0xba: {  	s31 =	sadd.s32 $0x200, s28  }
0xbb: {  	[tilespmem:s20], [sflag:$0x1] =	stream.indirect.gather [hbm4b:s5+s15], $0x10, s31, s15, $0xb8;
	[tilespmem:$0xB720] =	vst v63  }
0xbc: {  	s30 =	sadd.s32 $0x280, s28  }
0xbd: {  	[tilespmem:s21], [sflag:$0x1] =	stream.indirect.gather [hbm4b:s5+s15], $0x10, s30, s15, $0xb8;
	[tilespmem:$0xB720] =	vst v63  }
0xbe: {  	s31 =	sadd.s32 $0x300, s28  }
0xbf: {  	[tilespmem:s22], [sflag:$0x1] =	stream.indirect.gather [hbm4b:s5+s15], $0x10, s31, s15, $0xb8;
	[tilespmem:$0xB720] =	vst v63  }
0xc0: {  	s30 =	sadd.s32 $0x380, s28  }
0xc1: {  	[tilespmem:s23], [sflag:$0x1] =	stream.indirect.gather [hbm4b:s5+s15], $0x10, s30, s15, $0xb8;
	[tilespmem:$0xB720] =	vst v63  }
0xc2: {  	_ =	swait.ge [sflag:s24], $0x800  }
0xc3: {  	[sflag:s24] =	ssyncset.done $0x0  }
0xc4: {  	s31 =	sadd.s32 $0x2800, s28;
	[sflag:s24] =	ssyncadd.s32 $0xFFFFF800  }
0xc5: {  	[spmem:s3] =	stream.indirect.scatter.add.f32 [tilespmem:s16], [sflag:$0x2], $0x10, s31, s15, $0xb8;
	[tilespmem:$0xB720] =	vst v63  }
0xc6: {  	_ =	swait.ge [sflag:s24], $0x800  }
0xc7: {  	[sflag:s24] =	ssyncset.done $0x0  }
0xc8: {  	s30 =	sadd.s32 $0x2880, s28;
	[sflag:s24] =	ssyncadd.s32 $0xFFFFF800  }
0xc9: {  	[spmem:s3] =	stream.indirect.scatter.add.f32 [tilespmem:s17], [sflag:$0x2], $0x10, s30, s15, $0xb8;
	[tilespmem:$0xB720] =	vst v63  }
0xca: {  	_ =	swait.ge [sflag:s24], $0x800  }
0xcb: {  	[sflag:s24] =	ssyncset.done $0x0  }
0xcc: {  	s31 =	sadd.s32 $0x2900, s28;
	[sflag:s24] =	ssyncadd.s32 $0xFFFFF800  }
0xcd: {  	[spmem:s3] =	stream.indirect.scatter.add.f32 [tilespmem:s18], [sflag:$0x2], $0x10, s31, s15, $0xb8;
	[tilespmem:$0xB720] =	vst v63  }
0xce: {  	_ =	swait.ge [sflag:s24], $0x800  }
0xcf: {  	[sflag:s24] =	ssyncset.done $0x0  }
0xd0: {  	s30 =	sadd.s32 $0x2980, s28;
	[sflag:s24] =	ssyncadd.s32 $0xFFFFF800  }
0xd1: {  	[spmem:s3] =	stream.indirect.scatter.add.f32 [tilespmem:s19], [sflag:$0x2], $0x10, s30, s15, $0xb8;
	[tilespmem:$0xB720] =	vst v63  }
0xd2: {  	_ =	swait.ge [sflag:s24], $0x800  }
0xd3: {  	[sflag:s24] =	ssyncset.done $0x0  }
0xd4: {  	s31 =	sadd.s32 $0x2A00, s28;
	[sflag:s24] =	ssyncadd.s32 $0xFFFFF800  }
0xd5: {  	[spmem:s3] =	stream.indirect.scatter.add.f32 [tilespmem:s20], [sflag:$0x2], $0x10, s31, s15, $0xb8;
	[tilespmem:$0xB720] =	vst v63  }
0xd6: {  	_ =	swait.ge [sflag:s24], $0x800  }
0xd7: {  	[sflag:s24] =	ssyncset.done $0x0  }
0xd8: {  	s30 =	sadd.s32 $0x2A80, s28;
	[sflag:s24] =	ssyncadd.s32 $0xFFFFF800  }
0xd9: {  	[spmem:s3] =	stream.indirect.scatter.add.f32 [tilespmem:s21], [sflag:$0x2], $0x10, s30, s15, $0xb8;
	[tilespmem:$0xB720] =	vst v63  }
0xda: {  	_ =	swait.ge [sflag:s24], $0x800  }
0xdb: {  	[sflag:s24] =	ssyncset.done $0x0  }
0xdc: {  	s31 =	sadd.s32 $0x2B00, s28;
	[sflag:s24] =	ssyncadd.s32 $0xFFFFF800  }
0xdd: {  	[spmem:s3] =	stream.indirect.scatter.add.f32 [tilespmem:s22], [sflag:$0x2], $0x10, s31, s15, $0xb8;
	[tilespmem:$0xB720] =	vst v63  }
0xde: {  	_ =	swait.ge [sflag:s24], $0x800  }
0xdf: {  	[sflag:s24] =	ssyncset.done $0x0  }
0xe0: {  	s28 =	sadd.s32 $0x2B80, s28;
	[sflag:s24] =	ssyncadd.s32 $0xFFFFF800  }
0xe1: {  	[spmem:s3] =	stream.indirect.scatter.add.f32 [tilespmem:s23], [sflag:$0x2], $0x10, s28, s15, $0xb8;
	[tilespmem:$0xB720] =	vst v63  }
0xe2: {  	_ =	swait.ge [sflag:s25], $0x800  }
0xe3: {  	[sflag:s25] =	ssyncset.done $0x0  }
0xe4: {  	[sflag:s25] =	ssyncadd.s32 $0xFFFFF800  }
0xe5: {  	_ =	swait.ge [sflag:s25], $0x800  }
0xe6: {  	[sflag:s25] =	ssyncset.done $0x0  }
0xe7: {  	[sflag:s25] =	ssyncadd.s32 $0xFFFFF800  }
0xe8: {  	_ =	swait.ge [sflag:s25], $0x800  }
0xe9: {  	[sflag:s25] =	ssyncset.done $0x0  }
0xea: {  	[sflag:s25] =	ssyncadd.s32 $0xFFFFF800  }
0xeb: {  	_ =	swait.ge [sflag:s25], $0x800  }
0xec: {  	[sflag:s25] =	ssyncset.done $0x0  }
0xed: {  	[sflag:s25] =	ssyncadd.s32 $0xFFFFF800  }
0xee: {  	_ =	swait.ge [sflag:s25], $0x800  }
0xef: {  	[sflag:s25] =	ssyncset.done $0x0  }
0xf0: {  	[sflag:s25] =	ssyncadd.s32 $0xFFFFF800  }
0xf1: {  	_ =	swait.ge [sflag:s25], $0x800  }
0xf2: {  	[sflag:s25] =	ssyncset.done $0x0  }
0xf3: {  	[sflag:s25] =	ssyncadd.s32 $0xFFFFF800  }
0xf4: {  	_ =	swait.ge [sflag:s25], $0x800  }
0xf5: {  	[sflag:s25] =	ssyncset.done $0x0  }
0xf6: {  	[sflag:s25] =	ssyncadd.s32 $0xFFFFF800  }
0xf7: {  	_ =	swait.ge [sflag:s25], $0x800  }
0xf8: {  	s26 =	sadd.s32 $0x1, s26;
	[sflag:s25] =	ssyncset.done $0x0  }
0xf9: {  	p0 =	sne.s32 s26, s9;
	[sflag:s25] =	ssyncadd.s32 $0xFFFFF800  }
.Ltmp3:
0xfa: {  	[bflag:$0x0] =	sbarrier.arrive $0xFFFF;
	(pc) =	sbr.rel @p0 .LBB2_1-.Ltmp3, $4  }
0xfb: {  	[hbm:s8], [sflag:s7] =	dma.local [spmem:s12], $0x4E4  }
0xfc: {  	_ =	swait.ge [sflag:s13], $0x4E4  }
0xfd: {  	[sflag:s13] =	ssyncset.done $0x0  }
0xfe: {  	[sflag:s13] =	ssyncadd.s32 $0xFFFFFB1C  }
0xff: {  	_ =	sfence.sel $0x180000  }
0x100: {  	[bflag:$0x0] =	sbarrier.arrive $0xFFFF  }
0x101: {  	p0 =	sne.s32 s2, $0x0;
	_ =	strace $0x9000004D  }
0x102: {  	s0 =	sadd.s32 @!p0 $0x100000, s0;
	[bflag:$0x2] =	sbarrier.arrive $0xFFFF  }
0x103: {  	[sflag:s0] =	ssyncadd.tile.s32 @!p0 $0x1;
	_ =	shalt  }
.Lfunc_end2:
_tile_overlayer_lowered:
.L_overlay_start_2:
0x104: {  	(tag) =	ssettag $0x2  }
0x105: {  	s0 =	rddreg [dreg:$0x0];
	s2 =	stileid.u32  }
0x106: {  	s1 =	rddreg [dreg:$0x1];
	p0 =	sne.s32 s2, $0x0  }
0x107: {  	s3 =	rddreg [dreg:$0x2];
	[bflag:$0x3] =	sbarrier.arrive $0xFFFF;
	s2 =	simm.s32 @!p0 $0x1C03  }
0x108: {  	[timem:s3], [sflag:s2] =	dma.local @!p0 [hbm:s0], s1  }
0x109: {  	s0 =	simm.s32 @!p0 $0x3  }
0x10a: {  	_ =	swait.ge @!p0 [sflag:s0], s1  }
0x10b: {  	s1 =	ssub.s32 @!p0 $0x0, s1;
	[sflag:s0] =	ssyncset.done @!p0 $0x0  }
0x10c: {  	[sflag:s0] =	ssyncadd.s32 @!p0 s1  }
0x10d: {  	[bflag:$0x3] =	sbarrier.arrive $0xFFFF  }
0x10e: {  	_ =	shalt  }

// kernel: kernel.9.cloned.1.call-start
scs
__scs_entry_jumppad:
0x0: {  	(pc) =	sbr.rel $0x88, $3  }
0x1: {  	(tag) =	ssettag $0x0;
	lr =	simm.s32 $0x1  }
0x2: {  	[smem:$0x3F92] =	sst lr;
	_ =	strace $0xD0000000  }
0x3: {  	_ = 	snop  }
0x4: {  	_ = 	snop  }
0x5: {  	_ = 	snop  }
0x6: {  	_ = 	snop  }
0x7: {  	_ = 	snop  }
__scs_overlays_trampoline_lowered:
0x8: {  	[smem:$0x3FA1] =	sst s0  }
0x9: {  	[smem:$0x3FA2] =	sst s1  }
0xa: {  	[smem:$0x3FA3] =	sst s2  }
0xb: {  	[smem:$0x3FA4] =	sst s3  }
0xc: {  	[smem:$0x3FA5] =	sst s4  }
0xd: {  	[smem:$0x3FA6] =	sst s5  }
0xe: {  	[smem:$0x3FA7] =	sst s6  }
0xf: {  	[smem:$0x3FA8] =	sst s7  }
0x10: {  	[smem:$0x3FA9] =	sst s8  }
0x11: {  	[smem:$0x3FAA] =	sst s9;
	s0 =	simm.s32 @!p0 $0x0  }
0x12: {  	s1 =	sld [smem:$0x3F90];
	s0 =	simm.s32 @p0 $0x1  }
0x13: {  	[smem:$0x3FAB] =	sst s0;
	s0 =	simm.s32 @!p1 $0x0  }
0x14: {  	s2 =	sld [smem:$0x3F8F];
	s0 =	simm.s32 @p1 $0x1  }
0x15: {  	[smem:$0x3FAC] =	sst s0;
	s0 =	simm.s32 @!p2 $0x0  }
0x16: {  	s3 =	sld [smem:$0x3FDB];
	s0 =	simm.s32 @p2 $0x1  }
0x17: {  	s4 =	simm.s32 $0x1BF5;
	[smem:$0x3FAE] =	sst s0  }
0x18: {  	s0 =	sld [smem:$0x3F91];
	_ =	swait.ge [sflag:s4], $0x0  }
0x19: {  	s7 =	sld [smem:$0x3F92]  }
0x1a: {  	s8 =	sadd.s32 $0xFFFFE003, lr  }
0x1b: {  	s9 =	sadd.s32 $0xFFFFFEF7, lr;
	s5 =	simm.s32 $0xFFFFFFFF;
	p2 =	slt.u32 s8, $0xFFFFF086  }
0x1c: {  	p1 =	slt.u32 s9, $0xF7A;
	s5 =	simm.s32 @!p2 $0x0  }
0x1d: {  	s5 =	simm.s32 @p1 $0x1;
	p0 =	seq.s32 s7, s2  }
0x1e: {  	s7 =	smul.u32 @!p0 $0xF7A, s2;
	p2 =	seq.s32 @!p0 s5, $0x0  }
0x1f: {  	s9 =	smul.u32 $0xF7A, s1;
	s8 =	simm.s32 @!p0 $0x1BF5;
	p2 =	por !p2, p0  }
0x20: {  	[sflag:s8] =	ssyncset.s32 @!p0 $0xFFFFF086;
	s6 =	sadd.s32 @!p0 s3, s7;
	s7 =	simm.s32 @!p0 $0x108  }
0x21: {  	s3 =	sadd.s32 s3, s9;
	s6 =	sadd.s32 @!p0 $0x88, s6;
	s7 =	simm.s32 @p2 $0x1082  }
0x22: {  	[simem:s7], [sflag:s8] =	dma.local @!p0 [hbm:s6], $0xF7A  }
0x23: {  	s9 =	sor.u32 $0xD0000000, s2;
	s6 =	simm.s32 $0x108;
	_ =	swait.ge @!p0 [sflag:s8], $0x0  }
0x24: {  	s3 =	sadd.s32 $0x88, s3;
	s6 =	simm.s32 @!p1 $0x1082;
	[sflag:s4] =	ssyncset.s32 $0xFFFFF086  }
0x25: {  	[simem:s6], [sflag:s4] =	dma.local [hbm:s3], $0xF7A  }
0x26: {  	[smem:$0x3F92] =	sst s1;
	(tag) =	ssettag s2;
	_ =	strace s9  }
0x27: {  	s1 =	sld [smem:$0x3FA2]  }
0x28: {  	s2 =	sld [smem:$0x3FA3]  }
0x29: {  	s4 =	sld [smem:$0x3FA5]  }
0x2a: {  	p0 =	seq.s32 s5, $0x0;
	s5 =	sld [smem:$0x3FA6]  }
0x2b: {  	s6 =	sld [smem:$0x3FA7]  }
0x2c: {  	s7 =	sld [smem:$0x3FA8]  }
0x2d: {  	s3 =	simm.s32 $0x108;
	s8 =	sld [smem:$0x3FA9]  }
0x2e: {  	s3 =	simm.s32 @!p0 $0x1082;
	s9 =	sld [smem:$0x3FAA]  }
0x2f: {  	lr =	sadd.s32 s0, s3;
	s0 =	sld [smem:$0x3FA1]  }
0x30: {  	s3 =	sld [smem:$0x3FA4]  }
0x31: {  	[smem:$0x3FAD] =	sst s10  }
0x32: {  	s10 =	sld [smem:$0x3FAB];
	_ =	sdelay $0x3  }
0x33: {  	p0 =	seq.s32 s10, $0x1;
	s10 =	sld [smem:$0x3FAD];
	_ =	sdelay $0x3  }
0x34: {  	[smem:$0x3FAD] =	sst s10  }
0x35: {  	s10 =	sld [smem:$0x3FAC];
	_ =	sdelay $0x3  }
0x36: {  	p1 =	seq.s32 s10, $0x1;
	s10 =	sld [smem:$0x3FAD];
	_ =	sdelay $0x3  }
0x37: {  	[smem:$0x3FAD] =	sst s10  }
0x38: {  	s10 =	sld [smem:$0x3FAE]  }
0x39: {  	_ = 	snop;
	(pc) =	sbr.ind lr, $3  }
0x3a: {  	_ = 	snop  }
0x3b: {  	_ = 	snop  }
0x3c: {  	p2 =	seq.s32 s10, $0x1;
	s10 =	sld [smem:$0x3FAD]  }
0x3d: {  	_ =	shalt  }
0x3e: {  	_ =	shalt  }
0x3f: {  	_ =	shalt  }
0x40: {  	_ =	shalt  }
0x41: {  	_ =	shalt  }
0x42: {  	_ =	shalt  }
0x43: {  	_ =	shalt  }
0x44: {  	_ =	shalt  }
0x45: {  	_ =	shalt  }
0x46: {  	_ =	shalt  }
0x47: {  	_ =	shalt  }
0x48: {  	_ =	shalt  }
0x49: {  	_ =	shalt  }
0x4a: {  	_ =	shalt  }
0x4b: {  	_ =	shalt  }
0x4c: {  	_ =	shalt  }
0x4d: {  	_ =	shalt  }
0x4e: {  	_ =	shalt  }
0x4f: {  	_ =	shalt  }
0x50: {  	_ =	shalt  }
0x51: {  	_ =	shalt  }
0x52: {  	_ =	shalt  }
0x53: {  	_ =	shalt  }
0x54: {  	_ =	shalt  }
0x55: {  	_ =	shalt  }
0x56: {  	_ =	shalt  }
0x57: {  	_ =	shalt  }
0x58: {  	_ =	shalt  }
0x59: {  	_ =	shalt  }
0x5a: {  	_ =	shalt  }
0x5b: {  	_ =	shalt  }
0x5c: {  	_ =	shalt  }
0x5d: {  	_ =	shalt  }
0x5e: {  	_ =	shalt  }
0x5f: {  	_ =	shalt  }
0x60: {  	_ =	shalt  }
0x61: {  	_ =	shalt  }
0x62: {  	_ =	shalt  }
0x63: {  	_ =	shalt  }
0x64: {  	_ =	shalt  }
0x65: {  	_ =	shalt  }
0x66: {  	_ =	shalt  }
0x67: {  	_ =	shalt  }
0x68: {  	_ =	shalt  }
0x69: {  	_ =	shalt  }
0x6a: {  	_ =	shalt  }
0x6b: {  	_ =	shalt  }
0x6c: {  	_ =	shalt  }
0x6d: {  	_ =	shalt  }
0x6e: {  	_ =	shalt  }
0x6f: {  	_ =	shalt  }
0x70: {  	_ =	shalt  }
0x71: {  	_ =	shalt  }
0x72: {  	_ =	shalt  }
0x73: {  	_ =	shalt  }
0x74: {  	_ =	shalt  }
0x75: {  	_ =	shalt  }
0x76: {  	_ =	shalt  }
0x77: {  	_ =	shalt  }
0x78: {  	_ =	shalt  }
0x79: {  	_ =	shalt  }
0x7a: {  	_ =	shalt  }
0x7b: {  	_ =	shalt  }
0x7c: {  	_ =	shalt  }
0x7d: {  	_ =	shalt  }
0x7e: {  	_ =	shalt  }
0x7f: {  	_ =	shalt  }
0x80: {  	_ =	shalt  }
0x81: {  	_ =	shalt  }
0x82: {  	_ =	shalt  }
0x83: {  	_ =	shalt  }
0x84: {  	_ =	shalt  }
0x85: {  	_ =	shalt  }
0x86: {  	_ =	shalt  }
0x87: {  	_ =	shalt  }
.Lfunc_end0:
.L_simem_size_0:
called_computation_lowered:
.L_overlay_start_0:
0x88: {  	s2 =	sld [smem:$0x3FD9]  }
0x89: {  	s3 =	sld [smem:$0x3FFE];
	_ =	sdelay $0x1  }
0x8a: {  	s1 =	srdreg.scid  }
0x8b: {  	s0 =	sand.u32 $0x1, s1  }
0x8c: {  	s16 =	sshll.u32 s0, $0xA;
	s2 =	sadd.s32 s3, s2  }
0x8d: {  	s2 =	sadd.s32 s2, s16  }
0x8e: {  	[smem:$0x3FB9] =	sst s2  }
0x8f: {  	_ = 	snop  }
0x90: {  	(tm) =	ssettm $0x1  }
0x91: {  	s17 =	sld [smem:$0x3FFB];
	_ =	sdelay $0x3  }
0x92: {  	_ =	strace s17  }
0x93: {  	s2 =	sld [smem:$0x3FFC];
	_ =	sdelay $0x3  }
0x94: {  	_ =	strace s2  }
0x95: {  	s2 =	sld [smem:$0x3FFD];
	_ =	sdelay $0x3  }
0x96: {  	_ =	strace s2  }
0x97: {  	_ =	strace $0x8FFFFFFF  }
0x98: {  	s18 =	sld [smem:$0x3FDB];
	_ =	sdelay $0x1  }
0x99: {  	s19 =	simm.s32 $_scs_section_size  }
0x9a: {  	s4 =	simm.s32 $_size__tile_overlayer_lowered;
	s5 =	simm.s32 $_tile_overlayer_lowered  }
0x9b: {  	s22 =	simm.s32 $0x1BFF;
	s21 =	sshll.u32 s5, $0x1;
	s2 =	sadd.s32 s19, s18  }
0x9c: {  	s6 =	simm.s32 $0x0;
	s20 =	sshll.u32 s4, $0x1;
	s4 =	sadd.s32 s21, s2  }
0x9d: {  	[timem:s6], [sflag:s22] =	dma.local [hbm:s4], s20  }
0x9e: {  	_ =	swait.ge [sflag:s22], s20  }
0x9f: {  	s3 =	ssub.s32 $0x0, s20;
	[sflag:s22] =	ssyncset.done $0x0  }
0xa0: {  	[sflag:s22] =	ssyncadd.s32 s3;
	_ =	sdelay $0x1  }
0xa1: {  	s23 =	simm.s32 $0x1B8B  }
0xa2: {  	_ =	swait.ge [sflag:s23], $0x1  }
0xa3: {  	[sflag:s23] =	ssyncset.done $0x0  }
0xa4: {  	s25 =	simm.s32 $0x1B8E;
	s24 =	sld [smem:$0x3FFE];
	[sflag:s23] =	ssyncadd.s32 $0xFFFFFFFF  }
0xa5: {  	s26 =	simm.s32 $execute0_lowered;
	[smem:$0x3FD2] =	sst s25  }
0xa6: {  	s4 =	sshll.u32 s26, $0x1;
	_ =	strace $0x80000046;
	[dreg:$0x1] =	wrdreg $0xFFFFFFFF  }
0xa7: {  	s28 =	simm.s32 $_size_execute0_lowered;
	s2 =	sadd.s32 s2, s4;
	[dreg:$0x0] =	wrdreg $0x0  }
0xa8: {  	s4 =	sshll.u32 s28, $0x1;
	[dreg:$0x2] =	wrdreg s2  }
0xa9: {  	[dreg:$0x3] =	wrdreg s4  }
0xaa: {  	[dreg:$0x4] =	wrdreg $0xC0  }
0xab: {  	_ =	task [dreg:s6], $0x5FFFF  }
0xac: {  	[dreg:$0x1] =	wrdreg $0xFFFFFFFF  }
0xad: {  	[dreg:$0x0] =	wrdreg $0x60  }
0xae: {  	[dreg:$0x2] =	wrdreg s24  }
0xaf: {  	[dreg:$0x3] =	wrdreg $0xF0000  }
0xb0: {  	[dreg:$0x4] =	wrdreg $0x9  }
0xb1: {  	_ =	task.clear_ibuf [dreg:s6], $0x5FFFF;
	_ =	strace $0x90000046  }
0xb2: {  	s29 =	simm.s32 $0x9;
	_ =	strace $0x80000048  }
0xb3: {  	_ =	swait.ge [sflag:s29], $0x1  }
0xb4: {  	[sflag:s29] =	ssyncadd.s32 $0xFFFFFFFF  }
0xb5: {  	_ =	strace $0x90000048  }
0xb6: {  	_ =	sfence  }
0xb7: {  	s30 =	sld [smem:$0x0];
	_ =	sdelay $0x2  }
0xb8: {  	s31 =	sshll.u32 s1, $0xD;
	s1 =	sshrl.u32 s1, $0x2  }
0xb9: {  	s3 =	sand.u32 $0x4000, s31;
	s1 =	sadd.s32 s1, s30  }
0xba: {  	s0 =	sor.u32 s3, s0;
	s1 =	sshll.u32 s1, $0x11  }
0xbb: {  	s0 =	sor.u32 s1, s0  }
0xbc: {  	s0 =	sadd.s32 $0x8F2B, s0  }
0xbd: {  	[sflag:s0] =	ssyncadd.remote.s32 $0x1  }
0xbe: {  	_ =	sfence.sel $0xFFFF  }
0xbf: {  	[dreg:$0x0] =	wrdreg $0xFFFFFFFF;
	(pc) =	sbr.abs _section_cstart, $3  }
0xc0: {  	[dreg:$0x1] =	wrdreg $0xFFFFFFFF  }
0xc1: {  	_ =	task.clear_ibuf [dreg:s6], $0x2FFFF;
	_ =	strace $0x9FFFFFFF  }
0xc2: {  	(tm) =	ssettm $0x7FFFFFFF  }
0xc3: {  	_ =	shalt  }
tec
execute0_lowered:
.L_overlay_start_1:
0x0: {  	(tag) =	ssettag $0x1  }
0x1: {  	s6 =	rddreg [dreg:$0x0]  }
0x2: {  	s2 =	rddreg [dreg:$0x1]  }
0x3: {  	s0 =	rddreg [dreg:$0x2];
	s3 =	simm.s32 $0x0;
	s4 =	srdreg.scid  }
0x4: {  	s1 =	stileid.u32;
	s18 =	simm.s32 $0xA000;
	s19 =	simm.s32 $0xC800  }
0x5: {  	s20 =	simm.s32 $0x1;
	s21 =	simm.s32 $0x2;
	s22 =	simm.s32 $0x0  }
0x6: {  	[smem:$0x7FF] =	sst s3;
	s7 =	sand.u32 $0x1, s4;
	s8 =	smul.u32 $0xC3A0, s1  }
0x7: {  	s4 =	sadd.s32 $0x16600, s6;
	s9 =	sadd.s32 $0x7600, s6;
	s10 =	sadd.s32 $0x2600, s6  }
0x8: {  	s11 =	sadd.s32 $0x11600, s6;
	s13 =	sadd.s32 $0xC600, s6;
	s29 =	smul.u32 $0xFFFFFFB0, s1  }
0x9: {  	s30 =	sshll.u32 s1, $0x6;
	s17 =	smul.u32 $0x500, s1;
	_ =	strace $0x80000047  }
0xa: {  	s5 =	smul.u32 $0xC3A00, s7;
	s12 =	ssub.s32 $0x2, s7;
	p0 =	seq.s32 s7, $0x0  }
0xb: {  	s15 =	sshrl.u32 s12, $0x1;
	s16 =	sadd.s32 s8, s2;
	s11 =	smov.u32 @p0 s9  }
0xc: {  	s13 =	smov.u32 @p0 s10;
	s5 =	sadd.s32 s8, s5;
	s12 =	ssub.s32 s12, s15  }
0xd: {  	s15 =	simm.s32 $0x500;
	s9 =	sadd.s32 s11, s17;
	s10 =	sadd.s32 s13, s17  }
0xe: {  	s13 =	simm.s32 $0x3;
	s17 =	simm.s32 $0x7800;
	s15 =	simm.s32 @!p0 $0x4C4  }
0xf: {  	s14 =	sshrl.u32 s5, $0x3;
	s5 =	sadd.s32 $0x2EE00, s6;
	s15 =	sadd.s32 s29, s15  }
0x10: {  	s8 =	smax.u32 s12, $0x1;
	s12 =	sshrl.u32 s16, $0x3;
	p0 =	sgt.s32 s15, $0x0  }
0x11: {  	s16 =	simm.s32 $0x5000;
	s14 =	sadd.s32 s14, s6;
	s15 =	simm.s32 @!p0 $0x0  }
0x12: {  	s6 =	sor.u32 $0x1C03, s30;
	s7 =	sadd.s32 $0x30800, s14;
	s31 =	smin.u32 s15, $0x50  }
0x13: {  	s14 =	simm.s32 $0x2800;
	s15 =	simm.s32 $0x80;
	s11 =	sshrl.u32 s31, $0x2  }
.LBB2_1:
0x14: {  	[spmem:s12], [sflag:s6] =	dma.local [hbm:s5], $0x1874  }
0x15: {  	_ =	swait.ge [sflag:s13], $0x1874  }
0x16: {  	[sflag:s13] =	ssyncset.done $0x0  }
0x17: {  	[sflag:s13] =	ssyncadd.s32 $0xFFFFE78C  }
0x18: {  	[bflag:$0x0] =	sbarrier.arrive $0xFFFF  }
0x19: {  	[tilespmem:s3], [sflag:$0x3] =	stream.linear.gather [hbm4b:s9+s3], $0x2800, $0x38;
	[tilespmem:$0x1B3A0] =	vst v63  }
0x1a: {  	_ =	swait.ge [sflag:s13], $0x2800  }
0x1b: {  	p1 =	sne.s32 s11, $0x1;
	[sflag:s13] =	ssyncset.done $0x0  }
.Ltmp0:
0x1c: {  	[sflag:s13] =	ssyncadd.s32 $0xFFFFD800;
	(pc) =	sbr.rel @!p1 .LBB2_4-.Ltmp0, $4  }
0x1d: {  	[tilespmem:s14], [sflag:$0x3] =	stream.linear.gather [hbm4b:s10+s3], $0x2800, $0x38;
	[tilespmem:$0x1B3A0] =	vst v63  }
0x1e: {  	_ =	swait.ge [sflag:s13], $0x2800  }
0x1f: {  	s24 =	sadd.s32 $0xFFFFFFFF, s11;
	[sflag:s13] =	ssyncset.done $0x0  }
0x20: {  	p0 =	por $0x0, $0x0;
	s23 =	simm.s32 $0x0;
	[sflag:s13] =	ssyncadd.s32 $0xFFFFD800  }
0x21: {  	s23 =	simm.s32 $0x0  }
0x22: {  	[tilespmem:s16], [sflag:$0x1] =	stream.indirect.gather [hbm4b:s4+s15], $0x50, s23, s15, $0xb8;
	[tilespmem:$0x1B3A0] =	vst v63  }
0x23: {  	s31 =	simm.s32 $0x80  }
0x24: {  	[tilespmem:s17], [sflag:$0x1] =	stream.indirect.gather [hbm4b:s4+s15], $0x50, s31, s15, $0xb8;
	[tilespmem:$0x1B3A0] =	vst v63  }
0x25: {  	s25 =	simm.s32 $0x100  }
0x26: {  	[tilespmem:s18], [sflag:$0x1] =	stream.indirect.gather [hbm4b:s4+s15], $0x50, s25, s15, $0xb8;
	[tilespmem:$0x1B3A0] =	vst v63  }
0x27: {  	s26 =	simm.s32 $0x180  }
0x28: {  	[tilespmem:s19], [sflag:$0x1] =	stream.indirect.gather [hbm4b:s4+s15], $0x50, s26, s15, $0xb8;
	[tilespmem:$0x1B3A0] =	vst v63  }
0x29: {  	_ =	swait.ge [sflag:s20], $0x2800  }
0x2a: {  	[sflag:s20] =	ssyncset.done $0x0  }
0x2b: {  	s28 =	simm.s32 $0x2800;
	[sflag:s20] =	ssyncadd.s32 $0xFFFFD800  }
0x2c: {  	[spmem:s2] =	stream.indirect.scatter.add.f32 [tilespmem:s16], [sflag:$0x2], $0x50, s28, s15, $0xb8;
	[tilespmem:$0x1B3A0] =	vst v63  }
0x2d: {  	_ =	swait.ge [sflag:s20], $0x2800  }
0x2e: {  	[sflag:s20] =	ssyncset.done $0x0  }
0x2f: {  	s29 =	simm.s32 $0x2880;
	[sflag:s20] =	ssyncadd.s32 $0xFFFFD800  }
0x30: {  	[spmem:s2] =	stream.indirect.scatter.add.f32 [tilespmem:s17], [sflag:$0x2], $0x50, s29, s15, $0xb8;
	[tilespmem:$0x1B3A0] =	vst v63  }
0x31: {  	_ =	swait.ge [sflag:s20], $0x2800  }
0x32: {  	[sflag:s20] =	ssyncset.done $0x0  }
0x33: {  	s30 =	simm.s32 $0x2900;
	[sflag:s20] =	ssyncadd.s32 $0xFFFFD800  }
0x34: {  	[spmem:s2] =	stream.indirect.scatter.add.f32 [tilespmem:s18], [sflag:$0x2], $0x50, s30, s15, $0xb8;
	[tilespmem:$0x1B3A0] =	vst v63  }
0x35: {  	_ =	swait.ge [sflag:s20], $0x2800  }
0x36: {  	[sflag:s20] =	ssyncset.done $0x0  }
0x37: {  	s31 =	simm.s32 $0x2980;
	[sflag:s20] =	ssyncadd.s32 $0xFFFFD800  }
0x38: {  	[spmem:s2] =	stream.indirect.scatter.add.f32 [tilespmem:s19], [sflag:$0x2], $0x50, s31, s15, $0xb8;
	[tilespmem:$0x1B3A0] =	vst v63  }
0x39: {  	_ =	swait.ge [sflag:s21], $0x2800  }
0x3a: {  	[sflag:s21] =	ssyncset.done $0x0  }
0x3b: {  	[sflag:s21] =	ssyncadd.s32 $0xFFFFD800  }
0x3c: {  	_ =	swait.ge [sflag:s21], $0x2800  }
0x3d: {  	[sflag:s21] =	ssyncset.done $0x0  }
0x3e: {  	p1 =	sne.s32 s24, $0x1;
	[sflag:s21] =	ssyncadd.s32 $0xFFFFD800  }
.Ltmp1:
0x3f: {  	_ =	swait.ge [sflag:s21], $0x2800;
	(pc) =	sbr.rel @!p1 .LBB2_4-.Ltmp1, $4  }
0x40: {  	[sflag:s21] =	ssyncset.done $0x0  }
0x41: {  	[sflag:s21] =	ssyncadd.s32 $0xFFFFD800  }
0x42: {  	s24 =	sadd.s32 $0xFFFFFFFF, s24;
	_ =	swait.ge [sflag:s21], $0x2800  }
0x43: {  	p0 =	por $0x1, $0x1;
	s23 =	simm.s32 $0x800;
	[sflag:s21] =	ssyncset.done $0x0  }
.LBB2_3:
0x44: {  	p1 =	sne.s32 s24, $0x1;
	s25 =	sshra.s32 s23, $0x2;
	[sflag:s21] =	ssyncadd.s32 $0xFFFFD800  }
0x45: {  	[tilespmem:s16], [sflag:$0x1] =	stream.indirect.gather [hbm4b:s4+s15], $0x50, s25, s15, $0xb8;
	[tilespmem:$0x1B3A0] =	vst v63  }
0x46: {  	s24 =	sadd.s32 $0xFFFFFFFF, s24;
	s26 =	sadd.s32 $0x80, s25  }
0x47: {  	[tilespmem:s17], [sflag:$0x1] =	stream.indirect.gather [hbm4b:s4+s15], $0x50, s26, s15, $0xb8;
	[tilespmem:$0x1B3A0] =	vst v63  }
0x48: {  	s26 =	sadd.s32 $0x100, s25  }
0x49: {  	[tilespmem:s18], [sflag:$0x1] =	stream.indirect.gather [hbm4b:s4+s15], $0x50, s26, s15, $0xb8;
	[tilespmem:$0x1B3A0] =	vst v63  }
0x4a: {  	s26 =	sadd.s32 $0x180, s25  }
0x4b: {  	[tilespmem:s19], [sflag:$0x1] =	stream.indirect.gather [hbm4b:s4+s15], $0x50, s26, s15, $0xb8;
	[tilespmem:$0x1B3A0] =	vst v63  }
0x4c: {  	_ =	swait.ge [sflag:s20], $0x2800  }
0x4d: {  	[sflag:s20] =	ssyncset.done $0x0  }
0x4e: {  	s26 =	sadd.s32 $0x2800, s25;
	[sflag:s20] =	ssyncadd.s32 $0xFFFFD800  }
0x4f: {  	[spmem:s2] =	stream.indirect.scatter.add.f32 [tilespmem:s16], [sflag:$0x2], $0x50, s26, s15, $0xb8;
	[tilespmem:$0x1B3A0] =	vst v63  }
0x50: {  	_ =	swait.ge [sflag:s20], $0x2800  }
0x51: {  	[sflag:s20] =	ssyncset.done $0x0  }
0x52: {  	s26 =	sadd.s32 $0x2880, s25;
	[sflag:s20] =	ssyncadd.s32 $0xFFFFD800  }
0x53: {  	[spmem:s2] =	stream.indirect.scatter.add.f32 [tilespmem:s17], [sflag:$0x2], $0x50, s26, s15, $0xb8;
	[tilespmem:$0x1B3A0] =	vst v63  }
0x54: {  	_ =	swait.ge [sflag:s20], $0x2800  }
0x55: {  	[sflag:s20] =	ssyncset.done $0x0  }
0x56: {  	s26 =	sadd.s32 $0x2900, s25;
	[sflag:s20] =	ssyncadd.s32 $0xFFFFD800  }
0x57: {  	[spmem:s2] =	stream.indirect.scatter.add.f32 [tilespmem:s18], [sflag:$0x2], $0x50, s26, s15, $0xb8;
	[tilespmem:$0x1B3A0] =	vst v63  }
0x58: {  	_ =	swait.ge [sflag:s20], $0x2800  }
0x59: {  	[sflag:s20] =	ssyncset.done $0x0  }
0x5a: {  	s25 =	sadd.s32 $0x2980, s25;
	[sflag:s20] =	ssyncadd.s32 $0xFFFFD800  }
0x5b: {  	[spmem:s2] =	stream.indirect.scatter.add.f32 [tilespmem:s19], [sflag:$0x2], $0x50, s25, s15, $0xb8;
	[tilespmem:$0x1B3A0] =	vst v63  }
0x5c: {  	_ =	swait.ge [sflag:s21], $0x2800  }
0x5d: {  	[sflag:s21] =	ssyncset.done $0x0  }
0x5e: {  	[sflag:s21] =	ssyncadd.s32 $0xFFFFD800  }
0x5f: {  	_ =	swait.ge [sflag:s21], $0x2800  }
0x60: {  	[sflag:s21] =	ssyncset.done $0x0  }
0x61: {  	[sflag:s21] =	ssyncadd.s32 $0xFFFFD800  }
.Ltmp2:
0x62: {  	_ =	swait.ge [sflag:s21], $0x2800;
	(pc) =	sbr.rel @p1 .LBB2_3-.Ltmp2, $4  }
0x63: {  	[sflag:s21] =	ssyncset.done $0x0  }
0x64: {  	[sflag:s21] =	ssyncadd.s32 $0xFFFFD800  }
0x65: {  	_ =	swait.ge [sflag:s21], $0x2800  }
0x66: {  	s23 =	sadd.s32 $0x800, s23;
	[sflag:s21] =	ssyncset.done $0x0  }
.LBB2_4:
0x67: {  	s23 =	sshra.s32 s23, $0x2;
	[sflag:s21] =	ssyncadd.s32 @p0 $0xFFFFD800  }
0x68: {  	[tilespmem:s16], [sflag:$0x1] =	stream.indirect.gather [hbm4b:s4+s15], $0x50, s23, s15, $0xb8;
	[tilespmem:$0x1B3A0] =	vst v63  }
0x69: {  	s24 =	sadd.s32 $0x80, s23  }
0x6a: {  	[tilespmem:s17], [sflag:$0x1] =	stream.indirect.gather [hbm4b:s4+s15], $0x50, s24, s15, $0xb8;
	[tilespmem:$0x1B3A0] =	vst v63  }
0x6b: {  	s26 =	sadd.s32 $0x100, s23  }
0x6c: {  	[tilespmem:s18], [sflag:$0x1] =	stream.indirect.gather [hbm4b:s4+s15], $0x50, s26, s15, $0xb8;
	[tilespmem:$0x1B3A0] =	vst v63  }
0x6d: {  	s28 =	sadd.s32 $0x180, s23  }
0x6e: {  	[tilespmem:s19], [sflag:$0x1] =	stream.indirect.gather [hbm4b:s4+s15], $0x50, s28, s15, $0xb8;
	[tilespmem:$0x1B3A0] =	vst v63  }
0x6f: {  	_ =	swait.ge [sflag:s20], $0x2800  }
0x70: {  	[sflag:s20] =	ssyncset.done $0x0  }
0x71: {  	s29 =	sadd.s32 $0x2800, s23;
	[sflag:s20] =	ssyncadd.s32 $0xFFFFD800  }
0x72: {  	[spmem:s2] =	stream.indirect.scatter.add.f32 [tilespmem:s16], [sflag:$0x2], $0x50, s29, s15, $0xb8;
	[tilespmem:$0x1B3A0] =	vst v63  }
0x73: {  	_ =	swait.ge [sflag:s20], $0x2800  }
0x74: {  	[sflag:s20] =	ssyncset.done $0x0  }
0x75: {  	s30 =	sadd.s32 $0x2880, s23;
	[sflag:s20] =	ssyncadd.s32 $0xFFFFD800  }
0x76: {  	[spmem:s2] =	stream.indirect.scatter.add.f32 [tilespmem:s17], [sflag:$0x2], $0x50, s30, s15, $0xb8;
	[tilespmem:$0x1B3A0] =	vst v63  }
0x77: {  	_ =	swait.ge [sflag:s20], $0x2800  }
0x78: {  	[sflag:s20] =	ssyncset.done $0x0  }
0x79: {  	s31 =	sadd.s32 $0x2900, s23;
	[sflag:s20] =	ssyncadd.s32 $0xFFFFD800  }
0x7a: {  	[spmem:s2] =	stream.indirect.scatter.add.f32 [tilespmem:s18], [sflag:$0x2], $0x50, s31, s15, $0xb8;
	[tilespmem:$0x1B3A0] =	vst v63  }
0x7b: {  	_ =	swait.ge [sflag:s20], $0x2800  }
0x7c: {  	[sflag:s20] =	ssyncset.done $0x0  }
0x7d: {  	s23 =	sadd.s32 $0x2980, s23;
	[sflag:s20] =	ssyncadd.s32 $0xFFFFD800  }
0x7e: {  	[spmem:s2] =	stream.indirect.scatter.add.f32 [tilespmem:s19], [sflag:$0x2], $0x50, s23, s15, $0xb8;
	[tilespmem:$0x1B3A0] =	vst v63  }
0x7f: {  	_ =	swait.ge [sflag:s21], $0x2800  }
0x80: {  	[sflag:s21] =	ssyncset.done $0x0  }
0x81: {  	[sflag:s21] =	ssyncadd.s32 $0xFFFFD800  }
0x82: {  	_ =	swait.ge [sflag:s21], $0x2800  }
0x83: {  	[sflag:s21] =	ssyncset.done $0x0  }
0x84: {  	[sflag:s21] =	ssyncadd.s32 $0xFFFFD800  }
0x85: {  	_ =	swait.ge [sflag:s21], $0x2800  }
0x86: {  	[sflag:s21] =	ssyncset.done $0x0  }
0x87: {  	[sflag:s21] =	ssyncadd.s32 $0xFFFFD800  }
0x88: {  	_ =	swait.ge [sflag:s21], $0x2800  }
0x89: {  	s22 =	sadd.s32 $0x1, s22;
	[sflag:s21] =	ssyncset.done $0x0  }
0x8a: {  	p0 =	sne.s32 s22, s8;
	[sflag:s21] =	ssyncadd.s32 $0xFFFFD800  }
.Ltmp3:
0x8b: {  	[bflag:$0x0] =	sbarrier.arrive $0xFFFF;
	(pc) =	sbr.rel @p0 .LBB2_1-.Ltmp3, $4  }
0x8c: {  	[hbm:s7], [sflag:s6] =	dma.local [spmem:s12], $0x1874  }
0x8d: {  	_ =	swait.ge [sflag:s13], $0x1874  }
0x8e: {  	[sflag:s13] =	ssyncset.done $0x0  }
0x8f: {  	[sflag:s13] =	ssyncadd.s32 $0xFFFFE78C  }
0x90: {  	_ =	sfence.sel $0x180000  }
0x91: {  	[bflag:$0x0] =	sbarrier.arrive $0xFFFF  }
0x92: {  	p0 =	sne.s32 s1, $0x0;
	_ =	strace $0x90000047  }
0x93: {  	s0 =	sadd.s32 @!p0 $0x100000, s0;
	[bflag:$0x2] =	sbarrier.arrive $0xFFFF  }
0x94: {  	[sflag:s0] =	ssyncadd.tile.s32 @!p0 $0x1;
	_ =	shalt  }
.Lfunc_end2:
_tile_overlayer_lowered:
.L_overlay_start_2:
0x95: {  	(tag) =	ssettag $0x2  }
0x96: {  	s0 =	rddreg [dreg:$0x0];
	s2 =	stileid.u32  }
0x97: {  	s1 =	rddreg [dreg:$0x1];
	p0 =	sne.s32 s2, $0x0  }
0x98: {  	s3 =	rddreg [dreg:$0x2];
	[bflag:$0x3] =	sbarrier.arrive $0xFFFF;
	s2 =	simm.s32 @!p0 $0x1C03  }
0x99: {  	[timem:s3], [sflag:s2] =	dma.local @!p0 [hbm:s0], s1  }
0x9a: {  	s0 =	simm.s32 @!p0 $0x3  }
0x9b: {  	_ =	swait.ge @!p0 [sflag:s0], s1  }
0x9c: {  	s1 =	ssub.s32 @!p0 $0x0, s1;
	[sflag:s0] =	ssyncset.done @!p0 $0x0  }
0x9d: {  	[sflag:s0] =	ssyncadd.s32 @!p0 s1  }
0x9e: {  	[bflag:$0x3] =	sbarrier.arrive $0xFFFF  }
0x9f: {  	_ =	shalt  }

</sc_bundles>
